<compile_context>
chip_gen: v7x
topology: tpu7x:2x2x1
jax: 0.10.2.dev20260603
libtpu: 0.0.44.dev20260713+nightly
codegen_flags: <defaults>
</compile_context>

<pallas_src>
import functools

import jax
import jax.numpy as jnp
import numpy as np
from jax import lax
from jax.experimental import pallas as pl
from jax.experimental.pallas import tpu as pltpu
from jax.experimental.pallas import tpu_sc as plsc

B = 4096
F = 26
D = 16
V = 1000000
NC = 2
NS = 16
NW = NC * NS
TOTAL = B * F
PER_W = TOTAL // NW

LANES = 128
NCOL = V // LANES
NCOL_EVEN = NCOL - (NCOL % NW)
COL_PER_W = NCOL_EVEN // NW
REM_COLS = NCOL - NCOL_EVEN
TAIL = V - NCOL * LANES
VP = V + (LANES - TAIL)
SLANES = 4 * LANES
SCOL_PER_W = COL_PER_W // 4
SPAIRS = SCOL_PER_W // 2
SREM = REM_COLS // 4

BLK = 1024

_SUM_MAT = np.tile(np.eye(D, dtype=np.float32), (F, 1))


@functools.lru_cache(maxsize=1)
def _make_sc_transpose():
    mesh = plsc.VectorSubcoreMesh(
        core_axis_name="c", subcore_axis_name="s", num_cores=NC, num_subcores=NS
    )

    @functools.partial(
        pl.kernel,
        out_type=(jax.ShapeDtypeStruct((VP * D,), jnp.float32),),
        mesh=mesh,
        compiler_params=pltpu.CompilerParams(
            use_tc_tiling_on_sc=True, needs_layout_passes=False
        ),
        scratch_types=[
            pltpu.VMEM((D, SLANES), jnp.float32),
            pltpu.VMEM((D, SLANES), jnp.float32),
            pltpu.VMEM((SLANES * D,), jnp.float32),
            pltpu.SemaphoreType.DMA,
            pltpu.SemaphoreType.DMA,
        ],
    )
    def _sc_transpose(emb_t, tail_flat, out, colA, colB, rowbuf, semA, semB):
        wid = lax.axis_index("s") * NC + lax.axis_index("c")

        row_iota = lax.iota(jnp.int32, D)
        base = wid * SCOL_PER_W

        def start(cs, buf, sem):
            pltpu.async_copy(emb_t.at[:, pl.ds(cs * SLANES, SLANES)], buf, sem)

        def wait(cs, buf, sem):
            pltpu.make_async_copy(
                emb_t.at[:, pl.ds(cs * SLANES, SLANES)], buf, sem).wait()

        scaled_iota = row_iota * D

        def extract(buf, cs):
            @plsc.parallel_loop(0, D, 1, unroll=4)
            def _(d):
                idxv = scaled_iota + d
                for l0 in range(0, SLANES, D):
                    vec = buf[d, pl.ds(l0, D)]
                    plsc.store_scatter(rowbuf, [idxv + l0 * D], vec)

            pltpu.sync_copy(rowbuf, out.at[pl.ds(cs * SLANES * D, SLANES * D)])

        start(base, colA, semA)
        start(base + 1, colB, semB)

        def body(t, _):
            c0 = base + 2 * t
            wait(c0, colA, semA)
            extract(colA, c0)
            start(c0 + 2, colA, semA)
            wait(c0 + 1, colB, semB)
            extract(colB, c0 + 1)

            @pl.when(t + 1 < SPAIRS)
            def _():
                start(c0 + 3, colB, semB)

            return 0

        lax.fori_loop(0, SPAIRS, body, 0, unroll=False)

        last = base + 2 * SPAIRS
        wait(last, colA, semA)
        extract(colA, last)

        @pl.when(wid < SREM)
        def _():
            cs = NCOL_EVEN // (SLANES // LANES)
            pltpu.sync_copy(emb_t.at[:, pl.ds(cs * SLANES, SLANES)], colA)
            extract(colA, cs)

        @pl.when(wid == REM_COLS)
        def _():
            pltpu.sync_copy(tail_flat, rowbuf.at[pl.ds(0, TAIL * D)])
            pltpu.sync_copy(rowbuf.at[pl.ds(0, TAIL * D)],
                            out.at[pl.ds(NCOL * LANES * D, TAIL * D)])

    return _sc_transpose


@functools.lru_cache(maxsize=1)
def _make_sc_gather():
    mesh = plsc.VectorSubcoreMesh(
        core_axis_name="c", subcore_axis_name="s", num_cores=NC, num_subcores=NS
    )

    @functools.partial(
        pl.kernel,
        out_type=(
            jax.ShapeDtypeStruct((NW, PER_W, D), jnp.float32),
            jax.ShapeDtypeStruct((NW, PER_W), jnp.float32),
        ),
        mesh=mesh,
        compiler_params=pltpu.CompilerParams(use_tc_tiling_on_sc=False),
        scratch_types=[
            pltpu.VMEM((PER_W,), jnp.int32),
            pltpu.VMEM((PER_W, D), jnp.float32),
            pltpu.VMEM((PER_W,), jnp.float32),
            pltpu.SemaphoreType.DMA,
            pltpu.SemaphoreType.DMA,
        ],
    )
    def _sc_gather(x_hbm, emb_hbm, fc_hbm, emb_out, fc_out, idx_v, rows_v,
                   fcv_v, sem_e, sem_f):
        wid = lax.axis_index("s") * NC + lax.axis_index("c")
        pltpu.sync_copy(x_hbm.at[wid], idx_v)
        ce = pltpu.async_copy(emb_hbm.at[idx_v], rows_v, sem_e)
        cf = pltpu.async_copy(fc_hbm.at[idx_v], fcv_v, sem_f)
        ce.wait()
        cf.wait()
        pltpu.sync_copy(rows_v, emb_out.at[wid])
        pltpu.sync_copy(fcv_v, fc_out.at[wid])

    return _sc_gather


def _tc_body(e_ref, fc_ref, a_ref, w0_ref, b0_ref, w1_ref, b1_ref, w2_ref,
             c_ref, out_ref):
    e = e_ref[...]
    a = a_ref[...]
    s = jnp.dot(e, a, preferred_element_type=jnp.float32)
    ss = jnp.dot(e * e, a, preferred_element_type=jnp.float32)
    fm = jnp.sum(fc_ref[...], axis=1) + 0.5 * jnp.sum(s * s - ss, axis=1)
    h = jnp.maximum(jnp.dot(e, w0_ref[...], preferred_element_type=jnp.float32)
                    + b0_ref[...], 0.0)
    h = jnp.maximum(jnp.dot(h, w1_ref[...], preferred_element_type=jnp.float32)
                    + b1_ref[...], 0.0)
    mlp = jnp.dot(h, w2_ref[...], preferred_element_type=jnp.float32)
    z = fm + mlp[:, 0] + c_ref[0]
    out_ref[...] = 1.0 / (1.0 + jnp.exp(-z))


def _tc_dense(e, fcm, w0, b0, w1, b1, w2, const):
    a = jnp.asarray(_SUM_MAT)
    grid = (B // BLK,)
    return pl.pallas_call(
        _tc_body,
        grid=grid,
        in_specs=[
            pl.BlockSpec((BLK, F * D), lambda i: (i, 0)),
            pl.BlockSpec((BLK, F), lambda i: (i, 0)),
            pl.BlockSpec((F * D, D), lambda i: (0, 0)),
            pl.BlockSpec((F * D, 256), lambda i: (0, 0)),
            pl.BlockSpec((256,), lambda i: (0,)),
            pl.BlockSpec((256, 128), lambda i: (0, 0)),
            pl.BlockSpec((128,), lambda i: (0,)),
            pl.BlockSpec((128, 1), lambda i: (0, 0)),
            pl.BlockSpec(memory_space=pltpu.SMEM),
        ],
        out_specs=pl.BlockSpec((BLK,), lambda i: (i,)),
        out_shape=jax.ShapeDtypeStruct((B,), jnp.float32),
    )(e, fcm, a, w0, b0, w1, b1, w2, const)


def kernel(x, emb_table, fc_table, bias, W0, b0, W1, b1, W2, b2):
    emb_t = emb_table.T
    tail = lax.slice(emb_table, (NCOL * LANES, 0), (V, D)).reshape(TAIL * D)
    (tbl_flat,) = _make_sc_transpose()(emb_t, tail)
    tbl2d = tbl_flat.reshape(VP, D)
    xf = x.reshape(NW, PER_W)
    emb_rows, fc_rows = _make_sc_gather()(xf, tbl2d, fc_table.reshape(V))
    e = emb_rows.reshape(B, F * D)
    fcm = fc_rows.reshape(B, F)
    const = bias + b2
    return _tc_dense(e, fcm, W0, b0, W1, b1, W2, const)

# --- scband reference (transcript-rebuilt; emitter-appended) ---
"""Pipeline reference for scband-deep-fm-50019189129296 (READ-ONLY COPY).

The authoritative reference and input builder live on the scoring server;
editing this copy changes nothing except your own understanding.
"""

import jax, jax.numpy as jnp
import numpy as np

BATCH = 4096
N_FIELDS = 26
VOCAB = 1000000
EMBED_DIM = 16
MLP_DIMS = [256, 128]


def setup_inputs(seed: int = 0) -> dict:
    key = jax.random.key(seed)
    ks = jax.random.split(key, 12)
    x = jax.random.randint(ks[0], (BATCH, N_FIELDS), 0, VOCAB, dtype=jnp.int64 if jax.config.jax_enable_x64 else jnp.int32).astype(jnp.int32)
    emb_table = jax.random.normal(ks[1], (VOCAB, EMBED_DIM), dtype=jnp.float32) * 0.01
    fc_table = jax.random.normal(ks[2], (VOCAB, 1), dtype=jnp.float32) * 0.01
    bias = jnp.zeros((1,), dtype=jnp.float32)
    in_dim = N_FIELDS * EMBED_DIM
    W0 = jax.random.normal(ks[3], (in_dim, MLP_DIMS[0]), dtype=jnp.float32) * (1.0 / np.sqrt(in_dim))
    b0 = jnp.zeros((MLP_DIMS[0],), dtype=jnp.float32)
    W1 = jax.random.normal(ks[4], (MLP_DIMS[0], MLP_DIMS[1]), dtype=jnp.float32) * (1.0 / np.sqrt(MLP_DIMS[0]))
    b1 = jnp.zeros((MLP_DIMS[1],), dtype=jnp.float32)
    W2 = jax.random.normal(ks[5], (MLP_DIMS[1], 1), dtype=jnp.float32) * (1.0 / np.sqrt(MLP_DIMS[1]))
    b2 = jnp.zeros((1,), dtype=jnp.float32)
    return {"x": x, "emb_table": emb_table, "fc_table": fc_table, "bias": bias,
            "W0": W0, "b0": b0, "W1": W1, "b1": b1, "W2": W2, "b2": b2}


def reference(x, emb_table, fc_table, bias, W0, b0, W1, b1, W2, b2):
    # FM component
    embed_x = jnp.take(emb_table, x, axis=0)            # [B, F, D]
    fc_x = jnp.take(fc_table, x, axis=0)                # [B, F, 1]
    fm_y = bias + jnp.sum(fc_x, axis=1)                 # [B, 1]
    square_of_sum = jnp.sum(embed_x, axis=1) ** 2       # [B, D]
    sum_of_square = jnp.sum(embed_x ** 2, axis=1)       # [B, D]
    fm_y = fm_y + 0.5 * jnp.sum(square_of_sum - sum_of_square, axis=1, keepdims=True)
    # Deep component (dropout rate = 0.0 -> identity)
    inputs = embed_x.reshape(-1, N_FIELDS * EMBED_DIM)
    h = jax.nn.relu(inputs @ W0 + b0)
    h = jax.nn.relu(h @ W1 + b1)
    mlp_y = h @ W2 + b2                                 # [B, 1]
    y = jax.nn.sigmoid(fm_y[:, 0] + mlp_y[:, 0])        # [B]
    return y

if __name__ == "__main__":
    import jax
    _d = setup_inputs()
    print(jax.jit(kernel)(*tuple(_d.values())))

</pallas_src>

<mosaic_0001>
#map = affine_map<(d0, d1) -> (0, 0)>
#map1 = affine_map<(d0, d1) -> (0)>
#map2 = affine_map<(d0, d1) -> (0, 0, 0)>
module attributes {stable_mosaic.version = 14 : i64} {
  func.func @_sc_gather(%arg0: i32, %arg1: i32, %arg2: memref<32x3328xi32, #tpu.memory_space<hbm>>, %arg3: memref<1000064x16xf32, #tpu.memory_space<hbm>>, %arg4: memref<1000000xf32, #tpu.memory_space<hbm>>, %arg5: memref<32x3328x16xf32, #tpu.memory_space<hbm>>, %arg6: memref<32x3328xf32, #tpu.memory_space<hbm>>, %arg7: memref<3328xi32, #tpu.memory_space<vmem>>, %arg8: memref<3328x16xf32, #tpu.memory_space<vmem>>, %arg9: memref<3328xf32, #tpu.memory_space<vmem>>, %arg10: memref<!tpu.dma_semaphore, #tpu.memory_space<semaphore_mem>>, %arg11: memref<!tpu.dma_semaphore, #tpu.memory_space<semaphore_mem>>) attributes {dimension_semantics = [#tpu.dimension_semantics<core_parallel>, #tpu.dimension_semantics<subcore_parallel>], iteration_bounds = array<i64: 2, 16>, scalar_prefetch = 0 : i64, scratch_operands = 5 : i64, tpu.core_type = #tpu.core_type<sc_vector_subcore>, window_params = [{transform_indices = #map}, {transform_indices = #map}, {transform_indices = #map1}, {transform_indices = #map2}, {transform_indices = #map}]} {
    %mul3A = arith.constant 2 : i32
    %mul3A_0 = arith.muli %arg1, %mul3A : i32
    %add3A = arith.addi %mul3A_0, %arg0 : i32
    "tpu.region"() ({
      %run_scoped3A = tpu.sem_alloc : memref<!tpu.dma_semaphore, #tpu.memory_space<semaphore_mem>>
      %dma_start3A_9 = arith.constant 0 : i32
      %dma_start3A_10 = tpu.memref_slice %arg2[%add3A, %dma_start3A_9] : memref<32x3328xi32, #tpu.memory_space<hbm>> -> memref<1x3328xi32, #tpu.memory_space<hbm>>
      %dma_start3A_11 = tpu.memref_squeeze %dma_start3A_10 : memref<1x3328xi32, #tpu.memory_space<hbm>> -> memref<3328xi32, #tpu.memory_space<hbm>>
      %dma_start3A_12 = arith.constant 0 : i32
      %dma_start3A_13 = tpu.memref_slice %arg2[%add3A, %dma_start3A_12] : memref<32x3328xi32, #tpu.memory_space<hbm>> -> memref<1x3328xi32, #tpu.memory_space<hbm>>
      %dma_start3A_14 = tpu.memref_squeeze %dma_start3A_13 : memref<1x3328xi32, #tpu.memory_space<hbm>> -> memref<3328xi32, #tpu.memory_space<hbm>>
      tpu.enqueue_dma source(%dma_start3A_14 : memref<3328xi32, #tpu.memory_space<hbm>>) target(%arg7 : memref<3328xi32, #tpu.memory_space<vmem>>) target_semaphore(%run_scoped3A : memref<!tpu.dma_semaphore, #tpu.memory_space<semaphore_mem>>)
      %dma_wait3A_15 = arith.constant 0 : i32
      %dma_wait3A_16 = tpu.memref_slice %arg2[%add3A, %dma_wait3A_15] : memref<32x3328xi32, #tpu.memory_space<hbm>> -> memref<1x3328xi32, #tpu.memory_space<hbm>>
      %dma_wait3A_17 = tpu.memref_squeeze %dma_wait3A_16 : memref<1x3328xi32, #tpu.memory_space<hbm>> -> memref<3328xi32, #tpu.memory_space<hbm>>
      %dma_wait3A_18 = arith.constant 0 : i32
      %dma_wait3A_19 = tpu.memref_slice %arg2[%add3A, %dma_wait3A_18] : memref<32x3328xi32, #tpu.memory_space<hbm>> -> memref<1x3328xi32, #tpu.memory_space<hbm>>
      %dma_wait3A_20 = tpu.memref_squeeze %dma_wait3A_19 : memref<1x3328xi32, #tpu.memory_space<hbm>> -> memref<3328xi32, #tpu.memory_space<hbm>>
      tpu.wait_dma2 semaphore(%run_scoped3A : memref<!tpu.dma_semaphore, #tpu.memory_space<semaphore_mem>>) src(%dma_wait3A_20 : memref<3328xi32, #tpu.memory_space<hbm>>) dst(%arg7 : memref<3328xi32, #tpu.memory_space<vmem>>)
      tpu.yield
    }) : () -> ()
    %dma_start3A = arith.constant 0 : i32
    %dma_start3A_1 = arith.constant 0 : i32
    %dma_start3A_2 = tpu.memref_slice %arg3[%dma_start3A, %dma_start3A_1] : memref<1000064x16xf32, #tpu.memory_space<hbm>> -> memref<1000064x16xf32, #tpu.memory_space<hbm>>
    tpu.enqueue_indirect_dma source(%dma_start3A_2 : memref<1000064x16xf32, #tpu.memory_space<hbm>>) target(%arg8 : memref<3328x16xf32, #tpu.memory_space<vmem>>) offsets(%arg7 : memref<3328xi32, #tpu.memory_space<vmem>>) semaphore(%arg10 : memref<!tpu.dma_semaphore, #tpu.memory_space<semaphore_mem>>)
    %dma_start3A_3 = arith.constant 0 : i32
    %dma_start3A_4 = tpu.memref_slice %arg4[%dma_start3A_3] : memref<1000000xf32, #tpu.memory_space<hbm>> -> memref<1000000xf32, #tpu.memory_space<hbm>>
    tpu.enqueue_indirect_dma source(%dma_start3A_4 : memref<1000000xf32, #tpu.memory_space<hbm>>) target(%arg9 : memref<3328xf32, #tpu.memory_space<vmem>>) offsets(%arg7 : memref<3328xi32, #tpu.memory_space<vmem>>) semaphore(%arg11 : memref<!tpu.dma_semaphore, #tpu.memory_space<semaphore_mem>>)
    %dma_wait3A = arith.constant 0 : i32
    %dma_wait3A_5 = arith.constant 0 : i32
    %dma_wait3A_6 = tpu.memref_slice %arg3[%dma_wait3A, %dma_wait3A_5] : memref<1000064x16xf32, #tpu.memory_space<hbm>> -> memref<1000064x16xf32, #tpu.memory_space<hbm>>
    tpu.wait_indirect_dma semaphore(%arg10 : memref<!tpu.dma_semaphore, #tpu.memory_space<semaphore_mem>>) src(%dma_wait3A_6 : memref<1000064x16xf32, #tpu.memory_space<hbm>>) dst(%arg8 : memref<3328x16xf32, #tpu.memory_space<vmem>>)
    %dma_wait3A_7 = arith.constant 0 : i32
    %dma_wait3A_8 = tpu.memref_slice %arg4[%dma_wait3A_7] : memref<1000000xf32, #tpu.memory_space<hbm>> -> memref<1000000xf32, #tpu.memory_space<hbm>>
    tpu.wait_indirect_dma semaphore(%arg11 : memref<!tpu.dma_semaphore, #tpu.memory_space<semaphore_mem>>) src(%dma_wait3A_8 : memref<1000000xf32, #tpu.memory_space<hbm>>) dst(%arg9 : memref<3328xf32, #tpu.memory_space<vmem>>)
    "tpu.region"() ({
      %run_scoped3A = tpu.sem_alloc : memref<!tpu.dma_semaphore, #tpu.memory_space<semaphore_mem>>
      %dma_start3A_9 = arith.constant 0 : i32
      %dma_start3A_10 = arith.constant 0 : i32
      %dma_start3A_11 = tpu.memref_slice %arg5[%add3A, %dma_start3A_9, %dma_start3A_10] : memref<32x3328x16xf32, #tpu.memory_space<hbm>> -> memref<1x3328x16xf32, #tpu.memory_space<hbm>>
      %dma_start3A_12 = tpu.memref_squeeze %dma_start3A_11 : memref<1x3328x16xf32, #tpu.memory_space<hbm>> -> memref<3328x16xf32, #tpu.memory_space<hbm>>
      %dma_start3A_13 = arith.constant 0 : i32
      %dma_start3A_14 = arith.constant 0 : i32
      %dma_start3A_15 = tpu.memref_slice %arg5[%add3A, %dma_start3A_13, %dma_start3A_14] : memref<32x3328x16xf32, #tpu.memory_space<hbm>> -> memref<1x3328x16xf32, #tpu.memory_space<hbm>>
      %dma_start3A_16 = tpu.memref_squeeze %dma_start3A_15 : memref<1x3328x16xf32, #tpu.memory_space<hbm>> -> memref<3328x16xf32, #tpu.memory_space<hbm>>
      tpu.enqueue_dma source(%arg8 : memref<3328x16xf32, #tpu.memory_space<vmem>>) target(%dma_start3A_16 : memref<3328x16xf32, #tpu.memory_space<hbm>>) target_semaphore(%run_scoped3A : memref<!tpu.dma_semaphore, #tpu.memory_space<semaphore_mem>>)
      %dma_wait3A_17 = arith.constant 0 : i32
      %dma_wait3A_18 = arith.constant 0 : i32
      %dma_wait3A_19 = tpu.memref_slice %arg5[%add3A, %dma_wait3A_17, %dma_wait3A_18] : memref<32x3328x16xf32, #tpu.memory_space<hbm>> -> memref<1x3328x16xf32, #tpu.memory_space<hbm>>
      %dma_wait3A_20 = tpu.memref_squeeze %dma_wait3A_19 : memref<1x3328x16xf32, #tpu.memory_space<hbm>> -> memref<3328x16xf32, #tpu.memory_space<hbm>>
      %dma_wait3A_21 = arith.constant 0 : i32
      %dma_wait3A_22 = arith.constant 0 : i32
      %dma_wait3A_23 = tpu.memref_slice %arg5[%add3A, %dma_wait3A_21, %dma_wait3A_22] : memref<32x3328x16xf32, #tpu.memory_space<hbm>> -> memref<1x3328x16xf32, #tpu.memory_space<hbm>>
      %dma_wait3A_24 = tpu.memref_squeeze %dma_wait3A_23 : memref<1x3328x16xf32, #tpu.memory_space<hbm>> -> memref<3328x16xf32, #tpu.memory_space<hbm>>
      tpu.wait_dma2 semaphore(%run_scoped3A : memref<!tpu.dma_semaphore, #tpu.memory_space<semaphore_mem>>) src(%arg8 : memref<3328x16xf32, #tpu.memory_space<vmem>>) dst(%dma_wait3A_24 : memref<3328x16xf32, #tpu.memory_space<hbm>>)
      tpu.yield
    }) : () -> ()
    "tpu.region"() ({
      %run_scoped3A = tpu.sem_alloc : memref<!tpu.dma_semaphore, #tpu.memory_space<semaphore_mem>>
      %dma_start3A_9 = arith.constant 0 : i32
      %dma_start3A_10 = tpu.memref_slice %arg6[%add3A, %dma_start3A_9] : memref<32x3328xf32, #tpu.memory_space<hbm>> -> memref<1x3328xf32, #tpu.memory_space<hbm>>
      %dma_start3A_11 = tpu.memref_squeeze %dma_start3A_10 : memref<1x3328xf32, #tpu.memory_space<hbm>> -> memref<3328xf32, #tpu.memory_space<hbm>>
      %dma_start3A_12 = arith.constant 0 : i32
      %dma_start3A_13 = tpu.memref_slice %arg6[%add3A, %dma_start3A_12] : memref<32x3328xf32, #tpu.memory_space<hbm>> -> memref<1x3328xf32, #tpu.memory_space<hbm>>
      %dma_start3A_14 = tpu.memref_squeeze %dma_start3A_13 : memref<1x3328xf32, #tpu.memory_space<hbm>> -> memref<3328xf32, #tpu.memory_space<hbm>>
      tpu.enqueue_dma source(%arg9 : memref<3328xf32, #tpu.memory_space<vmem>>) target(%dma_start3A_14 : memref<3328xf32, #tpu.memory_space<hbm>>) target_semaphore(%run_scoped3A : memref<!tpu.dma_semaphore, #tpu.memory_space<semaphore_mem>>)
      %dma_wait3A_15 = arith.constant 0 : i32
      %dma_wait3A_16 = tpu.memref_slice %arg6[%add3A, %dma_wait3A_15] : memref<32x3328xf32, #tpu.memory_space<hbm>> -> memref<1x3328xf32, #tpu.memory_space<hbm>>
      %dma_wait3A_17 = tpu.memref_squeeze %dma_wait3A_16 : memref<1x3328xf32, #tpu.memory_space<hbm>> -> memref<3328xf32, #tpu.memory_space<hbm>>
      %dma_wait3A_18 = arith.constant 0 : i32
      %dma_wait3A_19 = tpu.memref_slice %arg6[%add3A, %dma_wait3A_18] : memref<32x3328xf32, #tpu.memory_space<hbm>> -> memref<1x3328xf32, #tpu.memory_space<hbm>>
      %dma_wait3A_20 = tpu.memref_squeeze %dma_wait3A_19 : memref<1x3328xf32, #tpu.memory_space<hbm>> -> memref<3328xf32, #tpu.memory_space<hbm>>
      tpu.wait_dma2 semaphore(%run_scoped3A : memref<!tpu.dma_semaphore, #tpu.memory_space<semaphore_mem>>) src(%arg9 : memref<3328xf32, #tpu.memory_space<vmem>>) dst(%dma_wait3A_20 : memref<3328xf32, #tpu.memory_space<hbm>>)
      tpu.yield
    }) : () -> ()
    return
  }
}

#map = affine_map<(d0, d1) -> (0, 0)>
#map1 = affine_map<(d0, d1) -> (0)>
module attributes {stable_mosaic.version = 14 : i64} {
  func.func @_sc_transpose(%arg0: i32, %arg1: i32, %arg2: memref<16x1000000xf32, #tpu.memory_space<hbm>>, %arg3: memref<1024xf32, #tpu.memory_space<hbm>>, %arg4: memref<16001024xf32, #tpu.memory_space<hbm>>, %arg5: memref<16x512xf32, #tpu.memory_space<vmem>>, %arg6: memref<16x512xf32, #tpu.memory_space<vmem>>, %arg7: memref<8192xf32, #tpu.memory_space<vmem>>, %arg8: memref<!tpu.dma_semaphore, #tpu.memory_space<semaphore_mem>>, %arg9: memref<!tpu.dma_semaphore, #tpu.memory_space<semaphore_mem>>) attributes {dimension_semantics = [#tpu.dimension_semantics<core_parallel>, #tpu.dimension_semantics<subcore_parallel>], iteration_bounds = array<i64: 2, 16>, scalar_prefetch = 0 : i64, scratch_operands = 5 : i64, tpu.core_type = #tpu.core_type<sc_vector_subcore>, window_params = [{transform_indices = #map}, {transform_indices = #map1}, {transform_indices = #map1}]} {
    %mul3A = arith.constant 2 : i32
    %mul3A_0 = arith.muli %arg1, %mul3A : i32
    %add3A = arith.addi %mul3A_0, %arg0 : i32
    %iota3A = tpu.iota {dimensions = array<i32: 0>} : vector<16xi32>
    %mul3A_1 = arith.constant 61 : i32
    %mul3A_2 = arith.muli %add3A, %mul3A_1 : i32
    %mul3A_3 = arith.constant 16 : i32
    %mul3A_4 = vector.broadcast %mul3A_3 : i32 to vector<16xi32>
    %mul3A_5 = arith.muli %iota3A, %mul3A_4 : vector<16xi32>
    %mul3A_6 = arith.constant 512 : i32
    %mul3A_7 = arith.muli %mul3A_2, %mul3A_6 : i32
    %dma_start3A = arith.constant 0 : i32
    %dma_start3A_8 = tpu.memref_slice %arg2[%dma_start3A, %mul3A_7] : memref<16x1000000xf32, #tpu.memory_space<hbm>> -> memref<16x512xf32, #tpu.memory_space<hbm>>
    %dma_start3A_9 = arith.constant 0 : i32
    %dma_start3A_10 = tpu.memref_slice %arg2[%dma_start3A_9, %mul3A_7] : memref<16x1000000xf32, #tpu.memory_space<hbm>> -> memref<16x512xf32, #tpu.memory_space<hbm>>
    tpu.enqueue_dma source(%dma_start3A_10 : memref<16x512xf32, #tpu.memory_space<hbm>>) target(%arg5 : memref<16x512xf32, #tpu.memory_space<vmem>>) target_semaphore(%arg8 : memref<!tpu.dma_semaphore, #tpu.memory_space<semaphore_mem>>)
    %add3A_11 = arith.constant 1 : i32
    %add3A_12 = arith.addi %mul3A_2, %add3A_11 : i32
    %mul3A_13 = arith.constant 512 : i32
    %mul3A_14 = arith.muli %add3A_12, %mul3A_13 : i32
    %dma_start3A_15 = arith.constant 0 : i32
    %dma_start3A_16 = tpu.memref_slice %arg2[%dma_start3A_15, %mul3A_14] : memref<16x1000000xf32, #tpu.memory_space<hbm>> -> memref<16x512xf32, #tpu.memory_space<hbm>>
    %dma_start3A_17 = arith.constant 0 : i32
    %dma_start3A_18 = tpu.memref_slice %arg2[%dma_start3A_17, %mul3A_14] : memref<16x1000000xf32, #tpu.memory_space<hbm>> -> memref<16x512xf32, #tpu.memory_space<hbm>>
    tpu.enqueue_dma source(%dma_start3A_18 : memref<16x512xf32, #tpu.memory_space<hbm>>) target(%arg6 : memref<16x512xf32, #tpu.memory_space<vmem>>) target_semaphore(%arg9 : memref<!tpu.dma_semaphore, #tpu.memory_space<semaphore_mem>>)
    %scan3A = arith.constant 0 : i32
    %scan3A_19 = arith.constant 0 : i32
    %scan3A_20 = arith.constant 30 : i32
    %scan3A_21 = arith.addi %scan3A_19, %scan3A_20 : i32
    %scan3A_22 = arith.constant 1 : i32
    %scan3A_23 = scf.for %scan3A_44 = %scan3A_19 to %scan3A_21 step %scan3A_22 iter_args(%scan3A_45 = %scan3A) -> (i32)  : i32 {
      %mul3A_46 = arith.constant 2 : i32
      %mul3A_47 = arith.muli %mul3A_46, %scan3A_44 : i32
      %add3A_48 = arith.addi %mul3A_2, %mul3A_47 : i32
      %mul3A_49 = arith.constant 512 : i32
      %mul3A_50 = arith.muli %add3A_48, %mul3A_49 : i32
      %dma_wait3A_51 = arith.constant 0 : i32
      %dma_wait3A_52 = tpu.memref_slice %arg2[%dma_wait3A_51, %mul3A_50] : memref<16x1000000xf32, #tpu.memory_space<hbm>> -> memref<16x512xf32, #tpu.memory_space<hbm>>
      %dma_wait3A_53 = arith.constant 0 : i32
      %dma_wait3A_54 = tpu.memref_slice %arg2[%dma_wait3A_53, %mul3A_50] : memref<16x1000000xf32, #tpu.memory_space<hbm>> -> memref<16x512xf32, #tpu.memory_space<hbm>>
      tpu.wait_dma2 semaphore(%arg8 : memref<!tpu.dma_semaphore, #tpu.memory_space<semaphore_mem>>) src(%dma_wait3A_54 : memref<16x512xf32, #tpu.memory_space<hbm>>) dst(%arg5 : memref<16x512xf32, #tpu.memory_space<vmem>>)
      %parallel_loop3A_55 = arith.constant 0 : i32
      %parallel_loop3A_56 = arith.constant 16 : i32
      %parallel_loop3A_57 = arith.constant 1 : i32
      scf.for %parallel_loop3A_95 = %parallel_loop3A_55 to %parallel_loop3A_56 step %parallel_loop3A_57  : i32 {
        %parallel_loop3A_96 = vector.broadcast %parallel_loop3A_95 : i32 to vector<16xi32>
        %parallel_loop3A_97 = arith.addi %mul3A_5, %parallel_loop3A_96 : vector<16xi32>
        %parallel_loop3A_98 = arith.index_cast %parallel_loop3A_95 : i32 to index
        %parallel_loop3A_99 = arith.constant 0 : index
        %parallel_loop3A_100 = tpu.vector_load %arg5[%parallel_loop3A_98, %parallel_loop3A_99] {strides = array<i32>} : memref<16x512xf32, #tpu.memory_space<vmem>>, vector<16xf32>,
        %parallel_loop3A_101 = arith.constant 0 : i32
        %parallel_loop3A_102 = vector.broadcast %parallel_loop3A_101 : i32 to vector<16xi32>
        %parallel_loop3A_103 = arith.addi %parallel_loop3A_97, %parallel_loop3A_102 : vector<16xi32>
        tpu.vector_store_idx %arg7[%parallel_loop3A_103], %parallel_loop3A_100 : memref<8192xf32, #tpu.memory_space<vmem>>[vector<16xi32>], vector<16xf32>,
        %parallel_loop3A_104 = arith.index_cast %parallel_loop3A_95 : i32 to index
        %parallel_loop3A_105 = arith.constant 16 : index
        %parallel_loop3A_106 = tpu.vector_load %arg5[%parallel_loop3A_104, %parallel_loop3A_105] {strides = array<i32>} : memref<16x512xf32, #tpu.memory_space<vmem>>, vector<16xf32>,
        %parallel_loop3A_107 = arith.constant 256 : i32
        %parallel_loop3A_108 = vector.broadcast %parallel_loop3A_107 : i32 to vector<16xi32>
        %parallel_loop3A_109 = arith.addi %parallel_loop3A_97, %parallel_loop3A_108 : vector<16xi32>
        tpu.vector_store_idx %arg7[%parallel_loop3A_109], %parallel_loop3A_106 : memref<8192xf32, #tpu.memory_space<vmem>>[vector<16xi32>], vector<16xf32>,
        %parallel_loop3A_110 = arith.index_cast %parallel_loop3A_95 : i32 to index
        %parallel_loop3A_111 = arith.constant 32 : index
        %parallel_loop3A_112 = tpu.vector_load %arg5[%parallel_loop3A_110, %parallel_loop3A_111] {strides = array<i32>} : memref<16x512xf32, #tpu.memory_space<vmem>>, vector<16xf32>,
        %parallel_loop3A_113 = arith.constant 512 : i32
        %parallel_loop3A_114 = vector.broadcast %parallel_loop3A_113 : i32 to vector<16xi32>
        %parallel_loop3A_115 = arith.addi %parallel_loop3A_97, %parallel_loop3A_114 : vector<16xi32>
        tpu.vector_store_idx %arg7[%parallel_loop3A_115], %parallel_loop3A_112 : memref<8192xf32, #tpu.memory_space<vmem>>[vector<16xi32>], vector<16xf32>,
        %parallel_loop3A_116 = arith.index_cast %parallel_loop3A_95 : i32 to index
        %parallel_loop3A_117 = arith.constant 48 : index
        %parallel_loop3A_118 = tpu.vector_load %arg5[%parallel_loop3A_116, %parallel_loop3A_117] {strides = array<i32>} : memref<16x512xf32, #tpu.memory_space<vmem>>, vector<16xf32>,
        %parallel_loop3A_119 = arith.constant 768 : i32
        %parallel_loop3A_120 = vector.broadcast %parallel_loop3A_119 : i32 to vector<16xi32>
        %parallel_loop3A_121 = arith.addi %parallel_loop3A_97, %parallel_loop3A_120 : vector<16xi32>
        tpu.vector_store_idx %arg7[%parallel_loop3A_121], %parallel_loop3A_118 : memref<8192xf32, #tpu.memory_space<vmem>>[vector<16xi32>], vector<16xf32>,
        %parallel_loop3A_122 = arith.index_cast %parallel_loop3A_95 : i32 to index
        %parallel_loop3A_123 = arith.constant 64 : index
        %parallel_loop3A_124 = tpu.vector_load %arg5[%parallel_loop3A_122, %parallel_loop3A_123] {strides = array<i32>} : memref<16x512xf32, #tpu.memory_space<vmem>>, vector<16xf32>,
        %parallel_loop3A_125 = arith.constant 1024 : i32
        %parallel_loop3A_126 = vector.broadcast %parallel_loop3A_125 : i32 to vector<16xi32>
        %parallel_loop3A_127 = arith.addi %parallel_loop3A_97, %parallel_loop3A_126 : vector<16xi32>
        tpu.vector_store_idx %arg7[%parallel_loop3A_127], %parallel_loop3A_124 : memref<8192xf32, #tpu.memory_space<vmem>>[vector<16xi32>], vector<16xf32>,
        %parallel_loop3A_128 = arith.index_cast %parallel_loop3A_95 : i32 to index
        %parallel_loop3A_129 = arith.constant 80 : index
        %parallel_loop3A_130 = tpu.vector_load %arg5[%parallel_loop3A_128, %parallel_loop3A_129] {strides = array<i32>} : memref<16x512xf32, #tpu.memory_space<vmem>>, vector<16xf32>,
        %parallel_loop3A_131 = arith.constant 1280 : i32
        %parallel_loop3A_132 = vector.broadcast %parallel_loop3A_131 : i32 to vector<16xi32>
        %parallel_loop3A_133 = arith.addi %parallel_loop3A_97, %parallel_loop3A_132 : vector<16xi32>
        tpu.vector_store_idx %arg7[%parallel_loop3A_133], %parallel_loop3A_130 : memref<8192xf32, #tpu.memory_space<vmem>>[vector<16xi32>], vector<16xf32>,
        %parallel_loop3A_134 = arith.index_cast %parallel_loop3A_95 : i32 to index
        %parallel_loop3A_135 = arith.constant 96 : index
        %parallel_loop3A_136 = tpu.vector_load %arg5[%parallel_loop3A_134, %parallel_loop3A_135] {strides = array<i32>} : memref<16x512xf32, #tpu.memory_space<vmem>>, vector<16xf32>,
        %parallel_loop3A_137 = arith.constant 1536 : i32
        %parallel_loop3A_138 = vector.broadcast %parallel_loop3A_137 : i32 to vector<16xi32>
        %parallel_loop3A_139 = arith.addi %parallel_loop3A_97, %parallel_loop3A_138 : vector<16xi32>
        tpu.vector_store_idx %arg7[%parallel_loop3A_139], %parallel_loop3A_136 : memref<8192xf32, #tpu.memory_space<vmem>>[vector<16xi32>], vector<16xf32>,
        %parallel_loop3A_140 = arith.index_cast %parallel_loop3A_95 : i32 to index
        %parallel_loop3A_141 = arith.constant 112 : index
        %parallel_loop3A_142 = tpu.vector_load %arg5[%parallel_loop3A_140, %parallel_loop3A_141] {strides = array<i32>} : memref<16x512xf32, #tpu.memory_space<vmem>>, vector<16xf32>,
        %parallel_loop3A_143 = arith.constant 1792 : i32
        %parallel_loop3A_144 = vector.broadcast %parallel_loop3A_143 : i32 to vector<16xi32>
        %parallel_loop3A_145 = arith.addi %parallel_loop3A_97, %parallel_loop3A_144 : vector<16xi32>
        tpu.vector_store_idx %arg7[%parallel_loop3A_145], %parallel_loop3A_142 : memref<8192xf32, #tpu.memory_space<vmem>>[vector<16xi32>], vector<16xf32>,
        %parallel_loop3A_146 = arith.index_cast %parallel_loop3A_95 : i32 to index
        %parallel_loop3A_147 = arith.constant 128 : index
        %parallel_loop3A_148 = tpu.vector_load %arg5[%parallel_loop3A_146, %parallel_loop3A_147] {strides = array<i32>} : memref<16x512xf32, #tpu.memory_space<vmem>>, vector<16xf32>,
        %parallel_loop3A_149 = arith.constant 2048 : i32
        %parallel_loop3A_150 = vector.broadcast %parallel_loop3A_149 : i32 to vector<16xi32>
        %parallel_loop3A_151 = arith.addi %parallel_loop3A_97, %parallel_loop3A_150 : vector<16xi32>
        tpu.vector_store_idx %arg7[%parallel_loop3A_151], %parallel_loop3A_148 : memref<8192xf32, #tpu.memory_space<vmem>>[vector<16xi32>], vector<16xf32>,
        %parallel_loop3A_152 = arith.index_cast %parallel_loop3A_95 : i32 to index
        %parallel_loop3A_153 = arith.constant 144 : index
        %parallel_loop3A_154 = tpu.vector_load %arg5[%parallel_loop3A_152, %parallel_loop3A_153] {strides = array<i32>} : memref<16x512xf32, #tpu.memory_space<vmem>>, vector<16xf32>,
        %parallel_loop3A_155 = arith.constant 2304 : i32
        %parallel_loop3A_156 = vector.broadcast %parallel_loop3A_155 : i32 to vector<16xi32>
        %parallel_loop3A_157 = arith.addi %parallel_loop3A_97, %parallel_loop3A_156 : vector<16xi32>
        tpu.vector_store_idx %arg7[%parallel_loop3A_157], %parallel_loop3A_154 : memref<8192xf32, #tpu.memory_space<vmem>>[vector<16xi32>], vector<16xf32>,
        %parallel_loop3A_158 = arith.index_cast %parallel_loop3A_95 : i32 to index
        %parallel_loop3A_159 = arith.constant 160 : index
        %parallel_loop3A_160 = tpu.vector_load %arg5[%parallel_loop3A_158, %parallel_loop3A_159] {strides = array<i32>} : memref<16x512xf32, #tpu.memory_space<vmem>>, vector<16xf32>,
        %parallel_loop3A_161 = arith.constant 2560 : i32
        %parallel_loop3A_162 = vector.broadcast %parallel_loop3A_161 : i32 to vector<16xi32>
        %parallel_loop3A_163 = arith.addi %parallel_loop3A_97, %parallel_loop3A_162 : vector<16xi32>
        tpu.vector_store_idx %arg7[%parallel_loop3A_163], %parallel_loop3A_160 : memref<8192xf32, #tpu.memory_space<vmem>>[vector<16xi32>], vector<16xf32>,
        %parallel_loop3A_164 = arith.index_cast %parallel_loop3A_95 : i32 to index
        %parallel_loop3A_165 = arith.constant 176 : index
        %parallel_loop3A_166 = tpu.vector_load %arg5[%parallel_loop3A_164, %parallel_loop3A_165] {strides = array<i32>} : memref<16x512xf32, #tpu.memory_space<vmem>>, vector<16xf32>,
        %parallel_loop3A_167 = arith.constant 2816 : i32
        %parallel_loop3A_168 = vector.broadcast %parallel_loop3A_167 : i32 to vector<16xi32>
        %parallel_loop3A_169 = arith.addi %parallel_loop3A_97, %parallel_loop3A_168 : vector<16xi32>
        tpu.vector_store_idx %arg7[%parallel_loop3A_169], %parallel_loop3A_166 : memref<8192xf32, #tpu.memory_space<vmem>>[vector<16xi32>], vector<16xf32>,
        %parallel_loop3A_170 = arith.index_cast %parallel_loop3A_95 : i32 to index
        %parallel_loop3A_171 = arith.constant 192 : index
        %parallel_loop3A_172 = tpu.vector_load %arg5[%parallel_loop3A_170, %parallel_loop3A_171] {strides = array<i32>} : memref<16x512xf32, #tpu.memory_space<vmem>>, vector<16xf32>,
        %parallel_loop3A_173 = arith.constant 3072 : i32
        %parallel_loop3A_174 = vector.broadcast %parallel_loop3A_173 : i32 to vector<16xi32>
        %parallel_loop3A_175 = arith.addi %parallel_loop3A_97, %parallel_loop3A_174 : vector<16xi32>
        tpu.vector_store_idx %arg7[%parallel_loop3A_175], %parallel_loop3A_172 : memref<8192xf32, #tpu.memory_space<vmem>>[vector<16xi32>], vector<16xf32>,
        %parallel_loop3A_176 = arith.index_cast %parallel_loop3A_95 : i32 to index
        %parallel_loop3A_177 = arith.constant 208 : index
        %parallel_loop3A_178 = tpu.vector_load %arg5[%parallel_loop3A_176, %parallel_loop3A_177] {strides = array<i32>} : memref<16x512xf32, #tpu.memory_space<vmem>>, vector<16xf32>,
        %parallel_loop3A_179 = arith.constant 3328 : i32
        %parallel_loop3A_180 = vector.broadcast %parallel_loop3A_179 : i32 to vector<16xi32>
        %parallel_loop3A_181 = arith.addi %parallel_loop3A_97, %parallel_loop3A_180 : vector<16xi32>
        tpu.vector_store_idx %arg7[%parallel_loop3A_181], %parallel_loop3A_178 : memref<8192xf32, #tpu.memory_space<vmem>>[vector<16xi32>], vector<16xf32>,
        %parallel_loop3A_182 = arith.index_cast %parallel_loop3A_95 : i32 to index
        %parallel_loop3A_183 = arith.constant 224 : index
        %parallel_loop3A_184 = tpu.vector_load %arg5[%parallel_loop3A_182, %parallel_loop3A_183] {strides = array<i32>} : memref<16x512xf32, #tpu.memory_space<vmem>>, vector<16xf32>,
        %parallel_loop3A_185 = arith.constant 3584 : i32
        %parallel_loop3A_186 = vector.broadcast %parallel_loop3A_185 : i32 to vector<16xi32>
        %parallel_loop3A_187 = arith.addi %parallel_loop3A_97, %parallel_loop3A_186 : vector<16xi32>
        tpu.vector_store_idx %arg7[%parallel_loop3A_187], %parallel_loop3A_184 : memref<8192xf32, #tpu.memory_space<vmem>>[vector<16xi32>], vector<16xf32>,
        %parallel_loop3A_188 = arith.index_cast %parallel_loop3A_95 : i32 to index
        %parallel_loop3A_189 = arith.constant 240 : index
        %parallel_loop3A_190 = tpu.vector_load %arg5[%parallel_loop3A_188, %parallel_loop3A_189] {strides = array<i32>} : memref<16x512xf32, #tpu.memory_space<vmem>>, vector<16xf32>,
        %parallel_loop3A_191 = arith.constant 3840 : i32
        %parallel_loop3A_192 = vector.broadcast %parallel_loop3A_191 : i32 to vector<16xi32>
        %parallel_loop3A_193 = arith.addi %parallel_loop3A_97, %parallel_loop3A_192 : vector<16xi32>
        tpu.vector_store_idx %arg7[%parallel_loop3A_193], %parallel_loop3A_190 : memref<8192xf32, #tpu.memory_space<vmem>>[vector<16xi32>], vector<16xf32>,
        %parallel_loop3A_194 = arith.index_cast %parallel_loop3A_95 : i32 to index
        %parallel_loop3A_195 = arith.constant 256 : index
        %parallel_loop3A_196 = tpu.vector_load %arg5[%parallel_loop3A_194, %parallel_loop3A_195] {strides = array<i32>} : memref<16x512xf32, #tpu.memory_space<vmem>>, vector<16xf32>,
        %parallel_loop3A_197 = arith.constant 4096 : i32
        %parallel_loop3A_198 = vector.broadcast %parallel_loop3A_197 : i32 to vector<16xi32>
        %parallel_loop3A_199 = arith.addi %parallel_loop3A_97, %parallel_loop3A_198 : vector<16xi32>
        tpu.vector_store_idx %arg7[%parallel_loop3A_199], %parallel_loop3A_196 : memref<8192xf32, #tpu.memory_space<vmem>>[vector<16xi32>], vector<16xf32>,
        %parallel_loop3A_200 = arith.index_cast %parallel_loop3A_95 : i32 to index
        %parallel_loop3A_201 = arith.constant 272 : index
        %parallel_loop3A_202 = tpu.vector_load %arg5[%parallel_loop3A_200, %parallel_loop3A_201] {strides = array<i32>} : memref<16x512xf32, #tpu.memory_space<vmem>>, vector<16xf32>,
        %parallel_loop3A_203 = arith.constant 4352 : i32
        %parallel_loop3A_204 = vector.broadcast %parallel_loop3A_203 : i32 to vector<16xi32>
        %parallel_loop3A_205 = arith.addi %parallel_loop3A_97, %parallel_loop3A_204 : vector<16xi32>
        tpu.vector_store_idx %arg7[%parallel_loop3A_205], %parallel_loop3A_202 : memref<8192xf32, #tpu.memory_space<vmem>>[vector<16xi32>], vector<16xf32>,
        %parallel_loop3A_206 = arith.index_cast %parallel_loop3A_95 : i32 to index
        %parallel_loop3A_207 = arith.constant 288 : index
        %parallel_loop3A_208 = tpu.vector_load %arg5[%parallel_loop3A_206, %parallel_loop3A_207] {strides = array<i32>} : memref<16x512xf32, #tpu.memory_space<vmem>>, vector<16xf32>,
        %parallel_loop3A_209 = arith.constant 4608 : i32
        %parallel_loop3A_210 = vector.broadcast %parallel_loop3A_209 : i32 to vector<16xi32>
        %parallel_loop3A_211 = arith.addi %parallel_loop3A_97, %parallel_loop3A_210 : vector<16xi32>
        tpu.vector_store_idx %arg7[%parallel_loop3A_211], %parallel_loop3A_208 : memref<8192xf32, #tpu.memory_space<vmem>>[vector<16xi32>], vector<16xf32>,
        %parallel_loop3A_212 = arith.index_cast %parallel_loop3A_95 : i32 to index
        %parallel_loop3A_213 = arith.constant 304 : index
        %parallel_loop3A_214 = tpu.vector_load %arg5[%parallel_loop3A_212, %parallel_loop3A_213] {strides = array<i32>} : memref<16x512xf32, #tpu.memory_space<vmem>>, vector<16xf32>,
        %parallel_loop3A_215 = arith.constant 4864 : i32
        %parallel_loop3A_216 = vector.broadcast %parallel_loop3A_215 : i32 to vector<16xi32>
        %parallel_loop3A_217 = arith.addi %parallel_loop3A_97, %parallel_loop3A_216 : vector<16xi32>
        tpu.vector_store_idx %arg7[%parallel_loop3A_217], %parallel_loop3A_214 : memref<8192xf32, #tpu.memory_space<vmem>>[vector<16xi32>], vector<16xf32>,
        %parallel_loop3A_218 = arith.index_cast %parallel_loop3A_95 : i32 to index
        %parallel_loop3A_219 = arith.constant 320 : index
        %parallel_loop3A_220 = tpu.vector_load %arg5[%parallel_loop3A_218, %parallel_loop3A_219] {strides = array<i32>} : memref<16x512xf32, #tpu.memory_space<vmem>>, vector<16xf32>,
        %parallel_loop3A_221 = arith.constant 5120 : i32
        %parallel_loop3A_222 = vector.broadcast %parallel_loop3A_221 : i32 to vector<16xi32>
        %parallel_loop3A_223 = arith.addi %parallel_loop3A_97, %parallel_loop3A_222 : vector<16xi32>
        tpu.vector_store_idx %arg7[%parallel_loop3A_223], %parallel_loop3A_220 : memref<8192xf32, #tpu.memory_space<vmem>>[vector<16xi32>], vector<16xf32>,
        %parallel_loop3A_224 = arith.index_cast %parallel_loop3A_95 : i32 to index
        %parallel_loop3A_225 = arith.constant 336 : index
        %parallel_loop3A_226 = tpu.vector_load %arg5[%parallel_loop3A_224, %parallel_loop3A_225] {strides = array<i32>} : memref<16x512xf32, #tpu.memory_space<vmem>>, vector<16xf32>,
        %parallel_loop3A_227 = arith.constant 5376 : i32
        %parallel_loop3A_228 = vector.broadcast %parallel_loop3A_227 : i32 to vector<16xi32>
        %parallel_loop3A_229 = arith.addi %parallel_loop3A_97, %parallel_loop3A_228 : vector<16xi32>
        tpu.vector_store_idx %arg7[%parallel_loop3A_229], %parallel_loop3A_226 : memref<8192xf32, #tpu.memory_space<vmem>>[vector<16xi32>], vector<16xf32>,
        %parallel_loop3A_230 = arith.index_cast %parallel_loop3A_95 : i32 to index
        %parallel_loop3A_231 = arith.constant 352 : index
        %parallel_loop3A_232 = tpu.vector_load %arg5[%parallel_loop3A_230, %parallel_loop3A_231] {strides = array<i32>} : memref<16x512xf32, #tpu.memory_space<vmem>>, vector<16xf32>,
        %parallel_loop3A_233 = arith.constant 5632 : i32
        %parallel_loop3A_234 = vector.broadcast %parallel_loop3A_233 : i32 to vector<16xi32>
        %parallel_loop3A_235 = arith.addi %parallel_loop3A_97, %parallel_loop3A_234 : vector<16xi32>
        tpu.vector_store_idx %arg7[%parallel_loop3A_235], %parallel_loop3A_232 : memref<8192xf32, #tpu.memory_space<vmem>>[vector<16xi32>], vector<16xf32>,
        %parallel_loop3A_236 = arith.index_cast %parallel_loop3A_95 : i32 to index
        %parallel_loop3A_237 = arith.constant 368 : index
        %parallel_loop3A_238 = tpu.vector_load %arg5[%parallel_loop3A_236, %parallel_loop3A_237] {strides = array<i32>} : memref<16x512xf32, #tpu.memory_space<vmem>>, vector<16xf32>,
        %parallel_loop3A_239 = arith.constant 5888 : i32
        %parallel_loop3A_240 = vector.broadcast %parallel_loop3A_239 : i32 to vector<16xi32>
        %parallel_loop3A_241 = arith.addi %parallel_loop3A_97, %parallel_loop3A_240 : vector<16xi32>
        tpu.vector_store_idx %arg7[%parallel_loop3A_241], %parallel_loop3A_238 : memref<8192xf32, #tpu.memory_space<vmem>>[vector<16xi32>], vector<16xf32>,
        %parallel_loop3A_242 = arith.index_cast %parallel_loop3A_95 : i32 to index
        %parallel_loop3A_243 = arith.constant 384 : index
        %parallel_loop3A_244 = tpu.vector_load %arg5[%parallel_loop3A_242, %parallel_loop3A_243] {strides = array<i32>} : memref<16x512xf32, #tpu.memory_space<vmem>>, vector<16xf32>,
        %parallel_loop3A_245 = arith.constant 6144 : i32
        %parallel_loop3A_246 = vector.broadcast %parallel_loop3A_245 : i32 to vector<16xi32>
        %parallel_loop3A_247 = arith.addi %parallel_loop3A_97, %parallel_loop3A_246 : vector<16xi32>
        tpu.vector_store_idx %arg7[%parallel_loop3A_247], %parallel_loop3A_244 : memref<8192xf32, #tpu.memory_space<vmem>>[vector<16xi32>], vector<16xf32>,
        %parallel_loop3A_248 = arith.index_cast %parallel_loop3A_95 : i32 to index
        %parallel_loop3A_249 = arith.constant 400 : index
        %parallel_loop3A_250 = tpu.vector_load %arg5[%parallel_loop3A_248, %parallel_loop3A_249] {strides = array<i32>} : memref<16x512xf32, #tpu.memory_space<vmem>>, vector<16xf32>,
        %parallel_loop3A_251 = arith.constant 6400 : i32
        %parallel_loop3A_252 = vector.broadcast %parallel_loop3A_251 : i32 to vector<16xi32>
        %parallel_loop3A_253 = arith.addi %parallel_loop3A_97, %parallel_loop3A_252 : vector<16xi32>
        tpu.vector_store_idx %arg7[%parallel_loop3A_253], %parallel_loop3A_250 : memref<8192xf32, #tpu.memory_space<vmem>>[vector<16xi32>], vector<16xf32>,
        %parallel_loop3A_254 = arith.index_cast %parallel_loop3A_95 : i32 to index
        %parallel_loop3A_255 = arith.constant 416 : index
        %parallel_loop3A_256 = tpu.vector_load %arg5[%parallel_loop3A_254, %parallel_loop3A_255] {strides = array<i32>} : memref<16x512xf32, #tpu.memory_space<vmem>>, vector<16xf32>,
        %parallel_loop3A_257 = arith.constant 6656 : i32
        %parallel_loop3A_258 = vector.broadcast %parallel_loop3A_257 : i32 to vector<16xi32>
        %parallel_loop3A_259 = arith.addi %parallel_loop3A_97, %parallel_loop3A_258 : vector<16xi32>
        tpu.vector_store_idx %arg7[%parallel_loop3A_259], %parallel_loop3A_256 : memref<8192xf32, #tpu.memory_space<vmem>>[vector<16xi32>], vector<16xf32>,
        %parallel_loop3A_260 = arith.index_cast %parallel_loop3A_95 : i32 to index
        %parallel_loop3A_261 = arith.constant 432 : index
        %parallel_loop3A_262 = tpu.vector_load %arg5[%parallel_loop3A_260, %parallel_loop3A_261] {strides = array<i32>} : memref<16x512xf32, #tpu.memory_space<vmem>>, vector<16xf32>,
        %parallel_loop3A_263 = arith.constant 6912 : i32
        %parallel_loop3A_264 = vector.broadcast %parallel_loop3A_263 : i32 to vector<16xi32>
        %parallel_loop3A_265 = arith.addi %parallel_loop3A_97, %parallel_loop3A_264 : vector<16xi32>
        tpu.vector_store_idx %arg7[%parallel_loop3A_265], %parallel_loop3A_262 : memref<8192xf32, #tpu.memory_space<vmem>>[vector<16xi32>], vector<16xf32>,
        %parallel_loop3A_266 = arith.index_cast %parallel_loop3A_95 : i32 to index
        %parallel_loop3A_267 = arith.constant 448 : index
        %parallel_loop3A_268 = tpu.vector_load %arg5[%parallel_loop3A_266, %parallel_loop3A_267] {strides = array<i32>} : memref<16x512xf32, #tpu.memory_space<vmem>>, vector<16xf32>,
        %parallel_loop3A_269 = arith.constant 7168 : i32
        %parallel_loop3A_270 = vector.broadcast %parallel_loop3A_269 : i32 to vector<16xi32>
        %parallel_loop3A_271 = arith.addi %parallel_loop3A_97, %parallel_loop3A_270 : vector<16xi32>
        tpu.vector_store_idx %arg7[%parallel_loop3A_271], %parallel_loop3A_268 : memref<8192xf32, #tpu.memory_space<vmem>>[vector<16xi32>], vector<16xf32>,
        %parallel_loop3A_272 = arith.index_cast %parallel_loop3A_95 : i32 to index
        %parallel_loop3A_273 = arith.constant 464 : index
        %parallel_loop3A_274 = tpu.vector_load %arg5[%parallel_loop3A_272, %parallel_loop3A_273] {strides = array<i32>} : memref<16x512xf32, #tpu.memory_space<vmem>>, vector<16xf32>,
        %parallel_loop3A_275 = arith.constant 7424 : i32
        %parallel_loop3A_276 = vector.broadcast %parallel_loop3A_275 : i32 to vector<16xi32>
        %parallel_loop3A_277 = arith.addi %parallel_loop3A_97, %parallel_loop3A_276 : vector<16xi32>
        tpu.vector_store_idx %arg7[%parallel_loop3A_277], %parallel_loop3A_274 : memref<8192xf32, #tpu.memory_space<vmem>>[vector<16xi32>], vector<16xf32>,
        %parallel_loop3A_278 = arith.index_cast %parallel_loop3A_95 : i32 to index
        %parallel_loop3A_279 = arith.constant 480 : index
        %parallel_loop3A_280 = tpu.vector_load %arg5[%parallel_loop3A_278, %parallel_loop3A_279] {strides = array<i32>} : memref<16x512xf32, #tpu.memory_space<vmem>>, vector<16xf32>,
        %parallel_loop3A_281 = arith.constant 7680 : i32
        %parallel_loop3A_282 = vector.broadcast %parallel_loop3A_281 : i32 to vector<16xi32>
        %parallel_loop3A_283 = arith.addi %parallel_loop3A_97, %parallel_loop3A_282 : vector<16xi32>
        tpu.vector_store_idx %arg7[%parallel_loop3A_283], %parallel_loop3A_280 : memref<8192xf32, #tpu.memory_space<vmem>>[vector<16xi32>], vector<16xf32>,
        %parallel_loop3A_284 = arith.index_cast %parallel_loop3A_95 : i32 to index
        %parallel_loop3A_285 = arith.constant 496 : index
        %parallel_loop3A_286 = tpu.vector_load %arg5[%parallel_loop3A_284, %parallel_loop3A_285] {strides = array<i32>} : memref<16x512xf32, #tpu.memory_space<vmem>>, vector<16xf32>,
        %parallel_loop3A_287 = arith.constant 7936 : i32
        %parallel_loop3A_288 = vector.broadcast %parallel_loop3A_287 : i32 to vector<16xi32>
        %parallel_loop3A_289 = arith.addi %parallel_loop3A_97, %parallel_loop3A_288 : vector<16xi32>
        tpu.vector_store_idx %arg7[%parallel_loop3A_289], %parallel_loop3A_286 : memref<8192xf32, #tpu.memory_space<vmem>>[vector<16xi32>], vector<16xf32>,
      } {sc.loop_unroll_factor = 4 : i64, sc.parallel_access}
      %mul3A_58 = arith.constant 512 : i32
      %mul3A_59 = arith.muli %add3A_48, %mul3A_58 : i32
      %mul3A_60 = arith.constant 16 : i32
      %mul3A_61 = arith.muli %mul3A_59, %mul3A_60 : i32
      "tpu.region"() ({
        %run_scoped3A = tpu.sem_alloc : memref<!tpu.dma_semaphore, #tpu.memory_space<semaphore_mem>>
        %dma_start3A_95 = tpu.memref_slice %arg4[%mul3A_61] : memref<16001024xf32, #tpu.memory_space<hbm>> -> memref<8192xf32, #tpu.memory_space<hbm>>
        %dma_start3A_96 = tpu.memref_slice %arg4[%mul3A_61] : memref<16001024xf32, #tpu.memory_space<hbm>> -> memref<8192xf32, #tpu.memory_space<hbm>>
        tpu.enqueue_dma source(%arg7 : memref<8192xf32, #tpu.memory_space<vmem>>) target(%dma_start3A_96 : memref<8192xf32, #tpu.memory_space<hbm>>) target_semaphore(%run_scoped3A : memref<!tpu.dma_semaphore, #tpu.memory_space<semaphore_mem>>)
        %dma_wait3A_97 = tpu.memref_slice %arg4[%mul3A_61] : memref<16001024xf32, #tpu.memory_space<hbm>> -> memref<8192xf32, #tpu.memory_space<hbm>>
        %dma_wait3A_98 = tpu.memref_slice %arg4[%mul3A_61] : memref<16001024xf32, #tpu.memory_space<hbm>> -> memref<8192xf32, #tpu.memory_space<hbm>>
        tpu.wait_dma2 semaphore(%run_scoped3A : memref<!tpu.dma_semaphore, #tpu.memory_space<semaphore_mem>>) src(%arg7 : memref<8192xf32, #tpu.memory_space<vmem>>) dst(%dma_wait3A_98 : memref<8192xf32, #tpu.memory_space<hbm>>)
        tpu.yield
      }) : () -> ()
      %add3A_62 = arith.constant 2 : i32
      %add3A_63 = arith.addi %add3A_48, %add3A_62 : i32
      %mul3A_64 = arith.constant 512 : i32
      %mul3A_65 = arith.muli %add3A_63, %mul3A_64 : i32
      %dma_start3A_66 = arith.constant 0 : i32
      %dma_start3A_67 = tpu.memref_slice %arg2[%dma_start3A_66, %mul3A_65] : memref<16x1000000xf32, #tpu.memory_space<hbm>> -> memref<16x512xf32, #tpu.memory_space<hbm>>
      %dma_start3A_68 = arith.constant 0 : i32
      %dma_start3A_69 = tpu.memref_slice %arg2[%dma_start3A_68, %mul3A_65] : memref<16x1000000xf32, #tpu.memory_space<hbm>> -> memref<16x512xf32, #tpu.memory_space<hbm>>
      tpu.enqueue_dma source(%dma_start3A_69 : memref<16x512xf32, #tpu.memory_space<hbm>>) target(%arg5 : memref<16x512xf32, #tpu.memory_space<vmem>>) target_semaphore(%arg8 : memref<!tpu.dma_semaphore, #tpu.memory_space<semaphore_mem>>)
      %add3A_70 = arith.constant 1 : i32
      %add3A_71 = arith.addi %add3A_48, %add3A_70 : i32
      %mul3A_72 = arith.constant 512 : i32
      %mul3A_73 = arith.muli %add3A_71, %mul3A_72 : i32
      %dma_wait3A_74 = arith.constant 0 : i32
      %dma_wait3A_75 = tpu.memref_slice %arg2[%dma_wait3A_74, %mul3A_73] : memref<16x1000000xf32, #tpu.memory_space<hbm>> -> memref<16x512xf32, #tpu.memory_space<hbm>>
      %dma_wait3A_76 = arith.constant 0 : i32
      %dma_wait3A_77 = tpu.memref_slice %arg2[%dma_wait3A_76, %mul3A_73] : memref<16x1000000xf32, #tpu.memory_space<hbm>> -> memref<16x512xf32, #tpu.memory_space<hbm>>
      tpu.wait_dma2 semaphore(%arg9 : memref<!tpu.dma_semaphore, #tpu.memory_space<semaphore_mem>>) src(%dma_wait3A_77 : memref<16x512xf32, #tpu.memory_space<hbm>>) dst(%arg6 : memref<16x512xf32, #tpu.memory_space<vmem>>)
      %add3A_78 = arith.constant 1 : i32
      %add3A_79 = arith.addi %add3A_48, %add3A_78 : i32
      %parallel_loop3A_80 = arith.constant 0 : i32
      %parallel_loop3A_81 = arith.constant 16 : i32
      %parallel_loop3A_82 = arith.constant 1 : i32
      scf.for %parallel_loop3A_95 = %parallel_loop3A_80 to %parallel_loop3A_81 step %parallel_loop3A_82  : i32 {
        %parallel_loop3A_96 = vector.broadcast %parallel_loop3A_95 : i32 to vector<16xi32>
        %parallel_loop3A_97 = arith.addi %mul3A_5, %parallel_loop3A_96 : vector<16xi32>
        %parallel_loop3A_98 = arith.index_cast %parallel_loop3A_95 : i32 to index
        %parallel_loop3A_99 = arith.constant 0 : index
        %parallel_loop3A_100 = tpu.vector_load %arg6[%parallel_loop3A_98, %parallel_loop3A_99] {strides = array<i32>} : memref<16x512xf32, #tpu.memory_space<vmem>>, vector<16xf32>,
        %parallel_loop3A_101 = arith.constant 0 : i32
        %parallel_loop3A_102 = vector.broadcast %parallel_loop3A_101 : i32 to vector<16xi32>
        %parallel_loop3A_103 = arith.addi %parallel_loop3A_97, %parallel_loop3A_102 : vector<16xi32>
        tpu.vector_store_idx %arg7[%parallel_loop3A_103], %parallel_loop3A_100 : memref<8192xf32, #tpu.memory_space<vmem>>[vector<16xi32>], vector<16xf32>,
        %parallel_loop3A_104 = arith.index_cast %parallel_loop3A_95 : i32 to index
        %parallel_loop3A_105 = arith.constant 16 : index
        %parallel_loop3A_106 = tpu.vector_load %arg6[%parallel_loop3A_104, %parallel_loop3A_105] {strides = array<i32>} : memref<16x512xf32, #tpu.memory_space<vmem>>, vector<16xf32>,
        %parallel_loop3A_107 = arith.constant 256 : i32
        %parallel_loop3A_108 = vector.broadcast %parallel_loop3A_107 : i32 to vector<16xi32>
        %parallel_loop3A_109 = arith.addi %parallel_loop3A_97, %parallel_loop3A_108 : vector<16xi32>
        tpu.vector_store_idx %arg7[%parallel_loop3A_109], %parallel_loop3A_106 : memref<8192xf32, #tpu.memory_space<vmem>>[vector<16xi32>], vector<16xf32>,
        %parallel_loop3A_110 = arith.index_cast %parallel_loop3A_95 : i32 to index
        %parallel_loop3A_111 = arith.constant 32 : index
        %parallel_loop3A_112 = tpu.vector_load %arg6[%parallel_loop3A_110, %parallel_loop3A_111] {strides = array<i32>} : memref<16x512xf32, #tpu.memory_space<vmem>>, vector<16xf32>,
        %parallel_loop3A_113 = arith.constant 512 : i32
        %parallel_loop3A_114 = vector.broadcast %parallel_loop3A_113 : i32 to vector<16xi32>
        %parallel_loop3A_115 = arith.addi %parallel_loop3A_97, %parallel_loop3A_114 : vector<16xi32>
        tpu.vector_store_idx %arg7[%parallel_loop3A_115], %parallel_loop3A_112 : memref<8192xf32, #tpu.memory_space<vmem>>[vector<16xi32>], vector<16xf32>,
        %parallel_loop3A_116 = arith.index_cast %parallel_loop3A_95 : i32 to index
        %parallel_loop3A_117 = arith.constant 48 : index
        %parallel_loop3A_118 = tpu.vector_load %arg6[%parallel_loop3A_116, %parallel_loop3A_117] {strides = array<i32>} : memref<16x512xf32, #tpu.memory_space<vmem>>, vector<16xf32>,
        %parallel_loop3A_119 = arith.constant 768 : i32
        %parallel_loop3A_120 = vector.broadcast %parallel_loop3A_119 : i32 to vector<16xi32>
        %parallel_loop3A_121 = arith.addi %parallel_loop3A_97, %parallel_loop3A_120 : vector<16xi32>
        tpu.vector_store_idx %arg7[%parallel_loop3A_121], %parallel_loop3A_118 : memref<8192xf32, #tpu.memory_space<vmem>>[vector<16xi32>], vector<16xf32>,
        %parallel_loop3A_122 = arith.index_cast %parallel_loop3A_95 : i32 to index
        %parallel_loop3A_123 = arith.constant 64 : index
        %parallel_loop3A_124 = tpu.vector_load %arg6[%parallel_loop3A_122, %parallel_loop3A_123] {strides = array<i32>} : memref<16x512xf32, #tpu.memory_space<vmem>>, vector<16xf32>,
        %parallel_loop3A_125 = arith.constant 1024 : i32
        %parallel_loop3A_126 = vector.broadcast %parallel_loop3A_125 : i32 to vector<16xi32>
        %parallel_loop3A_127 = arith.addi %parallel_loop3A_97, %parallel_loop3A_126 : vector<16xi32>
        tpu.vector_store_idx %arg7[%parallel_loop3A_127], %parallel_loop3A_124 : memref<8192xf32, #tpu.memory_space<vmem>>[vector<16xi32>], vector<16xf32>,
        %parallel_loop3A_128 = arith.index_cast %parallel_loop3A_95 : i32 to index
        %parallel_loop3A_129 = arith.constant 80 : index
        %parallel_loop3A_130 = tpu.vector_load %arg6[%parallel_loop3A_128, %parallel_loop3A_129] {strides = array<i32>} : memref<16x512xf32, #tpu.memory_space<vmem>>, vector<16xf32>,
        %parallel_loop3A_131 = arith.constant 1280 : i32
        %parallel_loop3A_132 = vector.broadcast %parallel_loop3A_131 : i32 to vector<16xi32>
        %parallel_loop3A_133 = arith.addi %parallel_loop3A_97, %parallel_loop3A_132 : vector<16xi32>
        tpu.vector_store_idx %arg7[%parallel_loop3A_133], %parallel_loop3A_130 : memref<8192xf32, #tpu.memory_space<vmem>>[vector<16xi32>], vector<16xf32>,
        %parallel_loop3A_134 = arith.index_cast %parallel_loop3A_95 : i32 to index
        %parallel_loop3A_135 = arith.constant 96 : index
        %parallel_loop3A_136 = tpu.vector_load %arg6[%parallel_loop3A_134, %parallel_loop3A_135] {strides = array<i32>} : memref<16x512xf32, #tpu.memory_space<vmem>>, vector<16xf32>,
        %parallel_loop3A_137 = arith.constant 1536 : i32
        %parallel_loop3A_138 = vector.broadcast %parallel_loop3A_137 : i32 to vector<16xi32>
        %parallel_loop3A_139 = arith.addi %parallel_loop3A_97, %parallel_loop3A_138 : vector<16xi32>
        tpu.vector_store_idx %arg7[%parallel_loop3A_139], %parallel_loop3A_136 : memref<8192xf32, #tpu.memory_space<vmem>>[vector<16xi32>], vector<16xf32>,
        %parallel_loop3A_140 = arith.index_cast %parallel_loop3A_95 : i32 to index
        %parallel_loop3A_141 = arith.constant 112 : index
        %parallel_loop3A_142 = tpu.vector_load %arg6[%parallel_loop3A_140, %parallel_loop3A_141] {strides = array<i32>} : memref<16x512xf32, #tpu.memory_space<vmem>>, vector<16xf32>,
        %parallel_loop3A_143 = arith.constant 1792 : i32
        %parallel_loop3A_144 = vector.broadcast %parallel_loop3A_143 : i32 to vector<16xi32>
        %parallel_loop3A_145 = arith.addi %parallel_loop3A_97, %parallel_loop3A_144 : vector<16xi32>
        tpu.vector_store_idx %arg7[%parallel_loop3A_145], %parallel_loop3A_142 : memref<8192xf32, #tpu.memory_space<vmem>>[vector<16xi32>], vector<16xf32>,
        %parallel_loop3A_146 = arith.index_cast %parallel_loop3A_95 : i32 to index
        %parallel_loop3A_147 = arith.constant 128 : index
        %parallel_loop3A_148 = tpu.vector_load %arg6[%parallel_loop3A_146, %parallel_loop3A_147] {strides = array<i32>} : memref<16x512xf32, #tpu.memory_space<vmem>>, vector<16xf32>,
        %parallel_loop3A_149 = arith.constant 2048 : i32
        %parallel_loop3A_150 = vector.broadcast %parallel_loop3A_149 : i32 to vector<16xi32>
        %parallel_loop3A_151 = arith.addi %parallel_loop3A_97, %parallel_loop3A_150 : vector<16xi32>
        tpu.vector_store_idx %arg7[%parallel_loop3A_151], %parallel_loop3A_148 : memref<8192xf32, #tpu.memory_space<vmem>>[vector<16xi32>], vector<16xf32>,
        %parallel_loop3A_152 = arith.index_cast %parallel_loop3A_95 : i32 to index
        %parallel_loop3A_153 = arith.constant 144 : index
        %parallel_loop3A_154 = tpu.vector_load %arg6[%parallel_loop3A_152, %parallel_loop3A_153] {strides = array<i32>} : memref<16x512xf32, #tpu.memory_space<vmem>>, vector<16xf32>,
        %parallel_loop3A_155 = arith.constant 2304 : i32
        %parallel_loop3A_156 = vector.broadcast %parallel_loop3A_155 : i32 to vector<16xi32>
        %parallel_loop3A_157 = arith.addi %parallel_loop3A_97, %parallel_loop3A_156 : vector<16xi32>
        tpu.vector_store_idx %arg7[%parallel_loop3A_157], %parallel_loop3A_154 : memref<8192xf32, #tpu.memory_space<vmem>>[vector<16xi32>], vector<16xf32>,
        %parallel_loop3A_158 = arith.index_cast %parallel_loop3A_95 : i32 to index
        %parallel_loop3A_159 = arith.constant 160 : index
        %parallel_loop3A_160 = tpu.vector_load %arg6[%parallel_loop3A_158, %parallel_loop3A_159] {strides = array<i32>} : memref<16x512xf32, #tpu.memory_space<vmem>>, vector<16xf32>,
        %parallel_loop3A_161 = arith.constant 2560 : i32
        %parallel_loop3A_162 = vector.broadcast %parallel_loop3A_161 : i32 to vector<16xi32>
        %parallel_loop3A_163 = arith.addi %parallel_loop3A_97, %parallel_loop3A_162 : vector<16xi32>
        tpu.vector_store_idx %arg7[%parallel_loop3A_163], %parallel_loop3A_160 : memref<8192xf32, #tpu.memory_space<vmem>>[vector<16xi32>], vector<16xf32>,
        %parallel_loop3A_164 = arith.index_cast %parallel_loop3A_95 : i32 to index
        %parallel_loop3A_165 = arith.constant 176 : index
        %parallel_loop3A_166 = tpu.vector_load %arg6[%parallel_loop3A_164, %parallel_loop3A_165] {strides = array<i32>} : memref<16x512xf32, #tpu.memory_space<vmem>>, vector<16xf32>,
        %parallel_loop3A_167 = arith.constant 2816 : i32
        %parallel_loop3A_168 = vector.broadcast %parallel_loop3A_167 : i32 to vector<16xi32>
        %parallel_loop3A_169 = arith.addi %parallel_loop3A_97, %parallel_loop3A_168 : vector<16xi32>
        tpu.vector_store_idx %arg7[%parallel_loop3A_169], %parallel_loop3A_166 : memref<8192xf32, #tpu.memory_space<vmem>>[vector<16xi32>], vector<16xf32>,
        %parallel_loop3A_170 = arith.index_cast %parallel_loop3A_95 : i32 to index
        %parallel_loop3A_171 = arith.constant 192 : index
        %parallel_loop3A_172 = tpu.vector_load %arg6[%parallel_loop3A_170, %parallel_loop3A_171] {strides = array<i32>} : memref<16x512xf32, #tpu.memory_space<vmem>>, vector<16xf32>,
        %parallel_loop3A_173 = arith.constant 3072 : i32
        %parallel_loop3A_174 = vector.broadcast %parallel_loop3A_173 : i32 to vector<16xi32>
        %parallel_loop3A_175 = arith.addi %parallel_loop3A_97, %parallel_loop3A_174 : vector<16xi32>
        tpu.vector_store_idx %arg7[%parallel_loop3A_175], %parallel_loop3A_172 : memref<8192xf32, #tpu.memory_space<vmem>>[vector<16xi32>], vector<16xf32>,
        %parallel_loop3A_176 = arith.index_cast %parallel_loop3A_95 : i32 to index
        %parallel_loop3A_177 = arith.constant 208 : index
        %parallel_loop3A_178 = tpu.vector_load %arg6[%parallel_loop3A_176, %parallel_loop3A_177] {strides = array<i32>} : memref<16x512xf32, #tpu.memory_space<vmem>>, vector<16xf32>,
        %parallel_loop3A_179 = arith.constant 3328 : i32
        %parallel_loop3A_180 = vector.broadcast %parallel_loop3A_179 : i32 to vector<16xi32>
        %parallel_loop3A_181 = arith.addi %parallel_loop3A_97, %parallel_loop3A_180 : vector<16xi32>
        tpu.vector_store_idx %arg7[%parallel_loop3A_181], %parallel_loop3A_178 : memref<8192xf32, #tpu.memory_space<vmem>>[vector<16xi32>], vector<16xf32>,
        %parallel_loop3A_182 = arith.index_cast %parallel_loop3A_95 : i32 to index
        %parallel_loop3A_183 = arith.constant 224 : index
        %parallel_loop3A_184 = tpu.vector_load %arg6[%parallel_loop3A_182, %parallel_loop3A_183] {strides = array<i32>} : memref<16x512xf32, #tpu.memory_space<vmem>>, vector<16xf32>,
        %parallel_loop3A_185 = arith.constant 3584 : i32
        %parallel_loop3A_186 = vector.broadcast %parallel_loop3A_185 : i32 to vector<16xi32>
        %parallel_loop3A_187 = arith.addi %parallel_loop3A_97, %parallel_loop3A_186 : vector<16xi32>
        tpu.vector_store_idx %arg7[%parallel_loop3A_187], %parallel_loop3A_184 : memref<8192xf32, #tpu.memory_space<vmem>>[vector<16xi32>], vector<16xf32>,
        %parallel_loop3A_188 = arith.index_cast %parallel_loop3A_95 : i32 to index
        %parallel_loop3A_189 = arith.constant 240 : index
        %parallel_loop3A_190 = tpu.vector_load %arg6[%parallel_loop3A_188, %parallel_loop3A_189] {strides = array<i32>} : memref<16x512xf32, #tpu.memory_space<vmem>>, vector<16xf32>,
        %parallel_loop3A_191 = arith.constant 3840 : i32
        %parallel_loop3A_192 = vector.broadcast %parallel_loop3A_191 : i32 to vector<16xi32>
        %parallel_loop3A_193 = arith.addi %parallel_loop3A_97, %parallel_loop3A_192 : vector<16xi32>
        tpu.vector_store_idx %arg7[%parallel_loop3A_193], %parallel_loop3A_190 : memref<8192xf32, #tpu.memory_space<vmem>>[vector<16xi32>], vector<16xf32>,
        %parallel_loop3A_194 = arith.index_cast %parallel_loop3A_95 : i32 to index
        %parallel_loop3A_195 = arith.constant 256 : index
        %parallel_loop3A_196 = tpu.vector_load %arg6[%parallel_loop3A_194, %parallel_loop3A_195] {strides = array<i32>} : memref<16x512xf32, #tpu.memory_space<vmem>>, vector<16xf32>,
        %parallel_loop3A_197 = arith.constant 4096 : i32
        %parallel_loop3A_198 = vector.broadcast %parallel_loop3A_197 : i32 to vector<16xi32>
        %parallel_loop3A_199 = arith.addi %parallel_loop3A_97, %parallel_loop3A_198 : vector<16xi32>
        tpu.vector_store_idx %arg7[%parallel_loop3A_199], %parallel_loop3A_196 : memref<8192xf32, #tpu.memory_space<vmem>>[vector<16xi32>], vector<16xf32>,
        %parallel_loop3A_200 = arith.index_cast %parallel_loop3A_95 : i32 to index
        %parallel_loop3A_201 = arith.constant 272 : index
        %parallel_loop3A_202 = tpu.vector_load %arg6[%parallel_loop3A_200, %parallel_loop3A_201] {strides = array<i32>} : memref<16x512xf32, #tpu.memory_space<vmem>>, vector<16xf32>,
        %parallel_loop3A_203 = arith.constant 4352 : i32
        %parallel_loop3A_204 = vector.broadcast %parallel_loop3A_203 : i32 to vector<16xi32>
        %parallel_loop3A_205 = arith.addi %parallel_loop3A_97, %parallel_loop3A_204 : vector<16xi32>
        tpu.vector_store_idx %arg7[%parallel_loop3A_205], %parallel_loop3A_202 : memref<8192xf32, #tpu.memory_space<vmem>>[vector<16xi32>], vector<16xf32>,
        %parallel_loop3A_206 = arith.index_cast %parallel_loop3A_95 : i32 to index
        %parallel_loop3A_207 = arith.constant 288 : index
        %parallel_loop3A_208 = tpu.vector_load %arg6[%parallel_loop3A_206, %parallel_loop3A_207] {strides = array<i32>} : memref<16x512xf32, #tpu.memory_space<vmem>>, vector<16xf32>,
        %parallel_loop3A_209 = arith.constant 4608 : i32
        %parallel_loop3A_210 = vector.broadcast %parallel_loop3A_209 : i32 to vector<16xi32>
        %parallel_loop3A_211 = arith.addi %parallel_loop3A_97, %parallel_loop3A_210 : vector<16xi32>
        tpu.vector_store_idx %arg7[%parallel_loop3A_211], %parallel_loop3A_208 : memref<8192xf32, #tpu.memory_space<vmem>>[vector<16xi32>], vector<16xf32>,
        %parallel_loop3A_212 = arith.index_cast %parallel_loop3A_95 : i32 to index
        %parallel_loop3A_213 = arith.constant 304 : index
        %parallel_loop3A_214 = tpu.vector_load %arg6[%parallel_loop3A_212, %parallel_loop3A_213] {strides = array<i32>} : memref<16x512xf32, #tpu.memory_space<vmem>>, vector<16xf32>,
        %parallel_loop3A_215 = arith.constant 4864 : i32
        %parallel_loop3A_216 = vector.broadcast %parallel_loop3A_215 : i32 to vector<16xi32>
        %parallel_loop3A_217 = arith.addi %parallel_loop3A_97, %parallel_loop3A_216 : vector<16xi32>
        tpu.vector_store_idx %arg7[%parallel_loop3A_217], %parallel_loop3A_214 : memref<8192xf32, #tpu.memory_space<vmem>>[vector<16xi32>], vector<16xf32>,
        %parallel_loop3A_218 = arith.index_cast %parallel_loop3A_95 : i32 to index
        %parallel_loop3A_219 = arith.constant 320 : index
        %parallel_loop3A_220 = tpu.vector_load %arg6[%parallel_loop3A_218, %parallel_loop3A_219] {strides = array<i32>} : memref<16x512xf32, #tpu.memory_space<vmem>>, vector<16xf32>,
        %parallel_loop3A_221 = arith.constant 5120 : i32
        %parallel_loop3A_222 = vector.broadcast %parallel_loop3A_221 : i32 to vector<16xi32>
        %parallel_loop3A_223 = arith.addi %parallel_loop3A_97, %parallel_loop3A_222 : vector<16xi32>
        tpu.vector_store_idx %arg7[%parallel_loop3A_223], %parallel_loop3A_220 : memref<8192xf32, #tpu.memory_space<vmem>>[vector<16xi32>], vector<16xf32>,
        %parallel_loop3A_224 = arith.index_cast %parallel_loop3A_95 : i32 to index
        %parallel_loop3A_225 = arith.constant 336 : index
        %parallel_loop3A_226 = tpu.vector_load %arg6[%parallel_loop3A_224, %parallel_loop3A_225] {strides = array<i32>} : memref<16x512xf32, #tpu.memory_space<vmem>>, vector<16xf32>,
        %parallel_loop3A_227 = arith.constant 5376 : i32
        %parallel_loop3A_228 = vector.broadcast %parallel_loop3A_227 : i32 to vector<16xi32>
        %parallel_loop3A_229 = arith.addi %parallel_loop3A_97, %parallel_loop3A_228 : vector<16xi32>
        tpu.vector_store_idx %arg7[%parallel_loop3A_229], %parallel_loop3A_226 : memref<8192xf32, #tpu.memory_space<vmem>>[vector<16xi32>], vector<16xf32>,
        %parallel_loop3A_230 = arith.index_cast %parallel_loop3A_95 : i32 to index
        %parallel_loop3A_231 = arith.constant 352 : index
        %parallel_loop3A_232 = tpu.vector_load %arg6[%parallel_loop3A_230, %parallel_loop3A_231] {strides = array<i32>} : memref<16x512xf32, #tpu.memory_space<vmem>>, vector<16xf32>,
        %parallel_loop3A_233 = arith.constant 5632 : i32
        %parallel_loop3A_234 = vector.broadcast %parallel_loop3A_233 : i32 to vector<16xi32>
        %parallel_loop3A_235 = arith.addi %parallel_loop3A_97, %parallel_loop3A_234 : vector<16xi32>
        tpu.vector_store_idx %arg7[%parallel_loop3A_235], %parallel_loop3A_232 : memref<8192xf32, #tpu.memory_space<vmem>>[vector<16xi32>], vector<16xf32>,
        %parallel_loop3A_236 = arith.index_cast %parallel_loop3A_95 : i32 to index
        %parallel_loop3A_237 = arith.constant 368 : index
        %parallel_loop3A_238 = tpu.vector_load %arg6[%parallel_loop3A_236, %parallel_loop3A_237] {strides = array<i32>} : memref<16x512xf32, #tpu.memory_space<vmem>>, vector<16xf32>,
        %parallel_loop3A_239 = arith.constant 5888 : i32
        %parallel_loop3A_240 = vector.broadcast %parallel_loop3A_239 : i32 to vector<16xi32>
        %parallel_loop3A_241 = arith.addi %parallel_loop3A_97, %parallel_loop3A_240 : vector<16xi32>
        tpu.vector_store_idx %arg7[%parallel_loop3A_241], %parallel_loop3A_238 : memref<8192xf32, #tpu.memory_space<vmem>>[vector<16xi32>], vector<16xf32>,
        %parallel_loop3A_242 = arith.index_cast %parallel_loop3A_95 : i32 to index
        %parallel_loop3A_243 = arith.constant 384 : index
        %parallel_loop3A_244 = tpu.vector_load %arg6[%parallel_loop3A_242, %parallel_loop3A_243] {strides = array<i32>} : memref<16x512xf32, #tpu.memory_space<vmem>>, vector<16xf32>,
        %parallel_loop3A_245 = arith.constant 6144 : i32
        %parallel_loop3A_246 = vector.broadcast %parallel_loop3A_245 : i32 to vector<16xi32>
        %parallel_loop3A_247 = arith.addi %parallel_loop3A_97, %parallel_loop3A_246 : vector<16xi32>
        tpu.vector_store_idx %arg7[%parallel_loop3A_247], %parallel_loop3A_244 : memref<8192xf32, #tpu.memory_space<vmem>>[vector<16xi32>], vector<16xf32>,
        %parallel_loop3A_248 = arith.index_cast %parallel_loop3A_95 : i32 to index
        %parallel_loop3A_249 = arith.constant 400 : index
        %parallel_loop3A_250 = tpu.vector_load %arg6[%parallel_loop3A_248, %parallel_loop3A_249] {strides = array<i32>} : memref<16x512xf32, #tpu.memory_space<vmem>>, vector<16xf32>,
        %parallel_loop3A_251 = arith.constant 6400 : i32
        %parallel_loop3A_252 = vector.broadcast %parallel_loop3A_251 : i32 to vector<16xi32>
        %parallel_loop3A_253 = arith.addi %parallel_loop3A_97, %parallel_loop3A_252 : vector<16xi32>
        tpu.vector_store_idx %arg7[%parallel_loop3A_253], %parallel_loop3A_250 : memref<8192xf32, #tpu.memory_space<vmem>>[vector<16xi32>], vector<16xf32>,
        %parallel_loop3A_254 = arith.index_cast %parallel_loop3A_95 : i32 to index
        %parallel_loop3A_255 = arith.constant 416 : index
        %parallel_loop3A_256 = tpu.vector_load %arg6[%parallel_loop3A_254, %parallel_loop3A_255] {strides = array<i32>} : memref<16x512xf32, #tpu.memory_space<vmem>>, vector<16xf32>,
        %parallel_loop3A_257 = arith.constant 6656 : i32
        %parallel_loop3A_258 = vector.broadcast %parallel_loop3A_257 : i32 to vector<16xi32>
        %parallel_loop3A_259 = arith.addi %parallel_loop3A_97, %parallel_loop3A_258 : vector<16xi32>
        tpu.vector_store_idx %arg7[%parallel_loop3A_259], %parallel_loop3A_256 : memref<8192xf32, #tpu.memory_space<vmem>>[vector<16xi32>], vector<16xf32>,
        %parallel_loop3A_260 = arith.index_cast %parallel_loop3A_95 : i32 to index
        %parallel_loop3A_261 = arith.constant 432 : index
        %parallel_loop3A_262 = tpu.vector_load %arg6[%parallel_loop3A_260, %parallel_loop3A_261] {strides = array<i32>} : memref<16x512xf32, #tpu.memory_space<vmem>>, vector<16xf32>,
        %parallel_loop3A_263 = arith.constant 6912 : i32
        %parallel_loop3A_264 = vector.broadcast %parallel_loop3A_263 : i32 to vector<16xi32>
        %parallel_loop3A_265 = arith.addi %parallel_loop3A_97, %parallel_loop3A_264 : vector<16xi32>
        tpu.vector_store_idx %arg7[%parallel_loop3A_265], %parallel_loop3A_262 : memref<8192xf32, #tpu.memory_space<vmem>>[vector<16xi32>], vector<16xf32>,
        %parallel_loop3A_266 = arith.index_cast %parallel_loop3A_95 : i32 to index
        %parallel_loop3A_267 = arith.constant 448 : index
        %parallel_loop3A_268 = tpu.vector_load %arg6[%parallel_loop3A_266, %parallel_loop3A_267] {strides = array<i32>} : memref<16x512xf32, #tpu.memory_space<vmem>>, vector<16xf32>,
        %parallel_loop3A_269 = arith.constant 7168 : i32
        %parallel_loop3A_270 = vector.broadcast %parallel_loop3A_269 : i32 to vector<16xi32>
        %parallel_loop3A_271 = arith.addi %parallel_loop3A_97, %parallel_loop3A_270 : vector<16xi32>
        tpu.vector_store_idx %arg7[%parallel_loop3A_271], %parallel_loop3A_268 : memref<8192xf32, #tpu.memory_space<vmem>>[vector<16xi32>], vector<16xf32>,
        %parallel_loop3A_272 = arith.index_cast %parallel_loop3A_95 : i32 to index
        %parallel_loop3A_273 = arith.constant 464 : index
        %parallel_loop3A_274 = tpu.vector_load %arg6[%parallel_loop3A_272, %parallel_loop3A_273] {strides = array<i32>} : memref<16x512xf32, #tpu.memory_space<vmem>>, vector<16xf32>,
        %parallel_loop3A_275 = arith.constant 7424 : i32
        %parallel_loop3A_276 = vector.broadcast %parallel_loop3A_275 : i32 to vector<16xi32>
        %parallel_loop3A_277 = arith.addi %parallel_loop3A_97, %parallel_loop3A_276 : vector<16xi32>
        tpu.vector_store_idx %arg7[%parallel_loop3A_277], %parallel_loop3A_274 : memref<8192xf32, #tpu.memory_space<vmem>>[vector<16xi32>], vector<16xf32>,
        %parallel_loop3A_278 = arith.index_cast %parallel_loop3A_95 : i32 to index
        %parallel_loop3A_279 = arith.constant 480 : index
        %parallel_loop3A_280 = tpu.vector_load %arg6[%parallel_loop3A_278, %parallel_loop3A_279] {strides = array<i32>} : memref<16x512xf32, #tpu.memory_space<vmem>>, vector<16xf32>,
        %parallel_loop3A_281 = arith.constant 7680 : i32
        %parallel_loop3A_282 = vector.broadcast %parallel_loop3A_281 : i32 to vector<16xi32>
        %parallel_loop3A_283 = arith.addi %parallel_loop3A_97, %parallel_loop3A_282 : vector<16xi32>
        tpu.vector_store_idx %arg7[%parallel_loop3A_283], %parallel_loop3A_280 : memref<8192xf32, #tpu.memory_space<vmem>>[vector<16xi32>], vector<16xf32>,
        %parallel_loop3A_284 = arith.index_cast %parallel_loop3A_95 : i32 to index
        %parallel_loop3A_285 = arith.constant 496 : index
        %parallel_loop3A_286 = tpu.vector_load %arg6[%parallel_loop3A_284, %parallel_loop3A_285] {strides = array<i32>} : memref<16x512xf32, #tpu.memory_space<vmem>>, vector<16xf32>,
        %parallel_loop3A_287 = arith.constant 7936 : i32
        %parallel_loop3A_288 = vector.broadcast %parallel_loop3A_287 : i32 to vector<16xi32>
        %parallel_loop3A_289 = arith.addi %parallel_loop3A_97, %parallel_loop3A_288 : vector<16xi32>
        tpu.vector_store_idx %arg7[%parallel_loop3A_289], %parallel_loop3A_286 : memref<8192xf32, #tpu.memory_space<vmem>>[vector<16xi32>], vector<16xf32>,
      } {sc.loop_unroll_factor = 4 : i64, sc.parallel_access}
      %mul3A_83 = arith.constant 512 : i32
      %mul3A_84 = arith.muli %add3A_79, %mul3A_83 : i32
      %mul3A_85 = arith.constant 16 : i32
      %mul3A_86 = arith.muli %mul3A_84, %mul3A_85 : i32
      "tpu.region"() ({
        %run_scoped3A = tpu.sem_alloc : memref<!tpu.dma_semaphore, #tpu.memory_space<semaphore_mem>>
        %dma_start3A_95 = tpu.memref_slice %arg4[%mul3A_86] : memref<16001024xf32, #tpu.memory_space<hbm>> -> memref<8192xf32, #tpu.memory_space<hbm>>
        %dma_start3A_96 = tpu.memref_slice %arg4[%mul3A_86] : memref<16001024xf32, #tpu.memory_space<hbm>> -> memref<8192xf32, #tpu.memory_space<hbm>>
        tpu.enqueue_dma source(%arg7 : memref<8192xf32, #tpu.memory_space<vmem>>) target(%dma_start3A_96 : memref<8192xf32, #tpu.memory_space<hbm>>) target_semaphore(%run_scoped3A : memref<!tpu.dma_semaphore, #tpu.memory_space<semaphore_mem>>)
        %dma_wait3A_97 = tpu.memref_slice %arg4[%mul3A_86] : memref<16001024xf32, #tpu.memory_space<hbm>> -> memref<8192xf32, #tpu.memory_space<hbm>>
        %dma_wait3A_98 = tpu.memref_slice %arg4[%mul3A_86] : memref<16001024xf32, #tpu.memory_space<hbm>> -> memref<8192xf32, #tpu.memory_space<hbm>>
        tpu.wait_dma2 semaphore(%run_scoped3A : memref<!tpu.dma_semaphore, #tpu.memory_space<semaphore_mem>>) src(%arg7 : memref<8192xf32, #tpu.memory_space<vmem>>) dst(%dma_wait3A_98 : memref<8192xf32, #tpu.memory_space<hbm>>)
        tpu.yield
      }) : () -> ()
      %add3A_87 = arith.constant 1 : i32
      %add3A_88 = arith.addi %scan3A_44, %add3A_87 : i32
      %lt3A_89 = arith.constant 30 : i32
      %lt3A_90 = arith.cmpi slt, %add3A_88, %lt3A_89 : i32
      %convert_element_type3A_91 = arith.extui %lt3A_90 : i1 to i32
      %cond3A_92 = arith.constant 0 : i32
      %cond3A_93 = arith.cmpi ne, %convert_element_type3A_91, %cond3A_92 : i32
      scf.if %cond3A_93 {
        %add3A_95 = arith.constant 3 : i32
        %add3A_96 = arith.addi %add3A_48, %add3A_95 : i32
        %mul3A_97 = arith.constant 512 : i32
        %mul3A_98 = arith.muli %add3A_96, %mul3A_97 : i32
        %dma_start3A_99 = arith.constant 0 : i32
        %dma_start3A_100 = tpu.memref_slice %arg2[%dma_start3A_99, %mul3A_98] : memref<16x1000000xf32, #tpu.memory_space<hbm>> -> memref<16x512xf32, #tpu.memory_space<hbm>>
        %dma_start3A_101 = arith.constant 0 : i32
        %dma_start3A_102 = tpu.memref_slice %arg2[%dma_start3A_101, %mul3A_98] : memref<16x1000000xf32, #tpu.memory_space<hbm>> -> memref<16x512xf32, #tpu.memory_space<hbm>>
        tpu.enqueue_dma source(%dma_start3A_102 : memref<16x512xf32, #tpu.memory_space<hbm>>) target(%arg6 : memref<16x512xf32, #tpu.memory_space<vmem>>) target_semaphore(%arg9 : memref<!tpu.dma_semaphore, #tpu.memory_space<semaphore_mem>>)
      } else {
      }
      %scan3A_94 = arith.constant 0 : i32
      scf.yield %scan3A_94 : i32
    }
    %scan3A_24 = arith.constant 30 : i32
    %add3A_25 = arith.constant 60 : i32
    %add3A_26 = arith.addi %mul3A_2, %add3A_25 : i32
    %mul3A_27 = arith.constant 512 : i32
    %mul3A_28 = arith.muli %add3A_26, %mul3A_27 : i32
    %dma_wait3A = arith.constant 0 : i32
    %dma_wait3A_29 = tpu.memref_slice %arg2[%dma_wait3A, %mul3A_28] : memref<16x1000000xf32, #tpu.memory_space<hbm>> -> memref<16x512xf32, #tpu.memory_space<hbm>>
    %dma_wait3A_30 = arith.constant 0 : i32
    %dma_wait3A_31 = tpu.memref_slice %arg2[%dma_wait3A_30, %mul3A_28] : memref<16x1000000xf32, #tpu.memory_space<hbm>> -> memref<16x512xf32, #tpu.memory_space<hbm>>
    tpu.wait_dma2 semaphore(%arg8 : memref<!tpu.dma_semaphore, #tpu.memory_space<semaphore_mem>>) src(%dma_wait3A_31 : memref<16x512xf32, #tpu.memory_space<hbm>>) dst(%arg5 : memref<16x512xf32, #tpu.memory_space<vmem>>)
    %parallel_loop3A = arith.constant 0 : i32
    %parallel_loop3A_32 = arith.constant 16 : i32
    %parallel_loop3A_33 = arith.constant 1 : i32
    scf.for %parallel_loop3A_44 = %parallel_loop3A to %parallel_loop3A_32 step %parallel_loop3A_33  : i32 {
      %parallel_loop3A_45 = vector.broadcast %parallel_loop3A_44 : i32 to vector<16xi32>
      %parallel_loop3A_46 = arith.addi %mul3A_5, %parallel_loop3A_45 : vector<16xi32>
      %parallel_loop3A_47 = arith.index_cast %parallel_loop3A_44 : i32 to index
      %parallel_loop3A_48 = arith.constant 0 : index
      %parallel_loop3A_49 = tpu.vector_load %arg5[%parallel_loop3A_47, %parallel_loop3A_48] {strides = array<i32>} : memref<16x512xf32, #tpu.memory_space<vmem>>, vector<16xf32>,
      %parallel_loop3A_50 = arith.constant 0 : i32
      %parallel_loop3A_51 = vector.broadcast %parallel_loop3A_50 : i32 to vector<16xi32>
      %parallel_loop3A_52 = arith.addi %parallel_loop3A_46, %parallel_loop3A_51 : vector<16xi32>
      tpu.vector_store_idx %arg7[%parallel_loop3A_52], %parallel_loop3A_49 : memref<8192xf32, #tpu.memory_space<vmem>>[vector<16xi32>], vector<16xf32>,
      %parallel_loop3A_53 = arith.index_cast %parallel_loop3A_44 : i32 to index
      %parallel_loop3A_54 = arith.constant 16 : index
      %parallel_loop3A_55 = tpu.vector_load %arg5[%parallel_loop3A_53, %parallel_loop3A_54] {strides = array<i32>} : memref<16x512xf32, #tpu.memory_space<vmem>>, vector<16xf32>,
      %parallel_loop3A_56 = arith.constant 256 : i32
      %parallel_loop3A_57 = vector.broadcast %parallel_loop3A_56 : i32 to vector<16xi32>
      %parallel_loop3A_58 = arith.addi %parallel_loop3A_46, %parallel_loop3A_57 : vector<16xi32>
      tpu.vector_store_idx %arg7[%parallel_loop3A_58], %parallel_loop3A_55 : memref<8192xf32, #tpu.memory_space<vmem>>[vector<16xi32>], vector<16xf32>,
      %parallel_loop3A_59 = arith.index_cast %parallel_loop3A_44 : i32 to index
      %parallel_loop3A_60 = arith.constant 32 : index
      %parallel_loop3A_61 = tpu.vector_load %arg5[%parallel_loop3A_59, %parallel_loop3A_60] {strides = array<i32>} : memref<16x512xf32, #tpu.memory_space<vmem>>, vector<16xf32>,
      %parallel_loop3A_62 = arith.constant 512 : i32
      %parallel_loop3A_63 = vector.broadcast %parallel_loop3A_62 : i32 to vector<16xi32>
      %parallel_loop3A_64 = arith.addi %parallel_loop3A_46, %parallel_loop3A_63 : vector<16xi32>
      tpu.vector_store_idx %arg7[%parallel_loop3A_64], %parallel_loop3A_61 : memref<8192xf32, #tpu.memory_space<vmem>>[vector<16xi32>], vector<16xf32>,
      %parallel_loop3A_65 = arith.index_cast %parallel_loop3A_44 : i32 to index
      %parallel_loop3A_66 = arith.constant 48 : index
      %parallel_loop3A_67 = tpu.vector_load %arg5[%parallel_loop3A_65, %parallel_loop3A_66] {strides = array<i32>} : memref<16x512xf32, #tpu.memory_space<vmem>>, vector<16xf32>,
      %parallel_loop3A_68 = arith.constant 768 : i32
      %parallel_loop3A_69 = vector.broadcast %parallel_loop3A_68 : i32 to vector<16xi32>
      %parallel_loop3A_70 = arith.addi %parallel_loop3A_46, %parallel_loop3A_69 : vector<16xi32>
      tpu.vector_store_idx %arg7[%parallel_loop3A_70], %parallel_loop3A_67 : memref<8192xf32, #tpu.memory_space<vmem>>[vector<16xi32>], vector<16xf32>,
      %parallel_loop3A_71 = arith.index_cast %parallel_loop3A_44 : i32 to index
      %parallel_loop3A_72 = arith.constant 64 : index
      %parallel_loop3A_73 = tpu.vector_load %arg5[%parallel_loop3A_71, %parallel_loop3A_72] {strides = array<i32>} : memref<16x512xf32, #tpu.memory_space<vmem>>, vector<16xf32>,
      %parallel_loop3A_74 = arith.constant 1024 : i32
      %parallel_loop3A_75 = vector.broadcast %parallel_loop3A_74 : i32 to vector<16xi32>
      %parallel_loop3A_76 = arith.addi %parallel_loop3A_46, %parallel_loop3A_75 : vector<16xi32>
      tpu.vector_store_idx %arg7[%parallel_loop3A_76], %parallel_loop3A_73 : memref<8192xf32, #tpu.memory_space<vmem>>[vector<16xi32>], vector<16xf32>,
      %parallel_loop3A_77 = arith.index_cast %parallel_loop3A_44 : i32 to index
      %parallel_loop3A_78 = arith.constant 80 : index
      %parallel_loop3A_79 = tpu.vector_load %arg5[%parallel_loop3A_77, %parallel_loop3A_78] {strides = array<i32>} : memref<16x512xf32, #tpu.memory_space<vmem>>, vector<16xf32>,
      %parallel_loop3A_80 = arith.constant 1280 : i32
      %parallel_loop3A_81 = vector.broadcast %parallel_loop3A_80 : i32 to vector<16xi32>
      %parallel_loop3A_82 = arith.addi %parallel_loop3A_46, %parallel_loop3A_81 : vector<16xi32>
      tpu.vector_store_idx %arg7[%parallel_loop3A_82], %parallel_loop3A_79 : memref<8192xf32, #tpu.memory_space<vmem>>[vector<16xi32>], vector<16xf32>,
      %parallel_loop3A_83 = arith.index_cast %parallel_loop3A_44 : i32 to index
      %parallel_loop3A_84 = arith.constant 96 : index
      %parallel_loop3A_85 = tpu.vector_load %arg5[%parallel_loop3A_83, %parallel_loop3A_84] {strides = array<i32>} : memref<16x512xf32, #tpu.memory_space<vmem>>, vector<16xf32>,
      %parallel_loop3A_86 = arith.constant 1536 : i32
      %parallel_loop3A_87 = vector.broadcast %parallel_loop3A_86 : i32 to vector<16xi32>
      %parallel_loop3A_88 = arith.addi %parallel_loop3A_46, %parallel_loop3A_87 : vector<16xi32>
      tpu.vector_store_idx %arg7[%parallel_loop3A_88], %parallel_loop3A_85 : memref<8192xf32, #tpu.memory_space<vmem>>[vector<16xi32>], vector<16xf32>,
      %parallel_loop3A_89 = arith.index_cast %parallel_loop3A_44 : i32 to index
      %parallel_loop3A_90 = arith.constant 112 : index
      %parallel_loop3A_91 = tpu.vector_load %arg5[%parallel_loop3A_89, %parallel_loop3A_90] {strides = array<i32>} : memref<16x512xf32, #tpu.memory_space<vmem>>, vector<16xf32>,
      %parallel_loop3A_92 = arith.constant 1792 : i32
      %parallel_loop3A_93 = vector.broadcast %parallel_loop3A_92 : i32 to vector<16xi32>
      %parallel_loop3A_94 = arith.addi %parallel_loop3A_46, %parallel_loop3A_93 : vector<16xi32>
      tpu.vector_store_idx %arg7[%parallel_loop3A_94], %parallel_loop3A_91 : memref<8192xf32, #tpu.memory_space<vmem>>[vector<16xi32>], vector<16xf32>,
      %parallel_loop3A_95 = arith.index_cast %parallel_loop3A_44 : i32 to index
      %parallel_loop3A_96 = arith.constant 128 : index
      %parallel_loop3A_97 = tpu.vector_load %arg5[%parallel_loop3A_95, %parallel_loop3A_96] {strides = array<i32>} : memref<16x512xf32, #tpu.memory_space<vmem>>, vector<16xf32>,
      %parallel_loop3A_98 = arith.constant 2048 : i32
      %parallel_loop3A_99 = vector.broadcast %parallel_loop3A_98 : i32 to vector<16xi32>
      %parallel_loop3A_100 = arith.addi %parallel_loop3A_46, %parallel_loop3A_99 : vector<16xi32>
      tpu.vector_store_idx %arg7[%parallel_loop3A_100], %parallel_loop3A_97 : memref<8192xf32, #tpu.memory_space<vmem>>[vector<16xi32>], vector<16xf32>,
      %parallel_loop3A_101 = arith.index_cast %parallel_loop3A_44 : i32 to index
      %parallel_loop3A_102 = arith.constant 144 : index
      %parallel_loop3A_103 = tpu.vector_load %arg5[%parallel_loop3A_101, %parallel_loop3A_102] {strides = array<i32>} : memref<16x512xf32, #tpu.memory_space<vmem>>, vector<16xf32>,
      %parallel_loop3A_104 = arith.constant 2304 : i32
      %parallel_loop3A_105 = vector.broadcast %parallel_loop3A_104 : i32 to vector<16xi32>
      %parallel_loop3A_106 = arith.addi %parallel_loop3A_46, %parallel_loop3A_105 : vector<16xi32>
      tpu.vector_store_idx %arg7[%parallel_loop3A_106], %parallel_loop3A_103 : memref<8192xf32, #tpu.memory_space<vmem>>[vector<16xi32>], vector<16xf32>,
      %parallel_loop3A_107 = arith.index_cast %parallel_loop3A_44 : i32 to index
      %parallel_loop3A_108 = arith.constant 160 : index
      %parallel_loop3A_109 = tpu.vector_load %arg5[%parallel_loop3A_107, %parallel_loop3A_108] {strides = array<i32>} : memref<16x512xf32, #tpu.memory_space<vmem>>, vector<16xf32>,
      %parallel_loop3A_110 = arith.constant 2560 : i32
      %parallel_loop3A_111 = vector.broadcast %parallel_loop3A_110 : i32 to vector<16xi32>
      %parallel_loop3A_112 = arith.addi %parallel_loop3A_46, %parallel_loop3A_111 : vector<16xi32>
      tpu.vector_store_idx %arg7[%parallel_loop3A_112], %parallel_loop3A_109 : memref<8192xf32, #tpu.memory_space<vmem>>[vector<16xi32>], vector<16xf32>,
      %parallel_loop3A_113 = arith.index_cast %parallel_loop3A_44 : i32 to index
      %parallel_loop3A_114 = arith.constant 176 : index
      %parallel_loop3A_115 = tpu.vector_load %arg5[%parallel_loop3A_113, %parallel_loop3A_114] {strides = array<i32>} : memref<16x512xf32, #tpu.memory_space<vmem>>, vector<16xf32>,
      %parallel_loop3A_116 = arith.constant 2816 : i32
      %parallel_loop3A_117 = vector.broadcast %parallel_loop3A_116 : i32 to vector<16xi32>
      %parallel_loop3A_118 = arith.addi %parallel_loop3A_46, %parallel_loop3A_117 : vector<16xi32>
      tpu.vector_store_idx %arg7[%parallel_loop3A_118], %parallel_loop3A_115 : memref<8192xf32, #tpu.memory_space<vmem>>[vector<16xi32>], vector<16xf32>,
      %parallel_loop3A_119 = arith.index_cast %parallel_loop3A_44 : i32 to index
      %parallel_loop3A_120 = arith.constant 192 : index
      %parallel_loop3A_121 = tpu.vector_load %arg5[%parallel_loop3A_119, %parallel_loop3A_120] {strides = array<i32>} : memref<16x512xf32, #tpu.memory_space<vmem>>, vector<16xf32>,
      %parallel_loop3A_122 = arith.constant 3072 : i32
      %parallel_loop3A_123 = vector.broadcast %parallel_loop3A_122 : i32 to vector<16xi32>
      %parallel_loop3A_124 = arith.addi %parallel_loop3A_46, %parallel_loop3A_123 : vector<16xi32>
      tpu.vector_store_idx %arg7[%parallel_loop3A_124], %parallel_loop3A_121 : memref<8192xf32, #tpu.memory_space<vmem>>[vector<16xi32>], vector<16xf32>,
      %parallel_loop3A_125 = arith.index_cast %parallel_loop3A_44 : i32 to index
      %parallel_loop3A_126 = arith.constant 208 : index
      %parallel_loop3A_127 = tpu.vector_load %arg5[%parallel_loop3A_125, %parallel_loop3A_126] {strides = array<i32>} : memref<16x512xf32, #tpu.memory_space<vmem>>, vector<16xf32>,
      %parallel_loop3A_128 = arith.constant 3328 : i32
      %parallel_loop3A_129 = vector.broadcast %parallel_loop3A_128 : i32 to vector<16xi32>
      %parallel_loop3A_130 = arith.addi %parallel_loop3A_46, %parallel_loop3A_129 : vector<16xi32>
      tpu.vector_store_idx %arg7[%parallel_loop3A_130], %parallel_loop3A_127 : memref<8192xf32, #tpu.memory_space<vmem>>[vector<16xi32>], vector<16xf32>,
      %parallel_loop3A_131 = arith.index_cast %parallel_loop3A_44 : i32 to index
      %parallel_loop3A_132 = arith.constant 224 : index
      %parallel_loop3A_133 = tpu.vector_load %arg5[%parallel_loop3A_131, %parallel_loop3A_132] {strides = array<i32>} : memref<16x512xf32, #tpu.memory_space<vmem>>, vector<16xf32>,
      %parallel_loop3A_134 = arith.constant 3584 : i32
      %parallel_loop3A_135 = vector.broadcast %parallel_loop3A_134 : i32 to vector<16xi32>
      %parallel_loop3A_136 = arith.addi %parallel_loop3A_46, %parallel_loop3A_135 : vector<16xi32>
      tpu.vector_store_idx %arg7[%parallel_loop3A_136], %parallel_loop3A_133 : memref<8192xf32, #tpu.memory_space<vmem>>[vector<16xi32>], vector<16xf32>,
      %parallel_loop3A_137 = arith.index_cast %parallel_loop3A_44 : i32 to index
      %parallel_loop3A_138 = arith.constant 240 : index
      %parallel_loop3A_139 = tpu.vector_load %arg5[%parallel_loop3A_137, %parallel_loop3A_138] {strides = array<i32>} : memref<16x512xf32, #tpu.memory_space<vmem>>, vector<16xf32>,
      %parallel_loop3A_140 = arith.constant 3840 : i32
      %parallel_loop3A_141 = vector.broadcast %parallel_loop3A_140 : i32 to vector<16xi32>
      %parallel_loop3A_142 = arith.addi %parallel_loop3A_46, %parallel_loop3A_141 : vector<16xi32>
      tpu.vector_store_idx %arg7[%parallel_loop3A_142], %parallel_loop3A_139 : memref<8192xf32, #tpu.memory_space<vmem>>[vector<16xi32>], vector<16xf32>,
      %parallel_loop3A_143 = arith.index_cast %parallel_loop3A_44 : i32 to index
      %parallel_loop3A_144 = arith.constant 256 : index
      %parallel_loop3A_145 = tpu.vector_load %arg5[%parallel_loop3A_143, %parallel_loop3A_144] {strides = array<i32>} : memref<16x512xf32, #tpu.memory_space<vmem>>, vector<16xf32>,
      %parallel_loop3A_146 = arith.constant 4096 : i32
      %parallel_loop3A_147 = vector.broadcast %parallel_loop3A_146 : i32 to vector<16xi32>
      %parallel_loop3A_148 = arith.addi %parallel_loop3A_46, %parallel_loop3A_147 : vector<16xi32>
      tpu.vector_store_idx %arg7[%parallel_loop3A_148], %parallel_loop3A_145 : memref<8192xf32, #tpu.memory_space<vmem>>[vector<16xi32>], vector<16xf32>,
      %parallel_loop3A_149 = arith.index_cast %parallel_loop3A_44 : i32 to index
      %parallel_loop3A_150 = arith.constant 272 : index
      %parallel_loop3A_151 = tpu.vector_load %arg5[%parallel_loop3A_149, %parallel_loop3A_150] {strides = array<i32>} : memref<16x512xf32, #tpu.memory_space<vmem>>, vector<16xf32>,
      %parallel_loop3A_152 = arith.constant 4352 : i32
      %parallel_loop3A_153 = vector.broadcast %parallel_loop3A_152 : i32 to vector<16xi32>
      %parallel_loop3A_154 = arith.addi %parallel_loop3A_46, %parallel_loop3A_153 : vector<16xi32>
      tpu.vector_store_idx %arg7[%parallel_loop3A_154], %parallel_loop3A_151 : memref<8192xf32, #tpu.memory_space<vmem>>[vector<16xi32>], vector<16xf32>,
      %parallel_loop3A_155 = arith.index_cast %parallel_loop3A_44 : i32 to index
      %parallel_loop3A_156 = arith.constant 288 : index
      %parallel_loop3A_157 = tpu.vector_load %arg5[%parallel_loop3A_155, %parallel_loop3A_156] {strides = array<i32>} : memref<16x512xf32, #tpu.memory_space<vmem>>, vector<16xf32>,
      %parallel_loop3A_158 = arith.constant 4608 : i32
      %parallel_loop3A_159 = vector.broadcast %parallel_loop3A_158 : i32 to vector<16xi32>
      %parallel_loop3A_160 = arith.addi %parallel_loop3A_46, %parallel_loop3A_159 : vector<16xi32>
      tpu.vector_store_idx %arg7[%parallel_loop3A_160], %parallel_loop3A_157 : memref<8192xf32, #tpu.memory_space<vmem>>[vector<16xi32>], vector<16xf32>,
      %parallel_loop3A_161 = arith.index_cast %parallel_loop3A_44 : i32 to index
      %parallel_loop3A_162 = arith.constant 304 : index
      %parallel_loop3A_163 = tpu.vector_load %arg5[%parallel_loop3A_161, %parallel_loop3A_162] {strides = array<i32>} : memref<16x512xf32, #tpu.memory_space<vmem>>, vector<16xf32>,
      %parallel_loop3A_164 = arith.constant 4864 : i32
      %parallel_loop3A_165 = vector.broadcast %parallel_loop3A_164 : i32 to vector<16xi32>
      %parallel_loop3A_166 = arith.addi %parallel_loop3A_46, %parallel_loop3A_165 : vector<16xi32>
      tpu.vector_store_idx %arg7[%parallel_loop3A_166], %parallel_loop3A_163 : memref<8192xf32, #tpu.memory_space<vmem>>[vector<16xi32>], vector<16xf32>,
      %parallel_loop3A_167 = arith.index_cast %parallel_loop3A_44 : i32 to index
      %parallel_loop3A_168 = arith.constant 320 : index
      %parallel_loop3A_169 = tpu.vector_load %arg5[%parallel_loop3A_167, %parallel_loop3A_168] {strides = array<i32>} : memref<16x512xf32, #tpu.memory_space<vmem>>, vector<16xf32>,
      %parallel_loop3A_170 = arith.constant 5120 : i32
      %parallel_loop3A_171 = vector.broadcast %parallel_loop3A_170 : i32 to vector<16xi32>
      %parallel_loop3A_172 = arith.addi %parallel_loop3A_46, %parallel_loop3A_171 : vector<16xi32>
      tpu.vector_store_idx %arg7[%parallel_loop3A_172], %parallel_loop3A_169 : memref<8192xf32, #tpu.memory_space<vmem>>[vector<16xi32>], vector<16xf32>,
      %parallel_loop3A_173 = arith.index_cast %parallel_loop3A_44 : i32 to index
      %parallel_loop3A_174 = arith.constant 336 : index
      %parallel_loop3A_175 = tpu.vector_load %arg5[%parallel_loop3A_173, %parallel_loop3A_174] {strides = array<i32>} : memref<16x512xf32, #tpu.memory_space<vmem>>, vector<16xf32>,
      %parallel_loop3A_176 = arith.constant 5376 : i32
      %parallel_loop3A_177 = vector.broadcast %parallel_loop3A_176 : i32 to vector<16xi32>
      %parallel_loop3A_178 = arith.addi %parallel_loop3A_46, %parallel_loop3A_177 : vector<16xi32>
      tpu.vector_store_idx %arg7[%parallel_loop3A_178], %parallel_loop3A_175 : memref<8192xf32, #tpu.memory_space<vmem>>[vector<16xi32>], vector<16xf32>,
      %parallel_loop3A_179 = arith.index_cast %parallel_loop3A_44 : i32 to index
      %parallel_loop3A_180 = arith.constant 352 : index
      %parallel_loop3A_181 = tpu.vector_load %arg5[%parallel_loop3A_179, %parallel_loop3A_180] {strides = array<i32>} : memref<16x512xf32, #tpu.memory_space<vmem>>, vector<16xf32>,
      %parallel_loop3A_182 = arith.constant 5632 : i32
      %parallel_loop3A_183 = vector.broadcast %parallel_loop3A_182 : i32 to vector<16xi32>
      %parallel_loop3A_184 = arith.addi %parallel_loop3A_46, %parallel_loop3A_183 : vector<16xi32>
      tpu.vector_store_idx %arg7[%parallel_loop3A_184], %parallel_loop3A_181 : memref<8192xf32, #tpu.memory_space<vmem>>[vector<16xi32>], vector<16xf32>,
      %parallel_loop3A_185 = arith.index_cast %parallel_loop3A_44 : i32 to index
      %parallel_loop3A_186 = arith.constant 368 : index
      %parallel_loop3A_187 = tpu.vector_load %arg5[%parallel_loop3A_185, %parallel_loop3A_186] {strides = array<i32>} : memref<16x512xf32, #tpu.memory_space<vmem>>, vector<16xf32>,
      %parallel_loop3A_188 = arith.constant 5888 : i32
      %parallel_loop3A_189 = vector.broadcast %parallel_loop3A_188 : i32 to vector<16xi32>
      %parallel_loop3A_190 = arith.addi %parallel_loop3A_46, %parallel_loop3A_189 : vector<16xi32>
      tpu.vector_store_idx %arg7[%parallel_loop3A_190], %parallel_loop3A_187 : memref<8192xf32, #tpu.memory_space<vmem>>[vector<16xi32>], vector<16xf32>,
      %parallel_loop3A_191 = arith.index_cast %parallel_loop3A_44 : i32 to index
      %parallel_loop3A_192 = arith.constant 384 : index
      %parallel_loop3A_193 = tpu.vector_load %arg5[%parallel_loop3A_191, %parallel_loop3A_192] {strides = array<i32>} : memref<16x512xf32, #tpu.memory_space<vmem>>, vector<16xf32>,
      %parallel_loop3A_194 = arith.constant 6144 : i32
      %parallel_loop3A_195 = vector.broadcast %parallel_loop3A_194 : i32 to vector<16xi32>
      %parallel_loop3A_196 = arith.addi %parallel_loop3A_46, %parallel_loop3A_195 : vector<16xi32>
      tpu.vector_store_idx %arg7[%parallel_loop3A_196], %parallel_loop3A_193 : memref<8192xf32, #tpu.memory_space<vmem>>[vector<16xi32>], vector<16xf32>,
      %parallel_loop3A_197 = arith.index_cast %parallel_loop3A_44 : i32 to index
      %parallel_loop3A_198 = arith.constant 400 : index
      %parallel_loop3A_199 = tpu.vector_load %arg5[%parallel_loop3A_197, %parallel_loop3A_198] {strides = array<i32>} : memref<16x512xf32, #tpu.memory_space<vmem>>, vector<16xf32>,
      %parallel_loop3A_200 = arith.constant 6400 : i32
      %parallel_loop3A_201 = vector.broadcast %parallel_loop3A_200 : i32 to vector<16xi32>
      %parallel_loop3A_202 = arith.addi %parallel_loop3A_46, %parallel_loop3A_201 : vector<16xi32>
      tpu.vector_store_idx %arg7[%parallel_loop3A_202], %parallel_loop3A_199 : memref<8192xf32, #tpu.memory_space<vmem>>[vector<16xi32>], vector<16xf32>,
      %parallel_loop3A_203 = arith.index_cast %parallel_loop3A_44 : i32 to index
      %parallel_loop3A_204 = arith.constant 416 : index
      %parallel_loop3A_205 = tpu.vector_load %arg5[%parallel_loop3A_203, %parallel_loop3A_204] {strides = array<i32>} : memref<16x512xf32, #tpu.memory_space<vmem>>, vector<16xf32>,
      %parallel_loop3A_206 = arith.constant 6656 : i32
      %parallel_loop3A_207 = vector.broadcast %parallel_loop3A_206 : i32 to vector<16xi32>
      %parallel_loop3A_208 = arith.addi %parallel_loop3A_46, %parallel_loop3A_207 : vector<16xi32>
      tpu.vector_store_idx %arg7[%parallel_loop3A_208], %parallel_loop3A_205 : memref<8192xf32, #tpu.memory_space<vmem>>[vector<16xi32>], vector<16xf32>,
      %parallel_loop3A_209 = arith.index_cast %parallel_loop3A_44 : i32 to index
      %parallel_loop3A_210 = arith.constant 432 : index
      %parallel_loop3A_211 = tpu.vector_load %arg5[%parallel_loop3A_209, %parallel_loop3A_210] {strides = array<i32>} : memref<16x512xf32, #tpu.memory_space<vmem>>, vector<16xf32>,
      %parallel_loop3A_212 = arith.constant 6912 : i32
      %parallel_loop3A_213 = vector.broadcast %parallel_loop3A_212 : i32 to vector<16xi32>
      %parallel_loop3A_214 = arith.addi %parallel_loop3A_46, %parallel_loop3A_213 : vector<16xi32>
      tpu.vector_store_idx %arg7[%parallel_loop3A_214], %parallel_loop3A_211 : memref<8192xf32, #tpu.memory_space<vmem>>[vector<16xi32>], vector<16xf32>,
      %parallel_loop3A_215 = arith.index_cast %parallel_loop3A_44 : i32 to index
      %parallel_loop3A_216 = arith.constant 448 : index
      %parallel_loop3A_217 = tpu.vector_load %arg5[%parallel_loop3A_215, %parallel_loop3A_216] {strides = array<i32>} : memref<16x512xf32, #tpu.memory_space<vmem>>, vector<16xf32>,
      %parallel_loop3A_218 = arith.constant 7168 : i32
      %parallel_loop3A_219 = vector.broadcast %parallel_loop3A_218 : i32 to vector<16xi32>
      %parallel_loop3A_220 = arith.addi %parallel_loop3A_46, %parallel_loop3A_219 : vector<16xi32>
      tpu.vector_store_idx %arg7[%parallel_loop3A_220], %parallel_loop3A_217 : memref<8192xf32, #tpu.memory_space<vmem>>[vector<16xi32>], vector<16xf32>,
      %parallel_loop3A_221 = arith.index_cast %parallel_loop3A_44 : i32 to index
      %parallel_loop3A_222 = arith.constant 464 : index
      %parallel_loop3A_223 = tpu.vector_load %arg5[%parallel_loop3A_221, %parallel_loop3A_222] {strides = array<i32>} : memref<16x512xf32, #tpu.memory_space<vmem>>, vector<16xf32>,
      %parallel_loop3A_224 = arith.constant 7424 : i32
      %parallel_loop3A_225 = vector.broadcast %parallel_loop3A_224 : i32 to vector<16xi32>
      %parallel_loop3A_226 = arith.addi %parallel_loop3A_46, %parallel_loop3A_225 : vector<16xi32>
      tpu.vector_store_idx %arg7[%parallel_loop3A_226], %parallel_loop3A_223 : memref<8192xf32, #tpu.memory_space<vmem>>[vector<16xi32>], vector<16xf32>,
      %parallel_loop3A_227 = arith.index_cast %parallel_loop3A_44 : i32 to index
      %parallel_loop3A_228 = arith.constant 480 : index
      %parallel_loop3A_229 = tpu.vector_load %arg5[%parallel_loop3A_227, %parallel_loop3A_228] {strides = array<i32>} : memref<16x512xf32, #tpu.memory_space<vmem>>, vector<16xf32>,
      %parallel_loop3A_230 = arith.constant 7680 : i32
      %parallel_loop3A_231 = vector.broadcast %parallel_loop3A_230 : i32 to vector<16xi32>
      %parallel_loop3A_232 = arith.addi %parallel_loop3A_46, %parallel_loop3A_231 : vector<16xi32>
      tpu.vector_store_idx %arg7[%parallel_loop3A_232], %parallel_loop3A_229 : memref<8192xf32, #tpu.memory_space<vmem>>[vector<16xi32>], vector<16xf32>,
      %parallel_loop3A_233 = arith.index_cast %parallel_loop3A_44 : i32 to index
      %parallel_loop3A_234 = arith.constant 496 : index
      %parallel_loop3A_235 = tpu.vector_load %arg5[%parallel_loop3A_233, %parallel_loop3A_234] {strides = array<i32>} : memref<16x512xf32, #tpu.memory_space<vmem>>, vector<16xf32>,
      %parallel_loop3A_236 = arith.constant 7936 : i32
      %parallel_loop3A_237 = vector.broadcast %parallel_loop3A_236 : i32 to vector<16xi32>
      %parallel_loop3A_238 = arith.addi %parallel_loop3A_46, %parallel_loop3A_237 : vector<16xi32>
      tpu.vector_store_idx %arg7[%parallel_loop3A_238], %parallel_loop3A_235 : memref<8192xf32, #tpu.memory_space<vmem>>[vector<16xi32>], vector<16xf32>,
    } {sc.loop_unroll_factor = 4 : i64, sc.parallel_access}
    %mul3A_34 = arith.constant 512 : i32
    %mul3A_35 = arith.muli %add3A_26, %mul3A_34 : i32
    %mul3A_36 = arith.constant 16 : i32
    %mul3A_37 = arith.muli %mul3A_35, %mul3A_36 : i32
    "tpu.region"() ({
      %run_scoped3A = tpu.sem_alloc : memref<!tpu.dma_semaphore, #tpu.memory_space<semaphore_mem>>
      %dma_start3A_44 = tpu.memref_slice %arg4[%mul3A_37] : memref<16001024xf32, #tpu.memory_space<hbm>> -> memref<8192xf32, #tpu.memory_space<hbm>>
      %dma_start3A_45 = tpu.memref_slice %arg4[%mul3A_37] : memref<16001024xf32, #tpu.memory_space<hbm>> -> memref<8192xf32, #tpu.memory_space<hbm>>
      tpu.enqueue_dma source(%arg7 : memref<8192xf32, #tpu.memory_space<vmem>>) target(%dma_start3A_45 : memref<8192xf32, #tpu.memory_space<hbm>>) target_semaphore(%run_scoped3A : memref<!tpu.dma_semaphore, #tpu.memory_space<semaphore_mem>>)
      %dma_wait3A_46 = tpu.memref_slice %arg4[%mul3A_37] : memref<16001024xf32, #tpu.memory_space<hbm>> -> memref<8192xf32, #tpu.memory_space<hbm>>
      %dma_wait3A_47 = tpu.memref_slice %arg4[%mul3A_37] : memref<16001024xf32, #tpu.memory_space<hbm>> -> memref<8192xf32, #tpu.memory_space<hbm>>
      tpu.wait_dma2 semaphore(%run_scoped3A : memref<!tpu.dma_semaphore, #tpu.memory_space<semaphore_mem>>) src(%arg7 : memref<8192xf32, #tpu.memory_space<vmem>>) dst(%dma_wait3A_47 : memref<8192xf32, #tpu.memory_space<hbm>>)
      tpu.yield
    }) : () -> ()
    %lt3A = arith.constant 1 : i32
    %lt3A_38 = arith.cmpi slt, %add3A, %lt3A : i32
    %convert_element_type3A = arith.extui %lt3A_38 : i1 to i32
    %cond3A = arith.constant 0 : i32
    %cond3A_39 = arith.cmpi ne, %convert_element_type3A, %cond3A : i32
    scf.if %cond3A_39 {
      "tpu.region"() ({
        %run_scoped3A = tpu.sem_alloc : memref<!tpu.dma_semaphore, #tpu.memory_space<semaphore_mem>>
        %dma_start3A_47 = arith.constant 0 : i32
        %dma_start3A_48 = arith.constant 999424 : i32
        %dma_start3A_49 = tpu.memref_slice %arg2[%dma_start3A_47, %dma_start3A_48] : memref<16x1000000xf32, #tpu.memory_space<hbm>> -> memref<16x512xf32, #tpu.memory_space<hbm>>
        %dma_start3A_50 = arith.constant 0 : i32
        %dma_start3A_51 = arith.constant 999424 : i32
        %dma_start3A_52 = tpu.memref_slice %arg2[%dma_start3A_50, %dma_start3A_51] : memref<16x1000000xf32, #tpu.memory_space<hbm>> -> memref<16x512xf32, #tpu.memory_space<hbm>>
        tpu.enqueue_dma source(%dma_start3A_52 : memref<16x512xf32, #tpu.memory_space<hbm>>) target(%arg5 : memref<16x512xf32, #tpu.memory_space<vmem>>) target_semaphore(%run_scoped3A : memref<!tpu.dma_semaphore, #tpu.memory_space<semaphore_mem>>)
        %dma_wait3A_53 = arith.constant 0 : i32
        %dma_wait3A_54 = arith.constant 999424 : i32
        %dma_wait3A_55 = tpu.memref_slice %arg2[%dma_wait3A_53, %dma_wait3A_54] : memref<16x1000000xf32, #tpu.memory_space<hbm>> -> memref<16x512xf32, #tpu.memory_space<hbm>>
        %dma_wait3A_56 = arith.constant 0 : i32
        %dma_wait3A_57 = arith.constant 999424 : i32
        %dma_wait3A_58 = tpu.memref_slice %arg2[%dma_wait3A_56, %dma_wait3A_57] : memref<16x1000000xf32, #tpu.memory_space<hbm>> -> memref<16x512xf32, #tpu.memory_space<hbm>>
        tpu.wait_dma2 semaphore(%run_scoped3A : memref<!tpu.dma_semaphore, #tpu.memory_space<semaphore_mem>>) src(%dma_wait3A_58 : memref<16x512xf32, #tpu.memory_space<hbm>>) dst(%arg5 : memref<16x512xf32, #tpu.memory_space<vmem>>)
        tpu.yield
      }) : () -> ()
      %parallel_loop3A_44 = arith.constant 0 : i32
      %parallel_loop3A_45 = arith.constant 16 : i32
      %parallel_loop3A_46 = arith.constant 1 : i32
      scf.for %parallel_loop3A_47 = %parallel_loop3A_44 to %parallel_loop3A_45 step %parallel_loop3A_46  : i32 {
        %parallel_loop3A_48 = vector.broadcast %parallel_loop3A_47 : i32 to vector<16xi32>
        %parallel_loop3A_49 = arith.addi %mul3A_5, %parallel_loop3A_48 : vector<16xi32>
        %parallel_loop3A_50 = arith.index_cast %parallel_loop3A_47 : i32 to index
        %parallel_loop3A_51 = arith.constant 0 : index
        %parallel_loop3A_52 = tpu.vector_load %arg5[%parallel_loop3A_50, %parallel_loop3A_51] {strides = array<i32>} : memref<16x512xf32, #tpu.memory_space<vmem>>, vector<16xf32>,
        %parallel_loop3A_53 = arith.constant 0 : i32
        %parallel_loop3A_54 = vector.broadcast %parallel_loop3A_53 : i32 to vector<16xi32>
        %parallel_loop3A_55 = arith.addi %parallel_loop3A_49, %parallel_loop3A_54 : vector<16xi32>
        tpu.vector_store_idx %arg7[%parallel_loop3A_55], %parallel_loop3A_52 : memref<8192xf32, #tpu.memory_space<vmem>>[vector<16xi32>], vector<16xf32>,
        %parallel_loop3A_56 = arith.index_cast %parallel_loop3A_47 : i32 to index
        %parallel_loop3A_57 = arith.constant 16 : index
        %parallel_loop3A_58 = tpu.vector_load %arg5[%parallel_loop3A_56, %parallel_loop3A_57] {strides = array<i32>} : memref<16x512xf32, #tpu.memory_space<vmem>>, vector<16xf32>,
        %parallel_loop3A_59 = arith.constant 256 : i32
        %parallel_loop3A_60 = vector.broadcast %parallel_loop3A_59 : i32 to vector<16xi32>
        %parallel_loop3A_61 = arith.addi %parallel_loop3A_49, %parallel_loop3A_60 : vector<16xi32>
        tpu.vector_store_idx %arg7[%parallel_loop3A_61], %parallel_loop3A_58 : memref<8192xf32, #tpu.memory_space<vmem>>[vector<16xi32>], vector<16xf32>,
        %parallel_loop3A_62 = arith.index_cast %parallel_loop3A_47 : i32 to index
        %parallel_loop3A_63 = arith.constant 32 : index
        %parallel_loop3A_64 = tpu.vector_load %arg5[%parallel_loop3A_62, %parallel_loop3A_63] {strides = array<i32>} : memref<16x512xf32, #tpu.memory_space<vmem>>, vector<16xf32>,
        %parallel_loop3A_65 = arith.constant 512 : i32
        %parallel_loop3A_66 = vector.broadcast %parallel_loop3A_65 : i32 to vector<16xi32>
        %parallel_loop3A_67 = arith.addi %parallel_loop3A_49, %parallel_loop3A_66 : vector<16xi32>
        tpu.vector_store_idx %arg7[%parallel_loop3A_67], %parallel_loop3A_64 : memref<8192xf32, #tpu.memory_space<vmem>>[vector<16xi32>], vector<16xf32>,
        %parallel_loop3A_68 = arith.index_cast %parallel_loop3A_47 : i32 to index
        %parallel_loop3A_69 = arith.constant 48 : index
        %parallel_loop3A_70 = tpu.vector_load %arg5[%parallel_loop3A_68, %parallel_loop3A_69] {strides = array<i32>} : memref<16x512xf32, #tpu.memory_space<vmem>>, vector<16xf32>,
        %parallel_loop3A_71 = arith.constant 768 : i32
        %parallel_loop3A_72 = vector.broadcast %parallel_loop3A_71 : i32 to vector<16xi32>
        %parallel_loop3A_73 = arith.addi %parallel_loop3A_49, %parallel_loop3A_72 : vector<16xi32>
        tpu.vector_store_idx %arg7[%parallel_loop3A_73], %parallel_loop3A_70 : memref<8192xf32, #tpu.memory_space<vmem>>[vector<16xi32>], vector<16xf32>,
        %parallel_loop3A_74 = arith.index_cast %parallel_loop3A_47 : i32 to index
        %parallel_loop3A_75 = arith.constant 64 : index
        %parallel_loop3A_76 = tpu.vector_load %arg5[%parallel_loop3A_74, %parallel_loop3A_75] {strides = array<i32>} : memref<16x512xf32, #tpu.memory_space<vmem>>, vector<16xf32>,
        %parallel_loop3A_77 = arith.constant 1024 : i32
        %parallel_loop3A_78 = vector.broadcast %parallel_loop3A_77 : i32 to vector<16xi32>
        %parallel_loop3A_79 = arith.addi %parallel_loop3A_49, %parallel_loop3A_78 : vector<16xi32>
        tpu.vector_store_idx %arg7[%parallel_loop3A_79], %parallel_loop3A_76 : memref<8192xf32, #tpu.memory_space<vmem>>[vector<16xi32>], vector<16xf32>,
        %parallel_loop3A_80 = arith.index_cast %parallel_loop3A_47 : i32 to index
        %parallel_loop3A_81 = arith.constant 80 : index
        %parallel_loop3A_82 = tpu.vector_load %arg5[%parallel_loop3A_80, %parallel_loop3A_81] {strides = array<i32>} : memref<16x512xf32, #tpu.memory_space<vmem>>, vector<16xf32>,
        %parallel_loop3A_83 = arith.constant 1280 : i32
        %parallel_loop3A_84 = vector.broadcast %parallel_loop3A_83 : i32 to vector<16xi32>
        %parallel_loop3A_85 = arith.addi %parallel_loop3A_49, %parallel_loop3A_84 : vector<16xi32>
        tpu.vector_store_idx %arg7[%parallel_loop3A_85], %parallel_loop3A_82 : memref<8192xf32, #tpu.memory_space<vmem>>[vector<16xi32>], vector<16xf32>,
        %parallel_loop3A_86 = arith.index_cast %parallel_loop3A_47 : i32 to index
        %parallel_loop3A_87 = arith.constant 96 : index
        %parallel_loop3A_88 = tpu.vector_load %arg5[%parallel_loop3A_86, %parallel_loop3A_87] {strides = array<i32>} : memref<16x512xf32, #tpu.memory_space<vmem>>, vector<16xf32>,
        %parallel_loop3A_89 = arith.constant 1536 : i32
        %parallel_loop3A_90 = vector.broadcast %parallel_loop3A_89 : i32 to vector<16xi32>
        %parallel_loop3A_91 = arith.addi %parallel_loop3A_49, %parallel_loop3A_90 : vector<16xi32>
        tpu.vector_store_idx %arg7[%parallel_loop3A_91], %parallel_loop3A_88 : memref<8192xf32, #tpu.memory_space<vmem>>[vector<16xi32>], vector<16xf32>,
        %parallel_loop3A_92 = arith.index_cast %parallel_loop3A_47 : i32 to index
        %parallel_loop3A_93 = arith.constant 112 : index
        %parallel_loop3A_94 = tpu.vector_load %arg5[%parallel_loop3A_92, %parallel_loop3A_93] {strides = array<i32>} : memref<16x512xf32, #tpu.memory_space<vmem>>, vector<16xf32>,
        %parallel_loop3A_95 = arith.constant 1792 : i32
        %parallel_loop3A_96 = vector.broadcast %parallel_loop3A_95 : i32 to vector<16xi32>
        %parallel_loop3A_97 = arith.addi %parallel_loop3A_49, %parallel_loop3A_96 : vector<16xi32>
        tpu.vector_store_idx %arg7[%parallel_loop3A_97], %parallel_loop3A_94 : memref<8192xf32, #tpu.memory_space<vmem>>[vector<16xi32>], vector<16xf32>,
        %parallel_loop3A_98 = arith.index_cast %parallel_loop3A_47 : i32 to index
        %parallel_loop3A_99 = arith.constant 128 : index
        %parallel_loop3A_100 = tpu.vector_load %arg5[%parallel_loop3A_98, %parallel_loop3A_99] {strides = array<i32>} : memref<16x512xf32, #tpu.memory_space<vmem>>, vector<16xf32>,
        %parallel_loop3A_101 = arith.constant 2048 : i32
        %parallel_loop3A_102 = vector.broadcast %parallel_loop3A_101 : i32 to vector<16xi32>
        %parallel_loop3A_103 = arith.addi %parallel_loop3A_49, %parallel_loop3A_102 : vector<16xi32>
        tpu.vector_store_idx %arg7[%parallel_loop3A_103], %parallel_loop3A_100 : memref<8192xf32, #tpu.memory_space<vmem>>[vector<16xi32>], vector<16xf32>,
        %parallel_loop3A_104 = arith.index_cast %parallel_loop3A_47 : i32 to index
        %parallel_loop3A_105 = arith.constant 144 : index
        %parallel_loop3A_106 = tpu.vector_load %arg5[%parallel_loop3A_104, %parallel_loop3A_105] {strides = array<i32>} : memref<16x512xf32, #tpu.memory_space<vmem>>, vector<16xf32>,
        %parallel_loop3A_107 = arith.constant 2304 : i32
        %parallel_loop3A_108 = vector.broadcast %parallel_loop3A_107 : i32 to vector<16xi32>
        %parallel_loop3A_109 = arith.addi %parallel_loop3A_49, %parallel_loop3A_108 : vector<16xi32>
        tpu.vector_store_idx %arg7[%parallel_loop3A_109], %parallel_loop3A_106 : memref<8192xf32, #tpu.memory_space<vmem>>[vector<16xi32>], vector<16xf32>,
        %parallel_loop3A_110 = arith.index_cast %parallel_loop3A_47 : i32 to index
        %parallel_loop3A_111 = arith.constant 160 : index
        %parallel_loop3A_112 = tpu.vector_load %arg5[%parallel_loop3A_110, %parallel_loop3A_111] {strides = array<i32>} : memref<16x512xf32, #tpu.memory_space<vmem>>, vector<16xf32>,
        %parallel_loop3A_113 = arith.constant 2560 : i32
        %parallel_loop3A_114 = vector.broadcast %parallel_loop3A_113 : i32 to vector<16xi32>
        %parallel_loop3A_115 = arith.addi %parallel_loop3A_49, %parallel_loop3A_114 : vector<16xi32>
        tpu.vector_store_idx %arg7[%parallel_loop3A_115], %parallel_loop3A_112 : memref<8192xf32, #tpu.memory_space<vmem>>[vector<16xi32>], vector<16xf32>,
        %parallel_loop3A_116 = arith.index_cast %parallel_loop3A_47 : i32 to index
        %parallel_loop3A_117 = arith.constant 176 : index
        %parallel_loop3A_118 = tpu.vector_load %arg5[%parallel_loop3A_116, %parallel_loop3A_117] {strides = array<i32>} : memref<16x512xf32, #tpu.memory_space<vmem>>, vector<16xf32>,
        %parallel_loop3A_119 = arith.constant 2816 : i32
        %parallel_loop3A_120 = vector.broadcast %parallel_loop3A_119 : i32 to vector<16xi32>
        %parallel_loop3A_121 = arith.addi %parallel_loop3A_49, %parallel_loop3A_120 : vector<16xi32>
        tpu.vector_store_idx %arg7[%parallel_loop3A_121], %parallel_loop3A_118 : memref<8192xf32, #tpu.memory_space<vmem>>[vector<16xi32>], vector<16xf32>,
        %parallel_loop3A_122 = arith.index_cast %parallel_loop3A_47 : i32 to index
        %parallel_loop3A_123 = arith.constant 192 : index
        %parallel_loop3A_124 = tpu.vector_load %arg5[%parallel_loop3A_122, %parallel_loop3A_123] {strides = array<i32>} : memref<16x512xf32, #tpu.memory_space<vmem>>, vector<16xf32>,
        %parallel_loop3A_125 = arith.constant 3072 : i32
        %parallel_loop3A_126 = vector.broadcast %parallel_loop3A_125 : i32 to vector<16xi32>
        %parallel_loop3A_127 = arith.addi %parallel_loop3A_49, %parallel_loop3A_126 : vector<16xi32>
        tpu.vector_store_idx %arg7[%parallel_loop3A_127], %parallel_loop3A_124 : memref<8192xf32, #tpu.memory_space<vmem>>[vector<16xi32>], vector<16xf32>,
        %parallel_loop3A_128 = arith.index_cast %parallel_loop3A_47 : i32 to index
        %parallel_loop3A_129 = arith.constant 208 : index
        %parallel_loop3A_130 = tpu.vector_load %arg5[%parallel_loop3A_128, %parallel_loop3A_129] {strides = array<i32>} : memref<16x512xf32, #tpu.memory_space<vmem>>, vector<16xf32>,
        %parallel_loop3A_131 = arith.constant 3328 : i32
        %parallel_loop3A_132 = vector.broadcast %parallel_loop3A_131 : i32 to vector<16xi32>
        %parallel_loop3A_133 = arith.addi %parallel_loop3A_49, %parallel_loop3A_132 : vector<16xi32>
        tpu.vector_store_idx %arg7[%parallel_loop3A_133], %parallel_loop3A_130 : memref<8192xf32, #tpu.memory_space<vmem>>[vector<16xi32>], vector<16xf32>,
        %parallel_loop3A_134 = arith.index_cast %parallel_loop3A_47 : i32 to index
        %parallel_loop3A_135 = arith.constant 224 : index
        %parallel_loop3A_136 = tpu.vector_load %arg5[%parallel_loop3A_134, %parallel_loop3A_135] {strides = array<i32>} : memref<16x512xf32, #tpu.memory_space<vmem>>, vector<16xf32>,
        %parallel_loop3A_137 = arith.constant 3584 : i32
        %parallel_loop3A_138 = vector.broadcast %parallel_loop3A_137 : i32 to vector<16xi32>
        %parallel_loop3A_139 = arith.addi %parallel_loop3A_49, %parallel_loop3A_138 : vector<16xi32>
        tpu.vector_store_idx %arg7[%parallel_loop3A_139], %parallel_loop3A_136 : memref<8192xf32, #tpu.memory_space<vmem>>[vector<16xi32>], vector<16xf32>,
        %parallel_loop3A_140 = arith.index_cast %parallel_loop3A_47 : i32 to index
        %parallel_loop3A_141 = arith.constant 240 : index
        %parallel_loop3A_142 = tpu.vector_load %arg5[%parallel_loop3A_140, %parallel_loop3A_141] {strides = array<i32>} : memref<16x512xf32, #tpu.memory_space<vmem>>, vector<16xf32>,
        %parallel_loop3A_143 = arith.constant 3840 : i32
        %parallel_loop3A_144 = vector.broadcast %parallel_loop3A_143 : i32 to vector<16xi32>
        %parallel_loop3A_145 = arith.addi %parallel_loop3A_49, %parallel_loop3A_144 : vector<16xi32>
        tpu.vector_store_idx %arg7[%parallel_loop3A_145], %parallel_loop3A_142 : memref<8192xf32, #tpu.memory_space<vmem>>[vector<16xi32>], vector<16xf32>,
        %parallel_loop3A_146 = arith.index_cast %parallel_loop3A_47 : i32 to index
        %parallel_loop3A_147 = arith.constant 256 : index
        %parallel_loop3A_148 = tpu.vector_load %arg5[%parallel_loop3A_146, %parallel_loop3A_147] {strides = array<i32>} : memref<16x512xf32, #tpu.memory_space<vmem>>, vector<16xf32>,
        %parallel_loop3A_149 = arith.constant 4096 : i32
        %parallel_loop3A_150 = vector.broadcast %parallel_loop3A_149 : i32 to vector<16xi32>
        %parallel_loop3A_151 = arith.addi %parallel_loop3A_49, %parallel_loop3A_150 : vector<16xi32>
        tpu.vector_store_idx %arg7[%parallel_loop3A_151], %parallel_loop3A_148 : memref<8192xf32, #tpu.memory_space<vmem>>[vector<16xi32>], vector<16xf32>,
        %parallel_loop3A_152 = arith.index_cast %parallel_loop3A_47 : i32 to index
        %parallel_loop3A_153 = arith.constant 272 : index
        %parallel_loop3A_154 = tpu.vector_load %arg5[%parallel_loop3A_152, %parallel_loop3A_153] {strides = array<i32>} : memref<16x512xf32, #tpu.memory_space<vmem>>, vector<16xf32>,
        %parallel_loop3A_155 = arith.constant 4352 : i32
        %parallel_loop3A_156 = vector.broadcast %parallel_loop3A_155 : i32 to vector<16xi32>
        %parallel_loop3A_157 = arith.addi %parallel_loop3A_49, %parallel_loop3A_156 : vector<16xi32>
        tpu.vector_store_idx %arg7[%parallel_loop3A_157], %parallel_loop3A_154 : memref<8192xf32, #tpu.memory_space<vmem>>[vector<16xi32>], vector<16xf32>,
        %parallel_loop3A_158 = arith.index_cast %parallel_loop3A_47 : i32 to index
        %parallel_loop3A_159 = arith.constant 288 : index
        %parallel_loop3A_160 = tpu.vector_load %arg5[%parallel_loop3A_158, %parallel_loop3A_159] {strides = array<i32>} : memref<16x512xf32, #tpu.memory_space<vmem>>, vector<16xf32>,
        %parallel_loop3A_161 = arith.constant 4608 : i32
        %parallel_loop3A_162 = vector.broadcast %parallel_loop3A_161 : i32 to vector<16xi32>
        %parallel_loop3A_163 = arith.addi %parallel_loop3A_49, %parallel_loop3A_162 : vector<16xi32>
        tpu.vector_store_idx %arg7[%parallel_loop3A_163], %parallel_loop3A_160 : memref<8192xf32, #tpu.memory_space<vmem>>[vector<16xi32>], vector<16xf32>,
        %parallel_loop3A_164 = arith.index_cast %parallel_loop3A_47 : i32 to index
        %parallel_loop3A_165 = arith.constant 304 : index
        %parallel_loop3A_166 = tpu.vector_load %arg5[%parallel_loop3A_164, %parallel_loop3A_165] {strides = array<i32>} : memref<16x512xf32, #tpu.memory_space<vmem>>, vector<16xf32>,
        %parallel_loop3A_167 = arith.constant 4864 : i32
        %parallel_loop3A_168 = vector.broadcast %parallel_loop3A_167 : i32 to vector<16xi32>
        %parallel_loop3A_169 = arith.addi %parallel_loop3A_49, %parallel_loop3A_168 : vector<16xi32>
        tpu.vector_store_idx %arg7[%parallel_loop3A_169], %parallel_loop3A_166 : memref<8192xf32, #tpu.memory_space<vmem>>[vector<16xi32>], vector<16xf32>,
        %parallel_loop3A_170 = arith.index_cast %parallel_loop3A_47 : i32 to index
        %parallel_loop3A_171 = arith.constant 320 : index
        %parallel_loop3A_172 = tpu.vector_load %arg5[%parallel_loop3A_170, %parallel_loop3A_171] {strides = array<i32>} : memref<16x512xf32, #tpu.memory_space<vmem>>, vector<16xf32>,
        %parallel_loop3A_173 = arith.constant 5120 : i32
        %parallel_loop3A_174 = vector.broadcast %parallel_loop3A_173 : i32 to vector<16xi32>
        %parallel_loop3A_175 = arith.addi %parallel_loop3A_49, %parallel_loop3A_174 : vector<16xi32>
        tpu.vector_store_idx %arg7[%parallel_loop3A_175], %parallel_loop3A_172 : memref<8192xf32, #tpu.memory_space<vmem>>[vector<16xi32>], vector<16xf32>,
        %parallel_loop3A_176 = arith.index_cast %parallel_loop3A_47 : i32 to index
        %parallel_loop3A_177 = arith.constant 336 : index
        %parallel_loop3A_178 = tpu.vector_load %arg5[%parallel_loop3A_176, %parallel_loop3A_177] {strides = array<i32>} : memref<16x512xf32, #tpu.memory_space<vmem>>, vector<16xf32>,
        %parallel_loop3A_179 = arith.constant 5376 : i32
        %parallel_loop3A_180 = vector.broadcast %parallel_loop3A_179 : i32 to vector<16xi32>
        %parallel_loop3A_181 = arith.addi %parallel_loop3A_49, %parallel_loop3A_180 : vector<16xi32>
        tpu.vector_store_idx %arg7[%parallel_loop3A_181], %parallel_loop3A_178 : memref<8192xf32, #tpu.memory_space<vmem>>[vector<16xi32>], vector<16xf32>,
        %parallel_loop3A_182 = arith.index_cast %parallel_loop3A_47 : i32 to index
        %parallel_loop3A_183 = arith.constant 352 : index
        %parallel_loop3A_184 = tpu.vector_load %arg5[%parallel_loop3A_182, %parallel_loop3A_183] {strides = array<i32>} : memref<16x512xf32, #tpu.memory_space<vmem>>, vector<16xf32>,
        %parallel_loop3A_185 = arith.constant 5632 : i32
        %parallel_loop3A_186 = vector.broadcast %parallel_loop3A_185 : i32 to vector<16xi32>
        %parallel_loop3A_187 = arith.addi %parallel_loop3A_49, %parallel_loop3A_186 : vector<16xi32>
        tpu.vector_store_idx %arg7[%parallel_loop3A_187], %parallel_loop3A_184 : memref<8192xf32, #tpu.memory_space<vmem>>[vector<16xi32>], vector<16xf32>,
        %parallel_loop3A_188 = arith.index_cast %parallel_loop3A_47 : i32 to index
        %parallel_loop3A_189 = arith.constant 368 : index
        %parallel_loop3A_190 = tpu.vector_load %arg5[%parallel_loop3A_188, %parallel_loop3A_189] {strides = array<i32>} : memref<16x512xf32, #tpu.memory_space<vmem>>, vector<16xf32>,
        %parallel_loop3A_191 = arith.constant 5888 : i32
        %parallel_loop3A_192 = vector.broadcast %parallel_loop3A_191 : i32 to vector<16xi32>
        %parallel_loop3A_193 = arith.addi %parallel_loop3A_49, %parallel_loop3A_192 : vector<16xi32>
        tpu.vector_store_idx %arg7[%parallel_loop3A_193], %parallel_loop3A_190 : memref<8192xf32, #tpu.memory_space<vmem>>[vector<16xi32>], vector<16xf32>,
        %parallel_loop3A_194 = arith.index_cast %parallel_loop3A_47 : i32 to index
        %parallel_loop3A_195 = arith.constant 384 : index
        %parallel_loop3A_196 = tpu.vector_load %arg5[%parallel_loop3A_194, %parallel_loop3A_195] {strides = array<i32>} : memref<16x512xf32, #tpu.memory_space<vmem>>, vector<16xf32>,
        %parallel_loop3A_197 = arith.constant 6144 : i32
        %parallel_loop3A_198 = vector.broadcast %parallel_loop3A_197 : i32 to vector<16xi32>
        %parallel_loop3A_199 = arith.addi %parallel_loop3A_49, %parallel_loop3A_198 : vector<16xi32>
        tpu.vector_store_idx %arg7[%parallel_loop3A_199], %parallel_loop3A_196 : memref<8192xf32, #tpu.memory_space<vmem>>[vector<16xi32>], vector<16xf32>,
        %parallel_loop3A_200 = arith.index_cast %parallel_loop3A_47 : i32 to index
        %parallel_loop3A_201 = arith.constant 400 : index
        %parallel_loop3A_202 = tpu.vector_load %arg5[%parallel_loop3A_200, %parallel_loop3A_201] {strides = array<i32>} : memref<16x512xf32, #tpu.memory_space<vmem>>, vector<16xf32>,
        %parallel_loop3A_203 = arith.constant 6400 : i32
        %parallel_loop3A_204 = vector.broadcast %parallel_loop3A_203 : i32 to vector<16xi32>
        %parallel_loop3A_205 = arith.addi %parallel_loop3A_49, %parallel_loop3A_204 : vector<16xi32>
        tpu.vector_store_idx %arg7[%parallel_loop3A_205], %parallel_loop3A_202 : memref<8192xf32, #tpu.memory_space<vmem>>[vector<16xi32>], vector<16xf32>,
        %parallel_loop3A_206 = arith.index_cast %parallel_loop3A_47 : i32 to index
        %parallel_loop3A_207 = arith.constant 416 : index
        %parallel_loop3A_208 = tpu.vector_load %arg5[%parallel_loop3A_206, %parallel_loop3A_207] {strides = array<i32>} : memref<16x512xf32, #tpu.memory_space<vmem>>, vector<16xf32>,
        %parallel_loop3A_209 = arith.constant 6656 : i32
        %parallel_loop3A_210 = vector.broadcast %parallel_loop3A_209 : i32 to vector<16xi32>
        %parallel_loop3A_211 = arith.addi %parallel_loop3A_49, %parallel_loop3A_210 : vector<16xi32>
        tpu.vector_store_idx %arg7[%parallel_loop3A_211], %parallel_loop3A_208 : memref<8192xf32, #tpu.memory_space<vmem>>[vector<16xi32>], vector<16xf32>,
        %parallel_loop3A_212 = arith.index_cast %parallel_loop3A_47 : i32 to index
        %parallel_loop3A_213 = arith.constant 432 : index
        %parallel_loop3A_214 = tpu.vector_load %arg5[%parallel_loop3A_212, %parallel_loop3A_213] {strides = array<i32>} : memref<16x512xf32, #tpu.memory_space<vmem>>, vector<16xf32>,
        %parallel_loop3A_215 = arith.constant 6912 : i32
        %parallel_loop3A_216 = vector.broadcast %parallel_loop3A_215 : i32 to vector<16xi32>
        %parallel_loop3A_217 = arith.addi %parallel_loop3A_49, %parallel_loop3A_216 : vector<16xi32>
        tpu.vector_store_idx %arg7[%parallel_loop3A_217], %parallel_loop3A_214 : memref<8192xf32, #tpu.memory_space<vmem>>[vector<16xi32>], vector<16xf32>,
        %parallel_loop3A_218 = arith.index_cast %parallel_loop3A_47 : i32 to index
        %parallel_loop3A_219 = arith.constant 448 : index
        %parallel_loop3A_220 = tpu.vector_load %arg5[%parallel_loop3A_218, %parallel_loop3A_219] {strides = array<i32>} : memref<16x512xf32, #tpu.memory_space<vmem>>, vector<16xf32>,
        %parallel_loop3A_221 = arith.constant 7168 : i32
        %parallel_loop3A_222 = vector.broadcast %parallel_loop3A_221 : i32 to vector<16xi32>
        %parallel_loop3A_223 = arith.addi %parallel_loop3A_49, %parallel_loop3A_222 : vector<16xi32>
        tpu.vector_store_idx %arg7[%parallel_loop3A_223], %parallel_loop3A_220 : memref<8192xf32, #tpu.memory_space<vmem>>[vector<16xi32>], vector<16xf32>,
        %parallel_loop3A_224 = arith.index_cast %parallel_loop3A_47 : i32 to index
        %parallel_loop3A_225 = arith.constant 464 : index
        %parallel_loop3A_226 = tpu.vector_load %arg5[%parallel_loop3A_224, %parallel_loop3A_225] {strides = array<i32>} : memref<16x512xf32, #tpu.memory_space<vmem>>, vector<16xf32>,
        %parallel_loop3A_227 = arith.constant 7424 : i32
        %parallel_loop3A_228 = vector.broadcast %parallel_loop3A_227 : i32 to vector<16xi32>
        %parallel_loop3A_229 = arith.addi %parallel_loop3A_49, %parallel_loop3A_228 : vector<16xi32>
        tpu.vector_store_idx %arg7[%parallel_loop3A_229], %parallel_loop3A_226 : memref<8192xf32, #tpu.memory_space<vmem>>[vector<16xi32>], vector<16xf32>,
        %parallel_loop3A_230 = arith.index_cast %parallel_loop3A_47 : i32 to index
        %parallel_loop3A_231 = arith.constant 480 : index
        %parallel_loop3A_232 = tpu.vector_load %arg5[%parallel_loop3A_230, %parallel_loop3A_231] {strides = array<i32>} : memref<16x512xf32, #tpu.memory_space<vmem>>, vector<16xf32>,
        %parallel_loop3A_233 = arith.constant 7680 : i32
        %parallel_loop3A_234 = vector.broadcast %parallel_loop3A_233 : i32 to vector<16xi32>
        %parallel_loop3A_235 = arith.addi %parallel_loop3A_49, %parallel_loop3A_234 : vector<16xi32>
        tpu.vector_store_idx %arg7[%parallel_loop3A_235], %parallel_loop3A_232 : memref<8192xf32, #tpu.memory_space<vmem>>[vector<16xi32>], vector<16xf32>,
        %parallel_loop3A_236 = arith.index_cast %parallel_loop3A_47 : i32 to index
        %parallel_loop3A_237 = arith.constant 496 : index
        %parallel_loop3A_238 = tpu.vector_load %arg5[%parallel_loop3A_236, %parallel_loop3A_237] {strides = array<i32>} : memref<16x512xf32, #tpu.memory_space<vmem>>, vector<16xf32>,
        %parallel_loop3A_239 = arith.constant 7936 : i32
        %parallel_loop3A_240 = vector.broadcast %parallel_loop3A_239 : i32 to vector<16xi32>
        %parallel_loop3A_241 = arith.addi %parallel_loop3A_49, %parallel_loop3A_240 : vector<16xi32>
        tpu.vector_store_idx %arg7[%parallel_loop3A_241], %parallel_loop3A_238 : memref<8192xf32, #tpu.memory_space<vmem>>[vector<16xi32>], vector<16xf32>,
      } {sc.loop_unroll_factor = 4 : i64, sc.parallel_access}
      "tpu.region"() ({
        %run_scoped3A = tpu.sem_alloc : memref<!tpu.dma_semaphore, #tpu.memory_space<semaphore_mem>>
        %dma_start3A_47 = arith.constant 15990784 : i32
        %dma_start3A_48 = tpu.memref_slice %arg4[%dma_start3A_47] : memref<16001024xf32, #tpu.memory_space<hbm>> -> memref<8192xf32, #tpu.memory_space<hbm>>
        %dma_start3A_49 = arith.constant 15990784 : i32
        %dma_start3A_50 = tpu.memref_slice %arg4[%dma_start3A_49] : memref<16001024xf32, #tpu.memory_space<hbm>> -> memref<8192xf32, #tpu.memory_space<hbm>>
        tpu.enqueue_dma source(%arg7 : memref<8192xf32, #tpu.memory_space<vmem>>) target(%dma_start3A_50 : memref<8192xf32, #tpu.memory_space<hbm>>) target_semaphore(%run_scoped3A : memref<!tpu.dma_semaphore, #tpu.memory_space<semaphore_mem>>)
        %dma_wait3A_51 = arith.constant 15990784 : i32
        %dma_wait3A_52 = tpu.memref_slice %arg4[%dma_wait3A_51] : memref<16001024xf32, #tpu.memory_space<hbm>> -> memref<8192xf32, #tpu.memory_space<hbm>>
        %dma_wait3A_53 = arith.constant 15990784 : i32
        %dma_wait3A_54 = tpu.memref_slice %arg4[%dma_wait3A_53] : memref<16001024xf32, #tpu.memory_space<hbm>> -> memref<8192xf32, #tpu.memory_space<hbm>>
        tpu.wait_dma2 semaphore(%run_scoped3A : memref<!tpu.dma_semaphore, #tpu.memory_space<semaphore_mem>>) src(%arg7 : memref<8192xf32, #tpu.memory_space<vmem>>) dst(%dma_wait3A_54 : memref<8192xf32, #tpu.memory_space<hbm>>)
        tpu.yield
      }) : () -> ()
    } else {
    }
    %eq3A = arith.constant 4 : i32
    %eq3A_40 = arith.cmpi eq, %add3A, %eq3A : i32
    %convert_element_type3A_41 = arith.extui %eq3A_40 : i1 to i32
    %cond3A_42 = arith.constant 0 : i32
    %cond3A_43 = arith.cmpi ne, %convert_element_type3A_41, %cond3A_42 : i32
    scf.if %cond3A_43 {
      "tpu.region"() ({
        %run_scoped3A = tpu.sem_alloc : memref<!tpu.dma_semaphore, #tpu.memory_space<semaphore_mem>>
        %dma_start3A_44 = arith.constant 0 : i32
        %dma_start3A_45 = tpu.memref_slice %arg7[%dma_start3A_44] : memref<8192xf32, #tpu.memory_space<vmem>> -> memref<1024xf32, #tpu.memory_space<vmem>>
        %dma_start3A_46 = arith.constant 0 : i32
        %dma_start3A_47 = tpu.memref_slice %arg7[%dma_start3A_46] : memref<8192xf32, #tpu.memory_space<vmem>> -> memref<1024xf32, #tpu.memory_space<vmem>>
        tpu.enqueue_dma source(%arg3 : memref<1024xf32, #tpu.memory_space<hbm>>) target(%dma_start3A_47 : memref<1024xf32, #tpu.memory_space<vmem>>) target_semaphore(%run_scoped3A : memref<!tpu.dma_semaphore, #tpu.memory_space<semaphore_mem>>)
        %dma_wait3A_48 = arith.constant 0 : i32
        %dma_wait3A_49 = tpu.memref_slice %arg7[%dma_wait3A_48] : memref<8192xf32, #tpu.memory_space<vmem>> -> memref<1024xf32, #tpu.memory_space<vmem>>
        %dma_wait3A_50 = arith.constant 0 : i32
        %dma_wait3A_51 = tpu.memref_slice %arg7[%dma_wait3A_50] : memref<8192xf32, #tpu.memory_space<vmem>> -> memref<1024xf32, #tpu.memory_space<vmem>>
        tpu.wait_dma2 semaphore(%run_scoped3A : memref<!tpu.dma_semaphore, #tpu.memory_space<semaphore_mem>>) src(%arg3 : memref<1024xf32, #tpu.memory_space<hbm>>) dst(%dma_wait3A_51 : memref<1024xf32, #tpu.memory_space<vmem>>)
        tpu.yield
      }) : () -> ()
      "tpu.region"() ({
        %run_scoped3A = tpu.sem_alloc : memref<!tpu.dma_semaphore, #tpu.memory_space<semaphore_mem>>
        %dma_start3A_44 = arith.constant 0 : i32
        %dma_start3A_45 = tpu.memref_slice %arg7[%dma_start3A_44] : memref<8192xf32, #tpu.memory_space<vmem>> -> memref<1024xf32, #tpu.memory_space<vmem>>
        %dma_start3A_46 = arith.constant 15998976 : i32
        %dma_start3A_47 = tpu.memref_slice %arg4[%dma_start3A_46] : memref<16001024xf32, #tpu.memory_space<hbm>> -> memref<1024xf32, #tpu.memory_space<hbm>>
        %dma_start3A_48 = arith.constant 15998976 : i32
        %dma_start3A_49 = tpu.memref_slice %arg4[%dma_start3A_48] : memref<16001024xf32, #tpu.memory_space<hbm>> -> memref<1024xf32, #tpu.memory_space<hbm>>
        %dma_start3A_50 = arith.constant 0 : i32
        %dma_start3A_51 = tpu.memref_slice %arg7[%dma_start3A_50] : memref<8192xf32, #tpu.memory_space<vmem>> -> memref<1024xf32, #tpu.memory_space<vmem>>
        tpu.enqueue_dma source(%dma_start3A_51 : memref<1024xf32, #tpu.memory_space<vmem>>) target(%dma_start3A_49 : memref<1024xf32, #tpu.memory_space<hbm>>) target_semaphore(%run_scoped3A : memref<!tpu.dma_semaphore, #tpu.memory_space<semaphore_mem>>)
        %dma_wait3A_52 = arith.constant 0 : i32
        %dma_wait3A_53 = tpu.memref_slice %arg7[%dma_wait3A_52] : memref<8192xf32, #tpu.memory_space<vmem>> -> memref<1024xf32, #tpu.memory_space<vmem>>
        %dma_wait3A_54 = arith.constant 15998976 : i32
        %dma_wait3A_55 = tpu.memref_slice %arg4[%dma_wait3A_54] : memref<16001024xf32, #tpu.memory_space<hbm>> -> memref<1024xf32, #tpu.memory_space<hbm>>
        %dma_wait3A_56 = arith.constant 15998976 : i32
        %dma_wait3A_57 = tpu.memref_slice %arg4[%dma_wait3A_56] : memref<16001024xf32, #tpu.memory_space<hbm>> -> memref<1024xf32, #tpu.memory_space<hbm>>
        %dma_wait3A_58 = arith.constant 0 : i32
        %dma_wait3A_59 = tpu.memref_slice %arg7[%dma_wait3A_58] : memref<8192xf32, #tpu.memory_space<vmem>> -> memref<1024xf32, #tpu.memory_space<vmem>>
        tpu.wait_dma2 semaphore(%run_scoped3A : memref<!tpu.dma_semaphore, #tpu.memory_space<semaphore_mem>>) src(%dma_wait3A_59 : memref<1024xf32, #tpu.memory_space<vmem>>) dst(%dma_wait3A_57 : memref<1024xf32, #tpu.memory_space<hbm>>)
        tpu.yield
      }) : () -> ()
    } else {
    }
    return
  }
}

module attributes {stable_mosaic.version = 14 : i64} {
  func.func @_tc_body(%arg0: i32, %arg1: memref<1024x416xf32, #tpu.memory_space<vmem>>, %arg2: memref<1024x26xf32, #tpu.memory_space<vmem>>, %arg3: memref<416x16xf32, #tpu.memory_space<vmem>>, %arg4: memref<416x256xf32, #tpu.memory_space<vmem>>, %arg5: memref<256xf32, #tpu.memory_space<vmem>>, %arg6: memref<256x128xf32, #tpu.memory_space<vmem>>, %arg7: memref<128xf32, #tpu.memory_space<vmem>>, %arg8: memref<128x1xf32, #tpu.memory_space<vmem>>, %arg9: memref<1xf32, #tpu.memory_space<smem>>, %arg10: memref<1024xf32, #tpu.memory_space<vmem>>) attributes {dimension_semantics = [#tpu.dimension_semantics<arbitrary>], iteration_bounds = array<i64: 4>, scalar_prefetch = 0 : i64, scratch_operands = 0 : i64, tpu.core_type = #tpu.core_type<tc>, window_params = [{transform_indices = @transform_0, window_bounds = array<i64: 1024, 416>}, {transform_indices = @transform_1, window_bounds = array<i64: 1024, 26>}, {pipeline_mode = #tpu.pipeline_mode<synchronous>, transform_indices = @transform_2, window_bounds = array<i64: 416, 16>}, {pipeline_mode = #tpu.pipeline_mode<synchronous>, transform_indices = @transform_3, window_bounds = array<i64: 416, 256>}, {pipeline_mode = #tpu.pipeline_mode<synchronous>, transform_indices = @transform_4, window_bounds = array<i64: 256>}, {pipeline_mode = #tpu.pipeline_mode<synchronous>, transform_indices = @transform_5, window_bounds = array<i64: 256, 128>}, {pipeline_mode = #tpu.pipeline_mode<synchronous>, transform_indices = @transform_6, window_bounds = array<i64: 128>}, {pipeline_mode = #tpu.pipeline_mode<synchronous>, transform_indices = @transform_7, window_bounds = array<i64: 128, 1>}, {transform_indices = @transform_8, window_bounds = array<i64: 1>}, {transform_indices = @transform_9, window_bounds = array<i64: 1024>}]} {
    %get3A = arith.constant 0 : index
    %get3A_0 = arith.constant 0 : index
    %get3A_1 = vector.load %arg1[%get3A, %get3A_0] : memref<1024x416xf32, #tpu.memory_space<vmem>>, vector<1024x416xf32>
    %get3A_2 = arith.constant 0 : index
    %get3A_3 = arith.constant 0 : index
    %get3A_4 = vector.load %arg3[%get3A_2, %get3A_3] : memref<416x16xf32, #tpu.memory_space<vmem>>, vector<416x16xf32>
    %dot_general3A = arith.constant dense<0.000000e+00> : vector<1024x16xf32>
    %dot_general3A_5 = tpu.matmul %get3A_1, %get3A_4, %dot_general3A {dimension_numbers = #tpu.dot_dimension_numbers<[1], [0], [0], [1], [0, 0, 1, 1], [], []>, transpose_lhs_hint = false} : vector<1024x416xf32>, vector<416x16xf32>, vector<1024x16xf32> -> vector<1024x16xf32>
    %mul3A = arith.mulf %get3A_1, %get3A_1 : vector<1024x416xf32>
    %dot_general3A_6 = arith.constant dense<0.000000e+00> : vector<1024x16xf32>
    %dot_general3A_7 = tpu.matmul %mul3A, %get3A_4, %dot_general3A_6 {dimension_numbers = #tpu.dot_dimension_numbers<[1], [0], [0], [1], [0, 0, 1, 1], [], []>, transpose_lhs_hint = false} : vector<1024x416xf32>, vector<416x16xf32>, vector<1024x16xf32> -> vector<1024x16xf32>
    %get3A_8 = arith.constant 0 : index
    %get3A_9 = arith.constant 0 : index
    %get3A_10 = vector.load %arg2[%get3A_8, %get3A_9] : memref<1024x26xf32, #tpu.memory_space<vmem>>, vector<1024x26xf32>
    %reduce_sum3A = arith.constant dense<0.000000e+00> : vector<1024xf32>
    %reduce_sum3A_11 = vector.multi_reduction <add>, %get3A_10, %reduce_sum3A [1] : vector<1024x26xf32> to vector<1024xf32>
    %mul3A_12 = arith.mulf %dot_general3A_5, %dot_general3A_5 : vector<1024x16xf32>
    %sub3A = arith.subf %mul3A_12, %dot_general3A_7 : vector<1024x16xf32>
    %reduce_sum3A_13 = arith.constant dense<0.000000e+00> : vector<1024xf32>
    %reduce_sum3A_14 = vector.multi_reduction <add>, %sub3A, %reduce_sum3A_13 [1] : vector<1024x16xf32> to vector<1024xf32>
    %mul3A_15 = arith.constant 5.000000e-01 : f32
    %mul3A_16 = vector.broadcast %mul3A_15 : f32 to vector<1024xf32>
    %mul3A_17 = arith.mulf %mul3A_16, %reduce_sum3A_14 : vector<1024xf32>
    %add3A = arith.addf %reduce_sum3A_11, %mul3A_17 : vector<1024xf32>
    %get3A_18 = arith.constant 0 : index
    %get3A_19 = arith.constant 0 : index
    %get3A_20 = vector.load %arg4[%get3A_18, %get3A_19] : memref<416x256xf32, #tpu.memory_space<vmem>>, vector<416x256xf32>
    %dot_general3A_21 = arith.constant dense<0.000000e+00> : vector<1024x256xf32>
    %dot_general3A_22 = tpu.matmul %get3A_1, %get3A_20, %dot_general3A_21 {dimension_numbers = #tpu.dot_dimension_numbers<[1], [0], [0], [1], [0, 0, 1, 1], [], []>, transpose_lhs_hint = false} : vector<1024x416xf32>, vector<416x256xf32>, vector<1024x256xf32> -> vector<1024x256xf32>
    %get3A_23 = arith.constant 0 : index
    %get3A_24 = vector.load %arg5[%get3A_23] : memref<256xf32, #tpu.memory_space<vmem>>, vector<256xf32>
    %broadcast_in_dim3A = vector.shape_cast %get3A_24 : vector<256xf32> to vector<1x256xf32>
    %add3A_25 = vector.broadcast %broadcast_in_dim3A : vector<1x256xf32> to vector<1024x256xf32>
    %add3A_26 = arith.addf %dot_general3A_22, %add3A_25 : vector<1024x256xf32>
    %max3A = arith.constant 0.000000e+00 : f32
    %max3A_27 = vector.broadcast %max3A : f32 to vector<1024x256xf32>
    %max3A_28 = arith.maximumf %add3A_26, %max3A_27 : vector<1024x256xf32>
    %get3A_29 = arith.constant 0 : index
    %get3A_30 = arith.constant 0 : index
    %get3A_31 = vector.load %arg6[%get3A_29, %get3A_30] : memref<256x128xf32, #tpu.memory_space<vmem>>, vector<256x128xf32>
    %dot_general3A_32 = arith.constant dense<0.000000e+00> : vector<1024x128xf32>
    %dot_general3A_33 = tpu.matmul %max3A_28, %get3A_31, %dot_general3A_32 {dimension_numbers = #tpu.dot_dimension_numbers<[1], [0], [0], [1], [0, 0, 1, 1], [], []>, transpose_lhs_hint = false} : vector<1024x256xf32>, vector<256x128xf32>, vector<1024x128xf32> -> vector<1024x128xf32>
    %get3A_34 = arith.constant 0 : index
    %get3A_35 = vector.load %arg7[%get3A_34] : memref<128xf32, #tpu.memory_space<vmem>>, vector<128xf32>
    %broadcast_in_dim3A_36 = vector.shape_cast %get3A_35 : vector<128xf32> to vector<1x128xf32>
    %add3A_37 = vector.broadcast %broadcast_in_dim3A_36 : vector<1x128xf32> to vector<1024x128xf32>
    %add3A_38 = arith.addf %dot_general3A_33, %add3A_37 : vector<1024x128xf32>
    %max3A_39 = arith.constant 0.000000e+00 : f32
    %max3A_40 = vector.broadcast %max3A_39 : f32 to vector<1024x128xf32>
    %max3A_41 = arith.maximumf %add3A_38, %max3A_40 : vector<1024x128xf32>
    %get3A_42 = arith.constant 0 : index
    %get3A_43 = arith.constant 0 : index
    %get3A_44 = vector.load %arg8[%get3A_42, %get3A_43] : memref<128x1xf32, #tpu.memory_space<vmem>>, vector<128x1xf32>
    %dot_general3A_45 = arith.constant dense<0.000000e+00> : vector<1024x1xf32>
    %dot_general3A_46 = tpu.matmul %max3A_41, %get3A_44, %dot_general3A_45 {dimension_numbers = #tpu.dot_dimension_numbers<[1], [0], [0], [1], [0, 0, 1, 1], [], []>, transpose_lhs_hint = false} : vector<1024x128xf32>, vector<128x1xf32>, vector<1024x1xf32> -> vector<1024x1xf32>
    %squeeze3A = vector.shape_cast %dot_general3A_46 : vector<1024x1xf32> to vector<1024xf32>
    %add3A_47 = arith.addf %add3A, %squeeze3A : vector<1024xf32>
    %get3A_48 = arith.constant 0 : index
    %get3A_49 = memref.load %arg9[%get3A_48] : memref<1xf32, #tpu.memory_space<smem>>
    %add3A_50 = vector.broadcast %get3A_49 : f32 to vector<1024xf32>
    %add3A_51 = arith.addf %add3A_47, %add3A_50 : vector<1024xf32>
    %neg3A = arith.constant 0.000000e+00 : f32
    %neg3A_52 = vector.broadcast %neg3A : f32 to vector<1024xf32>
    %neg3A_53 = arith.subf %neg3A_52, %add3A_51 : vector<1024xf32>
    %exp3A = math.exp %neg3A_53 : vector<1024xf32>
    %add3A_54 = arith.constant 1.000000e+00 : f32
    %add3A_55 = vector.broadcast %add3A_54 : f32 to vector<1024xf32>
    %add3A_56 = arith.addf %add3A_55, %exp3A : vector<1024xf32>
    %div3A = arith.constant 1.000000e+00 : f32
    %div3A_57 = vector.broadcast %div3A : f32 to vector<1024xf32>
    %div3A_58 = arith.divf %div3A_57, %add3A_56 : vector<1024xf32>
    %swap3A = arith.constant 0 : index
    %swap3A_59 = vector.load %arg10[%swap3A] : memref<1024xf32, #tpu.memory_space<vmem>>, vector<1024xf32>
    tpu.vector_store %arg10[%swap3A], %div3A_58 {strides = array<i32>} : memref<1024xf32, #tpu.memory_space<vmem>>, vector<1024xf32>,
    return
  }
  func.func @transform_0(%arg0: i32) -> (i32, i32) {
    %c0_i32 = arith.constant 0 : i32
    %c0_i32_0 = arith.constant 0 : i32
    return %arg0, %c0_i32 : i32, i32
  }
  func.func @transform_1(%arg0: i32) -> (i32, i32) {
    %c0_i32 = arith.constant 0 : i32
    %c0_i32_0 = arith.constant 0 : i32
    return %arg0, %c0_i32 : i32, i32
  }
  func.func @transform_2(%arg0: i32) -> (i32, i32) {
    %c0_i32 = arith.constant 0 : i32
    %c0_i32_0 = arith.constant 0 : i32
    %c0_i32_1 = arith.constant 0 : i32
    return %c0_i32, %c0_i32_0 : i32, i32
  }
  func.func @transform_3(%arg0: i32) -> (i32, i32) {
    %c0_i32 = arith.constant 0 : i32
    %c0_i32_0 = arith.constant 0 : i32
    %c0_i32_1 = arith.constant 0 : i32
    return %c0_i32, %c0_i32_0 : i32, i32
  }
  func.func @transform_4(%arg0: i32) -> i32 {
    %c0_i32 = arith.constant 0 : i32
    %c0_i32_0 = arith.constant 0 : i32
    return %c0_i32 : i32
  }
  func.func @transform_5(%arg0: i32) -> (i32, i32) {
    %c0_i32 = arith.constant 0 : i32
    %c0_i32_0 = arith.constant 0 : i32
    %c0_i32_1 = arith.constant 0 : i32
    return %c0_i32, %c0_i32_0 : i32, i32
  }
  func.func @transform_6(%arg0: i32) -> i32 {
    %c0_i32 = arith.constant 0 : i32
    %c0_i32_0 = arith.constant 0 : i32
    return %c0_i32 : i32
  }
  func.func @transform_7(%arg0: i32) -> (i32, i32) {
    %c0_i32 = arith.constant 0 : i32
    %c0_i32_0 = arith.constant 0 : i32
    %c0_i32_1 = arith.constant 0 : i32
    return %c0_i32, %c0_i32_0 : i32, i32
  }
  func.func @transform_8(%arg0: i32) -> i32 {
    %c0_i32 = arith.constant 0 : i32
    %c0_i32_0 = arith.constant 0 : i32
    return %c0_i32 : i32
  }
  func.func @transform_9(%arg0: i32) -> i32 {
    %c0_i32 = arith.constant 0 : i32
    return %arg0 : i32
  }
}

</mosaic_0001>

<sc_bundles>
// kernel: kernel.5.cloned.1.call-start
scs
__scs_entry_jumppad:
0x0: {  	(pc) =	sbr.rel $0x88, $3  }
0x1: {  	(tag) =	ssettag $0x0;
	lr =	simm.s32 $0x1  }
0x2: {  	[smem:$0x3F97] =	sst lr;
	_ =	strace $0xD0000000  }
0x3: {  	_ = 	snop  }
0x4: {  	_ = 	snop  }
0x5: {  	_ = 	snop  }
0x6: {  	_ = 	snop  }
0x7: {  	_ = 	snop  }
__scs_overlays_trampoline_lowered:
0x8: {  	[smem:$0x3FA6] =	sst s0  }
0x9: {  	[smem:$0x3FA7] =	sst s1  }
0xa: {  	[smem:$0x3FA8] =	sst s2  }
0xb: {  	[smem:$0x3FA9] =	sst s3  }
0xc: {  	[smem:$0x3FAA] =	sst s4  }
0xd: {  	[smem:$0x3FAB] =	sst s5  }
0xe: {  	[smem:$0x3FAC] =	sst s6  }
0xf: {  	[smem:$0x3FAD] =	sst s7  }
0x10: {  	[smem:$0x3FAE] =	sst s8  }
0x11: {  	[smem:$0x3FAF] =	sst s9;
	s0 =	simm.s32 @!p0 $0x0  }
0x12: {  	s1 =	sld [smem:$0x3F95];
	s0 =	simm.s32 @p0 $0x1  }
0x13: {  	[smem:$0x3FB0] =	sst s0;
	s0 =	simm.s32 @!p1 $0x0  }
0x14: {  	s2 =	sld [smem:$0x3F94];
	s0 =	simm.s32 @p1 $0x1  }
0x15: {  	[smem:$0x3FB1] =	sst s0;
	s0 =	simm.s32 @!p2 $0x0  }
0x16: {  	s3 =	sld [smem:$0x3FDB];
	s0 =	simm.s32 @p2 $0x1  }
0x17: {  	s4 =	simm.s32 $0x1BF5;
	[smem:$0x3FB3] =	sst s0  }
0x18: {  	s0 =	sld [smem:$0x3F96];
	_ =	swait.ge [sflag:s4], $0x0  }
0x19: {  	s7 =	sld [smem:$0x3F97]  }
0x1a: {  	s8 =	sadd.s32 $0xFFFFE003, lr  }
0x1b: {  	s9 =	sadd.s32 $0xFFFFFEF7, lr;
	s5 =	simm.s32 $0xFFFFFFFF;
	p2 =	slt.u32 s8, $0xFFFFF086  }
0x1c: {  	p1 =	slt.u32 s9, $0xF7A;
	s5 =	simm.s32 @!p2 $0x0  }
0x1d: {  	s5 =	simm.s32 @p1 $0x1;
	p0 =	seq.s32 s7, s2  }
0x1e: {  	s7 =	smul.u32 @!p0 $0xF7A, s2;
	p2 =	seq.s32 @!p0 s5, $0x0  }
0x1f: {  	s9 =	smul.u32 $0xF7A, s1;
	s8 =	simm.s32 @!p0 $0x1BF5;
	p2 =	por !p2, p0  }
0x20: {  	[sflag:s8] =	ssyncset.s32 @!p0 $0xFFFFF086;
	s6 =	sadd.s32 @!p0 s3, s7;
	s7 =	simm.s32 @!p0 $0x108  }
0x21: {  	s3 =	sadd.s32 s3, s9;
	s6 =	sadd.s32 @!p0 $0x88, s6;
	s7 =	simm.s32 @p2 $0x1082  }
0x22: {  	[simem:s7], [sflag:s8] =	dma.local @!p0 [hbm:s6], $0xF7A  }
0x23: {  	s9 =	sor.u32 $0xD0000000, s2;
	s6 =	simm.s32 $0x108;
	_ =	swait.ge @!p0 [sflag:s8], $0x0  }
0x24: {  	s3 =	sadd.s32 $0x88, s3;
	s6 =	simm.s32 @!p1 $0x1082;
	[sflag:s4] =	ssyncset.s32 $0xFFFFF086  }
0x25: {  	[simem:s6], [sflag:s4] =	dma.local [hbm:s3], $0xF7A  }
0x26: {  	[smem:$0x3F97] =	sst s1;
	(tag) =	ssettag s2;
	_ =	strace s9  }
0x27: {  	s1 =	sld [smem:$0x3FA7]  }
0x28: {  	s2 =	sld [smem:$0x3FA8]  }
0x29: {  	s4 =	sld [smem:$0x3FAA]  }
0x2a: {  	p0 =	seq.s32 s5, $0x0;
	s5 =	sld [smem:$0x3FAB]  }
0x2b: {  	s6 =	sld [smem:$0x3FAC]  }
0x2c: {  	s7 =	sld [smem:$0x3FAD]  }
0x2d: {  	s3 =	simm.s32 $0x108;
	s8 =	sld [smem:$0x3FAE]  }
0x2e: {  	s3 =	simm.s32 @!p0 $0x1082;
	s9 =	sld [smem:$0x3FAF]  }
0x2f: {  	lr =	sadd.s32 s0, s3;
	s0 =	sld [smem:$0x3FA6]  }
0x30: {  	s3 =	sld [smem:$0x3FA9]  }
0x31: {  	[smem:$0x3FB2] =	sst s10  }
0x32: {  	s10 =	sld [smem:$0x3FB0];
	_ =	sdelay $0x3  }
0x33: {  	p0 =	seq.s32 s10, $0x1;
	s10 =	sld [smem:$0x3FB2];
	_ =	sdelay $0x3  }
0x34: {  	[smem:$0x3FB2] =	sst s10  }
0x35: {  	s10 =	sld [smem:$0x3FB1];
	_ =	sdelay $0x3  }
0x36: {  	p1 =	seq.s32 s10, $0x1;
	s10 =	sld [smem:$0x3FB2];
	_ =	sdelay $0x3  }
0x37: {  	[smem:$0x3FB2] =	sst s10  }
0x38: {  	s10 =	sld [smem:$0x3FB3]  }
0x39: {  	_ = 	snop;
	(pc) =	sbr.ind lr, $3  }
0x3a: {  	_ = 	snop  }
0x3b: {  	_ = 	snop  }
0x3c: {  	p2 =	seq.s32 s10, $0x1;
	s10 =	sld [smem:$0x3FB2]  }
0x3d: {  	_ =	shalt  }
0x3e: {  	_ =	shalt  }
0x3f: {  	_ =	shalt  }
0x40: {  	_ =	shalt  }
0x41: {  	_ =	shalt  }
0x42: {  	_ =	shalt  }
0x43: {  	_ =	shalt  }
0x44: {  	_ =	shalt  }
0x45: {  	_ =	shalt  }
0x46: {  	_ =	shalt  }
0x47: {  	_ =	shalt  }
0x48: {  	_ =	shalt  }
0x49: {  	_ =	shalt  }
0x4a: {  	_ =	shalt  }
0x4b: {  	_ =	shalt  }
0x4c: {  	_ =	shalt  }
0x4d: {  	_ =	shalt  }
0x4e: {  	_ =	shalt  }
0x4f: {  	_ =	shalt  }
0x50: {  	_ =	shalt  }
0x51: {  	_ =	shalt  }
0x52: {  	_ =	shalt  }
0x53: {  	_ =	shalt  }
0x54: {  	_ =	shalt  }
0x55: {  	_ =	shalt  }
0x56: {  	_ =	shalt  }
0x57: {  	_ =	shalt  }
0x58: {  	_ =	shalt  }
0x59: {  	_ =	shalt  }
0x5a: {  	_ =	shalt  }
0x5b: {  	_ =	shalt  }
0x5c: {  	_ =	shalt  }
0x5d: {  	_ =	shalt  }
0x5e: {  	_ =	shalt  }
0x5f: {  	_ =	shalt  }
0x60: {  	_ =	shalt  }
0x61: {  	_ =	shalt  }
0x62: {  	_ =	shalt  }
0x63: {  	_ =	shalt  }
0x64: {  	_ =	shalt  }
0x65: {  	_ =	shalt  }
0x66: {  	_ =	shalt  }
0x67: {  	_ =	shalt  }
0x68: {  	_ =	shalt  }
0x69: {  	_ =	shalt  }
0x6a: {  	_ =	shalt  }
0x6b: {  	_ =	shalt  }
0x6c: {  	_ =	shalt  }
0x6d: {  	_ =	shalt  }
0x6e: {  	_ =	shalt  }
0x6f: {  	_ =	shalt  }
0x70: {  	_ =	shalt  }
0x71: {  	_ =	shalt  }
0x72: {  	_ =	shalt  }
0x73: {  	_ =	shalt  }
0x74: {  	_ =	shalt  }
0x75: {  	_ =	shalt  }
0x76: {  	_ =	shalt  }
0x77: {  	_ =	shalt  }
0x78: {  	_ =	shalt  }
0x79: {  	_ =	shalt  }
0x7a: {  	_ =	shalt  }
0x7b: {  	_ =	shalt  }
0x7c: {  	_ =	shalt  }
0x7d: {  	_ =	shalt  }
0x7e: {  	_ =	shalt  }
0x7f: {  	_ =	shalt  }
0x80: {  	_ =	shalt  }
0x81: {  	_ =	shalt  }
0x82: {  	_ =	shalt  }
0x83: {  	_ =	shalt  }
0x84: {  	_ =	shalt  }
0x85: {  	_ =	shalt  }
0x86: {  	_ =	shalt  }
0x87: {  	_ =	shalt  }
.Lfunc_end0:
.L_simem_size_0:
called_computation_lowered:
.L_overlay_start_0:
0x88: {  	s2 =	sld [smem:$0x3FD9]  }
0x89: {  	s3 =	sld [smem:$0x3FFE];
	_ =	sdelay $0x1  }
0x8a: {  	s1 =	srdreg.scid  }
0x8b: {  	s0 =	sand.u32 $0x1, s1  }
0x8c: {  	s17 =	sshll.u32 s0, $0xA;
	s2 =	sadd.s32 s3, s2  }
0x8d: {  	s2 =	sadd.s32 s2, s17  }
0x8e: {  	[smem:$0x3FBE] =	sst s2  }
0x8f: {  	_ = 	snop  }
0x90: {  	s2 =	sld [smem:$0x3FC8]  }
0x91: {  	s18 =	sld [smem:$0x3FD0];
	(tm) =	ssettm $0x1  }
0x92: {  	s4 =	sld [smem:$0x3FFB];
	_ =	sdelay $0x3  }
0x93: {  	_ =	strace s4  }
0x94: {  	s4 =	sld [smem:$0x3FFC];
	_ =	sdelay $0x3  }
0x95: {  	_ =	strace s4  }
0x96: {  	s4 =	sld [smem:$0x3FFD];
	_ =	sdelay $0x3  }
0x97: {  	_ =	strace s4  }
0x98: {  	_ =	strace $0x8FFFFFFF  }
0x99: {  	s19 =	sld [smem:$0x3FDB];
	_ =	sdelay $0x1  }
0x9a: {  	s5 =	simm.s32 $_scs_section_size  }
0x9b: {  	s6 =	simm.s32 $_size__tile_overlayer_lowered;
	s7 =	simm.s32 $_tile_overlayer_lowered  }
0x9c: {  	s22 =	simm.s32 $0x1BFF;
	s21 =	sshll.u32 s7, $0x1;
	s4 =	sadd.s32 s5, s19  }
0x9d: {  	s8 =	simm.s32 $0x0;
	s20 =	sshll.u32 s6, $0x1;
	s6 =	sadd.s32 s21, s4  }
0x9e: {  	[timem:s8], [sflag:s22] =	dma.local [hbm:s6], s20  }
0x9f: {  	_ =	swait.ge [sflag:s22], s20  }
0xa0: {  	s5 =	ssub.s32 $0x0, s20;
	[sflag:s22] =	ssyncset.done $0x0  }
0xa1: {  	[sflag:s22] =	ssyncadd.s32 s5;
	_ =	sdelay $0x1  }
0xa2: {  	s23 =	simm.s32 $0x1B8B  }
0xa3: {  	_ =	swait.ge [sflag:s23], $0x1  }
0xa4: {  	[sflag:s23] =	ssyncset.done $0x0  }
0xa5: {  	s25 =	simm.s32 $0x1B8E;
	s24 =	sld [smem:$0x3FFE];
	[sflag:s23] =	ssyncadd.s32 $0xFFFFFFFF  }
0xa6: {  	s26 =	simm.s32 $execute0_lowered;
	[smem:$0x3FD2] =	sst s25  }
0xa7: {  	s6 =	sshll.u32 s26, $0x1;
	_ =	strace $0x80000046;
	[dreg:$0x1] =	wrdreg $0xFFFFFFFF  }
0xa8: {  	s28 =	simm.s32 $_size_execute0_lowered;
	s4 =	sadd.s32 s4, s6;
	[dreg:$0x0] =	wrdreg $0x0  }
0xa9: {  	s6 =	sshll.u32 s28, $0x1;
	[dreg:$0x2] =	wrdreg s4  }
0xaa: {  	[dreg:$0x3] =	wrdreg s6  }
0xab: {  	[dreg:$0x4] =	wrdreg $0xC0  }
0xac: {  	_ =	task [dreg:s8], $0x5FFFF  }
0xad: {  	[dreg:$0x1] =	wrdreg $0xFFFFFFFF  }
0xae: {  	[dreg:$0x0] =	wrdreg $0x60  }
0xaf: {  	[dreg:$0x2] =	wrdreg s2  }
0xb0: {  	[dreg:$0x3] =	wrdreg s18  }
0xb1: {  	[dreg:$0x4] =	wrdreg s24  }
0xb2: {  	[dreg:$0x5] =	wrdreg $0x9  }
0xb3: {  	_ =	task.clear_ibuf [dreg:s8], $0x6FFFF;
	_ =	strace $0x90000046  }
0xb4: {  	s29 =	simm.s32 $0x9;
	_ =	strace $0x80000048  }
0xb5: {  	_ =	swait.ge [sflag:s29], $0x1  }
0xb6: {  	[sflag:s29] =	ssyncadd.s32 $0xFFFFFFFF  }
0xb7: {  	_ =	strace $0x90000048  }
0xb8: {  	_ =	sfence  }
0xb9: {  	s30 =	sld [smem:$0x0];
	_ =	sdelay $0x2  }
0xba: {  	s31 =	sshll.u32 s1, $0xD;
	s1 =	sshrl.u32 s1, $0x2  }
0xbb: {  	s3 =	sand.u32 $0x4000, s31;
	s1 =	sadd.s32 s1, s30  }
0xbc: {  	s0 =	sor.u32 s3, s0;
	s1 =	sshll.u32 s1, $0x11  }
0xbd: {  	s0 =	sor.u32 s1, s0  }
0xbe: {  	s0 =	sadd.s32 $0x8F2B, s0  }
0xbf: {  	[sflag:s0] =	ssyncadd.remote.s32 $0x1  }
0xc0: {  	_ =	sfence.sel $0xFFFF  }
0xc1: {  	[dreg:$0x0] =	wrdreg $0xFFFFFFFF;
	(pc) =	sbr.abs _section_cstart, $3  }
0xc2: {  	[dreg:$0x1] =	wrdreg $0xFFFFFFFF  }
0xc3: {  	_ =	task.clear_ibuf [dreg:s8], $0x2FFFF;
	_ =	strace $0x9FFFFFFF  }
0xc4: {  	(tm) =	ssettm $0x7FFFFFFF  }
0xc5: {  	_ =	shalt  }
tec
execute0_lowered:
.L_overlay_start_1:
0x0: {  	(tag) =	ssettag $0x1  }
0x1: {  	s1 =	rddreg [dreg:$0x0]  }
0x2: {  	s2 =	rddreg [dreg:$0x2]  }
0x3: {  	s0 =	srdreg.scid;
	s4 =	stileid.u32;
	s5 =	simm.s32 $0x0  }
0x4: {  	s3 =	sand.u32 $0x1, s0;
	s18 =	sshll.u32 s4, $0x1;
	[smem:$0x7FF] =	sst s5  }
0x5: {  	v0 =	vlaneseq.u32;
	s7 =	sadd.s32 $0x1A00, s2;
	s23 =	sadd.s32 $0x400, s1;
	s25 =	sadd.s32 $0x1E00, s2  }
0x6: {  	v0 =	vmul.u32 $0x10, v0;
	s26 =	sadd.s32 $0x600, s1;
	_ =	strace $0x80000047;
	[smem:$0x7F4] =	sst s23  }
0x7: {  	s29 =	sadd.s32 $0x1E9E00, s2;
	s0 =	sor.u32 s3, s18;
	[smem:$0x7F5] =	sst s7  }
0x8: {  	s30 =	sadd.s32 $0x1E9A00, s2;
	[smem:$0x7F6] =	sst s25;
	s19 =	smul.u32 $0x3D000, s0;
	v1 =	vor.u32 $0x100, v0  }
0x9: {  	[smem:$0x7F7] =	sst s26;
	s6 =	smul.u32 $0x7A000, s0;
	v2 =	vor.u32 $0x200, v0;
	v3 =	vor.u32 $0x300, v0;
	v4 =	vor.u32 $0x400, v0  }
0xa: {  	s3 =	ssub.s32 $0x2, s3;
	[smem:$0x7FA] =	sst s29;
	s21 =	smul.u32 $0x3D, s0;
	v5 =	vor.u32 $0x500, v0;
	v6 =	vor.u32 $0x600, v0;
	v7 =	vor.u32 $0x700, v0  }
0xb: {  	[smem:$0x7FC] =	sst s30;
	s20 =	sshrl.u32 s3, $0x1;
	s22 =	smul.u32 $0x7A00, s0;
	v8 =	vor.u32 $0x800, v0;
	v9 =	vor.u32 $0x900, v0;
	v10 =	vor.u32 $0xA00, v0  }
0xc: {  	v11 =	vor.u32 $0xB00, v0;
	v12 =	vor.u32 $0xC00, v0;
	v13 =	vor.u32 $0xD00, v0;
	p0 =	seq.s32 s0, $0x4;
	s3 =	ssub.s32 s3, s20;
	[smem:$0x7F2] =	sst s21  }
0xd: {  	v14 =	vor.u32 $0xE00, v0;
	v15 =	vor.u32 $0xF00, v0;
	v16 =	vor.u32 $0x1000, v0;
	s4 =	sshrl.u32 s19, $0x3;
	s6 =	sshrl.u32 s6, $0x3;
	s28 =	sadd.s32 s1, s22  }
.Ltmp0:
0xe: {  	v17 =	vor.u32 $0x1100, v0;
	v18 =	vor.u32 $0x1200, v0;
	v19 =	vor.u32 $0x1300, v0;
	s31 =	smax.u32 s3, $0x1;
	[smem:$0x7F9] =	sst s28;
	(pc) =	sbr.rel .LBB2_1-.Ltmp0, $4  }
0xf: {  	v20 =	vor.u32 $0x1400, v0;
	v21 =	vor.u32 $0x1500, v0;
	v22 =	vor.u32 $0x1600, v0;
	s4 =	sadd.s32 s1, s4;
	s1 =	sadd.s32 $0xF4000, s1;
	[smem:$0x7FD] =	sst s31  }
0x10: {  	v23 =	vor.u32 $0x1700, v0;
	v24 =	vor.u32 $0x1800, v0;
	v25 =	vor.u32 $0x1900, v0;
	s24 =	sadd.s32 s7, s6;
	s4 =	sadd.s32 $0x200, s4;
	[smem:$0x7FB] =	sst s1  }
0x11: {  	v26 =	vor.u32 $0x1A00, v0;
	v27 =	vor.u32 $0x1B00, v0;
	v28 =	vor.u32 $0x1C00, v0;
	p1 =	sne.s32 s0, $0x0;
	[smem:$0x7F3] =	sst s4;
	s4 =	sadd.s32 $0xF000, s24  }
0x12: {  	v29 =	vor.u32 $0x1D00, v0;
	v30 =	vor.u32 $0x1E00, v0;
	v31 =	vor.u32 $0x1F00, v0;
	s20 =	simm.s32 $0x4000;
	s1 =	simm.s32 $0x0;
	[smem:$0x7F8] =	sst s4  }
.LBB2_14:
0x13: {  	s0 =	rddreg [dreg:$0x1];
	s1 =	simm.s32 $0x0;
	s2 =	simm.s32 $0x3  }
0x14: {  	[tilespmem:s20], [sflag:$0x3] =	stream.linear.gather [hbm4b:s0+s1], $0x400, $0x38;
	[tilespmem:$0x6000] =	vst v63  }
0x15: {  	_ =	swait.ge [sflag:s2], $0x400  }
0x16: {  	s31 =	sld [smem:$0x7FA]  }
0x17: {  	[sflag:s2] =	ssyncset.done $0x0  }
0x18: {  	[sflag:s2] =	ssyncadd.s32 $0xFFFFFC00  }
0x19: {  	[hbm4b:s31+s1] =	stream.linear.scatter [tilespmem:s20], [sflag:$0x3], $0x400, $0x38;
	[tilespmem:$0x6000] =	vst v63  }
0x1a: {  	_ =	swait.ge [sflag:s2], $0x400  }
0x1b: {  	[sflag:s2] =	ssyncset.done $0x0  }
0x1c: {  	s1 =	sld [smem:$0x7F0];
	[sflag:s2] =	ssyncadd.s32 $0xFFFFFC00  }
.LBB2_15:
0x1d: {  	s0 =	sld [smem:$0x7FD];
	_ =	sdelay $0x1  }
0x1e: {  	s1 =	sadd.s32 $0x1, s1  }
0x1f: {  	p2 =	sne.s32 s1, s0  }
.Ltmp1:
0x20: {  	_ = 	snop;
	(pc) =	sbr.rel @!p2 .LBB2_16-.Ltmp1, $1  }
0x21: {  	_ =	sdelay $0x3  }
.LBB2_1:
0x22: {  	s28 =	sld [smem:$0x7F9]  }
0x23: {  	[smem:$0x7F0] =	sst s1;
	s0 =	simm.s32 $0x0;
	s2 =	simm.s32 $0x1000  }
0x24: {  	s3 =	simm.s32 $0x7A1400;
	s29 =	sld [smem:$0x7F3];
	s31 =	simm.s32 $0x0  }
0x25: {  	[tilespmem:s0], [sflag:$0x1] =	stream.strided.gather [hbm4b:s28+s2], $0x2000, s3, s2, $0x38;
	[tilespmem:$0x6000] =	vst v63  }
0x26: {  	s30 =	simm.s32 $0x2000;
	[smem:$0x7F1] =	sst s31  }
0x27: {  	[tilespmem:s30], [sflag:$0x2] =	stream.strided.gather [hbm4b:s29+s2], $0x2000, s3, s2, $0x38;
	[tilespmem:$0x6000] =	vst v63  }
.LBB2_2:
0x28: {  	s1 =	simm.s32 $0x1  }
0x29: {  	s28 =	simm.s32 $0x0;
	s0 =	simm.s32 $0x100;
	_ =	swait.ge [sflag:s1], $0x2000  }
0x2a: {  	s4 =	sand.u32 $0x1000, s28;
	s0 =	sand.u32 $0x300, s0;
	[sflag:s1] =	ssyncset.done $0x0  }
0x2b: {  	s29 =	simm.s32 $0x2;
	s22 =	sor.u32 s0, s4;
	[sflag:s1] =	ssyncadd.s32 $0xFFFFE000  }
0x2c: {  	s23 =	simm.s32 $0x0;
	v32 =	vor.u32 s29, v0;
	v33 =	vld [tilespmem:s22+$0x0]  }
0x2d: {  	s2 =	simm.s32 $0x80;
	s0 =	sand.u32 $0x200, s23  }
0x2e: {  	s5 =	simm.s32 $0x180;
	s24 =	sand.u32 $0x280, s2;
	s3 =	sor.u32 s0, s4  }
0x2f: {  	s15 =	simm.s32 $0x1;
	s5 =	sand.u32 $0x380, s5;
	v34 =	vor.u32 s28, v0;
	s2 =	sor.u32 s24, s4;
	v35 =	vld [tilespmem:s3+$0x0]  }
0x30: {  	s26 =	simm.s32 $0x3;
	v36 =	vor.u32 s15, v0;
	s25 =	sor.u32 s5, s4;
	v37 =	vld [tilespmem:s2+$0x0]  }
0x31: {  	v53 =	vor.u32 s26, v0;
	v54 =	vld [tilespmem:s25+$0x0];
	[tilespmem:v32+s20+$0x0] =	vst.idx.msk $0xffff, v33  }
0x32: {  	v39 =	vor.u32 s29, v1;
	v38 =	vld [tilespmem:s22+$0x10];
	_ =	sdelay $0x1  }
0x33: {  	[tilespmem:v34+s20+$0x0] =	vst.idx.msk $0xffff, v35  }
0x34: {  	v55 =	vor.u32 s28, v1;
	[tilespmem:v36+s20+$0x0] =	vst.idx.msk $0xffff, v37;
	v34 =	vld [tilespmem:s3+$0x10]  }
0x35: {  	v56 =	vor.u32 s15, v1;
	[tilespmem:v53+s20+$0x0] =	vst.idx.msk $0xffff, v54;
	v36 =	vld [tilespmem:s2+$0x10]  }
0x36: {  	v57 =	vor.u32 s26, v1;
	v32 =	vld [tilespmem:s25+$0x10];
	[tilespmem:v39+s20+$0x0] =	vst.idx.msk $0xffff, v38  }
0x37: {  	v58 =	vor.u32 s29, v2;
	v38 =	vld [tilespmem:s22+$0x20];
	_ =	sdelay $0x1  }
0x38: {  	[tilespmem:v55+s20+$0x0] =	vst.idx.msk $0xffff, v34  }
0x39: {  	v59 =	vor.u32 s28, v2;
	[tilespmem:v56+s20+$0x0] =	vst.idx.msk $0xffff, v36;
	v34 =	vld [tilespmem:s3+$0x20]  }
0x3a: {  	v60 =	vor.u32 s15, v2;
	[tilespmem:v57+s20+$0x0] =	vst.idx.msk $0xffff, v32;
	v36 =	vld [tilespmem:s2+$0x20]  }
0x3b: {  	v61 =	vor.u32 s26, v2;
	v32 =	vld [tilespmem:s25+$0x20];
	[tilespmem:v58+s20+$0x0] =	vst.idx.msk $0xffff, v38  }
0x3c: {  	v62 =	vor.u32 s29, v3;
	v38 =	vld [tilespmem:s22+$0x30];
	_ =	sdelay $0x1  }
0x3d: {  	[tilespmem:v59+s20+$0x0] =	vst.idx.msk $0xffff, v34  }
0x3e: {  	v63 =	vor.u32 s28, v3;
	[tilespmem:v60+s20+$0x0] =	vst.idx.msk $0xffff, v36;
	v34 =	vld [tilespmem:s3+$0x30]  }
0x3f: {  	v42 =	vor.u32 s15, v3;
	[tilespmem:v61+s20+$0x0] =	vst.idx.msk $0xffff, v32;
	v36 =	vld [tilespmem:s2+$0x30]  }
0x40: {  	v43 =	vor.u32 s26, v3;
	v32 =	vld [tilespmem:s25+$0x30];
	[tilespmem:v62+s20+$0x0] =	vst.idx.msk $0xffff, v38  }
0x41: {  	v44 =	vor.u32 s29, v4;
	v38 =	vld [tilespmem:s22+$0x40];
	_ =	sdelay $0x1  }
0x42: {  	[tilespmem:v63+s20+$0x0] =	vst.idx.msk $0xffff, v34  }
0x43: {  	v45 =	vor.u32 s28, v4;
	[tilespmem:v42+s20+$0x0] =	vst.idx.msk $0xffff, v36;
	v34 =	vld [tilespmem:s3+$0x40]  }
0x44: {  	v46 =	vor.u32 s15, v4;
	[tilespmem:v43+s20+$0x0] =	vst.idx.msk $0xffff, v32;
	v36 =	vld [tilespmem:s2+$0x40]  }
0x45: {  	v47 =	vor.u32 s26, v4;
	v32 =	vld [tilespmem:s25+$0x40];
	[tilespmem:v44+s20+$0x0] =	vst.idx.msk $0xffff, v38  }
0x46: {  	v48 =	vor.u32 s29, v5;
	v38 =	vld [tilespmem:s22+$0x50];
	_ =	sdelay $0x1  }
0x47: {  	[tilespmem:v45+s20+$0x0] =	vst.idx.msk $0xffff, v34  }
0x48: {  	v49 =	vor.u32 s28, v5;
	[tilespmem:v46+s20+$0x0] =	vst.idx.msk $0xffff, v36;
	v34 =	vld [tilespmem:s3+$0x50]  }
0x49: {  	v50 =	vor.u32 s15, v5;
	[tilespmem:v47+s20+$0x0] =	vst.idx.msk $0xffff, v32;
	v36 =	vld [tilespmem:s2+$0x50]  }
0x4a: {  	v51 =	vor.u32 s26, v5;
	v32 =	vld [tilespmem:s25+$0x50];
	[tilespmem:v48+s20+$0x0] =	vst.idx.msk $0xffff, v38  }
0x4b: {  	v52 =	vor.u32 s29, v6;
	v38 =	vld [tilespmem:s22+$0x60];
	_ =	sdelay $0x1  }
0x4c: {  	[tilespmem:v49+s20+$0x0] =	vst.idx.msk $0xffff, v34  }
0x4d: {  	v53 =	vor.u32 s28, v6;
	[tilespmem:v50+s20+$0x0] =	vst.idx.msk $0xffff, v36;
	v34 =	vld [tilespmem:s3+$0x60]  }
0x4e: {  	v54 =	vor.u32 s15, v6;
	[tilespmem:v51+s20+$0x0] =	vst.idx.msk $0xffff, v32;
	v36 =	vld [tilespmem:s2+$0x60]  }
0x4f: {  	v55 =	vor.u32 s26, v6;
	v32 =	vld [tilespmem:s25+$0x60];
	[tilespmem:v52+s20+$0x0] =	vst.idx.msk $0xffff, v38  }
0x50: {  	v56 =	vor.u32 s29, v7;
	v38 =	vld [tilespmem:s22+$0x70];
	_ =	sdelay $0x1  }
0x51: {  	[tilespmem:v53+s20+$0x0] =	vst.idx.msk $0xffff, v34  }
0x52: {  	v57 =	vor.u32 s28, v7;
	[tilespmem:v54+s20+$0x0] =	vst.idx.msk $0xffff, v36;
	v34 =	vld [tilespmem:s3+$0x70]  }
0x53: {  	v58 =	vor.u32 s15, v7;
	[tilespmem:v55+s20+$0x0] =	vst.idx.msk $0xffff, v32;
	v36 =	vld [tilespmem:s2+$0x70]  }
0x54: {  	v59 =	vor.u32 s26, v7;
	v32 =	vld [tilespmem:s25+$0x70];
	[tilespmem:v56+s20+$0x0] =	vst.idx.msk $0xffff, v38  }
0x55: {  	v60 =	vor.u32 s29, v8;
	v38 =	vld [tilespmem:s22+$0x400];
	_ =	sdelay $0x1  }
0x56: {  	[tilespmem:v57+s20+$0x0] =	vst.idx.msk $0xffff, v34  }
0x57: {  	v61 =	vor.u32 s28, v8;
	[tilespmem:v58+s20+$0x0] =	vst.idx.msk $0xffff, v36;
	v34 =	vld [tilespmem:s3+$0x400]  }
0x58: {  	v62 =	vor.u32 s15, v8;
	[tilespmem:v59+s20+$0x0] =	vst.idx.msk $0xffff, v32;
	v36 =	vld [tilespmem:s2+$0x400]  }
0x59: {  	v63 =	vor.u32 s26, v8;
	v32 =	vld [tilespmem:s25+$0x400];
	[tilespmem:v60+s20+$0x0] =	vst.idx.msk $0xffff, v38  }
0x5a: {  	v42 =	vor.u32 s29, v9;
	v38 =	vld [tilespmem:s22+$0x410];
	_ =	sdelay $0x1  }
0x5b: {  	[tilespmem:v61+s20+$0x0] =	vst.idx.msk $0xffff, v34  }
0x5c: {  	v43 =	vor.u32 s28, v9;
	[tilespmem:v62+s20+$0x0] =	vst.idx.msk $0xffff, v36;
	v34 =	vld [tilespmem:s3+$0x410]  }
0x5d: {  	v44 =	vor.u32 s15, v9;
	[tilespmem:v63+s20+$0x0] =	vst.idx.msk $0xffff, v32;
	v36 =	vld [tilespmem:s2+$0x410]  }
0x5e: {  	v45 =	vor.u32 s26, v9;
	v32 =	vld [tilespmem:s25+$0x410];
	[tilespmem:v42+s20+$0x0] =	vst.idx.msk $0xffff, v38  }
0x5f: {  	v46 =	vor.u32 s29, v10;
	v38 =	vld [tilespmem:s22+$0x420];
	_ =	sdelay $0x1  }
0x60: {  	[tilespmem:v43+s20+$0x0] =	vst.idx.msk $0xffff, v34  }
0x61: {  	v47 =	vor.u32 s28, v10;
	[tilespmem:v44+s20+$0x0] =	vst.idx.msk $0xffff, v36;
	v34 =	vld [tilespmem:s3+$0x420]  }
0x62: {  	v48 =	vor.u32 s15, v10;
	[tilespmem:v45+s20+$0x0] =	vst.idx.msk $0xffff, v32;
	v36 =	vld [tilespmem:s2+$0x420]  }
0x63: {  	v49 =	vor.u32 s26, v10;
	v32 =	vld [tilespmem:s25+$0x420];
	[tilespmem:v46+s20+$0x0] =	vst.idx.msk $0xffff, v38  }
0x64: {  	v50 =	vor.u32 s29, v11;
	v38 =	vld [tilespmem:s22+$0x430];
	_ =	sdelay $0x1  }
0x65: {  	[tilespmem:v47+s20+$0x0] =	vst.idx.msk $0xffff, v34  }
0x66: {  	v51 =	vor.u32 s28, v11;
	[tilespmem:v48+s20+$0x0] =	vst.idx.msk $0xffff, v36;
	v34 =	vld [tilespmem:s3+$0x430]  }
0x67: {  	v52 =	vor.u32 s15, v11;
	[tilespmem:v49+s20+$0x0] =	vst.idx.msk $0xffff, v32;
	v36 =	vld [tilespmem:s2+$0x430]  }
0x68: {  	v53 =	vor.u32 s26, v11;
	v32 =	vld [tilespmem:s25+$0x430];
	[tilespmem:v50+s20+$0x0] =	vst.idx.msk $0xffff, v38  }
0x69: {  	v54 =	vor.u32 s29, v12;
	v38 =	vld [tilespmem:s22+$0x440];
	_ =	sdelay $0x1  }
0x6a: {  	[tilespmem:v51+s20+$0x0] =	vst.idx.msk $0xffff, v34  }
0x6b: {  	v55 =	vor.u32 s28, v12;
	[tilespmem:v52+s20+$0x0] =	vst.idx.msk $0xffff, v36;
	v34 =	vld [tilespmem:s3+$0x440]  }
0x6c: {  	v56 =	vor.u32 s15, v12;
	[tilespmem:v53+s20+$0x0] =	vst.idx.msk $0xffff, v32;
	v36 =	vld [tilespmem:s2+$0x440]  }
0x6d: {  	v57 =	vor.u32 s26, v12;
	v32 =	vld [tilespmem:s25+$0x440];
	[tilespmem:v54+s20+$0x0] =	vst.idx.msk $0xffff, v38  }
0x6e: {  	v58 =	vor.u32 s29, v13;
	v38 =	vld [tilespmem:s22+$0x450];
	_ =	sdelay $0x1  }
0x6f: {  	[tilespmem:v55+s20+$0x0] =	vst.idx.msk $0xffff, v34  }
0x70: {  	v59 =	vor.u32 s28, v13;
	[tilespmem:v56+s20+$0x0] =	vst.idx.msk $0xffff, v36;
	v34 =	vld [tilespmem:s3+$0x450]  }
0x71: {  	v60 =	vor.u32 s15, v13;
	[tilespmem:v57+s20+$0x0] =	vst.idx.msk $0xffff, v32;
	v36 =	vld [tilespmem:s2+$0x450]  }
0x72: {  	v61 =	vor.u32 s26, v13;
	v32 =	vld [tilespmem:s25+$0x450];
	[tilespmem:v58+s20+$0x0] =	vst.idx.msk $0xffff, v38  }
0x73: {  	v62 =	vor.u32 s29, v14;
	v38 =	vld [tilespmem:s22+$0x460];
	_ =	sdelay $0x1  }
0x74: {  	[tilespmem:v59+s20+$0x0] =	vst.idx.msk $0xffff, v34  }
0x75: {  	v63 =	vor.u32 s28, v14;
	[tilespmem:v60+s20+$0x0] =	vst.idx.msk $0xffff, v36;
	v34 =	vld [tilespmem:s3+$0x460]  }
0x76: {  	v42 =	vor.u32 s15, v14;
	[tilespmem:v61+s20+$0x0] =	vst.idx.msk $0xffff, v32;
	v36 =	vld [tilespmem:s2+$0x460]  }
0x77: {  	v43 =	vor.u32 s26, v14;
	v32 =	vld [tilespmem:s25+$0x460];
	[tilespmem:v62+s20+$0x0] =	vst.idx.msk $0xffff, v38  }
0x78: {  	v44 =	vor.u32 s29, v15;
	v38 =	vld [tilespmem:s22+$0x470]  }
0x79: {  	s4 =	sand.u32 $0x3, s28  }
0x7a: {  	s1 =	sshll.u32 s4, $0x8;
	[tilespmem:v63+s20+$0x0] =	vst.idx.msk $0xffff, v34  }
0x7b: {  	s1 =	sadd.s32 $0x0, s1;
	v45 =	vor.u32 s28, v15;
	[tilespmem:v42+s20+$0x0] =	vst.idx.msk $0xffff, v36;
	v34 =	vld [tilespmem:s3+$0x470]  }
0x7c: {  	p2 =	por $0x0, $0x0;
	s14 =	sadd.s32 $0x100, s1;
	v46 =	vor.u32 s15, v15;
	[tilespmem:v43+s20+$0x0] =	vst.idx.msk $0xffff, v32;
	s3 =	simm.s32 $0x1;
	v36 =	vld [tilespmem:s2+$0x470]  }
0x7d: {  	s5 =	sand.u32 $0x7, s28;
	s6 =	sor.u32 $0x800, s14;
	v47 =	vor.u32 s26, v15;
	v32 =	vld [tilespmem:s25+$0x470];
	s3 =	simm.s32 @!p2 $0x0;
	[tilespmem:v44+s20+$0x0] =	vst.idx.msk $0xffff, v38  }
0x7e: {  	s7 =	sshll.u32 s5, $0x7;
	v48 =	vor.u32 s29, v16;
	s8 =	sshll.u32 s3, $0x9;
	v38 =	vld [tilespmem:s6+$0x0]  }
0x7f: {  	s0 =	sadd.s32 $0x0, s7;
	s2 =	sadd.s32 $0x0, s8  }
0x80: {  	s1 =	sadd.s32 $0x80, s0;
	s9 =	sor.u32 $0x800, s2;
	[tilespmem:v45+s20+$0x0] =	vst.idx.msk $0xffff, v34  }
0x81: {  	s0 =	sadd.s32 $0x180, s0;
	s10 =	sor.u32 $0x800, s1;
	v49 =	vor.u32 s28, v16;
	[tilespmem:v46+s20+$0x0] =	vst.idx.msk $0xffff, v36;
	v34 =	vld [tilespmem:s9+$0x0]  }
0x82: {  	s11 =	sor.u32 $0x800, s0;
	v50 =	vor.u32 s15, v16;
	[tilespmem:v47+s20+$0x0] =	vst.idx.msk $0xffff, v32;
	v36 =	vld [tilespmem:s10+$0x0]  }
0x83: {  	s12 =	sor.u32 $0x810, s14;
	v51 =	vor.u32 s26, v16;
	v32 =	vld [tilespmem:s11+$0x0];
	[tilespmem:v48+s20+$0x0] =	vst.idx.msk $0xffff, v38  }
0x84: {  	v52 =	vor.u32 s29, v17;
	v38 =	vld [tilespmem:s12+$0x0];
	_ =	sdelay $0x1  }
0x85: {  	s13 =	sor.u32 $0x810, s2;
	[tilespmem:v49+s20+$0x0] =	vst.idx.msk $0xffff, v34  }
0x86: {  	s16 =	sor.u32 $0x810, s1;
	[tilespmem:v50+s20+$0x0] =	vst.idx.msk $0xffff, v36;
	v34 =	vld [tilespmem:s13+$0x0]  }
0x87: {  	s17 =	sor.u32 $0x810, s0;
	[tilespmem:v51+s20+$0x0] =	vst.idx.msk $0xffff, v32;
	v36 =	vld [tilespmem:s16+$0x0]  }
0x88: {  	s19 =	sor.u32 $0x820, s14;
	v53 =	vor.u32 s28, v17;
	s10 =	sor.u32 $0x850, s1;
	v32 =	vld [tilespmem:s17+$0x0];
	[tilespmem:v52+s20+$0x0] =	vst.idx.msk $0xffff, v38  }
0x89: {  	s21 =	sor.u32 $0x860, s1;
	v38 =	vld [tilespmem:s19+$0x0];
	[smem:$0x7E1] =	sst s10  }
0x8a: {  	s22 =	sor.u32 $0x860, s2;
	[smem:$0x7E2] =	sst s21  }
0x8b: {  	s23 =	sor.u32 $0x870, s1;
	[smem:$0x7E3] =	sst s22  }
0x8c: {  	v54 =	vor.u32 s15, v17;
	[smem:$0x7E4] =	sst s23  }
0x8d: {  	s25 =	sor.u32 $0x870, s2;
	[tilespmem:v53+s20+$0x0] =	vst.idx.msk $0xffff, v34  }
0x8e: {  	s11 =	sor.u32 $0xC00, s1;
	[smem:$0x7E5] =	sst s25  }
0x8f: {  	s12 =	sor.u32 $0xC00, s2;
	[smem:$0x7E6] =	sst s11  }
0x90: {  	v55 =	vor.u32 s26, v17;
	[smem:$0x7E7] =	sst s12  }
0x91: {  	s18 =	sor.u32 $0x820, s2;
	s13 =	sor.u32 $0xC10, s2;
	[tilespmem:v54+s20+$0x0] =	vst.idx.msk $0xffff, v36  }
0x92: {  	v56 =	vor.u32 s29, v18;
	s16 =	sor.u32 $0xC20, s2;
	v34 =	vld [tilespmem:s18+$0x0];
	[smem:$0x7E8] =	sst s13  }
0x93: {  	s17 =	sor.u32 $0xC30, s2;
	[dreg:$0x12] =	wrdreg s16  }
0x94: {  	[dreg:$0xa] =	wrdreg s17  }
0x95: {  	s6 =	sor.u32 $0x820, s1;
	s18 =	sor.u32 $0xC40, s2;
	[tilespmem:v55+s20+$0x0] =	vst.idx.msk $0xffff, v32  }
0x96: {  	s7 =	sor.u32 $0x820, s0;
	v57 =	vor.u32 s28, v18;
	v36 =	vld [tilespmem:s6+$0x0];
	[smem:$0x7E9] =	sst s18  }
0x97: {  	v58 =	vor.u32 s15, v18;
	s19 =	sor.u32 $0x830, s14;
	s21 =	sor.u32 $0xC10, s1;
	[tilespmem:v56+s20+$0x0] =	vst.idx.msk $0xffff, v38;
	v32 =	vld [tilespmem:s7+$0x0]  }
0x98: {  	v59 =	vor.u32 s26, v18;
	s23 =	sor.u32 $0xC20, s1;
	v38 =	vld [tilespmem:s19+$0x0];
	[dreg:$0x1d] =	wrdreg s21  }
0x99: {  	v60 =	vor.u32 s29, v19;
	s25 =	sor.u32 $0xC30, s1;
	[dreg:$0x16] =	wrdreg s23  }
0x9a: {  	s30 =	simm.s32 $0x4;
	s5 =	simm.s32 $0x1;
	[dreg:$0x6] =	wrdreg s25  }
0x9b: {  	s31 =	sor.u32 $0xC40, s0;
	p2 =	por !p2, !p2;
	s3 =	sor.u32 $0x840, s1;
	[tilespmem:v57+s20+$0x0] =	vst.idx.msk $0xffff, v34  }
0x9c: {  	s8 =	sor.u32 $0x830, s1;
	s4 =	sor.u32 $0x840, s2;
	s9 =	sor.u32 $0x830, s2;
	[tilespmem:v58+s20+$0x0] =	vst.idx.msk $0xffff, v36  }
0x9d: {  	s24 =	sor.u32 $0x850, s2;
	s22 =	sor.u32 $0xC50, s2;
	s11 =	sor.u32 $0xC70, s2;
	v34 =	vld [tilespmem:s9+$0x0];
	[tilespmem:v59+s20+$0x0] =	vst.idx.msk $0xffff, v32  }
0x9e: {  	s16 =	sor.u32 $0xC60, s2;
	s2 =	sor.u32 $0x830, s0;
	s6 =	sor.u32 $0x850, s0;
	v36 =	vld [tilespmem:s8+$0x0];
	[tilespmem:v60+s20+$0x0] =	vst.idx.msk $0xffff, v38  }
0x9f: {  	s5 =	simm.s32 @!p2 $0x0;
	s8 =	sor.u32 $0x860, s0;
	v32 =	vld [tilespmem:s2+$0x0];
	[smem:$0x7EA] =	sst s6  }
0xa0: {  	s10 =	sor.u32 $0x840, s14;
	s12 =	sor.u32 $0x870, s0;
	[smem:$0x7EB] =	sst s8  }
0xa1: {  	v61 =	vor.u32 s28, v19;
	s13 =	sor.u32 $0xC00, s0;
	s17 =	sor.u32 $0xC10, s0;
	v39 =	vld [tilespmem:s10+$0x0];
	[smem:$0x7EC] =	sst s12  }
0xa2: {  	v62 =	vor.u32 s15, v19;
	s18 =	sor.u32 $0xC60, s1;
	s7 =	sor.u32 $0x840, s0;
	[smem:$0x7ED] =	sst s13  }
0xa3: {  	v63 =	vor.u32 s26, v19;
	s25 =	sor.u32 $0xC40, s1;
	s19 =	sor.u32 $0xC20, s0;
	[smem:$0x7EE] =	sst s17  }
0xa4: {  	v40 =	vor.u32 s29, v20;
	s21 =	sor.u32 $0xC50, s1;
	s23 =	sor.u32 $0xC30, s0;
	[dreg:$0x19] =	wrdreg s19  }
0xa5: {  	s9 =	sor.u32 $0xC70, s1;
	s2 =	sand.u32 $0x7, s30;
	[dreg:$0xf] =	wrdreg s23  }
0xa6: {  	s1 =	simm.s32 $0x7;
	s2 =	sshll.u32 s2, $0x7;
	s6 =	sshll.u32 s5, $0x9;
	[tilespmem:v61+s20+$0x0] =	vst.idx.msk $0xffff, v34  }
0xa7: {  	s5 =	sor.u32 $0x850, s14;
	s8 =	simm.s32 $0x0;
	s23 =	sor.u32 $0xC50, s0;
	[tilespmem:v62+s20+$0x0] =	vst.idx.msk $0xffff, v36;
	v34 =	vld [tilespmem:s4+$0x0]  }
0xa8: {  	s19 =	sor.u32 $0xC60, s0;
	s13 =	sor.u32 $0xC70, s0;
	s12 =	simm.s32 $0x5;
	v33 =	vld [tilespmem:s3+$0x0];
	[tilespmem:v63+s20+$0x0] =	vst.idx.msk $0xffff, v32  }
0xa9: {  	v35 =	vor.u32 s26, v20;
	s17 =	simm.s32 $0x380;
	s0 =	simm.s32 $0x300;
	s10 =	simm.s32 $0x800;
	v32 =	vld [tilespmem:s7+$0x0];
	[tilespmem:v40+s20+$0x0] =	vst.idx.msk $0xffff, v39  }
0xaa: {  	v37 =	vor.u32 s29, v21;
	v38 =	vor.u32 s28, v20;
	s4 =	simm.s32 $0x8;
	v39 =	vor.u32 s15, v20;
	v36 =	vld [tilespmem:s5+$0x0];
	[smem:$0x7EF] =	sst s8;
	s5 =	simm.s32 $0x4  }
.LBB2_3:
0xab: {  	[smem:$0x7BC] =	sst s25  }
0xac: {  	[smem:$0x7BE] =	sst s31  }
0xad: {  	[smem:$0x7CC] =	sst s16  }
0xae: {  	[smem:$0x7C0] =	sst s22  }
0xaf: {  	[smem:$0x7C7] =	sst s23  }
0xb0: {  	[smem:$0x7D3] =	sst s19  }
0xb1: {  	[smem:$0x7C5] =	sst s21  }
0xb2: {  	[smem:$0x7CE] =	sst s18  }
0xb3: {  	[smem:$0x7D5] =	sst s11  }
0xb4: {  	[smem:$0x7DC] =	sst s13  }
0xb5: {  	[smem:$0x7DA] =	sst s9;
	s3 =	sand.u32 $0x1000, s10  }
0xb6: {  	s7 =	sand.u32 $0x300, s0;
	s8 =	sadd.s32 $0xFFFFFE80, s17;
	s19 =	sadd.s32 $0xFFFFFF00, s17  }
0xb7: {  	s23 =	sld [smem:$0x7E1];
	s25 =	sadd.s32 s10, s2;
	s21 =	sor.u32 s7, s3  }
0xb8: {  	s18 =	sand.u32 $0x200, s8;
	s8 =	sand.u32 $0x280, s19;
	s9 =	sadd.s32 $0x180, s25  }
0xb9: {  	s7 =	sor.u32 s18, s3;
	s18 =	sadd.s32 $0x80, s25;
	s19 =	sor.u32 $0x800, s9  }
0xba: {  	s16 =	sor.u32 $0x800, s18;
	[smem:$0x7C4] =	sst s19  }
0xbb: {  	[tilespmem:v39+s20+$0x0] =	vst.idx.msk $0xffff, v33;
	s25 =	sor.u32 $0x810, s18;
	[smem:$0x7C3] =	sst s16  }
0xbc: {  	v47 =	vld [tilespmem:s23+$0x0];
	s23 =	sadd.s32 s6, s10;
	s6 =	sor.u32 $0x810, s9;
	[smem:$0x7CA] =	sst s25  }
0xbd: {  	s11 =	sor.u32 $0x820, s18;
	[smem:$0x7CB] =	sst s6  }
0xbe: {  	[smem:$0x7D1] =	sst s11  }
0xbf: {  	s13 =	sor.u32 $0x800, s23;
	s25 =	sld [smem:$0x7EA]  }
0xc0: {  	s2 =	sor.u32 s8, s3;
	s8 =	sor.u32 $0x820, s23;
	[smem:$0x7C2] =	sst s13  }
0xc1: {  	s0 =	sadd.s32 $0x2, s30;
	v46 =	vld [tilespmem:s21+$0x0];
	[tilespmem:v38+s20+$0x0] =	vst.idx.msk $0xffff, v34;
	s16 =	sor.u32 $0x830, s18;
	[smem:$0x7D0] =	sst s8  }
0xc2: {  	v45 =	vor.u32 s0, v0;
	[tilespmem:v37+s20+$0x0] =	vst.idx.msk $0xffff, v36;
	s11 =	sor.u32 $0x840, s18;
	v34 =	vld [tilespmem:s24+$0x0];
	s24 =	sor.u32 $0x860, s14;
	[smem:$0x7D8] =	sst s16  }
0xc3: {  	v49 =	vor.u32 s29, v22;
	s6 =	sor.u32 $0xC10, s23;
	[smem:$0x7DF] =	sst s11;
	v36 =	vld [tilespmem:s24+$0x0]  }
0xc4: {  	s13 =	sor.u32 $0x820, s9;
	[smem:$0x7B3] =	sst s6  }
0xc5: {  	v63 =	vor.u32 s28, v21;
	s8 =	sor.u32 $0x830, s23;
	[smem:$0x7D2] =	sst s13  }
0xc6: {  	v40 =	vor.u32 s30, v0;
	[tilespmem:v35+s20+$0x0] =	vst.idx.msk $0xffff, v32;
	v41 =	vld [tilespmem:s7+$0x0];
	s24 =	sor.u32 $0x810, s23;
	[smem:$0x7D7] =	sst s8  }
0xc7: {  	[smem:$0x7C9] =	sst s24;
	[tilespmem:v45+s20+$0x0] =	vst.idx.msk $0xffff, v46;
	v54 =	vld [tilespmem:s25+$0x0];
	s25 =	sor.u32 $0xC00, s18  }
0xc8: {  	v53 =	vor.u32 s0, v1;
	s24 =	sor.u32 $0x870, s14;
	v52 =	vld [tilespmem:s21+$0x10];
	[smem:$0x7B1] =	sst s25;
	s25 =	sor.u32 $0xC10, s18;
	[tilespmem:v49+s20+$0x0] =	vst.idx.msk $0xffff, v36  }
0xc9: {  	s22 =	sand.u32 $0x380, s17;
	v56 =	vor.u32 s29, v23;
	[smem:$0x7B4] =	sst s25;
	v36 =	vld [tilespmem:s24+$0x0]  }
0xca: {  	s22 =	sor.u32 s22, s3;
	s16 =	sor.u32 $0x840, s23;
	s25 =	sld [smem:$0x7E3];
	[tilespmem:v63+s20+$0x0] =	vst.idx.msk $0xffff, v34  }
0xcb: {  	v50 =	vor.u32 s1, v0;
	v51 =	vld [tilespmem:s22+$0x0];
	s11 =	sor.u32 $0xC00, s9;
	[smem:$0x7DE] =	sst s16;
	[tilespmem:v40+s20+$0x0] =	vst.idx.msk $0xffff, v41  }
0xcc: {  	s6 =	sor.u32 $0xC20, s18;
	[smem:$0x7B2] =	sst s11;
	v40 =	vld [tilespmem:s7+$0x10]  }
0xcd: {  	[smem:$0x7B6] =	sst s6;
	s6 =	sor.u32 $0xC10, s9;
	v61 =	vld [tilespmem:s25+$0x0];
	[tilespmem:v53+s20+$0x0] =	vst.idx.msk $0xffff, v52  }
0xce: {  	v57 =	vor.u32 s30, v1;
	[smem:$0x7B5] =	sst s6;
	s24 =	sor.u32 $0x850, s9;
	s25 =	sor.u32 $0xC00, s14;
	v38 =	vld [tilespmem:s21+$0x20];
	[tilespmem:v56+s20+$0x0] =	vst.idx.msk $0xffff, v36  }
0xcf: {  	v48 =	vor.u32 s15, v21;
	[smem:$0x7EA] =	sst s24;
	v36 =	vld [tilespmem:s25+$0x0];
	s25 =	sor.u32 $0xC30, s18  }
0xd0: {  	v55 =	vor.u32 s26, v21;
	[tilespmem:v50+s20+$0x0] =	vst.idx.msk $0xffff, v51;
	[smem:$0x7B9] =	sst s25;
	s25 =	sor.u32 $0xC20, s9  }
0xd1: {  	v59 =	vor.u32 s1, v1;
	v33 =	vld [tilespmem:s22+$0x10];
	[smem:$0x7B7] =	sst s25;
	s25 =	sor.u32 $0xC30, s23  }
0xd2: {  	v42 =	vor.u32 s12, v0;
	v43 =	vld [tilespmem:s2+$0x0];
	[smem:$0x7B8] =	sst s25;
	s25 =	sor.u32 $0xC40, s18  }
0xd3: {  	v62 =	vor.u32 s28, v22;
	[tilespmem:v57+s20+$0x0] =	vst.idx.msk $0xffff, v40;
	[smem:$0x7BD] =	sst s25;
	s25 =	sor.u32 $0xC30, s9  }
0xd4: {  	v45 =	vor.u32 s30, v2;
	[tilespmem:v48+s20+$0x0] =	vst.idx.msk $0xffff, v47;
	v40 =	vld [tilespmem:s7+$0x20];
	[smem:$0x7BA] =	sst s25;
	s25 =	sor.u32 $0xC40, s23  }
0xd5: {  	[tilespmem:v55+s20+$0x0] =	vst.idx.msk $0xffff, v54;
	[smem:$0x7BB] =	sst s25;
	s25 =	sor.u32 $0xC50, s18  }
0xd6: {  	[tilespmem:v59+s20+$0x0] =	vst.idx.msk $0xffff, v33;
	[smem:$0x7C6] =	sst s25;
	s25 =	sor.u32 $0xC40, s9  }
0xd7: {  	s3 =	sor.u32 $0x850, s23;
	v47 =	vor.u32 s1, v2;
	[tilespmem:v42+s20+$0x0] =	vst.idx.msk $0xffff, v43;
	v33 =	vld [tilespmem:s22+$0x20];
	[smem:$0x7BF] =	sst s25;
	s25 =	sor.u32 $0xC50, s23  }
0xd8: {  	v58 =	vor.u32 s12, v1;
	s31 =	sor.u32 $0x870, s23;
	v42 =	vld [tilespmem:s2+$0x10];
	[tilespmem:v62+s20+$0x0] =	vst.idx.msk $0xffff, v61;
	[smem:$0x7C1] =	sst s25;
	s25 =	sor.u32 $0xC60, s18  }
0xd9: {  	v60 =	vor.u32 s0, v2;
	s16 =	sor.u32 $0x860, s23;
	[tilespmem:v45+s20+$0x0] =	vst.idx.msk $0xffff, v40;
	[smem:$0x7CF] =	sst s25;
	s25 =	sor.u32 $0xC50, s9  }
0xda: {  	s11 =	sor.u32 $0xC00, s23;
	v52 =	vor.u32 s30, v3;
	v40 =	vld [tilespmem:s7+$0x30];
	[smem:$0x7C8] =	sst s25;
	s25 =	sor.u32 $0xC60, s23  }
0xdb: {  	s6 =	sor.u32 $0xC20, s23;
	s23 =	sor.u32 $0xC70, s23;
	[smem:$0x7CD] =	sst s25  }
0xdc: {  	[tilespmem:v47+s20+$0x0] =	vst.idx.msk $0xffff, v33;
	[smem:$0x7D6] =	sst s23  }
0xdd: {  	s19 =	sor.u32 $0x830, s9;
	v54 =	vor.u32 s1, v3;
	[tilespmem:v58+s20+$0x0] =	vst.idx.msk $0xffff, v42;
	v33 =	vld [tilespmem:s22+$0x30];
	s25 =	sor.u32 $0xC60, s9;
	s23 =	sld [smem:$0x7EB]  }
0xde: {  	s13 =	sor.u32 $0x840, s9;
	s8 =	sor.u32 $0x860, s9;
	v63 =	vor.u32 s29, v24;
	v42 =	vld [tilespmem:s2+$0x20];
	[tilespmem:v60+s20+$0x0] =	vst.idx.msk $0xffff, v38;
	[smem:$0x7D4] =	sst s25  }
0xdf: {  	v46 =	vor.u32 s12, v2;
	s24 =	sor.u32 $0x870, s9;
	v38 =	vld [tilespmem:s21+$0x30];
	[tilespmem:v52+s20+$0x0] =	vst.idx.msk $0xffff, v40;
	s9 =	sor.u32 $0xC70, s9;
	s25 =	sld [smem:$0x7E2]  }
0xe0: {  	v48 =	vor.u32 s0, v3;
	v40 =	vld [tilespmem:s7+$0x40];
	[smem:$0x7DD] =	sst s9  }
0xe1: {  	v59 =	vor.u32 s30, v4;
	s9 =	sld [smem:$0x7E5];
	v56 =	vld [tilespmem:s23+$0x0]  }
0xe2: {  	v57 =	vor.u32 s26, v22;
	[tilespmem:v54+s20+$0x0] =	vst.idx.msk $0xffff, v33;
	v49 =	vld [tilespmem:s25+$0x0]  }
0xe3: {  	v50 =	vor.u32 s15, v22;
	[tilespmem:v63+s20+$0x0] =	vst.idx.msk $0xffff, v36;
	v33 =	vld [tilespmem:s22+$0x40]  }
0xe4: {  	v61 =	vor.u32 s1, v4;
	s25 =	sor.u32 $0xC10, s14;
	[tilespmem:v46+s20+$0x0] =	vst.idx.msk $0xffff, v42;
	v63 =	vld [tilespmem:s9+$0x0]  }
0xe5: {  	v51 =	vor.u32 s29, v25;
	v36 =	vld [tilespmem:s25+$0x0];
	[tilespmem:v48+s20+$0x0] =	vst.idx.msk $0xffff, v38  }
0xe6: {  	v53 =	vor.u32 s12, v3;
	v42 =	vld [tilespmem:s2+$0x30];
	[tilespmem:v59+s20+$0x0] =	vst.idx.msk $0xffff, v40  }
0xe7: {  	v45 =	vor.u32 s28, v23;
	[tilespmem:v57+s20+$0x0] =	vst.idx.msk $0xffff, v56  }
0xe8: {  	[smem:$0x7D9] =	sst s19;
	s19 =	sor.u32 $0x850, s18;
	v55 =	vor.u32 s0, v4;
	v38 =	vld [tilespmem:s21+$0x40];
	[tilespmem:v50+s20+$0x0] =	vst.idx.msk $0xffff, v49  }
0xe9: {  	[smem:$0x7E1] =	sst s19;
	s19 =	sor.u32 $0x860, s18;
	v47 =	vor.u32 s30, v5;
	v40 =	vld [tilespmem:s7+$0x50];
	[tilespmem:v61+s20+$0x0] =	vst.idx.msk $0xffff, v33  }
0xea: {  	s25 =	smov.u32 s19;
	s19 =	sor.u32 $0xC20, s14;
	v49 =	vor.u32 s1, v5;
	[tilespmem:v51+s20+$0x0] =	vst.idx.msk $0xffff, v36;
	v33 =	vld [tilespmem:s22+$0x50]  }
0xeb: {  	v58 =	vor.u32 s29, v26;
	[tilespmem:v53+s20+$0x0] =	vst.idx.msk $0xffff, v42;
	v36 =	vld [tilespmem:s19+$0x0]  }
0xec: {  	[smem:$0x7E0] =	sst s13;
	s13 =	sor.u32 $0x870, s18;
	v60 =	vor.u32 s12, v4;
	s18 =	sor.u32 $0xC70, s18;
	[tilespmem:v45+s20+$0x0] =	vst.idx.msk $0xffff, v63;
	v42 =	vld [tilespmem:s2+$0x40]  }
0xed: {  	[smem:$0x7DB] =	sst s18;
	s18 =	smov.u32 s16;
	[tilespmem:v55+s20+$0x0] =	vst.idx.msk $0xffff, v38  }
0xee: {  	v62 =	vor.u32 s0, v5;
	[smem:$0x7E3] =	sst s18;
	s18 =	smov.u32 s31;
	[tilespmem:v47+s20+$0x0] =	vst.idx.msk $0xffff, v40;
	v38 =	vld [tilespmem:s21+$0x50]  }
0xef: {  	[smem:$0x7E5] =	sst s18;
	v54 =	vor.u32 s30, v6;
	v40 =	vld [tilespmem:s7+$0x60];
	[tilespmem:v49+s20+$0x0] =	vst.idx.msk $0xffff, v33  }
0xf0: {  	s16 =	sor.u32 $0xC30, s14;
	s18 =	sld [smem:$0x7EC];
	v56 =	vor.u32 s1, v6;
	[tilespmem:v58+s20+$0x0] =	vst.idx.msk $0xffff, v36;
	v33 =	vld [tilespmem:s22+$0x60]  }
0xf1: {  	v46 =	vor.u32 s29, v27;
	[tilespmem:v60+s20+$0x0] =	vst.idx.msk $0xffff, v42;
	v36 =	vld [tilespmem:s16+$0x0]  }
0xf2: {  	v48 =	vor.u32 s12, v5;
	s19 =	sld [smem:$0x7E4];
	v42 =	vld [tilespmem:s2+$0x50]  }
0xf3: {  	v59 =	vor.u32 s26, v23;
	v58 =	vld [tilespmem:s18+$0x0];
	[tilespmem:v62+s20+$0x0] =	vst.idx.msk $0xffff, v38  }
0xf4: {  	v50 =	vor.u32 s0, v6;
	[tilespmem:v54+s20+$0x0] =	vst.idx.msk $0xffff, v40;
	v38 =	vld [tilespmem:s21+$0x60]  }
0xf5: {  	v52 =	vor.u32 s15, v23;
	v51 =	vld [tilespmem:s19+$0x0];
	[tilespmem:v56+s20+$0x0] =	vst.idx.msk $0xffff, v33  }
0xf6: {  	v61 =	vor.u32 s30, v7;
	v40 =	vld [tilespmem:s7+$0x70];
	[tilespmem:v46+s20+$0x0] =	vst.idx.msk $0xffff, v36  }
0xf7: {  	s23 =	sor.u32 $0xC40, s14;
	v63 =	vor.u32 s1, v7;
	[tilespmem:v48+s20+$0x0] =	vst.idx.msk $0xffff, v42;
	v33 =	vld [tilespmem:s22+$0x70]  }
0xf8: {  	v53 =	vor.u32 s29, v28;
	[tilespmem:v59+s20+$0x0] =	vst.idx.msk $0xffff, v58;
	v36 =	vld [tilespmem:s23+$0x0];
	s23 =	sld [smem:$0x7E7]  }
0xf9: {  	v55 =	vor.u32 s12, v6;
	v42 =	vld [tilespmem:s2+$0x60];
	[tilespmem:v50+s20+$0x0] =	vst.idx.msk $0xffff, v38  }
0xfa: {  	v57 =	vor.u32 s0, v7;
	[tilespmem:v52+s20+$0x0] =	vst.idx.msk $0xffff, v51;
	v38 =	vld [tilespmem:s21+$0x70]  }
0xfb: {  	v47 =	vor.u32 s28, v24;
	v46 =	vld [tilespmem:s23+$0x0];
	[tilespmem:v61+s20+$0x0] =	vst.idx.msk $0xffff, v40  }
0xfc: {  	v49 =	vor.u32 s30, v8;
	v40 =	vld [tilespmem:s7+$0x400];
	[tilespmem:v63+s20+$0x0] =	vst.idx.msk $0xffff, v33  }
0xfd: {  	s16 =	sor.u32 $0xC50, s14;
	v51 =	vor.u32 s1, v8;
	[tilespmem:v53+s20+$0x0] =	vst.idx.msk $0xffff, v36;
	v33 =	vld [tilespmem:s22+$0x400]  }
0xfe: {  	v60 =	vor.u32 s29, v29;
	[tilespmem:v55+s20+$0x0] =	vst.idx.msk $0xffff, v42;
	v36 =	vld [tilespmem:s16+$0x0]  }
0xff: {  	[smem:$0x7E2] =	sst s25;
	s25 =	smov.u32 s8;
	v62 =	vor.u32 s12, v7;
	v42 =	vld [tilespmem:s2+$0x70];
	[tilespmem:v57+s20+$0x0] =	vst.idx.msk $0xffff, v38  }
0x100: {  	[smem:$0x7EB] =	sst s25;
	s25 =	smov.u32 s13;
	[tilespmem:v47+s20+$0x0] =	vst.idx.msk $0xffff, v46  }
0x101: {  	v45 =	vor.u32 s0, v8;
	[smem:$0x7E4] =	sst s25;
	s19 =	smov.u32 s24;
	v38 =	vld [tilespmem:s21+$0x400];
	[tilespmem:v49+s20+$0x0] =	vst.idx.msk $0xffff, v40  }
0x102: {  	[smem:$0x7EC] =	sst s19;
	v56 =	vor.u32 s30, v9;
	v40 =	vld [tilespmem:s7+$0x410];
	[tilespmem:v51+s20+$0x0] =	vst.idx.msk $0xffff, v33  }
0x103: {  	s25 =	sor.u32 $0xC60, s14;
	s19 =	sld [smem:$0x7ED];
	v58 =	vor.u32 s1, v9;
	[tilespmem:v60+s20+$0x0] =	vst.idx.msk $0xffff, v36;
	v33 =	vld [tilespmem:s22+$0x410]  }
0x104: {  	s13 =	sld [smem:$0x7E6];
	s24 =	smov.u32 s3;
	s3 =	smov.u32 s11;
	v48 =	vor.u32 s29, v30;
	[tilespmem:v62+s20+$0x0] =	vst.idx.msk $0xffff, v42;
	v36 =	vld [tilespmem:s25+$0x0]  }
0x105: {  	[smem:$0x7E7] =	sst s3;
	v50 =	vor.u32 s12, v8;
	v42 =	vld [tilespmem:s2+$0x400]  }
0x106: {  	s3 =	sld [smem:$0x7E8];
	v61 =	vor.u32 s26, v24;
	v60 =	vld [tilespmem:s19+$0x0];
	[tilespmem:v45+s20+$0x0] =	vst.idx.msk $0xffff, v38  }
0x107: {  	s8 =	sld [smem:$0x7B3];
	v52 =	vor.u32 s0, v9;
	v38 =	vld [tilespmem:s21+$0x410];
	[tilespmem:v56+s20+$0x0] =	vst.idx.msk $0xffff, v40  }
0x108: {  	v54 =	vor.u32 s15, v24;
	v53 =	vld [tilespmem:s13+$0x0];
	[tilespmem:v58+s20+$0x0] =	vst.idx.msk $0xffff, v33  }
0x109: {  	s11 =	rddreg [dreg:$0x1d];
	v63 =	vor.u32 s28, v25;
	v62 =	vld [tilespmem:s3+$0x0];
	[tilespmem:v48+s20+$0x0] =	vst.idx.msk $0xffff, v36  }
0x10a: {  	s9 =	smov.u32 s8;
	s16 =	sld [smem:$0x7B1];
	v45 =	vor.u32 s30, v10;
	v40 =	vld [tilespmem:s7+$0x420];
	[tilespmem:v50+s20+$0x0] =	vst.idx.msk $0xffff, v42  }
0x10b: {  	s14 =	sor.u32 $0xC70, s14;
	[smem:$0x7E8] =	sst s9;
	v47 =	vor.u32 s1, v10;
	v33 =	vld [tilespmem:s22+$0x420];
	[tilespmem:v61+s20+$0x0] =	vst.idx.msk $0xffff, v60  }
0x10c: {  	s9 =	rddreg [dreg:$0x19];
	v55 =	vor.u32 s29, v31;
	v36 =	vld [tilespmem:s14+$0x0];
	[tilespmem:v52+s20+$0x0] =	vst.idx.msk $0xffff, v38  }
0x10d: {  	v57 =	vor.u32 s12, v9;
	s18 =	smov.u32 s16;
	s16 =	sld [smem:$0x7EE];
	v42 =	vld [tilespmem:s2+$0x410];
	[tilespmem:v54+s20+$0x0] =	vst.idx.msk $0xffff, v53  }
0x10e: {  	s23 =	sld [smem:$0x7B2];
	s29 =	smov.u32 s0;
	[tilespmem:v63+s20+$0x0] =	vst.idx.msk $0xffff, v62  }
0x10f: {  	v59 =	vor.u32 s29, v10;
	[smem:$0x7E6] =	sst s18;
	v38 =	vld [tilespmem:s21+$0x420];
	[tilespmem:v45+s20+$0x0] =	vst.idx.msk $0xffff, v40  }
0x110: {  	s18 =	sld [smem:$0x7B5];
	v51 =	vld [tilespmem:s16+$0x0];
	v52 =	vor.u32 s26, v25;
	[tilespmem:v47+s20+$0x0] =	vst.idx.msk $0xffff, v33  }
0x111: {  	s13 =	sld [smem:$0x7B4];
	v53 =	vor.u32 s30, v11;
	[tilespmem:v55+s20+$0x0] =	vst.idx.msk $0xffff, v36;
	v40 =	vld [tilespmem:s7+$0x430]  }
0x112: {  	s25 =	smov.u32 s23;
	s23 =	rddreg [dreg:$0x12];
	[tilespmem:v57+s20+$0x0] =	vst.idx.msk $0xffff, v42;
	v33 =	vld [tilespmem:s22+$0x430];
	v55 =	vor.u32 s1, v11  }
0x113: {  	v46 =	vor.u32 s12, v10;
	[smem:$0x7ED] =	sst s25;
	v42 =	vld [tilespmem:s2+$0x420]  }
0x114: {  	s19 =	smov.u32 s18;
	s25 =	smov.u32 s6;
	s6 =	sld [smem:$0x7B6];
	v58 =	vor.u32 s28, v26;
	v57 =	vld [tilespmem:s23+$0x0];
	[tilespmem:v59+s20+$0x0] =	vst.idx.msk $0xffff, v38  }
0x115: {  	[smem:$0x7EE] =	sst s19;
	v48 =	vor.u32 s29, v11;
	[tilespmem:v52+s20+$0x0] =	vst.idx.msk $0xffff, v51;
	v38 =	vld [tilespmem:s21+$0x430]  }
0x116: {  	[dreg:$0x12] =	wrdreg s25;
	v50 =	vor.u32 s15, v25;
	v49 =	vld [tilespmem:s11+$0x0];
	[tilespmem:v53+s20+$0x0] =	vst.idx.msk $0xffff, v40  }
0x117: {  	s19 =	rddreg [dreg:$0x6];
	v61 =	vor.u32 s30, v12;
	[tilespmem:v55+s20+$0x0] =	vst.idx.msk $0xffff, v33;
	v40 =	vld [tilespmem:s7+$0x440]  }
0x118: {  	s3 =	rddreg [dreg:$0x16];
	v63 =	vor.u32 s1, v12;
	[tilespmem:v46+s20+$0x0] =	vst.idx.msk $0xffff, v42;
	v33 =	vld [tilespmem:s22+$0x440]  }
0x119: {  	s8 =	smov.u32 s6;
	s6 =	sld [smem:$0x7BA];
	v54 =	vor.u32 s12, v11;
	[tilespmem:v58+s20+$0x0] =	vst.idx.msk $0xffff, v57;
	v42 =	vld [tilespmem:s2+$0x430]  }
0x11a: {  	s14 =	smov.u32 s13;
	s16 =	sld [smem:$0x7B8];
	v47 =	vor.u32 s26, v26;
	v46 =	vld [tilespmem:s9+$0x0];
	[tilespmem:v48+s20+$0x0] =	vst.idx.msk $0xffff, v38  }
0x11b: {  	v56 =	vor.u32 s29, v12;
	[dreg:$0x1d] =	wrdreg s14;
	[tilespmem:v50+s20+$0x0] =	vst.idx.msk $0xffff, v49;
	v38 =	vld [tilespmem:s21+$0x440]  }
0x11c: {  	v60 =	vor.u32 s15, v26;
	s14 =	rddreg [dreg:$0xa];
	v59 =	vld [tilespmem:s3+$0x0];
	[tilespmem:v61+s20+$0x0] =	vst.idx.msk $0xffff, v40  }
0x11d: {  	[dreg:$0x16] =	wrdreg s8;
	v49 =	vor.u32 s28, v27;
	[tilespmem:v63+s20+$0x0] =	vst.idx.msk $0xffff, v33;
	v48 =	vld [tilespmem:s14+$0x0]  }
0x11e: {  	s18 =	smov.u32 s16;
	s16 =	sld [smem:$0x7BC];
	v52 =	vor.u32 s1, v13;
	[tilespmem:v54+s20+$0x0] =	vst.idx.msk $0xffff, v42;
	v33 =	vld [tilespmem:s22+$0x450]  }
0x11f: {  	v62 =	vor.u32 s12, v12;
	[dreg:$0xa] =	wrdreg s18;
	[tilespmem:v47+s20+$0x0] =	vst.idx.msk $0xffff, v46;
	v42 =	vld [tilespmem:s2+$0x440]  }
0x120: {  	s18 =	sld [smem:$0x7BD];
	v50 =	vor.u32 s30, v13;
	v40 =	vld [tilespmem:s7+$0x450];
	[tilespmem:v56+s20+$0x0] =	vst.idx.msk $0xffff, v38  }
0x121: {  	v45 =	vor.u32 s29, v13;
	s23 =	sld [smem:$0x7B9];
	[tilespmem:v60+s20+$0x0] =	vst.idx.msk $0xffff, v59;
	v38 =	vld [tilespmem:s21+$0x450]  }
0x122: {  	s3 =	rddreg [dreg:$0xf];
	[tilespmem:v49+s20+$0x0] =	vst.idx.msk $0xffff, v48  }
0x123: {  	s11 =	sld [smem:$0x7B7];
	v57 =	vor.u32 s26, v27;
	v56 =	vld [tilespmem:s3+$0x0];
	[tilespmem:v52+s20+$0x0] =	vst.idx.msk $0xffff, v33  }
0x124: {  	s25 =	smov.u32 s23;
	s23 =	sld [smem:$0x7C1];
	v60 =	vor.u32 s1, v14;
	[tilespmem:v62+s20+$0x0] =	vst.idx.msk $0xffff, v42;
	v33 =	vld [tilespmem:s22+$0x460]  }
0x125: {  	v51 =	vor.u32 s12, v13;
	[dreg:$0x6] =	wrdreg s25;
	[tilespmem:v50+s20+$0x0] =	vst.idx.msk $0xffff, v40;
	v42 =	vld [tilespmem:s2+$0x450]  }
0x126: {  	s13 =	smov.u32 s11;
	s11 =	sld [smem:$0x7E9];
	v58 =	vor.u32 s30, v14;
	[tilespmem:v45+s20+$0x0] =	vst.idx.msk $0xffff, v38;
	v40 =	vld [tilespmem:s7+$0x460]  }
0x127: {  	s25 =	smov.u32 s18;
	s18 =	sld [smem:$0x7CA];
	v53 =	vor.u32 s29, v14;
	v38 =	vld [tilespmem:s21+$0x460]  }
0x128: {  	[dreg:$0x19] =	wrdreg s13;
	v55 =	vor.u32 s15, v27;
	[tilespmem:v57+s20+$0x0] =	vst.idx.msk $0xffff, v56;
	v54 =	vld [tilespmem:s19+$0x0]  }
0x129: {  	s13 =	sld [smem:$0x7BB];
	v63 =	vor.u32 s28, v28;
	v62 =	vld [tilespmem:s11+$0x0];
	[tilespmem:v60+s20+$0x0] =	vst.idx.msk $0xffff, v33  }
0x12a: {  	s9 =	sld [smem:$0x7EF];
	v49 =	vor.u32 s1, v15;
	[tilespmem:v51+s20+$0x0] =	vst.idx.msk $0xffff, v42;
	v33 =	vld [tilespmem:s22+$0x470]  }
0x12b: {  	s8 =	smov.u32 s6;
	v59 =	vor.u32 s12, v14;
	s19 =	sld [smem:$0x7BE];
	[tilespmem:v58+s20+$0x0] =	vst.idx.msk $0xffff, v40;
	v42 =	vld [tilespmem:s2+$0x460]  }
0x12c: {  	[dreg:$0xf] =	wrdreg s8;
	v47 =	vor.u32 s30, v15;
	[tilespmem:v53+s20+$0x0] =	vst.idx.msk $0xffff, v38;
	v40 =	vld [tilespmem:s7+$0x470]  }
0x12d: {  	s0 =	sadd.s32 $0x2, s9;
	v61 =	vor.u32 s29, v15;
	[tilespmem:v55+s20+$0x0] =	vst.idx.msk $0xffff, v54;
	s7 =	sld [smem:$0x7C4];
	v38 =	vld [tilespmem:s21+$0x470]  }
0x12e: {  	[smem:$0x7EF] =	sst s0;
	s0 =	sand.u32 $0x3, s0;
	v51 =	vld [tilespmem:s19+$0x0];
	[tilespmem:v63+s20+$0x0] =	vst.idx.msk $0xffff, v62  }
0x12f: {  	s0 =	sshll.u32 s0, $0x8;
	s14 =	smov.u32 s13;
	v52 =	vor.u32 s26, v28;
	s22 =	sld [smem:$0x7C0];
	v45 =	vld [tilespmem:s16+$0x0];
	[tilespmem:v49+s20+$0x0] =	vst.idx.msk $0xffff, v33  }
0x130: {  	v46 =	vor.u32 s15, v28;
	s0 =	sadd.s32 s10, s0;
	[smem:$0x7E9] =	sst s14;
	[tilespmem:v59+s20+$0x0] =	vst.idx.msk $0xffff, v42;
	v33 =	vld [tilespmem:s7+$0x0]  }
0x131: {  	s14 =	sadd.s32 $0x100, s0;
	v48 =	vor.u32 s12, v15;
	[tilespmem:v47+s20+$0x0] =	vst.idx.msk $0xffff, v40;
	v42 =	vld [tilespmem:s2+$0x470];
	s2 =	sld [smem:$0x7C2]  }
0x132: {  	s8 =	sld [smem:$0x7C5];
	s0 =	sor.u32 $0x800, s14;
	v54 =	vor.u32 s28, v29;
	[tilespmem:v61+s20+$0x0] =	vst.idx.msk $0xffff, v38;
	v53 =	vld [tilespmem:s22+$0x0]  }
0x133: {  	s9 =	sld [smem:$0x7C6];
	v50 =	vor.u32 s29, v16;
	v38 =	vld [tilespmem:s0+$0x0]  }
0x134: {  	s11 =	sld [smem:$0x7C7];
	v55 =	vor.u32 s30, v16;
	[tilespmem:v52+s20+$0x0] =	vst.idx.msk $0xffff, v51;
	v40 =	vld [tilespmem:s2+$0x0]  }
0x135: {  	s3 =	sld [smem:$0x7C3];
	[tilespmem:v46+s20+$0x0] =	vst.idx.msk $0xffff, v45  }
0x136: {  	s13 =	sld [smem:$0x7C8];
	v57 =	vor.u32 s1, v16;
	[tilespmem:v48+s20+$0x0] =	vst.idx.msk $0xffff, v42  }
0x137: {  	v62 =	vor.u32 s26, v29;
	s16 =	sld [smem:$0x7C9];
	v61 =	vld [tilespmem:s11+$0x0];
	[tilespmem:v54+s20+$0x0] =	vst.idx.msk $0xffff, v53  }
0x138: {  	s6 =	sor.u32 $0x810, s14;
	v56 =	vor.u32 s12, v16;
	s21 =	sld [smem:$0x7BF];
	v42 =	vld [tilespmem:s3+$0x0];
	[tilespmem:v50+s20+$0x0] =	vst.idx.msk $0xffff, v38  }
0x139: {  	v58 =	vor.u32 s29, v17;
	s3 =	sld [smem:$0x7CB];
	v38 =	vld [tilespmem:s6+$0x0];
	[tilespmem:v55+s20+$0x0] =	vst.idx.msk $0xffff, v40  }
0x13a: {  	v63 =	vor.u32 s30, v17;
	s6 =	sld [smem:$0x7CC];
	v40 =	vld [tilespmem:s16+$0x0]  }
0x13b: {  	v60 =	vor.u32 s15, v29;
	s31 =	smov.u32 s21;
	s21 =	smov.u32 s9;
	s9 =	sld [smem:$0x7CF];
	[tilespmem:v57+s20+$0x0] =	vst.idx.msk $0xffff, v33;
	v59 =	vld [tilespmem:s8+$0x0]  }
0x13c: {  	s7 =	sld [smem:$0x7CD];
	v46 =	vor.u32 s1, v17;
	v33 =	vld [tilespmem:s3+$0x0];
	[tilespmem:v62+s20+$0x0] =	vst.idx.msk $0xffff, v61  }
0x13d: {  	v49 =	vor.u32 s28, v30;
	s11 =	sld [smem:$0x7D0];
	v48 =	vld [tilespmem:s6+$0x0];
	[tilespmem:v56+s20+$0x0] =	vst.idx.msk $0xffff, v42  }
0x13e: {  	s19 =	sor.u32 $0x820, s14;
	v45 =	vor.u32 s12, v17;
	s8 =	sld [smem:$0x7CE];
	v42 =	vld [tilespmem:s18+$0x0];
	[tilespmem:v58+s20+$0x0] =	vst.idx.msk $0xffff, v38  }
0x13f: {  	v47 =	vor.u32 s29, v18;
	s3 =	sld [smem:$0x7D2];
	v38 =	vld [tilespmem:s19+$0x0];
	[tilespmem:v63+s20+$0x0] =	vst.idx.msk $0xffff, v40  }
0x140: {  	v52 =	vor.u32 s30, v18;
	s6 =	sld [smem:$0x7D3];
	[tilespmem:v60+s20+$0x0] =	vst.idx.msk $0xffff, v59;
	v40 =	vld [tilespmem:s11+$0x0]  }
0x141: {  	s22 =	smov.u32 s23;
	s23 =	smov.u32 s13;
	s13 =	sld [smem:$0x7D1];
	v50 =	vld [tilespmem:s8+$0x0];
	[tilespmem:v46+s20+$0x0] =	vst.idx.msk $0xffff, v33  }
0x142: {  	s2 =	sld [smem:$0x7D8];
	v54 =	vor.u32 s1, v18;
	v33 =	vld [tilespmem:s3+$0x0];
	[tilespmem:v49+s20+$0x0] =	vst.idx.msk $0xffff, v48  }
0x143: {  	v51 =	vor.u32 s15, v30;
	s8 =	sld [smem:$0x7D5];
	v56 =	vld [tilespmem:s6+$0x0];
	[tilespmem:v45+s20+$0x0] =	vst.idx.msk $0xffff, v42  }
0x144: {  	v53 =	vor.u32 s12, v18;
	s19 =	sor.u32 $0x830, s14;
	v42 =	vld [tilespmem:s13+$0x0];
	[tilespmem:v47+s20+$0x0] =	vst.idx.msk $0xffff, v38;
	s13 =	sld [smem:$0x7D7]  }
0x145: {  	v57 =	vor.u32 s26, v30;
	s6 =	sld [smem:$0x7D9];
	v38 =	vld [tilespmem:s19+$0x0];
	[tilespmem:v52+s20+$0x0] =	vst.idx.msk $0xffff, v40  }
0x146: {  	v55 =	vor.u32 s29, v19;
	s16 =	smov.u32 s7;
	s7 =	sld [smem:$0x7D4];
	v58 =	vld [tilespmem:s8+$0x0]  }
0x147: {  	s18 =	smov.u32 s9;
	v59 =	vor.u32 s28, v31;
	s9 =	sld [smem:$0x7D6];
	[tilespmem:v54+s20+$0x0] =	vst.idx.msk $0xffff, v33;
	v40 =	vld [tilespmem:s13+$0x0]  }
0x148: {  	s28 =	smov.u32 s30;
	v45 =	vor.u32 s1, v19;
	[tilespmem:v51+s20+$0x0] =	vst.idx.msk $0xffff, v50;
	v44 =	vld [tilespmem:s6+$0x0];
	s13 =	sld [smem:$0x7DC]  }
0x149: {  	p3 =	slt.u32 s4, $0xC;
	s5 =	sadd.s32 $0x4, s5;
	v60 =	vor.u32 s28, v19;
	s8 =	sld [smem:$0x7DB];
	[tilespmem:v53+s20+$0x0] =	vst.idx.msk $0xffff, v42  }
0x14a: {  	p2 =	por !p2, !p2;
	v61 =	vor.u32 s12, v19;
	s19 =	smov.u32 s7;
	s7 =	sld [smem:$0x7DA];
	[tilespmem:v57+s20+$0x0] =	vst.idx.msk $0xffff, v56;
	v42 =	vld [tilespmem:s2+$0x0]  }
0x14b: {  	s17 =	sadd.s32 $0x200, s17;
	v63 =	vor.u32 s26, v31;
	s26 =	sld [smem:$0x7DD];
	s3 =	sor.u32 $0x840, s14;
	[tilespmem:v55+s20+$0x0] =	vst.idx.msk $0xffff, v38;
	v62 =	vld [tilespmem:s13+$0x0]  }
0x14c: {  	s11 =	smov.u32 s9;
	v47 =	vor.u32 s29, v20;
	s9 =	smov.u32 s8;
	s8 =	sld [smem:$0x7E0];
	v46 =	vld [tilespmem:s3+$0x0];
	[tilespmem:v59+s20+$0x0] =	vst.idx.msk $0xffff, v58  }
0x14d: {  	s10 =	sadd.s32 $0x800, s10;
	s0 =	sadd.s32 $0xFFFFFF80, s17;
	v49 =	vor.u32 s15, v31;
	v48 =	vld [tilespmem:s7+$0x0];
	s3 =	sld [smem:$0x7DF];
	[tilespmem:v45+s20+$0x0] =	vst.idx.msk $0xffff, v44  }
.Ltmp2:
0x14e: {  	s30 =	smov.u32 s4;
	s2 =	sld [smem:$0x7DE];
	[tilespmem:v60+s20+$0x0] =	vst.idx.msk $0xffff, v40;
	(pc) =	sbr.rel @p3 .LBB2_3-.Ltmp2, $4  }
0x14f: {  	s15 =	smov.u32 s12;
	s12 =	sadd.s32 $0x1, s4;
	s6 =	sand.u32 $0x7, s5;
	v32 =	vld [tilespmem:s8+$0x0];
	[tilespmem:v61+s20+$0x0] =	vst.idx.msk $0xffff, v42  }
0x150: {  	s13 =	smov.u32 s26;
	s26 =	smov.u32 s1;
	[tilespmem:v63+s20+$0x0] =	vst.idx.msk $0xffff, v62;
	v33 =	vld [tilespmem:s3+$0x0];
	s3 =	simm.s32 $0x1  }
0x151: {  	v37 =	vor.u32 s29, v21;
	v39 =	vor.u32 s15, v20;
	s1 =	sadd.s32 $0x3, s4;
	s7 =	sor.u32 $0x850, s14;
	v34 =	vld [tilespmem:s2+$0x0];
	[tilespmem:v47+s20+$0x0] =	vst.idx.msk $0xffff, v46;
	s3 =	simm.s32 @!p2 $0x0  }
0x152: {  	v38 =	vor.u32 s28, v20;
	s4 =	sadd.s32 $0x4, s4;
	v35 =	vor.u32 s26, v20;
	s2 =	sshll.u32 s6, $0x7;
	[tilespmem:v49+s20+$0x0] =	vst.idx.msk $0xffff, v48;
	v36 =	vld [tilespmem:s7+$0x0];
	s6 =	sshll.u32 s3, $0x9  }
0x153: {  	_ =	sdelay $0x3  }
0x154: {  	[tilespmem:v39+s20+$0x0] =	vst.idx.msk $0xffff, v33  }
0x155: {  	s0 =	sand.u32 $0x300, s0;
	s5 =	sand.u32 $0x1000, s10;
	[tilespmem:v38+s20+$0x0] =	vst.idx.msk $0xffff, v34  }
0x156: {  	s3 =	sadd.s32 $0x2, s30;
	s0 =	sor.u32 s0, s5;
	s7 =	sld [smem:$0x7E1]  }
0x157: {  	s4 =	sadd.s32 $0xFFFFFE80, s17;
	v52 =	vor.u32 s3, v0;
	v53 =	vld [tilespmem:s0+$0x0]  }
0x158: {  	v51 =	vor.u32 s28, v21;
	s8 =	sadd.s32 $0xFFFFFF00, s17;
	s4 =	sand.u32 $0x200, s4;
	v34 =	vld [tilespmem:s24+$0x0]  }
0x159: {  	v41 =	vor.u32 s15, v21;
	s4 =	sor.u32 s4, s5;
	v40 =	vld [tilespmem:s7+$0x0];
	s7 =	sand.u32 $0x280, s8  }
0x15a: {  	v55 =	vor.u32 s30, v0;
	v42 =	vld [tilespmem:s4+$0x0];
	[tilespmem:v37+s20+$0x0] =	vst.idx.msk $0xffff, v36;
	s8 =	sand.u32 $0x380, s17;
	s7 =	sor.u32 s7, s5  }
0x15b: {  	v56 =	vor.u32 s12, v0;
	[tilespmem:v35+s20+$0x0] =	vst.idx.msk $0xffff, v32;
	s5 =	sor.u32 s8, s5;
	v57 =	vld [tilespmem:s7+$0x0]  }
0x15c: {  	v58 =	vor.u32 s1, v0;
	[tilespmem:v52+s20+$0x0] =	vst.idx.msk $0xffff, v53;
	v43 =	vld [tilespmem:s5+$0x0]  }
0x15d: {  	s24 =	sor.u32 $0x860, s14;
	[tilespmem:v51+s20+$0x0] =	vst.idx.msk $0xffff, v34  }
0x15e: {  	v36 =	vld [tilespmem:s24+$0x0];
	[tilespmem:v41+s20+$0x0] =	vst.idx.msk $0xffff, v40  }
0x15f: {  	v60 =	vor.u32 s3, v1;
	v59 =	vld [tilespmem:s0+$0x10];
	s24 =	sld [smem:$0x7EA];
	[tilespmem:v55+s20+$0x0] =	vst.idx.msk $0xffff, v42  }
0x160: {  	v62 =	vor.u32 s30, v1;
	v61 =	vld [tilespmem:s4+$0x10];
	[tilespmem:v56+s20+$0x0] =	vst.idx.msk $0xffff, v57  }
0x161: {  	v63 =	vor.u32 s12, v1;
	[tilespmem:v58+s20+$0x0] =	vst.idx.msk $0xffff, v43;
	v34 =	vld [tilespmem:s7+$0x10]  }
0x162: {  	v44 =	vor.u32 s1, v1;
	v39 =	vld [tilespmem:s5+$0x10];
	_ =	sdelay $0x1  }
0x163: {  	[tilespmem:v60+s20+$0x0] =	vst.idx.msk $0xffff, v59  }
0x164: {  	v45 =	vor.u32 s3, v2;
	v35 =	vld [tilespmem:s0+$0x20];
	[tilespmem:v62+s20+$0x0] =	vst.idx.msk $0xffff, v61  }
0x165: {  	v46 =	vor.u32 s30, v2;
	v37 =	vld [tilespmem:s4+$0x20];
	[tilespmem:v63+s20+$0x0] =	vst.idx.msk $0xffff, v34  }
0x166: {  	v47 =	vor.u32 s12, v2;
	[tilespmem:v44+s20+$0x0] =	vst.idx.msk $0xffff, v39;
	v34 =	vld [tilespmem:s7+$0x20]  }
0x167: {  	v48 =	vor.u32 s1, v2;
	v39 =	vld [tilespmem:s5+$0x20];
	_ =	sdelay $0x1  }
0x168: {  	v54 =	vor.u32 s29, v22;
	[tilespmem:v45+s20+$0x0] =	vst.idx.msk $0xffff, v35  }
0x169: {  	v49 =	vor.u32 s3, v3;
	v35 =	vld [tilespmem:s0+$0x30];
	[tilespmem:v46+s20+$0x0] =	vst.idx.msk $0xffff, v37  }
0x16a: {  	v50 =	vor.u32 s30, v3;
	v37 =	vld [tilespmem:s4+$0x30];
	[tilespmem:v47+s20+$0x0] =	vst.idx.msk $0xffff, v34  }
0x16b: {  	v51 =	vor.u32 s12, v3;
	[tilespmem:v48+s20+$0x0] =	vst.idx.msk $0xffff, v39;
	v34 =	vld [tilespmem:s7+$0x30]  }
0x16c: {  	v52 =	vor.u32 s1, v3;
	v39 =	vld [tilespmem:s5+$0x30]  }
0x16d: {  	[tilespmem:v54+s20+$0x0] =	vst.idx.msk $0xffff, v36  }
0x16e: {  	[tilespmem:v49+s20+$0x0] =	vst.idx.msk $0xffff, v35  }
0x16f: {  	v53 =	vor.u32 s3, v4;
	v35 =	vld [tilespmem:s0+$0x40];
	[tilespmem:v50+s20+$0x0] =	vst.idx.msk $0xffff, v37  }
0x170: {  	v54 =	vor.u32 s30, v4;
	v37 =	vld [tilespmem:s4+$0x40];
	[tilespmem:v51+s20+$0x0] =	vst.idx.msk $0xffff, v34  }
0x171: {  	v55 =	vor.u32 s12, v4;
	[tilespmem:v52+s20+$0x0] =	vst.idx.msk $0xffff, v39;
	v34 =	vld [tilespmem:s7+$0x40]  }
0x172: {  	v56 =	vor.u32 s1, v4;
	v39 =	vld [tilespmem:s5+$0x40];
	_ =	sdelay $0x1  }
0x173: {  	[tilespmem:v53+s20+$0x0] =	vst.idx.msk $0xffff, v35  }
0x174: {  	v57 =	vor.u32 s3, v5;
	v35 =	vld [tilespmem:s0+$0x50];
	[tilespmem:v54+s20+$0x0] =	vst.idx.msk $0xffff, v37  }
0x175: {  	v58 =	vor.u32 s30, v5;
	v37 =	vld [tilespmem:s4+$0x50];
	[tilespmem:v55+s20+$0x0] =	vst.idx.msk $0xffff, v34  }
0x176: {  	v59 =	vor.u32 s12, v5;
	[tilespmem:v56+s20+$0x0] =	vst.idx.msk $0xffff, v39;
	v34 =	vld [tilespmem:s7+$0x50]  }
0x177: {  	v60 =	vor.u32 s1, v5;
	v39 =	vld [tilespmem:s5+$0x50];
	_ =	sdelay $0x1  }
0x178: {  	[tilespmem:v57+s20+$0x0] =	vst.idx.msk $0xffff, v35  }
0x179: {  	v61 =	vor.u32 s3, v6;
	v35 =	vld [tilespmem:s0+$0x60];
	[tilespmem:v58+s20+$0x0] =	vst.idx.msk $0xffff, v37  }
0x17a: {  	v62 =	vor.u32 s30, v6;
	v37 =	vld [tilespmem:s4+$0x60];
	[tilespmem:v59+s20+$0x0] =	vst.idx.msk $0xffff, v34  }
0x17b: {  	v63 =	vor.u32 s12, v6;
	[tilespmem:v60+s20+$0x0] =	vst.idx.msk $0xffff, v39;
	v34 =	vld [tilespmem:s7+$0x60]  }
0x17c: {  	s17 =	sor.u32 $0x870, s14;
	v44 =	vor.u32 s1, v6;
	v39 =	vld [tilespmem:s5+$0x60]  }
0x17d: {  	v33 =	vld [tilespmem:s17+$0x0]  }
0x17e: {  	v32 =	vld [tilespmem:s24+$0x0];
	[tilespmem:v61+s20+$0x0] =	vst.idx.msk $0xffff, v35  }
0x17f: {  	v45 =	vor.u32 s3, v7;
	v35 =	vld [tilespmem:s0+$0x70];
	[tilespmem:v62+s20+$0x0] =	vst.idx.msk $0xffff, v37  }
0x180: {  	v46 =	vor.u32 s30, v7;
	v37 =	vld [tilespmem:s4+$0x70];
	[tilespmem:v63+s20+$0x0] =	vst.idx.msk $0xffff, v34  }
0x181: {  	v47 =	vor.u32 s12, v7;
	[tilespmem:v44+s20+$0x0] =	vst.idx.msk $0xffff, v39;
	v34 =	vld [tilespmem:s7+$0x70]  }
0x182: {  	v48 =	vor.u32 s1, v7;
	v39 =	vld [tilespmem:s5+$0x70];
	_ =	sdelay $0x1  }
0x183: {  	[tilespmem:v45+s20+$0x0] =	vst.idx.msk $0xffff, v35  }
0x184: {  	v49 =	vor.u32 s3, v8;
	v35 =	vld [tilespmem:s0+$0x400];
	[tilespmem:v46+s20+$0x0] =	vst.idx.msk $0xffff, v37  }
0x185: {  	v50 =	vor.u32 s30, v8;
	v37 =	vld [tilespmem:s4+$0x400];
	[tilespmem:v47+s20+$0x0] =	vst.idx.msk $0xffff, v34  }
0x186: {  	v51 =	vor.u32 s12, v8;
	[tilespmem:v48+s20+$0x0] =	vst.idx.msk $0xffff, v39;
	v34 =	vld [tilespmem:s7+$0x400]  }
0x187: {  	v52 =	vor.u32 s1, v8;
	v39 =	vld [tilespmem:s5+$0x400];
	_ =	sdelay $0x1  }
0x188: {  	[tilespmem:v49+s20+$0x0] =	vst.idx.msk $0xffff, v35  }
0x189: {  	v53 =	vor.u32 s3, v9;
	v35 =	vld [tilespmem:s0+$0x410];
	[tilespmem:v50+s20+$0x0] =	vst.idx.msk $0xffff, v37  }
0x18a: {  	v54 =	vor.u32 s30, v9;
	v37 =	vld [tilespmem:s4+$0x410];
	[tilespmem:v51+s20+$0x0] =	vst.idx.msk $0xffff, v34  }
0x18b: {  	v55 =	vor.u32 s12, v9;
	[tilespmem:v52+s20+$0x0] =	vst.idx.msk $0xffff, v39;
	v34 =	vld [tilespmem:s7+$0x410]  }
0x18c: {  	v56 =	vor.u32 s1, v9;
	v39 =	vld [tilespmem:s5+$0x410];
	_ =	sdelay $0x1  }
0x18d: {  	[tilespmem:v53+s20+$0x0] =	vst.idx.msk $0xffff, v35  }
0x18e: {  	v57 =	vor.u32 s3, v10;
	v35 =	vld [tilespmem:s0+$0x420];
	[tilespmem:v54+s20+$0x0] =	vst.idx.msk $0xffff, v37  }
0x18f: {  	v58 =	vor.u32 s30, v10;
	v37 =	vld [tilespmem:s4+$0x420];
	[tilespmem:v55+s20+$0x0] =	vst.idx.msk $0xffff, v34  }
0x190: {  	v59 =	vor.u32 s12, v10;
	[tilespmem:v56+s20+$0x0] =	vst.idx.msk $0xffff, v39;
	v34 =	vld [tilespmem:s7+$0x420]  }
0x191: {  	v60 =	vor.u32 s1, v10;
	v39 =	vld [tilespmem:s5+$0x420];
	_ =	sdelay $0x1  }
0x192: {  	v46 =	vor.u32 s26, v21;
	[tilespmem:v57+s20+$0x0] =	vst.idx.msk $0xffff, v35  }
0x193: {  	v61 =	vor.u32 s3, v11;
	v35 =	vld [tilespmem:s0+$0x430];
	[tilespmem:v58+s20+$0x0] =	vst.idx.msk $0xffff, v37  }
0x194: {  	v62 =	vor.u32 s30, v11;
	v37 =	vld [tilespmem:s4+$0x430];
	[tilespmem:v59+s20+$0x0] =	vst.idx.msk $0xffff, v34  }
0x195: {  	v63 =	vor.u32 s12, v11;
	[tilespmem:v60+s20+$0x0] =	vst.idx.msk $0xffff, v39;
	v34 =	vld [tilespmem:s7+$0x430]  }
0x196: {  	v45 =	vor.u32 s1, v11;
	v39 =	vld [tilespmem:s5+$0x430]  }
0x197: {  	[tilespmem:v46+s20+$0x0] =	vst.idx.msk $0xffff, v32  }
0x198: {  	[tilespmem:v61+s20+$0x0] =	vst.idx.msk $0xffff, v35  }
0x199: {  	[tilespmem:v62+s20+$0x0] =	vst.idx.msk $0xffff, v37  }
0x19a: {  	v47 =	vor.u32 s29, v23;
	[tilespmem:v63+s20+$0x0] =	vst.idx.msk $0xffff, v34  }
0x19b: {  	v48 =	vor.u32 s3, v12;
	v35 =	vld [tilespmem:s0+$0x440];
	[tilespmem:v45+s20+$0x0] =	vst.idx.msk $0xffff, v39  }
0x19c: {  	v49 =	vor.u32 s30, v12;
	v37 =	vld [tilespmem:s4+$0x440];
	s24 =	sld [smem:$0x7E3]  }
0x19d: {  	v50 =	vor.u32 s12, v12;
	v34 =	vld [tilespmem:s7+$0x440]  }
0x19e: {  	v52 =	vor.u32 s1, v12;
	v51 =	vld [tilespmem:s5+$0x440]  }
0x19f: {  	v54 =	vor.u32 s28, v22;
	[tilespmem:v47+s20+$0x0] =	vst.idx.msk $0xffff, v33;
	v53 =	vld [tilespmem:s24+$0x0]  }
0x1a0: {  	[tilespmem:v48+s20+$0x0] =	vst.idx.msk $0xffff, v35  }
0x1a1: {  	[tilespmem:v49+s20+$0x0] =	vst.idx.msk $0xffff, v37  }
0x1a2: {  	s17 =	sor.u32 $0xC00, s14;
	[tilespmem:v50+s20+$0x0] =	vst.idx.msk $0xffff, v34  }
0x1a3: {  	v55 =	vor.u32 s29, v24;
	v33 =	vld [tilespmem:s17+$0x0];
	[tilespmem:v52+s20+$0x0] =	vst.idx.msk $0xffff, v51  }
0x1a4: {  	v56 =	vor.u32 s3, v13;
	v35 =	vld [tilespmem:s0+$0x450];
	[tilespmem:v54+s20+$0x0] =	vst.idx.msk $0xffff, v53  }
0x1a5: {  	v57 =	vor.u32 s30, v13;
	v37 =	vld [tilespmem:s4+$0x450];
	s24 =	sld [smem:$0x7E2]  }
0x1a6: {  	v58 =	vor.u32 s12, v13;
	v34 =	vld [tilespmem:s7+$0x450]  }
0x1a7: {  	v59 =	vor.u32 s1, v13;
	v32 =	vld [tilespmem:s5+$0x450]  }
0x1a8: {  	v61 =	vor.u32 s15, v22;
	[tilespmem:v55+s20+$0x0] =	vst.idx.msk $0xffff, v33;
	v60 =	vld [tilespmem:s24+$0x0]  }
0x1a9: {  	[tilespmem:v56+s20+$0x0] =	vst.idx.msk $0xffff, v35  }
0x1aa: {  	[tilespmem:v57+s20+$0x0] =	vst.idx.msk $0xffff, v37  }
0x1ab: {  	s17 =	sor.u32 $0xC10, s14;
	[tilespmem:v58+s20+$0x0] =	vst.idx.msk $0xffff, v34  }
0x1ac: {  	v62 =	vor.u32 s29, v25;
	v33 =	vld [tilespmem:s17+$0x0];
	[tilespmem:v59+s20+$0x0] =	vst.idx.msk $0xffff, v32  }
0x1ad: {  	v63 =	vor.u32 s3, v14;
	v35 =	vld [tilespmem:s0+$0x460];
	[tilespmem:v61+s20+$0x0] =	vst.idx.msk $0xffff, v60  }
0x1ae: {  	v45 =	vor.u32 s30, v14;
	v37 =	vld [tilespmem:s4+$0x460];
	s24 =	sld [smem:$0x7EB]  }
0x1af: {  	v46 =	vor.u32 s12, v14;
	v34 =	vld [tilespmem:s7+$0x460]  }
0x1b0: {  	v47 =	vor.u32 s1, v14;
	v32 =	vld [tilespmem:s5+$0x460]  }
0x1b1: {  	v49 =	vor.u32 s26, v22;
	[tilespmem:v62+s20+$0x0] =	vst.idx.msk $0xffff, v33;
	v48 =	vld [tilespmem:s24+$0x0]  }
0x1b2: {  	[tilespmem:v63+s20+$0x0] =	vst.idx.msk $0xffff, v35  }
0x1b3: {  	s24 =	sld [smem:$0x7EF];
	[tilespmem:v45+s20+$0x0] =	vst.idx.msk $0xffff, v37  }
0x1b4: {  	s17 =	sor.u32 $0xC20, s14;
	[tilespmem:v46+s20+$0x0] =	vst.idx.msk $0xffff, v34  }
0x1b5: {  	v51 =	vor.u32 s29, v26;
	v50 =	vld [tilespmem:s17+$0x0];
	[tilespmem:v47+s20+$0x0] =	vst.idx.msk $0xffff, v32  }
0x1b6: {  	v52 =	vor.u32 s3, v15;
	v35 =	vld [tilespmem:s0+$0x470];
	[tilespmem:v49+s20+$0x0] =	vst.idx.msk $0xffff, v48  }
0x1b7: {  	v53 =	vor.u32 s30, v15;
	v37 =	vld [tilespmem:s4+$0x470];
	s8 =	sld [smem:$0x7E5]  }
0x1b8: {  	v54 =	vor.u32 s12, v15;
	v34 =	vld [tilespmem:s7+$0x470]  }
0x1b9: {  	v55 =	vor.u32 s1, v15;
	v32 =	vld [tilespmem:s5+$0x470];
	s0 =	sadd.s32 $0x2, s24  }
0x1ba: {  	v57 =	vor.u32 s28, v23;
	s0 =	sand.u32 $0x3, s0;
	[tilespmem:v51+s20+$0x0] =	vst.idx.msk $0xffff, v50;
	v56 =	vld [tilespmem:s8+$0x0]  }
0x1bb: {  	s0 =	sshll.u32 s0, $0x8;
	[tilespmem:v52+s20+$0x0] =	vst.idx.msk $0xffff, v35  }
0x1bc: {  	s0 =	sadd.s32 s10, s0;
	[tilespmem:v53+s20+$0x0] =	vst.idx.msk $0xffff, v37  }
0x1bd: {  	s17 =	sor.u32 $0xC30, s14;
	[tilespmem:v54+s20+$0x0] =	vst.idx.msk $0xffff, v34;
	s0 =	sadd.s32 $0x100, s0  }
0x1be: {  	v58 =	vor.u32 s29, v27;
	s24 =	sadd.s32 s10, s2;
	s2 =	sadd.s32 s6, s10;
	[tilespmem:v55+s20+$0x0] =	vst.idx.msk $0xffff, v32;
	v42 =	vld [tilespmem:s17+$0x0];
	s5 =	sor.u32 $0x800, s0  }
0x1bf: {  	v59 =	vor.u32 s3, v16;
	s6 =	sor.u32 $0x800, s2;
	s4 =	sadd.s32 $0x180, s24;
	v35 =	vld [tilespmem:s5+$0x0];
	[tilespmem:v57+s20+$0x0] =	vst.idx.msk $0xffff, v56  }
0x1c0: {  	v60 =	vor.u32 s30, v16;
	v37 =	vld [tilespmem:s6+$0x0];
	s5 =	sadd.s32 $0x80, s24;
	s8 =	sor.u32 $0x800, s4;
	s10 =	sld [smem:$0x7E4]  }
0x1c1: {  	v62 =	vor.u32 s1, v16;
	s7 =	sor.u32 $0x800, s5;
	v32 =	vld [tilespmem:s8+$0x0]  }
0x1c2: {  	v61 =	vor.u32 s12, v16;
	v34 =	vld [tilespmem:s7+$0x0]  }
0x1c3: {  	v45 =	vor.u32 s15, v23;
	[tilespmem:v58+s20+$0x0] =	vst.idx.msk $0xffff, v42;
	v63 =	vld [tilespmem:s10+$0x0]  }
0x1c4: {  	[tilespmem:v59+s20+$0x0] =	vst.idx.msk $0xffff, v35  }
0x1c5: {  	[tilespmem:v60+s20+$0x0] =	vst.idx.msk $0xffff, v37  }
0x1c6: {  	s17 =	sor.u32 $0xC40, s14;
	[tilespmem:v62+s20+$0x0] =	vst.idx.msk $0xffff, v32  }
0x1c7: {  	v46 =	vor.u32 s29, v28;
	s24 =	sor.u32 $0x810, s0;
	v42 =	vld [tilespmem:s17+$0x0];
	[tilespmem:v61+s20+$0x0] =	vst.idx.msk $0xffff, v34  }
0x1c8: {  	v47 =	vor.u32 s3, v17;
	s7 =	sor.u32 $0x810, s2;
	v35 =	vld [tilespmem:s24+$0x0];
	[tilespmem:v45+s20+$0x0] =	vst.idx.msk $0xffff, v63  }
0x1c9: {  	v48 =	vor.u32 s30, v17;
	s8 =	sor.u32 $0x810, s5;
	v37 =	vld [tilespmem:s7+$0x0];
	s17 =	sld [smem:$0x7EC]  }
0x1ca: {  	v49 =	vor.u32 s12, v17;
	v34 =	vld [tilespmem:s8+$0x0];
	s10 =	sor.u32 $0x810, s4  }
0x1cb: {  	v50 =	vor.u32 s1, v17;
	v32 =	vld [tilespmem:s10+$0x0]  }
0x1cc: {  	v52 =	vor.u32 s26, v23;
	[tilespmem:v46+s20+$0x0] =	vst.idx.msk $0xffff, v42;
	v51 =	vld [tilespmem:s17+$0x0]  }
0x1cd: {  	[tilespmem:v47+s20+$0x0] =	vst.idx.msk $0xffff, v35  }
0x1ce: {  	[tilespmem:v48+s20+$0x0] =	vst.idx.msk $0xffff, v37  }
0x1cf: {  	s24 =	sor.u32 $0xC50, s14;
	[tilespmem:v49+s20+$0x0] =	vst.idx.msk $0xffff, v34  }
0x1d0: {  	v53 =	vor.u32 s29, v29;
	s7 =	sor.u32 $0x820, s0;
	[tilespmem:v50+s20+$0x0] =	vst.idx.msk $0xffff, v32;
	v42 =	vld [tilespmem:s24+$0x0]  }
0x1d1: {  	v54 =	vor.u32 s3, v18;
	s8 =	sor.u32 $0x820, s2;
	v35 =	vld [tilespmem:s7+$0x0];
	[tilespmem:v52+s20+$0x0] =	vst.idx.msk $0xffff, v51  }
0x1d2: {  	v55 =	vor.u32 s30, v18;
	s10 =	sor.u32 $0x820, s5;
	v37 =	vld [tilespmem:s8+$0x0];
	s24 =	sld [smem:$0x7E7]  }
0x1d3: {  	v56 =	vor.u32 s12, v18;
	v34 =	vld [tilespmem:s10+$0x0];
	s17 =	sor.u32 $0x820, s4  }
0x1d4: {  	v57 =	vor.u32 s1, v18;
	v32 =	vld [tilespmem:s17+$0x0]  }
0x1d5: {  	v59 =	vor.u32 s28, v24;
	[tilespmem:v53+s20+$0x0] =	vst.idx.msk $0xffff, v42;
	v58 =	vld [tilespmem:s24+$0x0]  }
0x1d6: {  	[tilespmem:v54+s20+$0x0] =	vst.idx.msk $0xffff, v35  }
0x1d7: {  	[tilespmem:v55+s20+$0x0] =	vst.idx.msk $0xffff, v37  }
0x1d8: {  	s7 =	sor.u32 $0xC60, s14;
	[tilespmem:v56+s20+$0x0] =	vst.idx.msk $0xffff, v34  }
0x1d9: {  	v60 =	vor.u32 s29, v30;
	s8 =	sor.u32 $0x830, s0;
	[tilespmem:v57+s20+$0x0] =	vst.idx.msk $0xffff, v32;
	v42 =	vld [tilespmem:s7+$0x0]  }
0x1da: {  	v61 =	vor.u32 s3, v19;
	s10 =	sor.u32 $0x830, s2;
	v35 =	vld [tilespmem:s8+$0x0];
	[tilespmem:v59+s20+$0x0] =	vst.idx.msk $0xffff, v58  }
0x1db: {  	v62 =	vor.u32 s30, v19;
	s17 =	sor.u32 $0x830, s5;
	v37 =	vld [tilespmem:s10+$0x0];
	s7 =	sld [smem:$0x7E6]  }
0x1dc: {  	v63 =	vor.u32 s12, v19;
	v34 =	vld [tilespmem:s17+$0x0];
	s24 =	sor.u32 $0x830, s4  }
0x1dd: {  	v45 =	vor.u32 s1, v19;
	v32 =	vld [tilespmem:s24+$0x0]  }
0x1de: {  	v47 =	vor.u32 s15, v24;
	s8 =	sor.u32 $0xC70, s14;
	[tilespmem:v60+s20+$0x0] =	vst.idx.msk $0xffff, v42;
	v46 =	vld [tilespmem:s7+$0x0]  }
0x1df: {  	v48 =	vor.u32 s29, v31;
	[tilespmem:v61+s20+$0x0] =	vst.idx.msk $0xffff, v35;
	v42 =	vld [tilespmem:s8+$0x0]  }
0x1e0: {  	[tilespmem:v62+s20+$0x0] =	vst.idx.msk $0xffff, v37  }
0x1e1: {  	[tilespmem:v63+s20+$0x0] =	vst.idx.msk $0xffff, v34  }
0x1e2: {  	s10 =	sor.u32 $0x840, s0;
	[tilespmem:v45+s20+$0x0] =	vst.idx.msk $0xffff, v32  }
0x1e3: {  	v49 =	vor.u32 s3, v20;
	s14 =	sor.u32 $0x840, s2;
	v35 =	vld [tilespmem:s10+$0x0];
	[tilespmem:v47+s20+$0x0] =	vst.idx.msk $0xffff, v46  }
0x1e4: {  	v50 =	vor.u32 s30, v20;
	s17 =	sor.u32 $0x840, s5;
	v37 =	vld [tilespmem:s14+$0x0];
	s7 =	sld [smem:$0x7ED];
	[tilespmem:v48+s20+$0x0] =	vst.idx.msk $0xffff, v42  }
0x1e5: {  	v51 =	vor.u32 s12, v20;
	s24 =	sor.u32 $0x840, s4;
	v34 =	vld [tilespmem:s17+$0x0];
	s8 =	sld [smem:$0x7E8]  }
0x1e6: {  	v52 =	vor.u32 s1, v20;
	v32 =	vld [tilespmem:s24+$0x0]  }
0x1e7: {  	v54 =	vor.u32 s26, v24;
	v53 =	vld [tilespmem:s7+$0x0]  }
0x1e8: {  	v56 =	vor.u32 s28, v25;
	[tilespmem:v49+s20+$0x0] =	vst.idx.msk $0xffff, v35;
	v55 =	vld [tilespmem:s8+$0x0]  }
0x1e9: {  	[tilespmem:v50+s20+$0x0] =	vst.idx.msk $0xffff, v37  }
0x1ea: {  	[tilespmem:v51+s20+$0x0] =	vst.idx.msk $0xffff, v34  }
0x1eb: {  	s10 =	sor.u32 $0x850, s0;
	[tilespmem:v52+s20+$0x0] =	vst.idx.msk $0xffff, v32  }
0x1ec: {  	v57 =	vor.u32 s3, v21;
	s14 =	sor.u32 $0x850, s2;
	v35 =	vld [tilespmem:s10+$0x0];
	[tilespmem:v54+s20+$0x0] =	vst.idx.msk $0xffff, v53  }
0x1ed: {  	v58 =	vor.u32 s30, v21;
	s17 =	sor.u32 $0x850, s5;
	v37 =	vld [tilespmem:s14+$0x0];
	s7 =	rddreg [dreg:$0x1d];
	[tilespmem:v56+s20+$0x0] =	vst.idx.msk $0xffff, v55  }
0x1ee: {  	v59 =	vor.u32 s12, v21;
	s24 =	sor.u32 $0x850, s4;
	v34 =	vld [tilespmem:s17+$0x0];
	s8 =	sld [smem:$0x7EE]  }
0x1ef: {  	v60 =	vor.u32 s1, v21;
	v33 =	vld [tilespmem:s24+$0x0]  }
0x1f0: {  	v62 =	vor.u32 s15, v25;
	v61 =	vld [tilespmem:s7+$0x0]  }
0x1f1: {  	v45 =	vor.u32 s26, v25;
	[tilespmem:v57+s20+$0x0] =	vst.idx.msk $0xffff, v35;
	v63 =	vld [tilespmem:s8+$0x0]  }
0x1f2: {  	s10 =	sor.u32 $0x860, s0;
	[tilespmem:v58+s20+$0x0] =	vst.idx.msk $0xffff, v37  }
0x1f3: {  	v46 =	vor.u32 s3, v22;
	s14 =	sor.u32 $0x860, s2;
	[tilespmem:v59+s20+$0x0] =	vst.idx.msk $0xffff, v34;
	v35 =	vld [tilespmem:s10+$0x0]  }
0x1f4: {  	v47 =	vor.u32 s30, v22;
	s17 =	sor.u32 $0x860, s5;
	[tilespmem:v60+s20+$0x0] =	vst.idx.msk $0xffff, v33;
	v37 =	vld [tilespmem:s14+$0x0]  }
0x1f5: {  	v48 =	vor.u32 s12, v22;
	s24 =	sor.u32 $0x860, s4;
	v34 =	vld [tilespmem:s17+$0x0];
	[tilespmem:v62+s20+$0x0] =	vst.idx.msk $0xffff, v61  }
0x1f6: {  	v49 =	vor.u32 s1, v22;
	v38 =	vld [tilespmem:s24+$0x0];
	s7 =	rddreg [dreg:$0x12];
	[tilespmem:v45+s20+$0x0] =	vst.idx.msk $0xffff, v63  }
0x1f7: {  	v51 =	vor.u32 s28, v26;
	v50 =	vld [tilespmem:s7+$0x0];
	s8 =	rddreg [dreg:$0x16]  }
0x1f8: {  	v53 =	vor.u32 s15, v26;
	[tilespmem:v46+s20+$0x0] =	vst.idx.msk $0xffff, v35;
	v52 =	vld [tilespmem:s8+$0x0]  }
0x1f9: {  	s10 =	sor.u32 $0x870, s0;
	[tilespmem:v47+s20+$0x0] =	vst.idx.msk $0xffff, v37  }
0x1fa: {  	v54 =	vor.u32 s3, v23;
	s14 =	sor.u32 $0x870, s2;
	[tilespmem:v48+s20+$0x0] =	vst.idx.msk $0xffff, v34;
	v35 =	vld [tilespmem:s10+$0x0]  }
0x1fb: {  	v55 =	vor.u32 s30, v23;
	s17 =	sor.u32 $0x870, s5;
	[tilespmem:v49+s20+$0x0] =	vst.idx.msk $0xffff, v38;
	v32 =	vld [tilespmem:s14+$0x0]  }
0x1fc: {  	v56 =	vor.u32 s12, v23;
	s24 =	sor.u32 $0x870, s4;
	v34 =	vld [tilespmem:s17+$0x0];
	[tilespmem:v51+s20+$0x0] =	vst.idx.msk $0xffff, v50  }
0x1fd: {  	v57 =	vor.u32 s1, v23;
	v38 =	vld [tilespmem:s24+$0x0];
	s7 =	rddreg [dreg:$0x19];
	[tilespmem:v53+s20+$0x0] =	vst.idx.msk $0xffff, v52  }
0x1fe: {  	v59 =	vor.u32 s26, v26;
	v58 =	vld [tilespmem:s7+$0x0];
	s8 =	rddreg [dreg:$0xa]  }
0x1ff: {  	v61 =	vor.u32 s28, v27;
	[tilespmem:v54+s20+$0x0] =	vst.idx.msk $0xffff, v35;
	v60 =	vld [tilespmem:s8+$0x0]  }
0x200: {  	[tilespmem:v55+s20+$0x0] =	vst.idx.msk $0xffff, v32  }
0x201: {  	s10 =	sor.u32 $0xC00, s0;
	[tilespmem:v56+s20+$0x0] =	vst.idx.msk $0xffff, v34  }
0x202: {  	v62 =	vor.u32 s3, v24;
	s14 =	sor.u32 $0xC00, s2;
	[tilespmem:v57+s20+$0x0] =	vst.idx.msk $0xffff, v38;
	v35 =	vld [tilespmem:s10+$0x0]  }
0x203: {  	v63 =	vor.u32 s30, v24;
	s17 =	sor.u32 $0xC00, s5;
	v32 =	vld [tilespmem:s14+$0x0];
	[tilespmem:v59+s20+$0x0] =	vst.idx.msk $0xffff, v58  }
0x204: {  	v45 =	vor.u32 s12, v24;
	s24 =	sor.u32 $0xC00, s4;
	v34 =	vld [tilespmem:s17+$0x0];
	[tilespmem:v61+s20+$0x0] =	vst.idx.msk $0xffff, v60  }
0x205: {  	v46 =	vor.u32 s1, v24;
	v38 =	vld [tilespmem:s24+$0x0];
	s7 =	rddreg [dreg:$0x6]  }
0x206: {  	v48 =	vor.u32 s15, v27;
	v47 =	vld [tilespmem:s7+$0x0]  }
0x207: {  	s10 =	sor.u32 $0xC10, s0;
	s8 =	rddreg [dreg:$0xf];
	[tilespmem:v62+s20+$0x0] =	vst.idx.msk $0xffff, v35  }
0x208: {  	v51 =	vor.u32 s3, v25;
	[tilespmem:v63+s20+$0x0] =	vst.idx.msk $0xffff, v32;
	v35 =	vld [tilespmem:s10+$0x0]  }
0x209: {  	s14 =	sor.u32 $0xC10, s2;
	[tilespmem:v45+s20+$0x0] =	vst.idx.msk $0xffff, v34;
	v49 =	vld [tilespmem:s8+$0x0]  }
0x20a: {  	v52 =	vor.u32 s30, v25;
	s17 =	sor.u32 $0xC10, s5;
	[tilespmem:v46+s20+$0x0] =	vst.idx.msk $0xffff, v38;
	v32 =	vld [tilespmem:s14+$0x0]  }
0x20b: {  	v53 =	vor.u32 s12, v25;
	s24 =	sor.u32 $0xC10, s4;
	v34 =	vld [tilespmem:s17+$0x0];
	[tilespmem:v48+s20+$0x0] =	vst.idx.msk $0xffff, v47  }
0x20c: {  	v54 =	vor.u32 s1, v25;
	v38 =	vld [tilespmem:s24+$0x0];
	s7 =	sld [smem:$0x7E9]  }
0x20d: {  	v50 =	vor.u32 s26, v27;
	s8 =	sor.u32 $0xC20, s0;
	v57 =	vld [tilespmem:s25+$0x0];
	[tilespmem:v51+s20+$0x0] =	vst.idx.msk $0xffff, v35  }
0x20e: {  	v58 =	vor.u32 s15, v28;
	v35 =	vld [tilespmem:s8+$0x0]  }
0x20f: {  	v56 =	vor.u32 s28, v28;
	s10 =	sor.u32 $0xC20, s2;
	[tilespmem:v52+s20+$0x0] =	vst.idx.msk $0xffff, v32;
	v55 =	vld [tilespmem:s7+$0x0]  }
0x210: {  	v59 =	vor.u32 s3, v26;
	s14 =	sor.u32 $0xC20, s5;
	[tilespmem:v53+s20+$0x0] =	vst.idx.msk $0xffff, v34;
	v32 =	vld [tilespmem:s10+$0x0]  }
0x211: {  	v60 =	vor.u32 s30, v26;
	s17 =	sor.u32 $0xC20, s4;
	[tilespmem:v54+s20+$0x0] =	vst.idx.msk $0xffff, v38;
	v34 =	vld [tilespmem:s14+$0x0]  }
0x212: {  	v61 =	vor.u32 s12, v26;
	[tilespmem:v50+s20+$0x0] =	vst.idx.msk $0xffff, v49;
	v38 =	vld [tilespmem:s17+$0x0]  }
0x213: {  	v62 =	vor.u32 s1, v26;
	v63 =	vld [tilespmem:s31+$0x0];
	[tilespmem:v58+s20+$0x0] =	vst.idx.msk $0xffff, v57  }
0x214: {  	v45 =	vor.u32 s26, v28;
	v52 =	vld [tilespmem:s21+$0x0];
	[tilespmem:v56+s20+$0x0] =	vst.idx.msk $0xffff, v55  }
0x215: {  	v53 =	vor.u32 s15, v29;
	[tilespmem:v59+s20+$0x0] =	vst.idx.msk $0xffff, v35;
	v46 =	vld [tilespmem:s22+$0x0];
	s22 =	sor.u32 $0xC30, s0  }
0x216: {  	s24 =	sor.u32 $0xC30, s2;
	v48 =	vor.u32 s3, v27;
	[tilespmem:v60+s20+$0x0] =	vst.idx.msk $0xffff, v32;
	v35 =	vld [tilespmem:s22+$0x0]  }
0x217: {  	s25 =	sor.u32 $0xC30, s5;
	v49 =	vor.u32 s30, v27;
	[tilespmem:v61+s20+$0x0] =	vst.idx.msk $0xffff, v34;
	v32 =	vld [tilespmem:s24+$0x0]  }
0x218: {  	v50 =	vor.u32 s12, v27;
	s8 =	sor.u32 $0xC30, s4;
	[tilespmem:v62+s20+$0x0] =	vst.idx.msk $0xffff, v38;
	v34 =	vld [tilespmem:s25+$0x0]  }
0x219: {  	v51 =	vor.u32 s1, v27;
	[tilespmem:v45+s20+$0x0] =	vst.idx.msk $0xffff, v63;
	v38 =	vld [tilespmem:s8+$0x0]  }
0x21a: {  	v54 =	vld [tilespmem:s23+$0x0];
	v55 =	vor.u32 s26, v29;
	[tilespmem:v53+s20+$0x0] =	vst.idx.msk $0xffff, v52  }
0x21b: {  	v47 =	vor.u32 s28, v29;
	s10 =	sor.u32 $0xC40, s0;
	v62 =	vld [tilespmem:s18+$0x0];
	[tilespmem:v48+s20+$0x0] =	vst.idx.msk $0xffff, v35  }
0x21c: {  	s14 =	sor.u32 $0xC40, s2;
	v56 =	vor.u32 s3, v28;
	[tilespmem:v49+s20+$0x0] =	vst.idx.msk $0xffff, v32;
	v35 =	vld [tilespmem:s10+$0x0]  }
0x21d: {  	s17 =	sor.u32 $0xC40, s5;
	v57 =	vor.u32 s30, v28;
	[tilespmem:v50+s20+$0x0] =	vst.idx.msk $0xffff, v34;
	v32 =	vld [tilespmem:s14+$0x0]  }
0x21e: {  	v58 =	vor.u32 s12, v28;
	s21 =	sor.u32 $0xC40, s4;
	[tilespmem:v51+s20+$0x0] =	vst.idx.msk $0xffff, v38;
	v34 =	vld [tilespmem:s17+$0x0]  }
0x21f: {  	v59 =	vor.u32 s1, v28;
	v38 =	vld [tilespmem:s21+$0x0];
	[tilespmem:v55+s20+$0x0] =	vst.idx.msk $0xffff, v54  }
0x220: {  	v63 =	vor.u32 s15, v30;
	[tilespmem:v47+s20+$0x0] =	vst.idx.msk $0xffff, v46;
	v49 =	vld [tilespmem:s19+$0x0]  }
0x221: {  	v61 =	vor.u32 s28, v30;
	s22 =	sor.u32 $0xC50, s0;
	v60 =	vld [tilespmem:s16+$0x0];
	[tilespmem:v56+s20+$0x0] =	vst.idx.msk $0xffff, v35  }
0x222: {  	v45 =	vor.u32 s3, v29;
	s23 =	sor.u32 $0xC50, s2;
	[tilespmem:v57+s20+$0x0] =	vst.idx.msk $0xffff, v32;
	v35 =	vld [tilespmem:s22+$0x0]  }
0x223: {  	s24 =	sor.u32 $0xC50, s5;
	v46 =	vor.u32 s30, v29;
	[tilespmem:v58+s20+$0x0] =	vst.idx.msk $0xffff, v34;
	v32 =	vld [tilespmem:s23+$0x0]  }
0x224: {  	s25 =	sor.u32 $0xC50, s4;
	v47 =	vor.u32 s12, v29;
	[tilespmem:v59+s20+$0x0] =	vst.idx.msk $0xffff, v38;
	v34 =	vld [tilespmem:s24+$0x0]  }
0x225: {  	v48 =	vor.u32 s1, v29;
	[tilespmem:v63+s20+$0x0] =	vst.idx.msk $0xffff, v62;
	v38 =	vld [tilespmem:s25+$0x0]  }
0x226: {  	v50 =	vor.u32 s26, v30;
	v57 =	vld [tilespmem:s9+$0x0];
	[tilespmem:v61+s20+$0x0] =	vst.idx.msk $0xffff, v60  }
0x227: {  	s8 =	sor.u32 $0xC60, s0;
	v58 =	vor.u32 s15, v31;
	v51 =	vld [tilespmem:s11+$0x0];
	[tilespmem:v45+s20+$0x0] =	vst.idx.msk $0xffff, v35  }
0x228: {  	v53 =	vor.u32 s3, v30;
	s10 =	sor.u32 $0xC60, s2;
	[tilespmem:v46+s20+$0x0] =	vst.idx.msk $0xffff, v32;
	v35 =	vld [tilespmem:s8+$0x0]  }
0x229: {  	v54 =	vor.u32 s30, v30;
	s11 =	sor.u32 $0xC60, s5;
	[tilespmem:v47+s20+$0x0] =	vst.idx.msk $0xffff, v34;
	v32 =	vld [tilespmem:s10+$0x0]  }
0x22a: {  	s14 =	sor.u32 $0xC60, s4;
	v55 =	vor.u32 s12, v30;
	[tilespmem:v48+s20+$0x0] =	vst.idx.msk $0xffff, v38;
	v34 =	vld [tilespmem:s11+$0x0]  }
0x22b: {  	[tilespmem:v50+s20+$0x0] =	vst.idx.msk $0xffff, v49;
	v56 =	vor.u32 s1, v30;
	v38 =	vld [tilespmem:s14+$0x0]  }
0x22c: {  	v59 =	vld [tilespmem:s13+$0x0];
	v60 =	vor.u32 s26, v31;
	[tilespmem:v58+s20+$0x0] =	vst.idx.msk $0xffff, v57  }
0x22d: {  	s0 =	sor.u32 $0xC70, s0;
	v52 =	vor.u32 s28, v31;
	[tilespmem:v53+s20+$0x0] =	vst.idx.msk $0xffff, v35  }
0x22e: {  	s2 =	sor.u32 $0xC70, s2;
	v61 =	vor.u32 s3, v31;
	[tilespmem:v54+s20+$0x0] =	vst.idx.msk $0xffff, v32;
	v35 =	vld [tilespmem:s0+$0x0]  }
0x22f: {  	v62 =	vor.u32 s30, v31;
	s15 =	sor.u32 $0xC70, s5;
	[tilespmem:v55+s20+$0x0] =	vst.idx.msk $0xffff, v34;
	v32 =	vld [tilespmem:s2+$0x0]  }
0x230: {  	s16 =	sor.u32 $0xC70, s4;
	v63 =	vor.u32 s12, v31;
	[tilespmem:v56+s20+$0x0] =	vst.idx.msk $0xffff, v38;
	v34 =	vld [tilespmem:s15+$0x0]  }
0x231: {  	v44 =	vor.u32 s1, v31;
	[tilespmem:v60+s20+$0x0] =	vst.idx.msk $0xffff, v59;
	v38 =	vld [tilespmem:s16+$0x0]  }
0x232: {  	[tilespmem:v52+s20+$0x0] =	vst.idx.msk $0xffff, v51  }
0x233: {  	[tilespmem:v61+s20+$0x0] =	vst.idx.msk $0xffff, v35  }
0x234: {  	s17 =	sld [smem:$0x7F1];
	[tilespmem:v62+s20+$0x0] =	vst.idx.msk $0xffff, v32  }
0x235: {  	s18 =	sld [smem:$0x7F2];
	[tilespmem:v63+s20+$0x0] =	vst.idx.msk $0xffff, v34  }
0x236: {  	[tilespmem:v44+s20+$0x0] =	vst.idx.msk $0xffff, v38  }
0x237: {  	s21 =	sld [smem:$0x7F5];
	s0 =	sshll.u32 s17, $0x1  }
0x238: {  	s0 =	sadd.s32 s18, s0  }
0x239: {  	s22 =	simm.s32 $0x3;
	s19 =	sshll.u32 s0, $0xA  }
0x23a: {  	s16 =	simm.s32 $0x0;
	[smem:$0x7A0] =	sst s19;
	s1 =	sadd.s32 s21, s19  }
0x23b: {  	[hbm4b:s1+s16] =	stream.linear.scatter [tilespmem:s20], [sflag:$0x3], $0x2000, $0x38;
	[tilespmem:$0x6000] =	vst v63  }
0x23c: {  	_ =	swait.ge [sflag:s22], $0x2000  }
0x23d: {  	s24 =	sld [smem:$0x7F4]  }
0x23e: {  	s25 =	simm.s32 $0x1000;
	s26 =	simm.s32 $0x7A1400  }
0x23f: {  	s3 =	simm.s32 $0x2;
	s23 =	sshll.u32 s0, $0x9;
	[sflag:s22] =	ssyncset.done $0x0  }
0x240: {  	[smem:$0x7A1] =	sst s23;
	[sflag:s22] =	ssyncadd.s32 $0xFFFFE000;
	s0 =	sadd.s32 s23, s24  }
0x241: {  	[tilespmem:s16], [sflag:$0x1] =	stream.strided.gather [hbm4b:s0+s25], $0x2000, s26, s25, $0x38;
	[tilespmem:$0x6000] =	vst v63  }
0x242: {  	s4 =	simm.s32 $0x180;
	s5 =	sand.u32 $0x1000, s16;
	_ =	swait.ge [sflag:s3], $0x2000  }
0x243: {  	s1 =	sor.u32 $0x2000, s5;
	s0 =	sand.u32 $0x380, s4;
	[sflag:s3] =	ssyncset.done $0x0  }
0x244: {  	s31 =	simm.s32 $0x3;
	s0 =	sor.u32 s0, s1;
	[sflag:s3] =	ssyncadd.s32 $0xFFFFE000  }
0x245: {  	s6 =	simm.s32 $0x0;
	v45 =	vor.u32 s31, v0;
	v46 =	vld [tilespmem:s0+$0x0]  }
0x246: {  	s7 =	simm.s32 $0x80;
	s2 =	sand.u32 $0x200, s6  }
0x247: {  	s9 =	sand.u32 $0x280, s7;
	s8 =	simm.s32 $0x100;
	s10 =	sor.u32 s2, s1  }
0x248: {  	s29 =	simm.s32 $0x1;
	v47 =	vor.u32 s16, v0;
	s11 =	sor.u32 s9, s1;
	s4 =	sand.u32 $0x300, s8;
	v48 =	vld [tilespmem:s10+$0x0]  }
0x249: {  	s30 =	simm.s32 $0x2;
	v49 =	vor.u32 s29, v0;
	s1 =	sor.u32 s4, s1;
	v50 =	vld [tilespmem:s11+$0x0]  }
0x24a: {  	v51 =	vor.u32 s30, v0;
	v52 =	vld [tilespmem:s1+$0x0];
	[tilespmem:v45+s20+$0x0] =	vst.idx.msk $0xffff, v46  }
0x24b: {  	v53 =	vor.u32 s31, v1;
	v32 =	vld [tilespmem:s0+$0x10];
	_ =	sdelay $0x1  }
0x24c: {  	[tilespmem:v47+s20+$0x0] =	vst.idx.msk $0xffff, v48  }
0x24d: {  	v54 =	vor.u32 s16, v1;
	[tilespmem:v49+s20+$0x0] =	vst.idx.msk $0xffff, v50;
	v34 =	vld [tilespmem:s10+$0x10]  }
0x24e: {  	v55 =	vor.u32 s29, v1;
	[tilespmem:v51+s20+$0x0] =	vst.idx.msk $0xffff, v52;
	v36 =	vld [tilespmem:s11+$0x10]  }
0x24f: {  	v56 =	vor.u32 s30, v1;
	v38 =	vld [tilespmem:s1+$0x10];
	[tilespmem:v53+s20+$0x0] =	vst.idx.msk $0xffff, v32  }
0x250: {  	v57 =	vor.u32 s31, v2;
	v32 =	vld [tilespmem:s0+$0x20];
	_ =	sdelay $0x1  }
0x251: {  	[tilespmem:v54+s20+$0x0] =	vst.idx.msk $0xffff, v34  }
0x252: {  	v58 =	vor.u32 s16, v2;
	[tilespmem:v55+s20+$0x0] =	vst.idx.msk $0xffff, v36;
	v34 =	vld [tilespmem:s10+$0x20]  }
0x253: {  	v59 =	vor.u32 s29, v2;
	[tilespmem:v56+s20+$0x0] =	vst.idx.msk $0xffff, v38;
	v36 =	vld [tilespmem:s11+$0x20]  }
0x254: {  	v60 =	vor.u32 s30, v2;
	v38 =	vld [tilespmem:s1+$0x20];
	[tilespmem:v57+s20+$0x0] =	vst.idx.msk $0xffff, v32  }
0x255: {  	v61 =	vor.u32 s31, v3;
	v32 =	vld [tilespmem:s0+$0x30];
	_ =	sdelay $0x1  }
0x256: {  	[tilespmem:v58+s20+$0x0] =	vst.idx.msk $0xffff, v34  }
0x257: {  	v62 =	vor.u32 s16, v3;
	[tilespmem:v59+s20+$0x0] =	vst.idx.msk $0xffff, v36;
	v34 =	vld [tilespmem:s10+$0x30]  }
0x258: {  	v63 =	vor.u32 s29, v3;
	[tilespmem:v60+s20+$0x0] =	vst.idx.msk $0xffff, v38;
	v36 =	vld [tilespmem:s11+$0x30]  }
0x259: {  	v42 =	vor.u32 s30, v3;
	v38 =	vld [tilespmem:s1+$0x30];
	[tilespmem:v61+s20+$0x0] =	vst.idx.msk $0xffff, v32  }
0x25a: {  	v43 =	vor.u32 s31, v4;
	v32 =	vld [tilespmem:s0+$0x40];
	_ =	sdelay $0x1  }
0x25b: {  	[tilespmem:v62+s20+$0x0] =	vst.idx.msk $0xffff, v34  }
0x25c: {  	v44 =	vor.u32 s16, v4;
	[tilespmem:v63+s20+$0x0] =	vst.idx.msk $0xffff, v36;
	v34 =	vld [tilespmem:s10+$0x40]  }
0x25d: {  	v45 =	vor.u32 s29, v4;
	[tilespmem:v42+s20+$0x0] =	vst.idx.msk $0xffff, v38;
	v36 =	vld [tilespmem:s11+$0x40]  }
0x25e: {  	v46 =	vor.u32 s30, v4;
	v38 =	vld [tilespmem:s1+$0x40];
	[tilespmem:v43+s20+$0x0] =	vst.idx.msk $0xffff, v32  }
0x25f: {  	v47 =	vor.u32 s31, v5;
	v32 =	vld [tilespmem:s0+$0x50];
	_ =	sdelay $0x1  }
0x260: {  	[tilespmem:v44+s20+$0x0] =	vst.idx.msk $0xffff, v34  }
0x261: {  	v48 =	vor.u32 s16, v5;
	[tilespmem:v45+s20+$0x0] =	vst.idx.msk $0xffff, v36;
	v34 =	vld [tilespmem:s10+$0x50]  }
0x262: {  	v49 =	vor.u32 s29, v5;
	[tilespmem:v46+s20+$0x0] =	vst.idx.msk $0xffff, v38;
	v36 =	vld [tilespmem:s11+$0x50]  }
0x263: {  	v50 =	vor.u32 s30, v5;
	v38 =	vld [tilespmem:s1+$0x50];
	[tilespmem:v47+s20+$0x0] =	vst.idx.msk $0xffff, v32  }
0x264: {  	v51 =	vor.u32 s31, v6;
	v32 =	vld [tilespmem:s0+$0x60];
	_ =	sdelay $0x1  }
0x265: {  	[tilespmem:v48+s20+$0x0] =	vst.idx.msk $0xffff, v34  }
0x266: {  	v52 =	vor.u32 s16, v6;
	[tilespmem:v49+s20+$0x0] =	vst.idx.msk $0xffff, v36;
	v34 =	vld [tilespmem:s10+$0x60]  }
0x267: {  	v53 =	vor.u32 s29, v6;
	[tilespmem:v50+s20+$0x0] =	vst.idx.msk $0xffff, v38;
	v36 =	vld [tilespmem:s11+$0x60]  }
0x268: {  	v54 =	vor.u32 s30, v6;
	v38 =	vld [tilespmem:s1+$0x60];
	[tilespmem:v51+s20+$0x0] =	vst.idx.msk $0xffff, v32  }
0x269: {  	v55 =	vor.u32 s31, v7;
	v32 =	vld [tilespmem:s0+$0x70];
	_ =	sdelay $0x1  }
0x26a: {  	[tilespmem:v52+s20+$0x0] =	vst.idx.msk $0xffff, v34  }
0x26b: {  	v56 =	vor.u32 s16, v7;
	[tilespmem:v53+s20+$0x0] =	vst.idx.msk $0xffff, v36;
	v34 =	vld [tilespmem:s10+$0x70]  }
0x26c: {  	v57 =	vor.u32 s29, v7;
	[tilespmem:v54+s20+$0x0] =	vst.idx.msk $0xffff, v38;
	v36 =	vld [tilespmem:s11+$0x70]  }
0x26d: {  	v58 =	vor.u32 s30, v7;
	v38 =	vld [tilespmem:s1+$0x70];
	[tilespmem:v55+s20+$0x0] =	vst.idx.msk $0xffff, v32  }
0x26e: {  	v59 =	vor.u32 s31, v8;
	v32 =	vld [tilespmem:s0+$0x400];
	_ =	sdelay $0x1  }
0x26f: {  	[tilespmem:v56+s20+$0x0] =	vst.idx.msk $0xffff, v34  }
0x270: {  	v60 =	vor.u32 s16, v8;
	[tilespmem:v57+s20+$0x0] =	vst.idx.msk $0xffff, v36;
	v34 =	vld [tilespmem:s10+$0x400]  }
0x271: {  	v61 =	vor.u32 s29, v8;
	[tilespmem:v58+s20+$0x0] =	vst.idx.msk $0xffff, v38;
	v36 =	vld [tilespmem:s11+$0x400]  }
0x272: {  	v62 =	vor.u32 s30, v8;
	v38 =	vld [tilespmem:s1+$0x400];
	[tilespmem:v59+s20+$0x0] =	vst.idx.msk $0xffff, v32  }
0x273: {  	v63 =	vor.u32 s31, v9;
	v32 =	vld [tilespmem:s0+$0x410];
	_ =	sdelay $0x1  }
0x274: {  	[tilespmem:v60+s20+$0x0] =	vst.idx.msk $0xffff, v34  }
0x275: {  	v42 =	vor.u32 s16, v9;
	[tilespmem:v61+s20+$0x0] =	vst.idx.msk $0xffff, v36;
	v34 =	vld [tilespmem:s10+$0x410]  }
0x276: {  	v43 =	vor.u32 s29, v9;
	[tilespmem:v62+s20+$0x0] =	vst.idx.msk $0xffff, v38;
	v36 =	vld [tilespmem:s11+$0x410]  }
0x277: {  	v44 =	vor.u32 s30, v9;
	v38 =	vld [tilespmem:s1+$0x410];
	[tilespmem:v63+s20+$0x0] =	vst.idx.msk $0xffff, v32  }
0x278: {  	v45 =	vor.u32 s31, v10;
	v32 =	vld [tilespmem:s0+$0x420];
	_ =	sdelay $0x1  }
0x279: {  	[tilespmem:v42+s20+$0x0] =	vst.idx.msk $0xffff, v34  }
0x27a: {  	v46 =	vor.u32 s16, v10;
	[tilespmem:v43+s20+$0x0] =	vst.idx.msk $0xffff, v36;
	v34 =	vld [tilespmem:s10+$0x420]  }
0x27b: {  	v47 =	vor.u32 s29, v10;
	[tilespmem:v44+s20+$0x0] =	vst.idx.msk $0xffff, v38;
	v36 =	vld [tilespmem:s11+$0x420]  }
0x27c: {  	v48 =	vor.u32 s30, v10;
	v38 =	vld [tilespmem:s1+$0x420];
	[tilespmem:v45+s20+$0x0] =	vst.idx.msk $0xffff, v32  }
0x27d: {  	v49 =	vor.u32 s31, v11;
	v32 =	vld [tilespmem:s0+$0x430];
	_ =	sdelay $0x1  }
0x27e: {  	[tilespmem:v46+s20+$0x0] =	vst.idx.msk $0xffff, v34  }
0x27f: {  	v50 =	vor.u32 s16, v11;
	[tilespmem:v47+s20+$0x0] =	vst.idx.msk $0xffff, v36;
	v34 =	vld [tilespmem:s10+$0x430]  }
0x280: {  	v51 =	vor.u32 s29, v11;
	[tilespmem:v48+s20+$0x0] =	vst.idx.msk $0xffff, v38;
	v36 =	vld [tilespmem:s11+$0x430]  }
0x281: {  	v52 =	vor.u32 s30, v11;
	v38 =	vld [tilespmem:s1+$0x430];
	[tilespmem:v49+s20+$0x0] =	vst.idx.msk $0xffff, v32  }
0x282: {  	v53 =	vor.u32 s31, v12;
	v32 =	vld [tilespmem:s0+$0x440];
	_ =	sdelay $0x1  }
0x283: {  	[tilespmem:v50+s20+$0x0] =	vst.idx.msk $0xffff, v34  }
0x284: {  	v54 =	vor.u32 s16, v12;
	[tilespmem:v51+s20+$0x0] =	vst.idx.msk $0xffff, v36;
	v34 =	vld [tilespmem:s10+$0x440]  }
0x285: {  	v55 =	vor.u32 s29, v12;
	[tilespmem:v52+s20+$0x0] =	vst.idx.msk $0xffff, v38;
	v36 =	vld [tilespmem:s11+$0x440]  }
0x286: {  	v56 =	vor.u32 s30, v12;
	v38 =	vld [tilespmem:s1+$0x440];
	[tilespmem:v53+s20+$0x0] =	vst.idx.msk $0xffff, v32  }
0x287: {  	v57 =	vor.u32 s31, v13;
	v32 =	vld [tilespmem:s0+$0x450];
	_ =	sdelay $0x1  }
0x288: {  	[tilespmem:v54+s20+$0x0] =	vst.idx.msk $0xffff, v34  }
0x289: {  	v58 =	vor.u32 s16, v13;
	[tilespmem:v55+s20+$0x0] =	vst.idx.msk $0xffff, v36;
	v34 =	vld [tilespmem:s10+$0x450]  }
0x28a: {  	v59 =	vor.u32 s29, v13;
	[tilespmem:v56+s20+$0x0] =	vst.idx.msk $0xffff, v38;
	v36 =	vld [tilespmem:s11+$0x450]  }
0x28b: {  	v60 =	vor.u32 s30, v13;
	v38 =	vld [tilespmem:s1+$0x450];
	[tilespmem:v57+s20+$0x0] =	vst.idx.msk $0xffff, v32  }
0x28c: {  	v61 =	vor.u32 s31, v14;
	v32 =	vld [tilespmem:s0+$0x460];
	_ =	sdelay $0x1  }
0x28d: {  	[tilespmem:v58+s20+$0x0] =	vst.idx.msk $0xffff, v34  }
0x28e: {  	v62 =	vor.u32 s16, v14;
	[tilespmem:v59+s20+$0x0] =	vst.idx.msk $0xffff, v36;
	v34 =	vld [tilespmem:s10+$0x460]  }
0x28f: {  	v63 =	vor.u32 s29, v14;
	[tilespmem:v60+s20+$0x0] =	vst.idx.msk $0xffff, v38;
	v36 =	vld [tilespmem:s11+$0x460]  }
0x290: {  	v42 =	vor.u32 s30, v14;
	v38 =	vld [tilespmem:s1+$0x460];
	[tilespmem:v61+s20+$0x0] =	vst.idx.msk $0xffff, v32  }
0x291: {  	v43 =	vor.u32 s31, v15;
	v32 =	vld [tilespmem:s0+$0x470]  }
0x292: {  	s12 =	sand.u32 $0x7, s16  }
0x293: {  	[tilespmem:v62+s20+$0x0] =	vst.idx.msk $0xffff, v34;
	s0 =	sshll.u32 s12, $0x7  }
0x294: {  	v44 =	vor.u32 s16, v15;
	[tilespmem:v63+s20+$0x0] =	vst.idx.msk $0xffff, v36;
	v34 =	vld [tilespmem:s10+$0x470];
	s13 =	sadd.s32 $0x0, s0  }
0x295: {  	p2 =	por $0x0, $0x0;
	s3 =	simm.s32 $0x1;
	v45 =	vor.u32 s29, v15;
	[tilespmem:v42+s20+$0x0] =	vst.idx.msk $0xffff, v38;
	v36 =	vld [tilespmem:s11+$0x470];
	s0 =	sadd.s32 $0x180, s13  }
0x296: {  	s3 =	simm.s32 @!p2 $0x0;
	v46 =	vor.u32 s30, v15;
	v38 =	vld [tilespmem:s1+$0x470];
	s14 =	sor.u32 $0x800, s0;
	[tilespmem:v43+s20+$0x0] =	vst.idx.msk $0xffff, v32  }
0x297: {  	s15 =	sand.u32 $0x3, s16;
	s3 =	sshll.u32 s3, $0x9;
	v47 =	vor.u32 s31, v16;
	v32 =	vld [tilespmem:s14+$0x2000]  }
0x298: {  	s17 =	sshll.u32 s15, $0x8;
	s5 =	sadd.s32 $0x0, s3  }
0x299: {  	s2 =	sadd.s32 $0x0, s17;
	s18 =	sor.u32 $0x800, s5;
	s1 =	sadd.s32 $0x80, s13;
	[tilespmem:v44+s20+$0x0] =	vst.idx.msk $0xffff, v34  }
0x29a: {  	s3 =	sadd.s32 $0x100, s2;
	v48 =	vor.u32 s16, v16;
	s19 =	sor.u32 $0x800, s1;
	[tilespmem:v45+s20+$0x0] =	vst.idx.msk $0xffff, v36;
	v34 =	vld [tilespmem:s18+$0x2000]  }
0x29b: {  	s21 =	sor.u32 $0x800, s3;
	v49 =	vor.u32 s29, v16;
	[tilespmem:v46+s20+$0x0] =	vst.idx.msk $0xffff, v38;
	v36 =	vld [tilespmem:s19+$0x2000]  }
0x29c: {  	v50 =	vor.u32 s30, v16;
	s22 =	sor.u32 $0x810, s0;
	v38 =	vld [tilespmem:s21+$0x2000];
	[tilespmem:v47+s20+$0x0] =	vst.idx.msk $0xffff, v32  }
0x29d: {  	v51 =	vor.u32 s31, v17;
	v32 =	vld [tilespmem:s22+$0x2000];
	_ =	sdelay $0x1  }
0x29e: {  	s23 =	sor.u32 $0x810, s5;
	[tilespmem:v48+s20+$0x0] =	vst.idx.msk $0xffff, v34  }
0x29f: {  	s24 =	sor.u32 $0x810, s1;
	[tilespmem:v49+s20+$0x0] =	vst.idx.msk $0xffff, v36;
	v34 =	vld [tilespmem:s23+$0x2000]  }
0x2a0: {  	s25 =	sor.u32 $0x810, s3;
	v52 =	vor.u32 s16, v17;
	[tilespmem:v50+s20+$0x0] =	vst.idx.msk $0xffff, v38;
	v36 =	vld [tilespmem:s24+$0x2000]  }
0x2a1: {  	s13 =	sor.u32 $0x860, s3;
	s12 =	sor.u32 $0x820, s0;
	v38 =	vld [tilespmem:s25+$0x2000];
	[tilespmem:v51+s20+$0x0] =	vst.idx.msk $0xffff, v32  }
0x2a2: {  	s14 =	sor.u32 $0x860, s5;
	v32 =	vld [tilespmem:s12+$0x2000];
	[smem:$0x7A2] =	sst s13  }
0x2a3: {  	s15 =	sor.u32 $0x870, s5;
	v53 =	vor.u32 s29, v17;
	[smem:$0x7A3] =	sst s14  }
0x2a4: {  	[smem:$0x7A4] =	sst s15  }
0x2a5: {  	s17 =	sor.u32 $0xC00, s5;
	[tilespmem:v52+s20+$0x0] =	vst.idx.msk $0xffff, v34  }
0x2a6: {  	s18 =	sor.u32 $0xC10, s5;
	[smem:$0x7A5] =	sst s17  }
0x2a7: {  	v54 =	vor.u32 s30, v17;
	[smem:$0x7A6] =	sst s18  }
0x2a8: {  	s11 =	sor.u32 $0x820, s5;
	s21 =	sor.u32 $0xC20, s5;
	[tilespmem:v53+s20+$0x0] =	vst.idx.msk $0xffff, v36  }
0x2a9: {  	v55 =	vor.u32 s31, v18;
	s22 =	sor.u32 $0xC30, s5;
	v34 =	vld [tilespmem:s11+$0x2000];
	[dreg:$0x15] =	wrdreg s21  }
0x2aa: {  	s23 =	sor.u32 $0xC40, s5;
	[dreg:$0xd] =	wrdreg s22  }
0x2ab: {  	[dreg:$0x4] =	wrdreg s23  }
0x2ac: {  	s19 =	sor.u32 $0x820, s1;
	s24 =	sor.u32 $0xC50, s5;
	[tilespmem:v54+s20+$0x0] =	vst.idx.msk $0xffff, v38  }
0x2ad: {  	s26 =	sor.u32 $0x820, s3;
	v36 =	vld [tilespmem:s19+$0x2000];
	[smem:$0x7A7] =	sst s24  }
0x2ae: {  	s7 =	sor.u32 $0x870, s3;
	v38 =	vld [tilespmem:s26+$0x2000];
	[tilespmem:v55+s20+$0x0] =	vst.idx.msk $0xffff, v32;
	s26 =	sor.u32 $0x830, s0  }
0x2af: {  	s9 =	sor.u32 $0xC00, s3;
	v56 =	vor.u32 s16, v18;
	v32 =	vld [tilespmem:s26+$0x2000];
	[smem:$0x7A8] =	sst s7  }
0x2b0: {  	s11 =	sor.u32 $0xC10, s3;
	[smem:$0x7A9] =	sst s9  }
0x2b1: {  	v57 =	vor.u32 s29, v18;
	s12 =	sor.u32 $0xC20, s3;
	[smem:$0x7AA] =	sst s11  }
0x2b2: {  	v58 =	vor.u32 s30, v18;
	s13 =	sor.u32 $0xC30, s3;
	[dreg:$0xe] =	wrdreg s12  }
0x2b3: {  	[dreg:$0x9] =	wrdreg s13  }
0x2b4: {  	v59 =	vor.u32 s31, v19;
	s14 =	sor.u32 $0xC40, s3;
	[tilespmem:v56+s20+$0x0] =	vst.idx.msk $0xffff, v34  }
0x2b5: {  	p2 =	por !p2, !p2;
	s8 =	sor.u32 $0x830, s5;
	[dreg:$0x5] =	wrdreg s14  }
0x2b6: {  	s4 =	sor.u32 $0x840, s5;
	s2 =	sor.u32 $0x840, s3;
	s28 =	sor.u32 $0x850, s5;
	[tilespmem:v57+s20+$0x0] =	vst.idx.msk $0xffff, v36  }
0x2b7: {  	s10 =	sor.u32 $0x830, s3;
	s17 =	sor.u32 $0x830, s1;
	s24 =	sor.u32 $0x860, s1;
	v34 =	vld [tilespmem:s8+$0x2000];
	[tilespmem:v58+s20+$0x0] =	vst.idx.msk $0xffff, v38  }
0x2b8: {  	s6 =	sor.u32 $0xC00, s1;
	s25 =	sor.u32 $0x850, s3;
	v37 =	vld [tilespmem:s17+$0x2000];
	[smem:$0x7AB] =	sst s24  }
0x2b9: {  	s15 =	sor.u32 $0xC70, s5;
	s18 =	sor.u32 $0x840, s1;
	s26 =	sor.u32 $0x870, s1;
	[tilespmem:v59+s20+$0x0] =	vst.idx.msk $0xffff, v32  }
0x2ba: {  	s21 =	sor.u32 $0xC60, s5;
	s23 =	sor.u32 $0xC50, s3;
	v38 =	vld [tilespmem:s10+$0x2000];
	[smem:$0x7AC] =	sst s26  }
0x2bb: {  	v60 =	vor.u32 s16, v19;
	s9 =	sor.u32 $0xC10, s1;
	s8 =	sor.u32 $0x840, s0;
	[smem:$0x7AD] =	sst s6  }
0x2bc: {  	v61 =	vor.u32 s29, v19;
	s22 =	sor.u32 $0xC70, s1;
	s10 =	sor.u32 $0xC20, s1;
	v32 =	vld [tilespmem:s8+$0x2000];
	[smem:$0x7AE] =	sst s9  }
0x2bd: {  	v62 =	vor.u32 s30, v19;
	s19 =	sor.u32 $0xC60, s3;
	s11 =	sor.u32 $0xC30, s1;
	[smem:$0x7AF] =	sst s10  }
0x2be: {  	v63 =	vor.u32 s31, v20;
	s7 =	sor.u32 $0x850, s1;
	s12 =	sor.u32 $0xC40, s1;
	[smem:$0x7B0] =	sst s11  }
0x2bf: {  	s14 =	sor.u32 $0xC70, s3;
	s3 =	simm.s32 $0x8;
	[dreg:$0x1c] =	wrdreg s12  }
0x2c0: {  	s17 =	sor.u32 $0x850, s0;
	s24 =	sor.u32 $0xC60, s1;
	s6 =	simm.s32 $0x1;
	[tilespmem:v60+s20+$0x0] =	vst.idx.msk $0xffff, v34  }
0x2c1: {  	s26 =	sor.u32 $0xC50, s1;
	s8 =	simm.s32 $0x2;
	s6 =	simm.s32 @!p2 $0x0;
	[tilespmem:v61+s20+$0x0] =	vst.idx.msk $0xffff, v37;
	v36 =	vld [tilespmem:s4+$0x2000]  }
0x2c2: {  	s12 =	simm.s32 $0x4;
	s10 =	simm.s32 $0x0;
	s13 =	sand.u32 $0x3, s8;
	v33 =	vld [tilespmem:s18+$0x2000];
	[tilespmem:v62+s20+$0x0] =	vst.idx.msk $0xffff, v38  }
0x2c3: {  	v39 =	vor.u32 s16, v20;
	s1 =	sshll.u32 s6, $0x9;
	s4 =	sshll.u32 s13, $0x8;
	s13 =	simm.s32 $0x800;
	v35 =	vld [tilespmem:s2+$0x2000];
	[tilespmem:v63+s20+$0x0] =	vst.idx.msk $0xffff, v32  }
0x2c4: {  	v37 =	vor.u32 s29, v20;
	v34 =	vor.u32 s31, v21;
	s18 =	simm.s32 $0x5;
	v38 =	vor.u32 s30, v20;
	s2 =	sand.u32 $0x1000, s13;
	v32 =	vld [tilespmem:s17+$0x2000];
	s17 =	simm.s32 $0x380  }
.LBB2_5:
0x2c5: {  	[smem:$0x78B] =	sst s23  }
0x2c6: {  	[smem:$0x78A] =	sst s26  }
0x2c7: {  	[smem:$0x797] =	sst s15  }
0x2c8: {  	[smem:$0x791] =	sst s24  }
0x2c9: {  	[smem:$0x79A] =	sst s22  }
0x2ca: {  	[smem:$0x78F] =	sst s21  }
0x2cb: {  	[smem:$0x795] =	sst s19  }
0x2cc: {  	[smem:$0x79B] =	sst s14  }
0x2cd: {  	[smem:$0x793] =	sst s8;
	s2 =	sor.u32 $0x2000, s2;
	s5 =	sand.u32 $0x380, s17  }
0x2ce: {  	s23 =	sadd.s32 $0xFFFFFE80, s17;
	s6 =	sadd.s32 $0x3, s12;
	s26 =	sadd.s32 $0xFFFFFF00, s17  }
0x2cf: {  	s11 =	sadd.s32 $0xFFFFFF80, s17;
	s9 =	sor.u32 $0x860, s0;
	s21 =	sor.u32 s5, s2  }
0x2d0: {  	s14 =	sadd.s32 s13, s4;
	s24 =	sand.u32 $0x200, s23;
	s5 =	sadd.s32 s1, s13;
	v48 =	vld [tilespmem:s21+$0x0];
	[tilespmem:v39+s20+$0x0] =	vst.idx.msk $0xffff, v36  }
0x2d1: {  	v47 =	vor.u32 s6, v0;
	s8 =	sand.u32 $0x280, s26;
	s11 =	sand.u32 $0x300, s11;
	s1 =	sor.u32 $0x800, s5;
	[tilespmem:v37+s20+$0x0] =	vst.idx.msk $0xffff, v33;
	v36 =	vld [tilespmem:s28+$0x2000]  }
0x2d2: {  	v46 =	vor.u32 s16, v21;
	s26 =	sor.u32 s24, s2;
	s15 =	sor.u32 $0x810, s5;
	[smem:$0x786] =	sst s1;
	[tilespmem:v34+s20+$0x0] =	vst.idx.msk $0xffff, v32;
	v49 =	vld [tilespmem:s7+$0x2000]  }
0x2d3: {  	v50 =	vor.u32 s29, v21;
	s19 =	sor.u32 s8, s2;
	s8 =	sor.u32 $0x820, s5;
	[smem:$0x78D] =	sst s15;
	v32 =	vld [tilespmem:s9+$0x2000]  }
0x2d4: {  	v40 =	vor.u32 s12, v0;
	s24 =	sadd.s32 $0x100, s14;
	s14 =	sor.u32 $0x840, s5;
	[smem:$0x792] =	sst s8;
	v41 =	vld [tilespmem:s26+$0x0]  }
0x2d5: {  	s4 =	sadd.s32 $0x2, s12;
	v42 =	vor.u32 s18, v0;
	[smem:$0x79E] =	sst s14;
	[tilespmem:v38+s20+$0x0] =	vst.idx.msk $0xffff, v35;
	s7 =	sor.u32 s11, s2;
	v43 =	vld [tilespmem:s19+$0x0]  }
0x2d6: {  	v52 =	vor.u32 s4, v0;
	s22 =	sor.u32 $0x800, s24;
	s14 =	sld [smem:$0x7A3];
	v53 =	vld [tilespmem:s7+$0x0];
	[tilespmem:v47+s20+$0x0] =	vst.idx.msk $0xffff, v48  }
0x2d7: {  	[smem:$0x788] =	sst s22;
	v55 =	vld [tilespmem:s25+$0x2000];
	s25 =	sor.u32 $0xC20, s5;
	[tilespmem:v46+s20+$0x0] =	vst.idx.msk $0xffff, v36  }
0x2d8: {  	v51 =	vor.u32 s31, v22;
	[smem:$0x781] =	sst s25;
	s25 =	sor.u32 $0xC20, s24;
	[tilespmem:v50+s20+$0x0] =	vst.idx.msk $0xffff, v49  }
0x2d9: {  	v56 =	vor.u32 s30, v21;
	[smem:$0x782] =	sst s25;
	s25 =	sor.u32 $0xC30, s5;
	v33 =	vld [tilespmem:s21+$0x10];
	[tilespmem:v40+s20+$0x0] =	vst.idx.msk $0xffff, v41  }
0x2da: {  	v54 =	vor.u32 s6, v1;
	[smem:$0x783] =	sst s25;
	s25 =	sor.u32 $0xC30, s24;
	[tilespmem:v42+s20+$0x0] =	vst.idx.msk $0xffff, v43;
	v40 =	vld [tilespmem:s26+$0x10]  }
0x2db: {  	v58 =	vor.u32 s12, v1;
	[smem:$0x784] =	sst s25;
	s25 =	sor.u32 $0xC40, s24;
	[tilespmem:v52+s20+$0x0] =	vst.idx.msk $0xffff, v53;
	v42 =	vld [tilespmem:s19+$0x10]  }
0x2dc: {  	v59 =	vor.u32 s18, v1;
	[smem:$0x787] =	sst s25;
	s25 =	sor.u32 $0xC40, s5;
	v36 =	vld [tilespmem:s7+$0x10]  }
0x2dd: {  	v60 =	vor.u32 s4, v1;
	s22 =	sor.u32 $0x870, s0;
	[tilespmem:v51+s20+$0x0] =	vst.idx.msk $0xffff, v32;
	[smem:$0x785] =	sst s25;
	v62 =	vld [tilespmem:s14+$0x2000];
	s14 =	sor.u32 $0xC50, s5  }
0x2de: {  	v57 =	vor.u32 s31, v23;
	v32 =	vld [tilespmem:s22+$0x2000];
	[tilespmem:v56+s20+$0x0] =	vst.idx.msk $0xffff, v55;
	[smem:$0x789] =	sst s14;
	s14 =	sor.u32 $0xC60, s5  }
0x2df: {  	v63 =	vor.u32 s16, v22;
	[tilespmem:v54+s20+$0x0] =	vst.idx.msk $0xffff, v33;
	[smem:$0x790] =	sst s14;
	s14 =	sor.u32 $0xC60, s24  }
0x2e0: {  	v61 =	vor.u32 s6, v2;
	v33 =	vld [tilespmem:s21+$0x20];
	[smem:$0x796] =	sst s14;
	s14 =	sor.u32 $0xC70, s24;
	[tilespmem:v58+s20+$0x0] =	vst.idx.msk $0xffff, v40  }
0x2e1: {  	s23 =	sor.u32 $0x810, s24;
	v46 =	vor.u32 s12, v2;
	[smem:$0x79D] =	sst s14;
	[tilespmem:v59+s20+$0x0] =	vst.idx.msk $0xffff, v42;
	v40 =	vld [tilespmem:s26+$0x20]  }
0x2e2: {  	s15 =	sor.u32 $0x840, s24;
	v47 =	vor.u32 s18, v2;
	s25 =	sor.u32 $0xC50, s24;
	s14 =	sld [smem:$0x7AB];
	[tilespmem:v60+s20+$0x0] =	vst.idx.msk $0xffff, v36;
	v42 =	vld [tilespmem:s19+$0x20]  }
0x2e3: {  	s8 =	sor.u32 $0x860, s24;
	v48 =	vor.u32 s4, v2;
	[smem:$0x78C] =	sst s25;
	s25 =	sor.u32 $0xC00, s0;
	[tilespmem:v57+s20+$0x0] =	vst.idx.msk $0xffff, v32;
	v36 =	vld [tilespmem:s7+$0x20]  }
0x2e4: {  	v45 =	vor.u32 s31, v24;
	s1 =	sor.u32 $0xC10, s24;
	s28 =	smov.u32 s30;
	s30 =	smov.u32 s29;
	v32 =	vld [tilespmem:s25+$0x2000];
	[tilespmem:v63+s20+$0x0] =	vst.idx.msk $0xffff, v62  }
0x2e5: {  	s2 =	sor.u32 $0x820, s24;
	s9 =	sor.u32 $0x830, s5;
	s11 =	sor.u32 $0x830, s24;
	v51 =	vor.u32 s30, v22;
	[tilespmem:v61+s20+$0x0] =	vst.idx.msk $0xffff, v33;
	v50 =	vld [tilespmem:s14+$0x2000]  }
0x2e6: {  	s29 =	smov.u32 s10;
	s10 =	sor.u32 $0x850, s24;
	[smem:$0x794] =	sst s2;
	v49 =	vor.u32 s6, v3;
	v33 =	vld [tilespmem:s21+$0x30];
	[tilespmem:v46+s20+$0x0] =	vst.idx.msk $0xffff, v40  }
0x2e7: {  	[smem:$0x798] =	sst s9;
	s9 =	sor.u32 $0x860, s5;
	s2 =	sor.u32 $0xC00, s24;
	v53 =	vor.u32 s12, v3;
	[tilespmem:v47+s20+$0x0] =	vst.idx.msk $0xffff, v42;
	v40 =	vld [tilespmem:s26+$0x30]  }
0x2e8: {  	s22 =	sor.u32 $0x870, s24;
	v54 =	vor.u32 s18, v3;
	s24 =	smov.u32 s9;
	s9 =	sld [smem:$0x7A2];
	[tilespmem:v48+s20+$0x0] =	vst.idx.msk $0xffff, v36;
	v42 =	vld [tilespmem:s19+$0x30]  }
0x2e9: {  	v55 =	vor.u32 s4, v3;
	[smem:$0x7A3] =	sst s24;
	s24 =	sor.u32 $0xC10, s0;
	[tilespmem:v45+s20+$0x0] =	vst.idx.msk $0xffff, v32;
	v36 =	vld [tilespmem:s7+$0x30]  }
0x2ea: {  	v52 =	vor.u32 s31, v25;
	v32 =	vld [tilespmem:s24+$0x2000];
	[tilespmem:v51+s20+$0x0] =	vst.idx.msk $0xffff, v50  }
0x2eb: {  	v58 =	vor.u32 s28, v22;
	v57 =	vld [tilespmem:s9+$0x2000];
	[tilespmem:v49+s20+$0x0] =	vst.idx.msk $0xffff, v33  }
0x2ec: {  	v56 =	vor.u32 s6, v4;
	v33 =	vld [tilespmem:s21+$0x40];
	[tilespmem:v53+s20+$0x0] =	vst.idx.msk $0xffff, v40  }
0x2ed: {  	v60 =	vor.u32 s12, v4;
	[tilespmem:v54+s20+$0x0] =	vst.idx.msk $0xffff, v42;
	v40 =	vld [tilespmem:s26+$0x40]  }
0x2ee: {  	v61 =	vor.u32 s18, v4;
	s24 =	smov.u32 s8;
	s8 =	sld [smem:$0x7A4];
	[tilespmem:v55+s20+$0x0] =	vst.idx.msk $0xffff, v36;
	v42 =	vld [tilespmem:s19+$0x40]  }
0x2ef: {  	v62 =	vor.u32 s4, v4;
	s14 =	sor.u32 $0xC20, s0;
	[tilespmem:v52+s20+$0x0] =	vst.idx.msk $0xffff, v32;
	v36 =	vld [tilespmem:s7+$0x40]  }
0x2f0: {  	v59 =	vor.u32 s31, v26;
	v32 =	vld [tilespmem:s14+$0x2000];
	[tilespmem:v58+s20+$0x0] =	vst.idx.msk $0xffff, v57  }
0x2f1: {  	v46 =	vor.u32 s16, v23;
	v45 =	vld [tilespmem:s8+$0x2000];
	[tilespmem:v56+s20+$0x0] =	vst.idx.msk $0xffff, v33  }
0x2f2: {  	[smem:$0x78E] =	sst s23;
	s23 =	sor.u32 $0x850, s5;
	v63 =	vor.u32 s6, v5;
	v33 =	vld [tilespmem:s21+$0x50];
	[tilespmem:v60+s20+$0x0] =	vst.idx.msk $0xffff, v40  }
0x2f3: {  	[smem:$0x79C] =	sst s23;
	s23 =	sor.u32 $0x870, s5;
	v48 =	vor.u32 s12, v5;
	[tilespmem:v61+s20+$0x0] =	vst.idx.msk $0xffff, v42;
	v40 =	vld [tilespmem:s26+$0x50]  }
0x2f4: {  	v49 =	vor.u32 s18, v5;
	s14 =	smov.u32 s23;
	s23 =	sld [smem:$0x7AC];
	[tilespmem:v62+s20+$0x0] =	vst.idx.msk $0xffff, v36;
	v42 =	vld [tilespmem:s19+$0x50]  }
0x2f5: {  	s9 =	sor.u32 $0xC30, s0;
	v50 =	vor.u32 s4, v5;
	[tilespmem:v59+s20+$0x0] =	vst.idx.msk $0xffff, v32;
	v36 =	vld [tilespmem:s7+$0x50]  }
0x2f6: {  	v47 =	vor.u32 s31, v27;
	v32 =	vld [tilespmem:s9+$0x2000];
	[tilespmem:v46+s20+$0x0] =	vst.idx.msk $0xffff, v45  }
0x2f7: {  	v53 =	vor.u32 s30, v23;
	v52 =	vld [tilespmem:s23+$0x2000];
	[tilespmem:v63+s20+$0x0] =	vst.idx.msk $0xffff, v33  }
0x2f8: {  	v51 =	vor.u32 s6, v6;
	v33 =	vld [tilespmem:s21+$0x60];
	[tilespmem:v48+s20+$0x0] =	vst.idx.msk $0xffff, v40  }
0x2f9: {  	v55 =	vor.u32 s12, v6;
	[tilespmem:v49+s20+$0x0] =	vst.idx.msk $0xffff, v42;
	v40 =	vld [tilespmem:s26+$0x60]  }
0x2fa: {  	s8 =	sld [smem:$0x7A8];
	v56 =	vor.u32 s18, v6;
	[tilespmem:v50+s20+$0x0] =	vst.idx.msk $0xffff, v36;
	v42 =	vld [tilespmem:s19+$0x60]  }
0x2fb: {  	[smem:$0x7A2] =	sst s24;
	s24 =	sor.u32 $0xC40, s0;
	v57 =	vor.u32 s4, v6;
	[tilespmem:v47+s20+$0x0] =	vst.idx.msk $0xffff, v32;
	v36 =	vld [tilespmem:s7+$0x60]  }
0x2fc: {  	v54 =	vor.u32 s31, v28;
	v32 =	vld [tilespmem:s24+$0x2000];
	[tilespmem:v53+s20+$0x0] =	vst.idx.msk $0xffff, v52  }
0x2fd: {  	v60 =	vor.u32 s28, v23;
	v59 =	vld [tilespmem:s8+$0x2000];
	[tilespmem:v51+s20+$0x0] =	vst.idx.msk $0xffff, v33  }
0x2fe: {  	v58 =	vor.u32 s6, v7;
	v33 =	vld [tilespmem:s21+$0x70];
	[tilespmem:v55+s20+$0x0] =	vst.idx.msk $0xffff, v40  }
0x2ff: {  	[smem:$0x7A4] =	sst s14;
	v62 =	vor.u32 s12, v7;
	[tilespmem:v56+s20+$0x0] =	vst.idx.msk $0xffff, v42;
	v40 =	vld [tilespmem:s26+$0x70]  }
0x300: {  	s14 =	smov.u32 s22;
	s22 =	sld [smem:$0x7A5];
	v63 =	vor.u32 s18, v7;
	[tilespmem:v57+s20+$0x0] =	vst.idx.msk $0xffff, v36;
	v42 =	vld [tilespmem:s19+$0x70]  }
0x301: {  	s9 =	sor.u32 $0xC50, s0;
	v45 =	vor.u32 s4, v7;
	[tilespmem:v54+s20+$0x0] =	vst.idx.msk $0xffff, v32;
	v36 =	vld [tilespmem:s7+$0x70]  }
0x302: {  	v61 =	vor.u32 s31, v29;
	v32 =	vld [tilespmem:s9+$0x2000];
	[tilespmem:v60+s20+$0x0] =	vst.idx.msk $0xffff, v59  }
0x303: {  	v48 =	vor.u32 s16, v24;
	v47 =	vld [tilespmem:s22+$0x2000];
	[tilespmem:v58+s20+$0x0] =	vst.idx.msk $0xffff, v33  }
0x304: {  	v46 =	vor.u32 s6, v8;
	v33 =	vld [tilespmem:s21+$0x400];
	[tilespmem:v62+s20+$0x0] =	vst.idx.msk $0xffff, v40  }
0x305: {  	v50 =	vor.u32 s12, v8;
	[tilespmem:v63+s20+$0x0] =	vst.idx.msk $0xffff, v42;
	v40 =	vld [tilespmem:s26+$0x400]  }
0x306: {  	v51 =	vor.u32 s18, v8;
	s9 =	sld [smem:$0x7AD];
	[tilespmem:v45+s20+$0x0] =	vst.idx.msk $0xffff, v36;
	v42 =	vld [tilespmem:s19+$0x400]  }
0x307: {  	s23 =	sor.u32 $0xC60, s0;
	v52 =	vor.u32 s4, v8;
	[tilespmem:v61+s20+$0x0] =	vst.idx.msk $0xffff, v32;
	v36 =	vld [tilespmem:s7+$0x400]  }
0x308: {  	v49 =	vor.u32 s31, v30;
	v32 =	vld [tilespmem:s23+$0x2000];
	[tilespmem:v48+s20+$0x0] =	vst.idx.msk $0xffff, v47  }
0x309: {  	v55 =	vor.u32 s30, v24;
	v54 =	vld [tilespmem:s9+$0x2000];
	[tilespmem:v46+s20+$0x0] =	vst.idx.msk $0xffff, v33  }
0x30a: {  	v53 =	vor.u32 s6, v9;
	v33 =	vld [tilespmem:s21+$0x410];
	[tilespmem:v50+s20+$0x0] =	vst.idx.msk $0xffff, v40  }
0x30b: {  	[smem:$0x79F] =	sst s15;
	s15 =	sor.u32 $0xC00, s5;
	v57 =	vor.u32 s12, v9;
	[tilespmem:v51+s20+$0x0] =	vst.idx.msk $0xffff, v42;
	v40 =	vld [tilespmem:s26+$0x410]  }
0x30c: {  	s24 =	smov.u32 s15;
	s15 =	sld [smem:$0x7A9];
	v58 =	vor.u32 s18, v9;
	[tilespmem:v52+s20+$0x0] =	vst.idx.msk $0xffff, v36;
	v42 =	vld [tilespmem:s19+$0x410]  }
0x30d: {  	[smem:$0x7A8] =	sst s14;
	s14 =	sor.u32 $0xC70, s0;
	v59 =	vor.u32 s4, v9;
	[tilespmem:v49+s20+$0x0] =	vst.idx.msk $0xffff, v32;
	v36 =	vld [tilespmem:s7+$0x410]  }
0x30e: {  	v56 =	vor.u32 s31, v31;
	s23 =	sld [smem:$0x7A6];
	v32 =	vld [tilespmem:s14+$0x2000];
	[tilespmem:v55+s20+$0x0] =	vst.idx.msk $0xffff, v54  }
0x30f: {  	s31 =	smov.u32 s6;
	v62 =	vor.u32 s28, v24;
	v61 =	vld [tilespmem:s15+$0x2000];
	[tilespmem:v53+s20+$0x0] =	vst.idx.msk $0xffff, v33  }
0x310: {  	v60 =	vor.u32 s31, v10;
	v33 =	vld [tilespmem:s21+$0x420];
	[tilespmem:v57+s20+$0x0] =	vst.idx.msk $0xffff, v40  }
0x311: {  	v45 =	vor.u32 s16, v25;
	[tilespmem:v58+s20+$0x0] =	vst.idx.msk $0xffff, v42;
	v63 =	vld [tilespmem:s23+$0x2000]  }
0x312: {  	s22 =	smov.u32 s2;
	s2 =	sld [smem:$0x7AE];
	v47 =	vor.u32 s18, v10;
	[tilespmem:v59+s20+$0x0] =	vst.idx.msk $0xffff, v36;
	v42 =	vld [tilespmem:s19+$0x420]  }
0x313: {  	[smem:$0x799] =	sst s11;
	s11 =	sor.u32 $0xC10, s5;
	s25 =	smov.u32 s10;
	v48 =	vor.u32 s4, v10;
	[tilespmem:v56+s20+$0x0] =	vst.idx.msk $0xffff, v32;
	v36 =	vld [tilespmem:s7+$0x420]  }
0x314: {  	s10 =	smov.u32 s29;
	s29 =	sor.u32 $0xC70, s5;
	s5 =	sld [smem:$0x7AA];
	v46 =	vor.u32 s12, v10;
	v40 =	vld [tilespmem:s26+$0x420];
	[tilespmem:v62+s20+$0x0] =	vst.idx.msk $0xffff, v61  }
0x315: {  	v51 =	vor.u32 s30, v25;
	v50 =	vld [tilespmem:s2+$0x2000];
	[tilespmem:v60+s20+$0x0] =	vst.idx.msk $0xffff, v33  }
0x316: {  	v49 =	vor.u32 s31, v11;
	v33 =	vld [tilespmem:s21+$0x430];
	[tilespmem:v45+s20+$0x0] =	vst.idx.msk $0xffff, v63  }
0x317: {  	v52 =	vor.u32 s28, v25;
	v35 =	vld [tilespmem:s5+$0x2000];
	[tilespmem:v47+s20+$0x0] =	vst.idx.msk $0xffff, v42  }
0x318: {  	s14 =	sld [smem:$0x7AF];
	v54 =	vor.u32 s18, v11;
	[tilespmem:v48+s20+$0x0] =	vst.idx.msk $0xffff, v36;
	v42 =	vld [tilespmem:s19+$0x430]  }
0x319: {  	v55 =	vor.u32 s4, v11;
	[tilespmem:v46+s20+$0x0] =	vst.idx.msk $0xffff, v40;
	v36 =	vld [tilespmem:s7+$0x430]  }
0x31a: {  	s0 =	sld [smem:$0x783];
	v53 =	vor.u32 s12, v11;
	[tilespmem:v51+s20+$0x0] =	vst.idx.msk $0xffff, v50;
	v40 =	vld [tilespmem:s26+$0x430]  }
0x31b: {  	[smem:$0x7A5] =	sst s24;
	v60 =	vor.u32 s30, v26;
	[tilespmem:v49+s20+$0x0] =	vst.idx.msk $0xffff, v33;
	v59 =	vld [tilespmem:s14+$0x2000]  }
0x31c: {  	s8 =	rddreg [dreg:$0x15];
	s6 =	smov.u32 s1;
	v56 =	vor.u32 s31, v12;
	[tilespmem:v52+s20+$0x0] =	vst.idx.msk $0xffff, v35;
	v33 =	vld [tilespmem:s21+$0x440]  }
0x31d: {  	[smem:$0x7AA] =	sst s6;
	v58 =	vor.u32 s16, v26;
	v57 =	vld [tilespmem:s8+$0x2000];
	[tilespmem:v54+s20+$0x0] =	vst.idx.msk $0xffff, v42  }
0x31e: {  	s6 =	rddreg [dreg:$0x9];
	v62 =	vor.u32 s18, v12;
	[tilespmem:v55+s20+$0x0] =	vst.idx.msk $0xffff, v36;
	v42 =	vld [tilespmem:s19+$0x440]  }
0x31f: {  	[smem:$0x7A9] =	sst s22;
	v63 =	vor.u32 s4, v12;
	[tilespmem:v53+s20+$0x0] =	vst.idx.msk $0xffff, v40;
	v36 =	vld [tilespmem:s7+$0x440]  }
0x320: {  	s22 =	sld [smem:$0x782];
	v61 =	vor.u32 s12, v12;
	[tilespmem:v60+s20+$0x0] =	vst.idx.msk $0xffff, v59;
	v40 =	vld [tilespmem:s26+$0x440]  }
0x321: {  	s9 =	sld [smem:$0x781];
	[tilespmem:v56+s20+$0x0] =	vst.idx.msk $0xffff, v33  }
0x322: {  	s24 =	smov.u32 s11;
	s15 =	rddreg [dreg:$0xe];
	v45 =	vor.u32 s31, v13;
	[tilespmem:v58+s20+$0x0] =	vst.idx.msk $0xffff, v57;
	v33 =	vld [tilespmem:s21+$0x450]  }
0x323: {  	[smem:$0x7A6] =	sst s24;
	v47 =	vor.u32 s28, v26;
	v46 =	vld [tilespmem:s15+$0x2000];
	[tilespmem:v62+s20+$0x0] =	vst.idx.msk $0xffff, v42  }
0x324: {  	s24 =	rddreg [dreg:$0xd];
	s11 =	smov.u32 s9;
	v51 =	vor.u32 s18, v13;
	[tilespmem:v63+s20+$0x0] =	vst.idx.msk $0xffff, v36;
	v42 =	vld [tilespmem:s19+$0x450]  }
0x325: {  	[dreg:$0x15] =	wrdreg s11;
	v52 =	vor.u32 s4, v13;
	[tilespmem:v61+s20+$0x0] =	vst.idx.msk $0xffff, v40;
	v36 =	vld [tilespmem:s7+$0x450]  }
0x326: {  	s5 =	sld [smem:$0x7B0];
	v49 =	vor.u32 s16, v27;
	v48 =	vld [tilespmem:s24+$0x2000]  }
0x327: {  	s10 =	sadd.s32 $0x4, s10;
	v50 =	vor.u32 s12, v13;
	s8 =	sld [smem:$0x784];
	v40 =	vld [tilespmem:s26+$0x450];
	[tilespmem:v45+s20+$0x0] =	vst.idx.msk $0xffff, v33  }
0x328: {  	s11 =	sand.u32 $0x7, s10;
	s23 =	smov.u32 s22;
	s22 =	rddreg [dreg:$0x1c];
	v53 =	vor.u32 s31, v14;
	[tilespmem:v47+s20+$0x0] =	vst.idx.msk $0xffff, v46;
	v33 =	vld [tilespmem:s21+$0x460]  }
0x329: {  	s2 =	smov.u32 s0;
	s0 =	sshll.u32 s11, $0x7;
	[dreg:$0xe] =	wrdreg s23;
	v54 =	vld [tilespmem:s5+$0x2000];
	[tilespmem:v51+s20+$0x0] =	vst.idx.msk $0xffff, v42  }
0x32a: {  	s0 =	sadd.s32 s13, s0;
	s14 =	rddreg [dreg:$0x4];
	s9 =	smov.u32 s8;
	v55 =	vor.u32 s30, v27;
	v56 =	vld [tilespmem:s6+$0x2000];
	[tilespmem:v52+s20+$0x0] =	vst.idx.msk $0xffff, v36  }
0x32b: {  	[dreg:$0x9] =	wrdreg s9;
	v57 =	vor.u32 s28, v27;
	s6 =	sadd.s32 $0x80, s0;
	[tilespmem:v49+s20+$0x0] =	vst.idx.msk $0xffff, v48;
	v42 =	vld [tilespmem:s19+$0x460]  }
0x32c: {  	v59 =	vor.u32 s18, v14;
	s15 =	sld [smem:$0x785];
	s24 =	sor.u32 $0x860, s6;
	v36 =	vld [tilespmem:s7+$0x460];
	[tilespmem:v50+s20+$0x0] =	vst.idx.msk $0xffff, v40  }
0x32d: {  	v60 =	vor.u32 s4, v14;
	[smem:$0x7AB] =	sst s24;
	s24 =	sor.u32 $0xC30, s6;
	[tilespmem:v53+s20+$0x0] =	vst.idx.msk $0xffff, v33;
	v40 =	vld [tilespmem:s26+$0x460]  }
0x32e: {  	v58 =	vor.u32 s12, v14;
	[smem:$0x7B0] =	sst s24;
	v33 =	vld [tilespmem:s21+$0x470]  }
0x32f: {  	[tilespmem:v55+s20+$0x0] =	vst.idx.msk $0xffff, v54;
	v62 =	vld [tilespmem:s14+$0x2000];
	s21 =	smov.u32 s15;
	s14 =	rddreg [dreg:$0x5]  }
0x330: {  	v46 =	vor.u32 s30, v28;
	[tilespmem:v57+s20+$0x0] =	vst.idx.msk $0xffff, v56;
	v45 =	vld [tilespmem:s22+$0x2000];
	s15 =	sor.u32 $0xC00, s6;
	[dreg:$0x4] =	wrdreg s21  }
0x331: {  	v61 =	vor.u32 s31, v15;
	[smem:$0x7AD] =	sst s15;
	[tilespmem:v59+s20+$0x0] =	vst.idx.msk $0xffff, v42  }
0x332: {  	v48 =	vor.u32 s18, v15;
	s21 =	sor.u32 $0xC20, s6;
	s15 =	sld [smem:$0x78B];
	[tilespmem:v60+s20+$0x0] =	vst.idx.msk $0xffff, v36;
	v42 =	vld [tilespmem:s19+$0x470]  }
0x333: {  	v49 =	vor.u32 s4, v15;
	[smem:$0x7AF] =	sst s21;
	v36 =	vld [tilespmem:s7+$0x470];
	[tilespmem:v58+s20+$0x0] =	vst.idx.msk $0xffff, v40  }
0x334: {  	v63 =	vor.u32 s16, v28;
	s21 =	sld [smem:$0x788];
	v40 =	vld [tilespmem:s26+$0x470];
	s26 =	sor.u32 $0x870, s6  }
0x335: {  	s0 =	sadd.s32 $0x180, s0;
	v52 =	vor.u32 s28, v28;
	[tilespmem:v46+s20+$0x0] =	vst.idx.msk $0xffff, v45;
	v51 =	vld [tilespmem:s14+$0x2000];
	[smem:$0x7AC] =	sst s26;
	s26 =	sor.u32 $0xC40, s6  }
0x336: {  	v47 =	vor.u32 s12, v15;
	s23 =	sor.u32 $0x800, s0;
	[tilespmem:v61+s20+$0x0] =	vst.idx.msk $0xffff, v33;
	[dreg:$0x1c] =	wrdreg s26  }
0x337: {  	s9 =	sor.u32 $0x800, s6;
	v33 =	vld [tilespmem:s23+$0x2000];
	s26 =	sld [smem:$0x78A];
	[tilespmem:v48+s20+$0x0] =	vst.idx.msk $0xffff, v42  }
0x338: {  	v50 =	vor.u32 s31, v16;
	s14 =	sld [smem:$0x787];
	[tilespmem:v49+s20+$0x0] =	vst.idx.msk $0xffff, v36;
	v42 =	vld [tilespmem:s9+$0x2000]  }
0x339: {  	v56 =	vor.u32 s18, v16;
	s22 =	sld [smem:$0x7A7];
	[tilespmem:v63+s20+$0x0] =	vst.idx.msk $0xffff, v62;
	v36 =	vld [tilespmem:s21+$0x2000]  }
0x33a: {  	v57 =	vor.u32 s4, v16;
	s19 =	sor.u32 $0xC10, s6;
	s23 =	sld [smem:$0x786];
	[tilespmem:v52+s20+$0x0] =	vst.idx.msk $0xffff, v51;
	v59 =	vld [tilespmem:s26+$0x2000]  }
0x33b: {  	v60 =	vor.u32 s30, v29;
	[smem:$0x7AE] =	sst s19;
	s19 =	smov.u32 s14;
	[tilespmem:v47+s20+$0x0] =	vst.idx.msk $0xffff, v40;
	v61 =	vld [tilespmem:s15+$0x2000]  }
0x33c: {  	v54 =	vor.u32 s16, v29;
	[dreg:$0x5] =	wrdreg s19;
	v53 =	vld [tilespmem:s22+$0x2000]  }
0x33d: {  	v55 =	vor.u32 s12, v16;
	[tilespmem:v50+s20+$0x0] =	vst.idx.msk $0xffff, v33;
	s15 =	sld [smem:$0x791];
	v40 =	vld [tilespmem:s23+$0x2000];
	s22 =	sor.u32 $0x810, s0  }
0x33e: {  	v58 =	vor.u32 s31, v17;
	v33 =	vld [tilespmem:s22+$0x2000];
	s22 =	sld [smem:$0x78E];
	[tilespmem:v56+s20+$0x0] =	vst.idx.msk $0xffff, v42  }
0x33f: {  	s5 =	sor.u32 $0x810, s6;
	v62 =	vor.u32 s28, v29;
	s23 =	sld [smem:$0x789];
	[tilespmem:v57+s20+$0x0] =	vst.idx.msk $0xffff, v36  }
0x340: {  	v45 =	vor.u32 s18, v17;
	s21 =	sld [smem:$0x78D];
	v42 =	vld [tilespmem:s5+$0x2000];
	[tilespmem:v60+s20+$0x0] =	vst.idx.msk $0xffff, v59  }
0x341: {  	s11 =	sor.u32 $0xC50, s6;
	v46 =	vor.u32 s4, v17;
	s19 =	sld [smem:$0x78C];
	v36 =	vld [tilespmem:s22+$0x2000];
	[tilespmem:v54+s20+$0x0] =	vst.idx.msk $0xffff, v53  }
0x342: {  	s26 =	smov.u32 s11;
	s11 =	sld [smem:$0x78F];
	s24 =	smov.u32 s23;
	v50 =	vld [tilespmem:s15+$0x2000];
	[tilespmem:v55+s20+$0x0] =	vst.idx.msk $0xffff, v40  }
0x343: {  	v63 =	vor.u32 s12, v17;
	[smem:$0x7A7] =	sst s24;
	s24 =	sor.u32 $0x820, s0;
	[tilespmem:v58+s20+$0x0] =	vst.idx.msk $0xffff, v33;
	v40 =	vld [tilespmem:s21+$0x2000]  }
0x344: {  	v47 =	vor.u32 s31, v18;
	[tilespmem:v62+s20+$0x0] =	vst.idx.msk $0xffff, v61;
	s22 =	sld [smem:$0x794];
	v33 =	vld [tilespmem:s24+$0x2000]  }
0x345: {  	s8 =	sor.u32 $0x820, s6;
	s14 =	sld [smem:$0x790];
	v51 =	vor.u32 s30, v30;
	v48 =	vld [tilespmem:s11+$0x2000];
	[tilespmem:v45+s20+$0x0] =	vst.idx.msk $0xffff, v42  }
0x346: {  	s23 =	smov.u32 s19;
	s19 =	sld [smem:$0x792];
	v53 =	vor.u32 s18, v18;
	[tilespmem:v46+s20+$0x0] =	vst.idx.msk $0xffff, v36;
	v42 =	vld [tilespmem:s8+$0x2000]  }
0x347: {  	v54 =	vor.u32 s4, v18;
	s11 =	sld [smem:$0x795];
	v36 =	vld [tilespmem:s22+$0x2000]  }
0x348: {  	v49 =	vor.u32 s16, v30;
	s9 =	sor.u32 $0xC60, s6;
	s21 =	smov.u32 s14;
	s14 =	sld [smem:$0x796];
	[tilespmem:v63+s20+$0x0] =	vst.idx.msk $0xffff, v40  }
0x349: {  	[dreg:$0xd] =	wrdreg s2;
	v52 =	vor.u32 s12, v18;
	s24 =	smov.u32 s9;
	s9 =	sor.u32 $0x830, s0;
	[tilespmem:v47+s20+$0x0] =	vst.idx.msk $0xffff, v33;
	v40 =	vld [tilespmem:s19+$0x2000]  }
0x34a: {  	v55 =	vor.u32 s31, v19;
	[tilespmem:v51+s20+$0x0] =	vst.idx.msk $0xffff, v50;
	v33 =	vld [tilespmem:s9+$0x2000];
	s9 =	sld [smem:$0x799]  }
0x34b: {  	s2 =	sor.u32 $0x830, s6;
	v57 =	vor.u32 s28, v30;
	v56 =	vld [tilespmem:s11+$0x2000];
	s19 =	smov.u32 s14;
	s14 =	sld [smem:$0x79A];
	[tilespmem:v53+s20+$0x0] =	vst.idx.msk $0xffff, v42  }
0x34c: {  	v61 =	vor.u32 s18, v19;
	s15 =	sld [smem:$0x797];
	[tilespmem:v54+s20+$0x0] =	vst.idx.msk $0xffff, v36;
	v42 =	vld [tilespmem:s2+$0x2000]  }
0x34d: {  	p3 =	slt.u32 s3, $0xC;
	p2 =	por !p2, !p2;
	s5 =	sld [smem:$0x79E];
	v45 =	vor.u32 s4, v19;
	[tilespmem:v49+s20+$0x0] =	vst.idx.msk $0xffff, v48;
	v44 =	vld [tilespmem:s9+$0x2000]  }
0x34e: {  	s17 =	sadd.s32 $0x200, s17;
	s22 =	sld [smem:$0x798];
	s11 =	sor.u32 $0x840, s0;
	v49 =	vor.u32 s30, v31;
	v48 =	vld [tilespmem:s14+$0x2000];
	[tilespmem:v52+s20+$0x0] =	vst.idx.msk $0xffff, v40  }
0x34f: {  	v59 =	vor.u32 s16, v31;
	[tilespmem:v55+s20+$0x0] =	vst.idx.msk $0xffff, v33;
	v58 =	vld [tilespmem:s15+$0x2000];
	s15 =	smov.u32 s29;
	s29 =	smov.u32 s18;
	s18 =	sld [smem:$0x79B]  }
0x350: {  	s13 =	sadd.s32 $0x800, s13;
	s16 =	smov.u32 s12;
	s8 =	sld [smem:$0x793];
	v47 =	vor.u32 s31, v20;
	[tilespmem:v57+s20+$0x0] =	vst.idx.msk $0xffff, v56;
	v46 =	vld [tilespmem:s11+$0x2000]  }
0x351: {  	s1 =	sor.u32 $0x840, s6;
	v60 =	vor.u32 s16, v19;
	s30 =	smov.u32 s4;
	s4 =	sld [smem:$0x79D];
	v40 =	vld [tilespmem:s22+$0x2000];
	[tilespmem:v61+s20+$0x0] =	vst.idx.msk $0xffff, v42  }
0x352: {  	s7 =	sor.u32 $0x850, s6;
	s6 =	sor.u32 $0xC70, s6;
	v63 =	vor.u32 s28, v31;
	s9 =	sld [smem:$0x79F];
	v62 =	vld [tilespmem:s18+$0x2000];
	[tilespmem:v45+s20+$0x0] =	vst.idx.msk $0xffff, v44  }
.Ltmp3:
0x353: {  	s12 =	smov.u32 s3;
	s28 =	sld [smem:$0x79C];
	v33 =	vld [tilespmem:s1+$0x2000];
	[tilespmem:v49+s20+$0x0] =	vst.idx.msk $0xffff, v48;
	(pc) =	sbr.rel @p3 .LBB2_5-.Ltmp3, $4  }
0x354: {  	s8 =	sadd.s32 $0x2, s8;
	s14 =	smov.u32 s4;
	s2 =	simm.s32 $0x1;
	[tilespmem:v59+s20+$0x0] =	vst.idx.msk $0xffff, v58  }
0x355: {  	s22 =	smov.u32 s6;
	s6 =	sand.u32 $0x3, s8;
	s11 =	sor.u32 $0x850, s0;
	v35 =	vld [tilespmem:s9+$0x2000];
	[tilespmem:v47+s20+$0x0] =	vst.idx.msk $0xffff, v46  }
0x356: {  	v34 =	vor.u32 s31, v21;
	v39 =	vor.u32 s16, v20;
	s2 =	simm.s32 @!p2 $0x0;
	s4 =	sshll.u32 s6, $0x8;
	s18 =	sadd.s32 $0x1, s3;
	[tilespmem:v60+s20+$0x0] =	vst.idx.msk $0xffff, v40;
	v32 =	vld [tilespmem:s11+$0x2000]  }
0x357: {  	v38 =	vor.u32 s30, v20;
	v37 =	vor.u32 s29, v20;
	s1 =	sshll.u32 s2, $0x9;
	s2 =	sand.u32 $0x1000, s13;
	s3 =	sadd.s32 $0x4, s3;
	v36 =	vld [tilespmem:s5+$0x2000];
	[tilespmem:v63+s20+$0x0] =	vst.idx.msk $0xffff, v62  }
0x358: {  	s6 =	sor.u32 $0x2000, s2  }
0x359: {  	s11 =	sand.u32 $0x380, s17;
	s3 =	sadd.s32 $0xFFFFFE80, s17;
	s8 =	sadd.s32 $0xFFFFFF00, s17  }
0x35a: {  	s2 =	sor.u32 s11, s6;
	s5 =	sand.u32 $0x200, s3;
	s3 =	sadd.s32 $0x3, s12  }
0x35b: {  	s9 =	sadd.s32 $0xFFFFFF80, s17;
	s8 =	sand.u32 $0x280, s8;
	v40 =	vor.u32 s3, v0;
	v41 =	vld [tilespmem:s2+$0x0];
	s5 =	sor.u32 s5, s6  }
0x35c: {  	v42 =	vor.u32 s12, v0;
	s9 =	sand.u32 $0x300, s9;
	s11 =	sor.u32 s8, s6;
	v43 =	vld [tilespmem:s5+$0x0]  }
0x35d: {  	s17 =	smov.u32 s16;
	v44 =	vor.u32 s18, v0;
	s16 =	sadd.s32 $0x2, s12;
	s6 =	sor.u32 s9, s6;
	v45 =	vld [tilespmem:s11+$0x0]  }
0x35e: {  	v46 =	vor.u32 s16, v0;
	v47 =	vld [tilespmem:s6+$0x0];
	_ =	sdelay $0x1  }
0x35f: {  	[tilespmem:v40+s20+$0x0] =	vst.idx.msk $0xffff, v41  }
0x360: {  	v60 =	vor.u32 s3, v1;
	v40 =	vld [tilespmem:s2+$0x10];
	[tilespmem:v42+s20+$0x0] =	vst.idx.msk $0xffff, v43  }
0x361: {  	v61 =	vor.u32 s12, v1;
	[tilespmem:v44+s20+$0x0] =	vst.idx.msk $0xffff, v45;
	v42 =	vld [tilespmem:s5+$0x10]  }
0x362: {  	v62 =	vor.u32 s18, v1;
	[tilespmem:v46+s20+$0x0] =	vst.idx.msk $0xffff, v47;
	v44 =	vld [tilespmem:s11+$0x10]  }
0x363: {  	v63 =	vor.u32 s16, v1;
	v46 =	vld [tilespmem:s6+$0x10];
	_ =	sdelay $0x1  }
0x364: {  	[tilespmem:v60+s20+$0x0] =	vst.idx.msk $0xffff, v40  }
0x365: {  	v48 =	vor.u32 s3, v2;
	v40 =	vld [tilespmem:s2+$0x20];
	[tilespmem:v61+s20+$0x0] =	vst.idx.msk $0xffff, v42  }
0x366: {  	v49 =	vor.u32 s12, v2;
	[tilespmem:v62+s20+$0x0] =	vst.idx.msk $0xffff, v44;
	v42 =	vld [tilespmem:s5+$0x20]  }
0x367: {  	v50 =	vor.u32 s18, v2;
	[tilespmem:v63+s20+$0x0] =	vst.idx.msk $0xffff, v46;
	v44 =	vld [tilespmem:s11+$0x20]  }
0x368: {  	v51 =	vor.u32 s16, v2;
	v46 =	vld [tilespmem:s6+$0x20];
	_ =	sdelay $0x1  }
0x369: {  	[tilespmem:v48+s20+$0x0] =	vst.idx.msk $0xffff, v40  }
0x36a: {  	v52 =	vor.u32 s3, v3;
	v40 =	vld [tilespmem:s2+$0x30];
	[tilespmem:v49+s20+$0x0] =	vst.idx.msk $0xffff, v42  }
0x36b: {  	v53 =	vor.u32 s12, v3;
	[tilespmem:v50+s20+$0x0] =	vst.idx.msk $0xffff, v44;
	v42 =	vld [tilespmem:s5+$0x30]  }
0x36c: {  	v54 =	vor.u32 s18, v3;
	[tilespmem:v51+s20+$0x0] =	vst.idx.msk $0xffff, v46;
	v44 =	vld [tilespmem:s11+$0x30]  }
0x36d: {  	v55 =	vor.u32 s16, v3;
	v46 =	vld [tilespmem:s6+$0x30];
	_ =	sdelay $0x1  }
0x36e: {  	[tilespmem:v52+s20+$0x0] =	vst.idx.msk $0xffff, v40  }
0x36f: {  	v56 =	vor.u32 s3, v4;
	v40 =	vld [tilespmem:s2+$0x40];
	[tilespmem:v53+s20+$0x0] =	vst.idx.msk $0xffff, v42  }
0x370: {  	v57 =	vor.u32 s12, v4;
	[tilespmem:v54+s20+$0x0] =	vst.idx.msk $0xffff, v44;
	v42 =	vld [tilespmem:s5+$0x40]  }
0x371: {  	v58 =	vor.u32 s18, v4;
	[tilespmem:v55+s20+$0x0] =	vst.idx.msk $0xffff, v46;
	v44 =	vld [tilespmem:s11+$0x40]  }
0x372: {  	v59 =	vor.u32 s16, v4;
	v46 =	vld [tilespmem:s6+$0x40];
	_ =	sdelay $0x1  }
0x373: {  	[tilespmem:v56+s20+$0x0] =	vst.idx.msk $0xffff, v40  }
0x374: {  	v60 =	vor.u32 s3, v5;
	v40 =	vld [tilespmem:s2+$0x50];
	[tilespmem:v57+s20+$0x0] =	vst.idx.msk $0xffff, v42  }
0x375: {  	v61 =	vor.u32 s12, v5;
	[tilespmem:v58+s20+$0x0] =	vst.idx.msk $0xffff, v44;
	v42 =	vld [tilespmem:s5+$0x50]  }
0x376: {  	v62 =	vor.u32 s18, v5;
	[tilespmem:v59+s20+$0x0] =	vst.idx.msk $0xffff, v46;
	v44 =	vld [tilespmem:s11+$0x50]  }
0x377: {  	v63 =	vor.u32 s16, v5;
	v46 =	vld [tilespmem:s6+$0x50];
	_ =	sdelay $0x1  }
0x378: {  	[tilespmem:v60+s20+$0x0] =	vst.idx.msk $0xffff, v40  }
0x379: {  	v48 =	vor.u32 s3, v6;
	v40 =	vld [tilespmem:s2+$0x60];
	[tilespmem:v61+s20+$0x0] =	vst.idx.msk $0xffff, v42  }
0x37a: {  	v49 =	vor.u32 s12, v6;
	[tilespmem:v62+s20+$0x0] =	vst.idx.msk $0xffff, v44;
	v42 =	vld [tilespmem:s5+$0x60]  }
0x37b: {  	v50 =	vor.u32 s18, v6;
	[tilespmem:v63+s20+$0x0] =	vst.idx.msk $0xffff, v46;
	v44 =	vld [tilespmem:s11+$0x60]  }
0x37c: {  	v51 =	vor.u32 s16, v6;
	v46 =	vld [tilespmem:s6+$0x60];
	_ =	sdelay $0x1  }
0x37d: {  	[tilespmem:v48+s20+$0x0] =	vst.idx.msk $0xffff, v40  }
0x37e: {  	v52 =	vor.u32 s3, v7;
	v40 =	vld [tilespmem:s2+$0x70];
	[tilespmem:v49+s20+$0x0] =	vst.idx.msk $0xffff, v42  }
0x37f: {  	v53 =	vor.u32 s12, v7;
	[tilespmem:v50+s20+$0x0] =	vst.idx.msk $0xffff, v44;
	v42 =	vld [tilespmem:s5+$0x70]  }
0x380: {  	v54 =	vor.u32 s18, v7;
	[tilespmem:v51+s20+$0x0] =	vst.idx.msk $0xffff, v46;
	v44 =	vld [tilespmem:s11+$0x70]  }
0x381: {  	v55 =	vor.u32 s16, v7;
	v46 =	vld [tilespmem:s6+$0x70];
	_ =	sdelay $0x1  }
0x382: {  	[tilespmem:v52+s20+$0x0] =	vst.idx.msk $0xffff, v40  }
0x383: {  	v56 =	vor.u32 s3, v8;
	v40 =	vld [tilespmem:s2+$0x400];
	[tilespmem:v53+s20+$0x0] =	vst.idx.msk $0xffff, v42  }
0x384: {  	v57 =	vor.u32 s12, v8;
	[tilespmem:v54+s20+$0x0] =	vst.idx.msk $0xffff, v44;
	v42 =	vld [tilespmem:s5+$0x400]  }
0x385: {  	v58 =	vor.u32 s18, v8;
	[tilespmem:v55+s20+$0x0] =	vst.idx.msk $0xffff, v46;
	v44 =	vld [tilespmem:s11+$0x400]  }
0x386: {  	[tilespmem:v37+s20+$0x0] =	vst.idx.msk $0xffff, v33;
	v59 =	vor.u32 s16, v8;
	v46 =	vld [tilespmem:s6+$0x400]  }
0x387: {  	[tilespmem:v38+s20+$0x0] =	vst.idx.msk $0xffff, v35  }
0x388: {  	[tilespmem:v56+s20+$0x0] =	vst.idx.msk $0xffff, v40  }
0x389: {  	v61 =	vor.u32 s3, v9;
	[tilespmem:v57+s20+$0x0] =	vst.idx.msk $0xffff, v42;
	v60 =	vld [tilespmem:s2+$0x410]  }
0x38a: {  	v63 =	vor.u32 s12, v9;
	[tilespmem:v58+s20+$0x0] =	vst.idx.msk $0xffff, v44;
	v62 =	vld [tilespmem:s5+$0x410]  }
0x38b: {  	[tilespmem:v59+s20+$0x0] =	vst.idx.msk $0xffff, v46;
	v46 =	vor.u32 s18, v9;
	v45 =	vld [tilespmem:s11+$0x410]  }
0x38c: {  	[tilespmem:v39+s20+$0x0] =	vst.idx.msk $0xffff, v36;
	v48 =	vor.u32 s16, v9;
	v47 =	vld [tilespmem:s6+$0x410]  }
0x38d: {  	[tilespmem:v34+s20+$0x0] =	vst.idx.msk $0xffff, v32;
	v49 =	vld [tilespmem:s28+$0x2000];
	v50 =	vor.u32 s17, v21  }
0x38e: {  	v56 =	vld [tilespmem:s7+$0x2000];
	v57 =	vor.u32 s29, v21;
	[tilespmem:v61+s20+$0x0] =	vst.idx.msk $0xffff, v60  }
0x38f: {  	v51 =	vor.u32 s3, v10;
	v36 =	vld [tilespmem:s2+$0x420];
	[tilespmem:v63+s20+$0x0] =	vst.idx.msk $0xffff, v62  }
0x390: {  	v52 =	vor.u32 s12, v10;
	[tilespmem:v46+s20+$0x0] =	vst.idx.msk $0xffff, v45;
	v40 =	vld [tilespmem:s5+$0x420]  }
0x391: {  	v53 =	vor.u32 s18, v10;
	[tilespmem:v48+s20+$0x0] =	vst.idx.msk $0xffff, v47;
	v42 =	vld [tilespmem:s11+$0x420]  }
0x392: {  	s28 =	sor.u32 $0x860, s0;
	[tilespmem:v50+s20+$0x0] =	vst.idx.msk $0xffff, v49;
	v55 =	vor.u32 s16, v10;
	v54 =	vld [tilespmem:s6+$0x420]  }
0x393: {  	v58 =	vld [tilespmem:s28+$0x2000];
	v59 =	vor.u32 s31, v22;
	[tilespmem:v57+s20+$0x0] =	vst.idx.msk $0xffff, v56  }
0x394: {  	v45 =	vld [tilespmem:s25+$0x2000];
	v46 =	vor.u32 s30, v21;
	[tilespmem:v51+s20+$0x0] =	vst.idx.msk $0xffff, v36  }
0x395: {  	v60 =	vor.u32 s3, v11;
	v36 =	vld [tilespmem:s2+$0x430];
	[tilespmem:v52+s20+$0x0] =	vst.idx.msk $0xffff, v40  }
0x396: {  	v61 =	vor.u32 s12, v11;
	[tilespmem:v53+s20+$0x0] =	vst.idx.msk $0xffff, v42;
	v40 =	vld [tilespmem:s5+$0x430]  }
0x397: {  	v62 =	vor.u32 s18, v11;
	[tilespmem:v55+s20+$0x0] =	vst.idx.msk $0xffff, v54;
	v42 =	vld [tilespmem:s11+$0x430]  }
0x398: {  	[tilespmem:v59+s20+$0x0] =	vst.idx.msk $0xffff, v58;
	v63 =	vor.u32 s16, v11;
	v32 =	vld [tilespmem:s6+$0x430]  }
0x399: {  	[tilespmem:v46+s20+$0x0] =	vst.idx.msk $0xffff, v45  }
0x39a: {  	[tilespmem:v60+s20+$0x0] =	vst.idx.msk $0xffff, v36  }
0x39b: {  	s8 =	sor.u32 $0x870, s0;
	[tilespmem:v61+s20+$0x0] =	vst.idx.msk $0xffff, v40  }
0x39c: {  	v35 =	vld [tilespmem:s8+$0x2000];
	v47 =	vor.u32 s31, v23;
	[tilespmem:v62+s20+$0x0] =	vst.idx.msk $0xffff, v42  }
0x39d: {  	v48 =	vor.u32 s3, v12;
	v36 =	vld [tilespmem:s2+$0x440];
	[tilespmem:v63+s20+$0x0] =	vst.idx.msk $0xffff, v32  }
0x39e: {  	v49 =	vor.u32 s12, v12;
	v40 =	vld [tilespmem:s5+$0x440];
	s9 =	sld [smem:$0x7A3]  }
0x39f: {  	v50 =	vor.u32 s18, v12;
	v42 =	vld [tilespmem:s11+$0x440]  }
0x3a0: {  	v51 =	vor.u32 s16, v12;
	v32 =	vld [tilespmem:s6+$0x440]  }
0x3a1: {  	v53 =	vor.u32 s17, v22;
	[tilespmem:v47+s20+$0x0] =	vst.idx.msk $0xffff, v35;
	v52 =	vld [tilespmem:s9+$0x2000]  }
0x3a2: {  	[tilespmem:v48+s20+$0x0] =	vst.idx.msk $0xffff, v36  }
0x3a3: {  	[tilespmem:v49+s20+$0x0] =	vst.idx.msk $0xffff, v40  }
0x3a4: {  	s25 =	sor.u32 $0xC00, s0;
	[tilespmem:v50+s20+$0x0] =	vst.idx.msk $0xffff, v42  }
0x3a5: {  	v54 =	vor.u32 s31, v24;
	v35 =	vld [tilespmem:s25+$0x2000];
	[tilespmem:v51+s20+$0x0] =	vst.idx.msk $0xffff, v32  }
0x3a6: {  	v55 =	vor.u32 s3, v13;
	v36 =	vld [tilespmem:s2+$0x450];
	[tilespmem:v53+s20+$0x0] =	vst.idx.msk $0xffff, v52  }
0x3a7: {  	v56 =	vor.u32 s12, v13;
	v40 =	vld [tilespmem:s5+$0x450];
	s28 =	sld [smem:$0x7AB]  }
0x3a8: {  	v57 =	vor.u32 s18, v13;
	v42 =	vld [tilespmem:s11+$0x450]  }
0x3a9: {  	v58 =	vor.u32 s16, v13;
	v32 =	vld [tilespmem:s6+$0x450]  }
0x3aa: {  	v60 =	vor.u32 s29, v22;
	[tilespmem:v54+s20+$0x0] =	vst.idx.msk $0xffff, v35;
	v59 =	vld [tilespmem:s28+$0x2000]  }
0x3ab: {  	[tilespmem:v55+s20+$0x0] =	vst.idx.msk $0xffff, v36  }
0x3ac: {  	[tilespmem:v56+s20+$0x0] =	vst.idx.msk $0xffff, v40  }
0x3ad: {  	s8 =	sor.u32 $0xC10, s0;
	[tilespmem:v57+s20+$0x0] =	vst.idx.msk $0xffff, v42  }
0x3ae: {  	v61 =	vor.u32 s31, v25;
	v35 =	vld [tilespmem:s8+$0x2000];
	[tilespmem:v58+s20+$0x0] =	vst.idx.msk $0xffff, v32  }
0x3af: {  	v62 =	vor.u32 s3, v14;
	v36 =	vld [tilespmem:s2+$0x460];
	[tilespmem:v60+s20+$0x0] =	vst.idx.msk $0xffff, v59  }
0x3b0: {  	v63 =	vor.u32 s12, v14;
	v40 =	vld [tilespmem:s5+$0x460];
	s9 =	sld [smem:$0x7A2]  }
0x3b1: {  	v45 =	vor.u32 s18, v14;
	v42 =	vld [tilespmem:s11+$0x460]  }
0x3b2: {  	v46 =	vor.u32 s16, v14;
	v32 =	vld [tilespmem:s6+$0x460]  }
0x3b3: {  	v48 =	vor.u32 s30, v22;
	[tilespmem:v61+s20+$0x0] =	vst.idx.msk $0xffff, v35;
	v47 =	vld [tilespmem:s9+$0x2000]  }
0x3b4: {  	[tilespmem:v62+s20+$0x0] =	vst.idx.msk $0xffff, v36  }
0x3b5: {  	s25 =	sor.u32 $0xC20, s0;
	[tilespmem:v63+s20+$0x0] =	vst.idx.msk $0xffff, v40  }
0x3b6: {  	[tilespmem:v45+s20+$0x0] =	vst.idx.msk $0xffff, v42;
	v35 =	vld [tilespmem:s25+$0x2000]  }
0x3b7: {  	v49 =	vor.u32 s31, v26;
	[tilespmem:v46+s20+$0x0] =	vst.idx.msk $0xffff, v32;
	v36 =	vld [tilespmem:s2+$0x470]  }
0x3b8: {  	v50 =	vor.u32 s3, v15;
	v40 =	vld [tilespmem:s5+$0x470];
	[tilespmem:v48+s20+$0x0] =	vst.idx.msk $0xffff, v47  }
0x3b9: {  	v51 =	vor.u32 s12, v15;
	v32 =	vld [tilespmem:s6+$0x470];
	s6 =	sld [smem:$0x7A4]  }
0x3ba: {  	v52 =	vor.u32 s18, v15;
	v42 =	vld [tilespmem:s11+$0x470]  }
0x3bb: {  	v53 =	vor.u32 s16, v15  }
0x3bc: {  	v55 =	vor.u32 s17, v23;
	s28 =	sadd.s32 $0x4, s10;
	[tilespmem:v49+s20+$0x0] =	vst.idx.msk $0xffff, v35;
	v54 =	vld [tilespmem:s6+$0x2000]  }
0x3bd: {  	s2 =	sand.u32 $0x7, s28;
	[tilespmem:v50+s20+$0x0] =	vst.idx.msk $0xffff, v36  }
0x3be: {  	s2 =	sshll.u32 s2, $0x7;
	[tilespmem:v51+s20+$0x0] =	vst.idx.msk $0xffff, v40  }
0x3bf: {  	s1 =	sadd.s32 s1, s13;
	s7 =	sor.u32 $0xC30, s0;
	s2 =	sadd.s32 s13, s2;
	[tilespmem:v52+s20+$0x0] =	vst.idx.msk $0xffff, v42  }
0x3c0: {  	v56 =	vor.u32 s31, v27;
	s10 =	sor.u32 $0x800, s1;
	s9 =	sadd.s32 s13, s4;
	s4 =	sadd.s32 $0x80, s2;
	[tilespmem:v53+s20+$0x0] =	vst.idx.msk $0xffff, v32;
	v35 =	vld [tilespmem:s7+$0x2000]  }
0x3c1: {  	v58 =	vor.u32 s12, v16;
	s5 =	sadd.s32 $0x100, s9;
	s11 =	sor.u32 $0x800, s4;
	v40 =	vld [tilespmem:s10+$0x2000];
	[tilespmem:v55+s20+$0x0] =	vst.idx.msk $0xffff, v54  }
0x3c2: {  	v59 =	vor.u32 s18, v16;
	s13 =	sor.u32 $0x800, s5;
	v42 =	vld [tilespmem:s11+$0x2000];
	s6 =	sadd.s32 $0x180, s2;
	s25 =	sld [smem:$0x7AC]  }
0x3c3: {  	v60 =	vor.u32 s16, v16;
	v32 =	vld [tilespmem:s13+$0x2000];
	s8 =	sor.u32 $0x800, s6  }
0x3c4: {  	v57 =	vor.u32 s3, v16;
	v36 =	vld [tilespmem:s8+$0x2000]  }
0x3c5: {  	v62 =	vor.u32 s29, v23;
	[tilespmem:v56+s20+$0x0] =	vst.idx.msk $0xffff, v35;
	v61 =	vld [tilespmem:s25+$0x2000]  }
0x3c6: {  	[tilespmem:v58+s20+$0x0] =	vst.idx.msk $0xffff, v40  }
0x3c7: {  	[tilespmem:v59+s20+$0x0] =	vst.idx.msk $0xffff, v42  }
0x3c8: {  	s28 =	sor.u32 $0xC40, s0;
	[tilespmem:v60+s20+$0x0] =	vst.idx.msk $0xffff, v32  }
0x3c9: {  	v63 =	vor.u32 s31, v28;
	s7 =	sor.u32 $0x810, s6;
	v35 =	vld [tilespmem:s28+$0x2000];
	[tilespmem:v57+s20+$0x0] =	vst.idx.msk $0xffff, v36  }
0x3ca: {  	v45 =	vor.u32 s3, v17;
	s8 =	sor.u32 $0x810, s1;
	v36 =	vld [tilespmem:s7+$0x2000];
	[tilespmem:v62+s20+$0x0] =	vst.idx.msk $0xffff, v61  }
0x3cb: {  	v46 =	vor.u32 s12, v17;
	s9 =	sor.u32 $0x810, s4;
	v40 =	vld [tilespmem:s8+$0x2000];
	s11 =	sld [smem:$0x7A8]  }
0x3cc: {  	v47 =	vor.u32 s18, v17;
	s10 =	sor.u32 $0x810, s5;
	v42 =	vld [tilespmem:s9+$0x2000]  }
0x3cd: {  	v48 =	vor.u32 s16, v17;
	v32 =	vld [tilespmem:s10+$0x2000]  }
0x3ce: {  	v50 =	vor.u32 s30, v23;
	[tilespmem:v63+s20+$0x0] =	vst.idx.msk $0xffff, v35;
	v49 =	vld [tilespmem:s11+$0x2000]  }
0x3cf: {  	[tilespmem:v45+s20+$0x0] =	vst.idx.msk $0xffff, v36  }
0x3d0: {  	[tilespmem:v46+s20+$0x0] =	vst.idx.msk $0xffff, v40  }
0x3d1: {  	s13 =	sor.u32 $0xC50, s0;
	[tilespmem:v47+s20+$0x0] =	vst.idx.msk $0xffff, v42  }
0x3d2: {  	v51 =	vor.u32 s31, v29;
	s25 =	sor.u32 $0x820, s6;
	[tilespmem:v48+s20+$0x0] =	vst.idx.msk $0xffff, v32;
	v35 =	vld [tilespmem:s13+$0x2000]  }
0x3d3: {  	v52 =	vor.u32 s3, v18;
	s28 =	sor.u32 $0x820, s1;
	v36 =	vld [tilespmem:s25+$0x2000];
	[tilespmem:v50+s20+$0x0] =	vst.idx.msk $0xffff, v49  }
0x3d4: {  	v53 =	vor.u32 s12, v18;
	s7 =	sor.u32 $0x820, s4;
	v40 =	vld [tilespmem:s28+$0x2000];
	s9 =	sld [smem:$0x7A5]  }
0x3d5: {  	v54 =	vor.u32 s18, v18;
	s8 =	sor.u32 $0x820, s5;
	v42 =	vld [tilespmem:s7+$0x2000]  }
0x3d6: {  	v55 =	vor.u32 s16, v18;
	v32 =	vld [tilespmem:s8+$0x2000]  }
0x3d7: {  	v57 =	vor.u32 s17, v24;
	[tilespmem:v51+s20+$0x0] =	vst.idx.msk $0xffff, v35;
	v56 =	vld [tilespmem:s9+$0x2000]  }
0x3d8: {  	[tilespmem:v52+s20+$0x0] =	vst.idx.msk $0xffff, v36  }
0x3d9: {  	[tilespmem:v53+s20+$0x0] =	vst.idx.msk $0xffff, v40  }
0x3da: {  	s10 =	sor.u32 $0xC60, s0;
	[tilespmem:v54+s20+$0x0] =	vst.idx.msk $0xffff, v42  }
0x3db: {  	v58 =	vor.u32 s31, v30;
	s11 =	sor.u32 $0x830, s6;
	[tilespmem:v55+s20+$0x0] =	vst.idx.msk $0xffff, v32;
	v35 =	vld [tilespmem:s10+$0x2000]  }
0x3dc: {  	v59 =	vor.u32 s3, v19;
	s13 =	sor.u32 $0x830, s1;
	v36 =	vld [tilespmem:s11+$0x2000];
	[tilespmem:v57+s20+$0x0] =	vst.idx.msk $0xffff, v56  }
0x3dd: {  	v60 =	vor.u32 s12, v19;
	s25 =	sor.u32 $0x830, s4;
	v40 =	vld [tilespmem:s13+$0x2000];
	s7 =	sld [smem:$0x7AD]  }
0x3de: {  	v61 =	vor.u32 s18, v19;
	s28 =	sor.u32 $0x830, s5;
	v42 =	vld [tilespmem:s25+$0x2000]  }
0x3df: {  	v62 =	vor.u32 s16, v19;
	v32 =	vld [tilespmem:s28+$0x2000]  }
0x3e0: {  	v45 =	vor.u32 s29, v24;
	s8 =	sor.u32 $0xC70, s0;
	[tilespmem:v58+s20+$0x0] =	vst.idx.msk $0xffff, v35;
	v63 =	vld [tilespmem:s7+$0x2000]  }
0x3e1: {  	v46 =	vor.u32 s31, v31;
	[tilespmem:v59+s20+$0x0] =	vst.idx.msk $0xffff, v36;
	v35 =	vld [tilespmem:s8+$0x2000]  }
0x3e2: {  	[tilespmem:v60+s20+$0x0] =	vst.idx.msk $0xffff, v40  }
0x3e3: {  	[tilespmem:v61+s20+$0x0] =	vst.idx.msk $0xffff, v42  }
0x3e4: {  	s9 =	sor.u32 $0x840, s6;
	[tilespmem:v62+s20+$0x0] =	vst.idx.msk $0xffff, v32  }
0x3e5: {  	v47 =	vor.u32 s3, v20;
	s10 =	sor.u32 $0x840, s1;
	v36 =	vld [tilespmem:s9+$0x2000];
	[tilespmem:v45+s20+$0x0] =	vst.idx.msk $0xffff, v63  }
0x3e6: {  	v48 =	vor.u32 s12, v20;
	s11 =	sor.u32 $0x840, s4;
	v40 =	vld [tilespmem:s10+$0x2000];
	s25 =	sld [smem:$0x7A9];
	[tilespmem:v46+s20+$0x0] =	vst.idx.msk $0xffff, v35  }
0x3e7: {  	v49 =	vor.u32 s18, v20;
	s13 =	sor.u32 $0x840, s5;
	v42 =	vld [tilespmem:s11+$0x2000];
	s28 =	sld [smem:$0x7A6]  }
0x3e8: {  	v50 =	vor.u32 s16, v20;
	v32 =	vld [tilespmem:s13+$0x2000]  }
0x3e9: {  	v52 =	vor.u32 s30, v24;
	v51 =	vld [tilespmem:s25+$0x2000]  }
0x3ea: {  	v54 =	vor.u32 s17, v25;
	[tilespmem:v47+s20+$0x0] =	vst.idx.msk $0xffff, v36;
	v53 =	vld [tilespmem:s28+$0x2000]  }
0x3eb: {  	[tilespmem:v48+s20+$0x0] =	vst.idx.msk $0xffff, v40  }
0x3ec: {  	[tilespmem:v49+s20+$0x0] =	vst.idx.msk $0xffff, v42  }
0x3ed: {  	s31 =	sor.u32 $0x850, s6;
	[tilespmem:v50+s20+$0x0] =	vst.idx.msk $0xffff, v32  }
0x3ee: {  	s2 =	sor.u32 $0x850, s1;
	v55 =	vor.u32 s3, v21;
	v36 =	vld [tilespmem:s31+$0x2000];
	[tilespmem:v52+s20+$0x0] =	vst.idx.msk $0xffff, v51  }
0x3ef: {  	v56 =	vor.u32 s12, v21;
	s7 =	sor.u32 $0x850, s4;
	v40 =	vld [tilespmem:s2+$0x2000];
	s9 =	sld [smem:$0x7AE];
	[tilespmem:v54+s20+$0x0] =	vst.idx.msk $0xffff, v53  }
0x3f0: {  	v57 =	vor.u32 s18, v21;
	s8 =	sor.u32 $0x850, s5;
	v42 =	vld [tilespmem:s7+$0x2000];
	s10 =	sld [smem:$0x7AA]  }
0x3f1: {  	v58 =	vor.u32 s16, v21;
	v33 =	vld [tilespmem:s8+$0x2000]  }
0x3f2: {  	v60 =	vor.u32 s29, v25;
	v59 =	vld [tilespmem:s9+$0x2000]  }
0x3f3: {  	v62 =	vor.u32 s30, v25;
	[tilespmem:v55+s20+$0x0] =	vst.idx.msk $0xffff, v36;
	v61 =	vld [tilespmem:s10+$0x2000]  }
0x3f4: {  	[tilespmem:v56+s20+$0x0] =	vst.idx.msk $0xffff, v40  }
0x3f5: {  	s11 =	sor.u32 $0x860, s6;
	[tilespmem:v57+s20+$0x0] =	vst.idx.msk $0xffff, v42  }
0x3f6: {  	s13 =	sor.u32 $0x860, s1;
	v63 =	vor.u32 s3, v22;
	[tilespmem:v58+s20+$0x0] =	vst.idx.msk $0xffff, v33;
	v36 =	vld [tilespmem:s11+$0x2000]  }
0x3f7: {  	v45 =	vor.u32 s12, v22;
	s25 =	sor.u32 $0x860, s4;
	v40 =	vld [tilespmem:s13+$0x2000];
	[tilespmem:v60+s20+$0x0] =	vst.idx.msk $0xffff, v59  }
0x3f8: {  	v47 =	vor.u32 s18, v22;
	s28 =	sor.u32 $0x860, s5;
	v46 =	vld [tilespmem:s25+$0x2000];
	s31 =	rddreg [dreg:$0x15];
	[tilespmem:v62+s20+$0x0] =	vst.idx.msk $0xffff, v61  }
0x3f9: {  	v48 =	vor.u32 s16, v22;
	v34 =	vld [tilespmem:s28+$0x2000];
	s2 =	sld [smem:$0x7AF]  }
0x3fa: {  	v50 =	vor.u32 s17, v26;
	v49 =	vld [tilespmem:s31+$0x2000]  }
0x3fb: {  	[tilespmem:v63+s20+$0x0] =	vst.idx.msk $0xffff, v36  }
0x3fc: {  	s7 =	sor.u32 $0x870, s6;
	v52 =	vor.u32 s29, v26;
	[tilespmem:v45+s20+$0x0] =	vst.idx.msk $0xffff, v40;
	v51 =	vld [tilespmem:s2+$0x2000]  }
0x3fd: {  	s8 =	sor.u32 $0x870, s1;
	v53 =	vor.u32 s3, v23;
	[tilespmem:v47+s20+$0x0] =	vst.idx.msk $0xffff, v46;
	v36 =	vld [tilespmem:s7+$0x2000]  }
0x3fe: {  	v54 =	vor.u32 s12, v23;
	s9 =	sor.u32 $0x870, s4;
	[tilespmem:v48+s20+$0x0] =	vst.idx.msk $0xffff, v34;
	v32 =	vld [tilespmem:s8+$0x2000]  }
0x3ff: {  	v56 =	vor.u32 s18, v23;
	s10 =	sor.u32 $0x870, s5;
	v55 =	vld [tilespmem:s9+$0x2000];
	[tilespmem:v50+s20+$0x0] =	vst.idx.msk $0xffff, v49  }
0x400: {  	v57 =	vor.u32 s16, v23;
	v35 =	vld [tilespmem:s10+$0x2000];
	s11 =	rddreg [dreg:$0xe]  }
0x401: {  	v59 =	vor.u32 s30, v26;
	v58 =	vld [tilespmem:s11+$0x2000];
	[tilespmem:v52+s20+$0x0] =	vst.idx.msk $0xffff, v51  }
0x402: {  	s13 =	rddreg [dreg:$0xd];
	[tilespmem:v53+s20+$0x0] =	vst.idx.msk $0xffff, v36  }
0x403: {  	[tilespmem:v54+s20+$0x0] =	vst.idx.msk $0xffff, v32  }
0x404: {  	[tilespmem:v56+s20+$0x0] =	vst.idx.msk $0xffff, v55  }
0x405: {  	s25 =	sor.u32 $0xC00, s6;
	v60 =	vor.u32 s17, v27;
	[tilespmem:v57+s20+$0x0] =	vst.idx.msk $0xffff, v35;
	v42 =	vld [tilespmem:s13+$0x2000]  }
0x406: {  	s28 =	sor.u32 $0xC00, s1;
	v61 =	vor.u32 s3, v24;
	v36 =	vld [tilespmem:s25+$0x2000];
	[tilespmem:v59+s20+$0x0] =	vst.idx.msk $0xffff, v58  }
0x407: {  	v62 =	vor.u32 s12, v24;
	s31 =	sor.u32 $0xC00, s4;
	v32 =	vld [tilespmem:s28+$0x2000];
	s7 =	sld [smem:$0x7B0]  }
0x408: {  	v63 =	vor.u32 s18, v24;
	s2 =	sor.u32 $0xC00, s5;
	v34 =	vld [tilespmem:s31+$0x2000]  }
0x409: {  	v45 =	vor.u32 s16, v24;
	v37 =	vld [tilespmem:s2+$0x2000]  }
0x40a: {  	v47 =	vor.u32 s29, v27;
	[tilespmem:v60+s20+$0x0] =	vst.idx.msk $0xffff, v42;
	v46 =	vld [tilespmem:s7+$0x2000]  }
0x40b: {  	s8 =	rddreg [dreg:$0x9];
	[tilespmem:v61+s20+$0x0] =	vst.idx.msk $0xffff, v36  }
0x40c: {  	s9 =	sor.u32 $0xC10, s6;
	v49 =	vor.u32 s30, v27;
	[tilespmem:v62+s20+$0x0] =	vst.idx.msk $0xffff, v32;
	v48 =	vld [tilespmem:s8+$0x2000]  }
0x40d: {  	s10 =	sor.u32 $0xC10, s1;
	v50 =	vor.u32 s3, v25;
	[tilespmem:v63+s20+$0x0] =	vst.idx.msk $0xffff, v34;
	v36 =	vld [tilespmem:s9+$0x2000]  }
0x40e: {  	s11 =	sor.u32 $0xC10, s4;
	v51 =	vor.u32 s12, v25;
	[tilespmem:v45+s20+$0x0] =	vst.idx.msk $0xffff, v37;
	v32 =	vld [tilespmem:s10+$0x2000]  }
0x40f: {  	v52 =	vor.u32 s18, v25;
	s13 =	sor.u32 $0xC10, s5;
	v34 =	vld [tilespmem:s11+$0x2000];
	[tilespmem:v47+s20+$0x0] =	vst.idx.msk $0xffff, v46  }
0x410: {  	v53 =	vor.u32 s16, v25;
	v37 =	vld [tilespmem:s13+$0x2000];
	s25 =	rddreg [dreg:$0x4]  }
0x411: {  	v55 =	vor.u32 s17, v28;
	[tilespmem:v49+s20+$0x0] =	vst.idx.msk $0xffff, v48;
	v54 =	vld [tilespmem:s25+$0x2000]  }
0x412: {  	s28 =	rddreg [dreg:$0x1c];
	[tilespmem:v50+s20+$0x0] =	vst.idx.msk $0xffff, v36  }
0x413: {  	v57 =	vor.u32 s29, v28;
	s31 =	sor.u32 $0xC20, s6;
	[tilespmem:v51+s20+$0x0] =	vst.idx.msk $0xffff, v32;
	v56 =	vld [tilespmem:s28+$0x2000]  }
0x414: {  	s2 =	sor.u32 $0xC20, s1;
	v58 =	vor.u32 s3, v26;
	[tilespmem:v52+s20+$0x0] =	vst.idx.msk $0xffff, v34;
	v36 =	vld [tilespmem:s31+$0x2000]  }
0x415: {  	v59 =	vor.u32 s12, v26;
	s7 =	sor.u32 $0xC20, s4;
	[tilespmem:v53+s20+$0x0] =	vst.idx.msk $0xffff, v37;
	v32 =	vld [tilespmem:s2+$0x2000]  }
0x416: {  	v60 =	vor.u32 s18, v26;
	s8 =	sor.u32 $0xC20, s5;
	v34 =	vld [tilespmem:s7+$0x2000];
	[tilespmem:v55+s20+$0x0] =	vst.idx.msk $0xffff, v54  }
0x417: {  	v61 =	vor.u32 s16, v26;
	v37 =	vld [tilespmem:s8+$0x2000];
	s9 =	rddreg [dreg:$0x5]  }
0x418: {  	[tilespmem:v57+s20+$0x0] =	vst.idx.msk $0xffff, v56;
	v62 =	vld [tilespmem:s9+$0x2000]  }
0x419: {  	v63 =	vor.u32 s30, v28;
	s11 =	sor.u32 $0xC30, s6;
	s10 =	sld [smem:$0x7A7];
	[tilespmem:v58+s20+$0x0] =	vst.idx.msk $0xffff, v36;
	v51 =	vld [tilespmem:s26+$0x2000]  }
0x41a: {  	s13 =	sor.u32 $0xC30, s1;
	v52 =	vor.u32 s29, v29;
	[tilespmem:v59+s20+$0x0] =	vst.idx.msk $0xffff, v32;
	v36 =	vld [tilespmem:s11+$0x2000]  }
0x41b: {  	v47 =	vor.u32 s3, v27;
	s25 =	sor.u32 $0xC30, s4;
	[tilespmem:v60+s20+$0x0] =	vst.idx.msk $0xffff, v34;
	v32 =	vld [tilespmem:s13+$0x2000]  }
0x41c: {  	v48 =	vor.u32 s12, v27;
	s28 =	sor.u32 $0xC30, s5;
	[tilespmem:v61+s20+$0x0] =	vst.idx.msk $0xffff, v37;
	v34 =	vld [tilespmem:s25+$0x2000]  }
0x41d: {  	v49 =	vor.u32 s18, v27;
	v37 =	vld [tilespmem:s28+$0x2000]  }
0x41e: {  	v50 =	vor.u32 s16, v27;
	v45 =	vld [tilespmem:s10+$0x2000];
	[tilespmem:v63+s20+$0x0] =	vst.idx.msk $0xffff, v62  }
0x41f: {  	v46 =	vor.u32 s17, v29;
	[tilespmem:v52+s20+$0x0] =	vst.idx.msk $0xffff, v51;
	v53 =	vld [tilespmem:s23+$0x2000]  }
0x420: {  	s31 =	sor.u32 $0xC40, s6;
	v54 =	vor.u32 s30, v29;
	[tilespmem:v47+s20+$0x0] =	vst.idx.msk $0xffff, v36;
	v61 =	vld [tilespmem:s24+$0x2000]  }
0x421: {  	s2 =	sor.u32 $0xC40, s1;
	v55 =	vor.u32 s3, v28;
	[tilespmem:v48+s20+$0x0] =	vst.idx.msk $0xffff, v32;
	v36 =	vld [tilespmem:s31+$0x2000]  }
0x422: {  	s7 =	sor.u32 $0xC40, s4;
	v56 =	vor.u32 s12, v28;
	[tilespmem:v49+s20+$0x0] =	vst.idx.msk $0xffff, v34;
	v32 =	vld [tilespmem:s2+$0x2000]  }
0x423: {  	s8 =	sor.u32 $0xC40, s5;
	v57 =	vor.u32 s18, v28;
	[tilespmem:v50+s20+$0x0] =	vst.idx.msk $0xffff, v37;
	v34 =	vld [tilespmem:s7+$0x2000]  }
0x424: {  	v58 =	vor.u32 s16, v28;
	v37 =	vld [tilespmem:s8+$0x2000];
	[tilespmem:v46+s20+$0x0] =	vst.idx.msk $0xffff, v45  }
0x425: {  	v62 =	vor.u32 s29, v30;
	v59 =	vld [tilespmem:s21+$0x2000];
	[tilespmem:v54+s20+$0x0] =	vst.idx.msk $0xffff, v53  }
0x426: {  	v60 =	vor.u32 s17, v30;
	s9 =	sor.u32 $0xC50, s6;
	[tilespmem:v55+s20+$0x0] =	vst.idx.msk $0xffff, v36;
	v48 =	vld [tilespmem:s19+$0x2000]  }
0x427: {  	s10 =	sor.u32 $0xC50, s1;
	v63 =	vor.u32 s3, v29;
	[tilespmem:v56+s20+$0x0] =	vst.idx.msk $0xffff, v32;
	v36 =	vld [tilespmem:s9+$0x2000]  }
0x428: {  	s11 =	sor.u32 $0xC50, s4;
	v45 =	vor.u32 s12, v29;
	[tilespmem:v57+s20+$0x0] =	vst.idx.msk $0xffff, v34;
	v32 =	vld [tilespmem:s10+$0x2000]  }
0x429: {  	s13 =	sor.u32 $0xC50, s5;
	v46 =	vor.u32 s18, v29;
	[tilespmem:v58+s20+$0x0] =	vst.idx.msk $0xffff, v37;
	v34 =	vld [tilespmem:s11+$0x2000]  }
0x42a: {  	v47 =	vor.u32 s16, v29;
	[tilespmem:v62+s20+$0x0] =	vst.idx.msk $0xffff, v61;
	v37 =	vld [tilespmem:s13+$0x2000]  }
0x42b: {  	v49 =	vor.u32 s30, v30;
	v56 =	vld [tilespmem:s22+$0x2000];
	[tilespmem:v60+s20+$0x0] =	vst.idx.msk $0xffff, v59  }
0x42c: {  	v57 =	vor.u32 s29, v31;
	v50 =	vld [tilespmem:s15+$0x2000];
	s15 =	sor.u32 $0xC60, s6;
	[tilespmem:v63+s20+$0x0] =	vst.idx.msk $0xffff, v36  }
0x42d: {  	v51 =	vor.u32 s17, v31;
	s17 =	sor.u32 $0xC60, s1;
	v52 =	vor.u32 s3, v30;
	[tilespmem:v45+s20+$0x0] =	vst.idx.msk $0xffff, v32;
	v36 =	vld [tilespmem:s15+$0x2000]  }
0x42e: {  	v53 =	vor.u32 s12, v30;
	s19 =	sor.u32 $0xC60, s4;
	[tilespmem:v46+s20+$0x0] =	vst.idx.msk $0xffff, v34;
	v32 =	vld [tilespmem:s17+$0x2000]  }
0x42f: {  	s21 =	sor.u32 $0xC60, s5;
	v54 =	vor.u32 s18, v30;
	[tilespmem:v47+s20+$0x0] =	vst.idx.msk $0xffff, v37;
	v34 =	vld [tilespmem:s19+$0x2000]  }
0x430: {  	v55 =	vor.u32 s16, v30;
	[tilespmem:v49+s20+$0x0] =	vst.idx.msk $0xffff, v48;
	v37 =	vld [tilespmem:s21+$0x2000]  }
0x431: {  	[tilespmem:v57+s20+$0x0] =	vst.idx.msk $0xffff, v56  }
0x432: {  	s23 =	sor.u32 $0xC70, s6;
	v59 =	vor.u32 s30, v31;
	v58 =	vld [tilespmem:s14+$0x2000];
	[tilespmem:v52+s20+$0x0] =	vst.idx.msk $0xffff, v36  }
0x433: {  	s24 =	sor.u32 $0xC70, s1;
	v60 =	vor.u32 s3, v31;
	[tilespmem:v53+s20+$0x0] =	vst.idx.msk $0xffff, v32;
	v36 =	vld [tilespmem:s23+$0x2000]  }
0x434: {  	s25 =	sor.u32 $0xC70, s4;
	v61 =	vor.u32 s12, v31;
	[tilespmem:v54+s20+$0x0] =	vst.idx.msk $0xffff, v34;
	v32 =	vld [tilespmem:s24+$0x2000]  }
0x435: {  	s26 =	sor.u32 $0xC70, s5;
	v62 =	vor.u32 s18, v31;
	[tilespmem:v55+s20+$0x0] =	vst.idx.msk $0xffff, v37;
	v34 =	vld [tilespmem:s25+$0x2000]  }
0x436: {  	v63 =	vor.u32 s16, v31;
	[tilespmem:v51+s20+$0x0] =	vst.idx.msk $0xffff, v50;
	v37 =	vld [tilespmem:s26+$0x2000]  }
0x437: {  	[tilespmem:v59+s20+$0x0] =	vst.idx.msk $0xffff, v58  }
0x438: {  	[tilespmem:v60+s20+$0x0] =	vst.idx.msk $0xffff, v36  }
0x439: {  	[tilespmem:v61+s20+$0x0] =	vst.idx.msk $0xffff, v32  }
0x43a: {  	[tilespmem:v62+s20+$0x0] =	vst.idx.msk $0xffff, v34  }
0x43b: {  	[tilespmem:v63+s20+$0x0] =	vst.idx.msk $0xffff, v37  }
0x43c: {  	s28 =	sld [smem:$0x7F6]  }
0x43d: {  	s29 =	sld [smem:$0x7A0];
	_ =	sdelay $0x2  }
0x43e: {  	s31 =	simm.s32 $0x3;
	s30 =	simm.s32 $0x0;
	s0 =	sadd.s32 s29, s28  }
0x43f: {  	[hbm4b:s0+s30] =	stream.linear.scatter [tilespmem:s20], [sflag:$0x3], $0x2000, $0x38;
	[tilespmem:$0x6000] =	vst v63  }
0x440: {  	_ =	swait.ge [sflag:s31], $0x2000  }
0x441: {  	s4 =	sld [smem:$0x7F1]  }
0x442: {  	s0 =	sld [smem:$0x7F7]  }
0x443: {  	s1 =	sld [smem:$0x7A1];
	_ =	sdelay $0x1  }
0x444: {  	[sflag:s31] =	ssyncset.done $0x0;
	p2 =	seq.s32 s4, $0x1D  }
0x445: {  	[sflag:s31] =	ssyncadd.s32 $0xFFFFE000;
	s0 =	sadd.s32 @!p2 s1, s0;
	s1 =	simm.s32 @!p2 $0x1000  }
0x446: {  	s2 =	simm.s32 @!p2 $0x7A1400;
	s3 =	simm.s32 @!p2 $0x2000;
	s4 =	sadd.s32 @!p2 $0x1, s4  }
0x447: {  	[tilespmem:s3], [sflag:$0x2] =	stream.strided.gather @!p2 [hbm4b:s0+s1], $0x2000, s2, s1, $0x38;
	[tilespmem:$0x6000] =	vst v63  }
0x448: {  	p3 =	sne.s32 @!p2 s4, $0x1E  }
0x449: {  	p2 =	por p2, !p3  }
.Ltmp4:
0x44a: {  	_ = 	snop;
	(pc) =	sbr.rel @!p2 .LBB2_2-.Ltmp4, $2  }
0x44b: {  	_ =	sdelay $0x2  }
0x44c: {  	[smem:$0x7F1] =	sst s4  }
0x44d: {  	s1 =	simm.s32 $0x1  }
0x44e: {  	s26 =	simm.s32 $0x0;
	s0 =	simm.s32 $0x100;
	_ =	swait.ge [sflag:s1], $0x2000  }
0x44f: {  	s4 =	sand.u32 $0x1000, s26;
	s0 =	sand.u32 $0x300, s0;
	[sflag:s1] =	ssyncset.done $0x0  }
0x450: {  	s28 =	simm.s32 $0x2;
	s23 =	sor.u32 s0, s4;
	[sflag:s1] =	ssyncadd.s32 $0xFFFFE000  }
0x451: {  	s25 =	simm.s32 $0x0;
	v32 =	vor.u32 s28, v0;
	v33 =	vld [tilespmem:s23+$0x0]  }
0x452: {  	s2 =	simm.s32 $0x80;
	s0 =	sand.u32 $0x200, s25  }
0x453: {  	s5 =	simm.s32 $0x180;
	s2 =	sand.u32 $0x280, s2;
	s3 =	sor.u32 s0, s4  }
0x454: {  	s24 =	simm.s32 $0x1;
	s5 =	sand.u32 $0x380, s5;
	v34 =	vor.u32 s26, v0;
	s2 =	sor.u32 s2, s4;
	v35 =	vld [tilespmem:s3+$0x0]  }
0x455: {  	v36 =	vor.u32 s24, v0;
	s25 =	simm.s32 $0x3;
	s4 =	sor.u32 s5, s4;
	v37 =	vld [tilespmem:s2+$0x0]  }
0x456: {  	v54 =	vor.u32 s25, v0;
	v55 =	vld [tilespmem:s4+$0x0];
	[tilespmem:v32+s20+$0x0] =	vst.idx.msk $0xffff, v33  }
0x457: {  	v39 =	vor.u32 s28, v1;
	v38 =	vld [tilespmem:s23+$0x10];
	_ =	sdelay $0x1  }
0x458: {  	[tilespmem:v34+s20+$0x0] =	vst.idx.msk $0xffff, v35  }
0x459: {  	v56 =	vor.u32 s26, v1;
	[tilespmem:v36+s20+$0x0] =	vst.idx.msk $0xffff, v37;
	v34 =	vld [tilespmem:s3+$0x10]  }
0x45a: {  	v57 =	vor.u32 s24, v1;
	[tilespmem:v54+s20+$0x0] =	vst.idx.msk $0xffff, v55;
	v36 =	vld [tilespmem:s2+$0x10]  }
0x45b: {  	v58 =	vor.u32 s25, v1;
	v32 =	vld [tilespmem:s4+$0x10];
	[tilespmem:v39+s20+$0x0] =	vst.idx.msk $0xffff, v38  }
0x45c: {  	v59 =	vor.u32 s28, v2;
	v38 =	vld [tilespmem:s23+$0x20];
	_ =	sdelay $0x1  }
0x45d: {  	[tilespmem:v56+s20+$0x0] =	vst.idx.msk $0xffff, v34  }
0x45e: {  	v60 =	vor.u32 s26, v2;
	[tilespmem:v57+s20+$0x0] =	vst.idx.msk $0xffff, v36;
	v34 =	vld [tilespmem:s3+$0x20]  }
0x45f: {  	v61 =	vor.u32 s24, v2;
	[tilespmem:v58+s20+$0x0] =	vst.idx.msk $0xffff, v32;
	v36 =	vld [tilespmem:s2+$0x20]  }
0x460: {  	v62 =	vor.u32 s25, v2;
	v32 =	vld [tilespmem:s4+$0x20];
	[tilespmem:v59+s20+$0x0] =	vst.idx.msk $0xffff, v38  }
0x461: {  	v63 =	vor.u32 s28, v3;
	v38 =	vld [tilespmem:s23+$0x30];
	_ =	sdelay $0x1  }
0x462: {  	[tilespmem:v60+s20+$0x0] =	vst.idx.msk $0xffff, v34  }
0x463: {  	v42 =	vor.u32 s26, v3;
	[tilespmem:v61+s20+$0x0] =	vst.idx.msk $0xffff, v36;
	v34 =	vld [tilespmem:s3+$0x30]  }
0x464: {  	v43 =	vor.u32 s24, v3;
	[tilespmem:v62+s20+$0x0] =	vst.idx.msk $0xffff, v32;
	v36 =	vld [tilespmem:s2+$0x30]  }
0x465: {  	v44 =	vor.u32 s25, v3;
	v32 =	vld [tilespmem:s4+$0x30];
	[tilespmem:v63+s20+$0x0] =	vst.idx.msk $0xffff, v38  }
0x466: {  	v45 =	vor.u32 s28, v4;
	v38 =	vld [tilespmem:s23+$0x40];
	_ =	sdelay $0x1  }
0x467: {  	[tilespmem:v42+s20+$0x0] =	vst.idx.msk $0xffff, v34  }
0x468: {  	v46 =	vor.u32 s26, v4;
	[tilespmem:v43+s20+$0x0] =	vst.idx.msk $0xffff, v36;
	v34 =	vld [tilespmem:s3+$0x40]  }
0x469: {  	v47 =	vor.u32 s24, v4;
	[tilespmem:v44+s20+$0x0] =	vst.idx.msk $0xffff, v32;
	v36 =	vld [tilespmem:s2+$0x40]  }
0x46a: {  	v48 =	vor.u32 s25, v4;
	v32 =	vld [tilespmem:s4+$0x40];
	[tilespmem:v45+s20+$0x0] =	vst.idx.msk $0xffff, v38  }
0x46b: {  	v49 =	vor.u32 s28, v5;
	v38 =	vld [tilespmem:s23+$0x50];
	_ =	sdelay $0x1  }
0x46c: {  	[tilespmem:v46+s20+$0x0] =	vst.idx.msk $0xffff, v34  }
0x46d: {  	v50 =	vor.u32 s26, v5;
	[tilespmem:v47+s20+$0x0] =	vst.idx.msk $0xffff, v36;
	v34 =	vld [tilespmem:s3+$0x50]  }
0x46e: {  	v51 =	vor.u32 s24, v5;
	[tilespmem:v48+s20+$0x0] =	vst.idx.msk $0xffff, v32;
	v36 =	vld [tilespmem:s2+$0x50]  }
0x46f: {  	v52 =	vor.u32 s25, v5;
	v32 =	vld [tilespmem:s4+$0x50];
	[tilespmem:v49+s20+$0x0] =	vst.idx.msk $0xffff, v38  }
0x470: {  	v53 =	vor.u32 s28, v6;
	v38 =	vld [tilespmem:s23+$0x60];
	_ =	sdelay $0x1  }
0x471: {  	[tilespmem:v50+s20+$0x0] =	vst.idx.msk $0xffff, v34  }
0x472: {  	v54 =	vor.u32 s26, v6;
	[tilespmem:v51+s20+$0x0] =	vst.idx.msk $0xffff, v36;
	v34 =	vld [tilespmem:s3+$0x60]  }
0x473: {  	v55 =	vor.u32 s24, v6;
	[tilespmem:v52+s20+$0x0] =	vst.idx.msk $0xffff, v32;
	v36 =	vld [tilespmem:s2+$0x60]  }
0x474: {  	v56 =	vor.u32 s25, v6;
	v32 =	vld [tilespmem:s4+$0x60];
	[tilespmem:v53+s20+$0x0] =	vst.idx.msk $0xffff, v38  }
0x475: {  	v57 =	vor.u32 s28, v7;
	v38 =	vld [tilespmem:s23+$0x70];
	_ =	sdelay $0x1  }
0x476: {  	[tilespmem:v54+s20+$0x0] =	vst.idx.msk $0xffff, v34  }
0x477: {  	v58 =	vor.u32 s26, v7;
	[tilespmem:v55+s20+$0x0] =	vst.idx.msk $0xffff, v36;
	v34 =	vld [tilespmem:s3+$0x70]  }
0x478: {  	v59 =	vor.u32 s24, v7;
	[tilespmem:v56+s20+$0x0] =	vst.idx.msk $0xffff, v32;
	v36 =	vld [tilespmem:s2+$0x70]  }
0x479: {  	v60 =	vor.u32 s25, v7;
	v32 =	vld [tilespmem:s4+$0x70];
	[tilespmem:v57+s20+$0x0] =	vst.idx.msk $0xffff, v38  }
0x47a: {  	v61 =	vor.u32 s28, v8;
	v38 =	vld [tilespmem:s23+$0x400];
	_ =	sdelay $0x1  }
0x47b: {  	[tilespmem:v58+s20+$0x0] =	vst.idx.msk $0xffff, v34  }
0x47c: {  	v62 =	vor.u32 s26, v8;
	[tilespmem:v59+s20+$0x0] =	vst.idx.msk $0xffff, v36;
	v34 =	vld [tilespmem:s3+$0x400]  }
0x47d: {  	v63 =	vor.u32 s24, v8;
	[tilespmem:v60+s20+$0x0] =	vst.idx.msk $0xffff, v32;
	v36 =	vld [tilespmem:s2+$0x400]  }
0x47e: {  	v42 =	vor.u32 s25, v8;
	v32 =	vld [tilespmem:s4+$0x400];
	[tilespmem:v61+s20+$0x0] =	vst.idx.msk $0xffff, v38  }
0x47f: {  	v43 =	vor.u32 s28, v9;
	v38 =	vld [tilespmem:s23+$0x410];
	_ =	sdelay $0x1  }
0x480: {  	[tilespmem:v62+s20+$0x0] =	vst.idx.msk $0xffff, v34  }
0x481: {  	v44 =	vor.u32 s26, v9;
	[tilespmem:v63+s20+$0x0] =	vst.idx.msk $0xffff, v36;
	v34 =	vld [tilespmem:s3+$0x410]  }
0x482: {  	v45 =	vor.u32 s24, v9;
	[tilespmem:v42+s20+$0x0] =	vst.idx.msk $0xffff, v32;
	v36 =	vld [tilespmem:s2+$0x410]  }
0x483: {  	v46 =	vor.u32 s25, v9;
	v32 =	vld [tilespmem:s4+$0x410];
	[tilespmem:v43+s20+$0x0] =	vst.idx.msk $0xffff, v38  }
0x484: {  	v47 =	vor.u32 s28, v10;
	v38 =	vld [tilespmem:s23+$0x420];
	_ =	sdelay $0x1  }
0x485: {  	[tilespmem:v44+s20+$0x0] =	vst.idx.msk $0xffff, v34  }
0x486: {  	v48 =	vor.u32 s26, v10;
	[tilespmem:v45+s20+$0x0] =	vst.idx.msk $0xffff, v36;
	v34 =	vld [tilespmem:s3+$0x420]  }
0x487: {  	v49 =	vor.u32 s24, v10;
	[tilespmem:v46+s20+$0x0] =	vst.idx.msk $0xffff, v32;
	v36 =	vld [tilespmem:s2+$0x420]  }
0x488: {  	v50 =	vor.u32 s25, v10;
	v32 =	vld [tilespmem:s4+$0x420];
	[tilespmem:v47+s20+$0x0] =	vst.idx.msk $0xffff, v38  }
0x489: {  	v51 =	vor.u32 s28, v11;
	v38 =	vld [tilespmem:s23+$0x430];
	_ =	sdelay $0x1  }
0x48a: {  	[tilespmem:v48+s20+$0x0] =	vst.idx.msk $0xffff, v34  }
0x48b: {  	v52 =	vor.u32 s26, v11;
	[tilespmem:v49+s20+$0x0] =	vst.idx.msk $0xffff, v36;
	v34 =	vld [tilespmem:s3+$0x430]  }
0x48c: {  	v53 =	vor.u32 s24, v11;
	[tilespmem:v50+s20+$0x0] =	vst.idx.msk $0xffff, v32;
	v36 =	vld [tilespmem:s2+$0x430]  }
0x48d: {  	v54 =	vor.u32 s25, v11;
	v32 =	vld [tilespmem:s4+$0x430];
	[tilespmem:v51+s20+$0x0] =	vst.idx.msk $0xffff, v38  }
0x48e: {  	v55 =	vor.u32 s28, v12;
	v38 =	vld [tilespmem:s23+$0x440];
	_ =	sdelay $0x1  }
0x48f: {  	[tilespmem:v52+s20+$0x0] =	vst.idx.msk $0xffff, v34  }
0x490: {  	v56 =	vor.u32 s26, v12;
	[tilespmem:v53+s20+$0x0] =	vst.idx.msk $0xffff, v36;
	v34 =	vld [tilespmem:s3+$0x440]  }
0x491: {  	v57 =	vor.u32 s24, v12;
	[tilespmem:v54+s20+$0x0] =	vst.idx.msk $0xffff, v32;
	v36 =	vld [tilespmem:s2+$0x440]  }
0x492: {  	v58 =	vor.u32 s25, v12;
	v32 =	vld [tilespmem:s4+$0x440];
	[tilespmem:v55+s20+$0x0] =	vst.idx.msk $0xffff, v38  }
0x493: {  	v59 =	vor.u32 s28, v13;
	v38 =	vld [tilespmem:s23+$0x450];
	_ =	sdelay $0x1  }
0x494: {  	[tilespmem:v56+s20+$0x0] =	vst.idx.msk $0xffff, v34  }
0x495: {  	v60 =	vor.u32 s26, v13;
	[tilespmem:v57+s20+$0x0] =	vst.idx.msk $0xffff, v36;
	v34 =	vld [tilespmem:s3+$0x450]  }
0x496: {  	v61 =	vor.u32 s24, v13;
	[tilespmem:v58+s20+$0x0] =	vst.idx.msk $0xffff, v32;
	v36 =	vld [tilespmem:s2+$0x450]  }
0x497: {  	v62 =	vor.u32 s25, v13;
	v32 =	vld [tilespmem:s4+$0x450];
	[tilespmem:v59+s20+$0x0] =	vst.idx.msk $0xffff, v38  }
0x498: {  	v63 =	vor.u32 s28, v14;
	v38 =	vld [tilespmem:s23+$0x460];
	_ =	sdelay $0x1  }
0x499: {  	[tilespmem:v60+s20+$0x0] =	vst.idx.msk $0xffff, v34  }
0x49a: {  	v42 =	vor.u32 s26, v14;
	[tilespmem:v61+s20+$0x0] =	vst.idx.msk $0xffff, v36;
	v34 =	vld [tilespmem:s3+$0x460]  }
0x49b: {  	v43 =	vor.u32 s24, v14;
	[tilespmem:v62+s20+$0x0] =	vst.idx.msk $0xffff, v32;
	v36 =	vld [tilespmem:s2+$0x460]  }
0x49c: {  	v44 =	vor.u32 s25, v14;
	v32 =	vld [tilespmem:s4+$0x460];
	[tilespmem:v63+s20+$0x0] =	vst.idx.msk $0xffff, v38  }
0x49d: {  	v45 =	vor.u32 s28, v15;
	v38 =	vld [tilespmem:s23+$0x470]  }
0x49e: {  	s5 =	sand.u32 $0x3, s26  }
0x49f: {  	s1 =	sshll.u32 s5, $0x8;
	[tilespmem:v42+s20+$0x0] =	vst.idx.msk $0xffff, v34  }
0x4a0: {  	s1 =	sadd.s32 $0x0, s1;
	v46 =	vor.u32 s26, v15;
	[tilespmem:v43+s20+$0x0] =	vst.idx.msk $0xffff, v36;
	v34 =	vld [tilespmem:s3+$0x470]  }
0x4a1: {  	p2 =	por $0x0, $0x0;
	s14 =	sadd.s32 $0x100, s1;
	v47 =	vor.u32 s24, v15;
	[tilespmem:v44+s20+$0x0] =	vst.idx.msk $0xffff, v32;
	s3 =	simm.s32 $0x1;
	v36 =	vld [tilespmem:s2+$0x470]  }
0x4a2: {  	s6 =	sand.u32 $0x7, s26;
	s7 =	sor.u32 $0x800, s14;
	v48 =	vor.u32 s25, v15;
	v32 =	vld [tilespmem:s4+$0x470];
	s3 =	simm.s32 @!p2 $0x0;
	[tilespmem:v45+s20+$0x0] =	vst.idx.msk $0xffff, v38  }
0x4a3: {  	s8 =	sshll.u32 s6, $0x7;
	v49 =	vor.u32 s28, v16;
	s9 =	sshll.u32 s3, $0x9;
	v38 =	vld [tilespmem:s7+$0x0]  }
0x4a4: {  	s0 =	sadd.s32 $0x0, s8;
	s3 =	sadd.s32 $0x0, s9  }
0x4a5: {  	s1 =	sadd.s32 $0x80, s0;
	s10 =	sor.u32 $0x800, s3;
	[tilespmem:v46+s20+$0x0] =	vst.idx.msk $0xffff, v34  }
0x4a6: {  	s0 =	sadd.s32 $0x180, s0;
	s11 =	sor.u32 $0x800, s1;
	v50 =	vor.u32 s26, v16;
	[tilespmem:v47+s20+$0x0] =	vst.idx.msk $0xffff, v36;
	v34 =	vld [tilespmem:s10+$0x0]  }
0x4a7: {  	s12 =	sor.u32 $0x800, s0;
	v51 =	vor.u32 s24, v16;
	[tilespmem:v48+s20+$0x0] =	vst.idx.msk $0xffff, v32;
	v36 =	vld [tilespmem:s11+$0x0]  }
0x4a8: {  	s13 =	sor.u32 $0x810, s14;
	v52 =	vor.u32 s25, v16;
	v32 =	vld [tilespmem:s12+$0x0];
	[tilespmem:v49+s20+$0x0] =	vst.idx.msk $0xffff, v38  }
0x4a9: {  	v53 =	vor.u32 s28, v17;
	v38 =	vld [tilespmem:s13+$0x0];
	_ =	sdelay $0x1  }
0x4aa: {  	s15 =	sor.u32 $0x810, s3;
	[tilespmem:v50+s20+$0x0] =	vst.idx.msk $0xffff, v34  }
0x4ab: {  	s16 =	sor.u32 $0x810, s1;
	[tilespmem:v51+s20+$0x0] =	vst.idx.msk $0xffff, v36;
	v34 =	vld [tilespmem:s15+$0x0]  }
0x4ac: {  	s17 =	sor.u32 $0x810, s0;
	[tilespmem:v52+s20+$0x0] =	vst.idx.msk $0xffff, v32;
	v36 =	vld [tilespmem:s16+$0x0]  }
0x4ad: {  	s19 =	sor.u32 $0x820, s14;
	s10 =	sor.u32 $0x850, s1;
	v32 =	vld [tilespmem:s17+$0x0];
	[tilespmem:v53+s20+$0x0] =	vst.idx.msk $0xffff, v38  }
0x4ae: {  	v54 =	vor.u32 s26, v17;
	s21 =	sor.u32 $0x850, s3;
	v38 =	vld [tilespmem:s19+$0x0];
	[smem:$0x772] =	sst s10  }
0x4af: {  	s22 =	sor.u32 $0x860, s1;
	[smem:$0x773] =	sst s21  }
0x4b0: {  	s23 =	sor.u32 $0x860, s3;
	[smem:$0x774] =	sst s22  }
0x4b1: {  	s11 =	sor.u32 $0x870, s1;
	[smem:$0x775] =	sst s23  }
0x4b2: {  	v55 =	vor.u32 s24, v17;
	[smem:$0x776] =	sst s11  }
0x4b3: {  	s12 =	sor.u32 $0x870, s3;
	[tilespmem:v54+s20+$0x0] =	vst.idx.msk $0xffff, v34  }
0x4b4: {  	s13 =	sor.u32 $0xC00, s1;
	[smem:$0x777] =	sst s12  }
0x4b5: {  	s15 =	sor.u32 $0xC00, s3;
	[smem:$0x778] =	sst s13  }
0x4b6: {  	v56 =	vor.u32 s25, v17;
	[smem:$0x779] =	sst s15  }
0x4b7: {  	v57 =	vor.u32 s28, v18;
	s18 =	sor.u32 $0x820, s3;
	s16 =	sor.u32 $0xC10, s3;
	[tilespmem:v55+s20+$0x0] =	vst.idx.msk $0xffff, v36  }
0x4b8: {  	s17 =	sor.u32 $0xC20, s3;
	v34 =	vld [tilespmem:s18+$0x0];
	[smem:$0x77A] =	sst s16  }
0x4b9: {  	s18 =	sor.u32 $0xC30, s3;
	[dreg:$0x13] =	wrdreg s17  }
0x4ba: {  	s6 =	sor.u32 $0x820, s1;
	[dreg:$0xb] =	wrdreg s18  }
0x4bb: {  	v58 =	vor.u32 s26, v18;
	s7 =	sor.u32 $0x820, s0;
	v36 =	vld [tilespmem:s6+$0x0];
	[tilespmem:v56+s20+$0x0] =	vst.idx.msk $0xffff, v32  }
0x4bc: {  	v59 =	vor.u32 s24, v18;
	s19 =	sor.u32 $0x830, s14;
	s22 =	sor.u32 $0xC10, s1;
	[tilespmem:v57+s20+$0x0] =	vst.idx.msk $0xffff, v38;
	v32 =	vld [tilespmem:s7+$0x0]  }
0x4bd: {  	s5 =	sor.u32 $0xC20, s1;
	v60 =	vor.u32 s25, v18;
	v38 =	vld [tilespmem:s19+$0x0];
	[dreg:$0x1e] =	wrdreg s22  }
0x4be: {  	v61 =	vor.u32 s28, v19;
	s6 =	sor.u32 $0xC30, s1;
	[dreg:$0x17] =	wrdreg s5  }
0x4bf: {  	s29 =	simm.s32 $0x4;
	s8 =	sor.u32 $0x830, s1;
	[dreg:$0x7] =	wrdreg s6  }
0x4c0: {  	s30 =	sor.u32 $0xC40, s1;
	s31 =	sor.u32 $0xC40, s0;
	s2 =	sor.u32 $0x840, s1;
	[tilespmem:v58+s20+$0x0] =	vst.idx.msk $0xffff, v34  }
0x4c1: {  	p2 =	por !p2, !p2;
	s9 =	sor.u32 $0x830, s3;
	s4 =	sor.u32 $0x840, s3;
	[tilespmem:v59+s20+$0x0] =	vst.idx.msk $0xffff, v36  }
0x4c2: {  	s23 =	sor.u32 $0xC40, s3;
	s21 =	sor.u32 $0xC50, s3;
	s11 =	sor.u32 $0xC70, s1;
	v34 =	vld [tilespmem:s9+$0x0];
	[tilespmem:v60+s20+$0x0] =	vst.idx.msk $0xffff, v32  }
0x4c3: {  	s10 =	sor.u32 $0x840, s14;
	s7 =	sor.u32 $0x830, s0;
	v37 =	vld [tilespmem:s8+$0x0];
	[tilespmem:v61+s20+$0x0] =	vst.idx.msk $0xffff, v38;
	s8 =	sor.u32 $0x850, s0  }
0x4c4: {  	s13 =	sor.u32 $0xC70, s3;
	s9 =	sor.u32 $0x860, s0;
	v32 =	vld [tilespmem:s7+$0x0];
	[smem:$0x77B] =	sst s8  }
0x4c5: {  	s12 =	sor.u32 $0x870, s0;
	s15 =	sor.u32 $0xC00, s0;
	[smem:$0x77C] =	sst s9  }
0x4c6: {  	v62 =	vor.u32 s26, v19;
	s16 =	sor.u32 $0xC60, s3;
	s3 =	simm.s32 $0x1;
	v41 =	vld [tilespmem:s10+$0x0];
	[smem:$0x77D] =	sst s12  }
0x4c7: {  	v40 =	vor.u32 s24, v19;
	s17 =	sor.u32 $0xC60, s1;
	s18 =	sor.u32 $0xC10, s0;
	[smem:$0x77E] =	sst s15  }
0x4c8: {  	v63 =	vor.u32 s25, v19;
	s3 =	simm.s32 @!p2 $0x0;
	s22 =	sor.u32 $0xC20, s0;
	[smem:$0x77F] =	sst s18  }
0x4c9: {  	v42 =	vor.u32 s28, v20;
	s19 =	sor.u32 $0xC50, s1;
	s6 =	sor.u32 $0xC30, s0;
	[dreg:$0x1a] =	wrdreg s22  }
0x4ca: {  	s5 =	sor.u32 $0x840, s0;
	s1 =	simm.s32 $0x7;
	[dreg:$0x10] =	wrdreg s6  }
0x4cb: {  	s7 =	sand.u32 $0x7, s29;
	s8 =	sor.u32 $0x850, s14;
	s9 =	simm.s32 $0x0;
	[tilespmem:v62+s20+$0x0] =	vst.idx.msk $0xffff, v34  }
0x4cc: {  	s22 =	sor.u32 $0xC50, s0;
	s18 =	sor.u32 $0xC60, s0;
	s15 =	sor.u32 $0xC70, s0;
	v36 =	vld [tilespmem:s4+$0x0];
	[tilespmem:v40+s20+$0x0] =	vst.idx.msk $0xffff, v37  }
0x4cd: {  	s6 =	sshll.u32 s7, $0x7;
	s0 =	sshll.u32 s3, $0x9;
	s12 =	simm.s32 $0x5;
	v33 =	vld [tilespmem:s2+$0x0];
	[tilespmem:v63+s20+$0x0] =	vst.idx.msk $0xffff, v32  }
0x4ce: {  	v39 =	vor.u32 s26, v20;
	s3 =	simm.s32 $0x380;
	s10 =	simm.s32 $0x800;
	s4 =	simm.s32 $0x8;
	v35 =	vld [tilespmem:s5+$0x0];
	[tilespmem:v42+s20+$0x0] =	vst.idx.msk $0xffff, v41  }
0x4cf: {  	v38 =	vor.u32 s25, v20;
	v34 =	vor.u32 s28, v21;
	v37 =	vor.u32 s24, v20;
	s2 =	simm.s32 $0x300;
	s5 =	simm.s32 $0x4;
	v32 =	vld [tilespmem:s8+$0x0];
	[smem:$0x780] =	sst s9  }
.LBB2_8:
0x4d0: {  	[smem:$0x756] =	sst s19  }
0x4d1: {  	[smem:$0x75D] =	sst s16  }
0x4d2: {  	[smem:$0x74B] =	sst s23  }
0x4d3: {  	[smem:$0x75F] =	sst s17  }
0x4d4: {  	[smem:$0x751] =	sst s21  }
0x4d5: {  	[smem:$0x758] =	sst s22  }
0x4d6: {  	[smem:$0x76D] =	sst s15  }
0x4d7: {  	[smem:$0x764] =	sst s18  }
0x4d8: {  	[smem:$0x766] =	sst s13  }
0x4d9: {  	[smem:$0x76B] =	sst s11;
	s8 =	sand.u32 $0x1000, s10;
	s2 =	sand.u32 $0x300, s2  }
0x4da: {  	s7 =	sadd.s32 $0xFFFFFE80, s3;
	s13 =	sld [smem:$0x773];
	s9 =	sadd.s32 $0xFFFFFF00, s3  }
0x4db: {  	s16 =	sand.u32 $0x380, s3;
	s6 =	sadd.s32 s10, s6;
	s21 =	sor.u32 s2, s8  }
0x4dc: {  	s15 =	sand.u32 $0x200, s7;
	s17 =	sand.u32 $0x280, s9;
	s22 =	sor.u32 s16, s8  }
0x4dd: {  	[tilespmem:v39+s20+$0x0] =	vst.idx.msk $0xffff, v36;
	s7 =	sor.u32 s15, s8;
	s2 =	sor.u32 s17, s8;
	s8 =	sadd.s32 $0x80, s6  }
0x4de: {  	s18 =	sld [smem:$0x772];
	v36 =	vld [tilespmem:s13+$0x0];
	s13 =	sadd.s32 s0, s10;
	s15 =	sor.u32 $0x810, s8  }
0x4df: {  	s0 =	sor.u32 $0x800, s13;
	[smem:$0x75B] =	sst s15  }
0x4e0: {  	s11 =	sor.u32 $0x810, s13;
	[smem:$0x753] =	sst s0  }
0x4e1: {  	s19 =	sor.u32 $0x860, s14;
	v46 =	vld [tilespmem:s21+$0x0];
	[tilespmem:v37+s20+$0x0] =	vst.idx.msk $0xffff, v33;
	s17 =	sor.u32 $0x820, s13;
	[smem:$0x75A] =	sst s11  }
0x4e2: {  	[tilespmem:v34+s20+$0x0] =	vst.idx.msk $0xffff, v32;
	v47 =	vld [tilespmem:s18+$0x0];
	s18 =	sadd.s32 $0x180, s6;
	s6 =	sor.u32 $0x800, s8;
	[smem:$0x761] =	sst s17  }
0x4e3: {  	s23 =	sadd.s32 $0x2, s29;
	v32 =	vld [tilespmem:s19+$0x0];
	s19 =	sor.u32 $0x820, s8;
	[smem:$0x754] =	sst s6  }
0x4e4: {  	v45 =	vor.u32 s23, v0;
	s17 =	sor.u32 $0x830, s13;
	[smem:$0x762] =	sst s19  }
0x4e5: {  	v49 =	vor.u32 s28, v22;
	s9 =	sor.u32 $0x800, s18;
	[smem:$0x768] =	sst s17  }
0x4e6: {  	s16 =	sor.u32 $0x810, s18;
	[smem:$0x755] =	sst s9  }
0x4e7: {  	s6 =	sor.u32 $0x820, s18;
	[smem:$0x75C] =	sst s16  }
0x4e8: {  	v63 =	vor.u32 s26, v21;
	[smem:$0x763] =	sst s6  }
0x4e9: {  	v40 =	vor.u32 s29, v0;
	v41 =	vld [tilespmem:s7+$0x0];
	s19 =	sor.u32 $0x840, s8;
	[tilespmem:v45+s20+$0x0] =	vst.idx.msk $0xffff, v46;
	s16 =	sld [smem:$0x77B]  }
0x4ea: {  	v52 =	vor.u32 s23, v1;
	s15 =	sor.u32 $0x870, s14;
	[smem:$0x770] =	sst s19;
	s6 =	sor.u32 $0xC10, s8;
	v37 =	vld [tilespmem:s21+$0x10];
	[tilespmem:v49+s20+$0x0] =	vst.idx.msk $0xffff, v32  }
0x4eb: {  	v56 =	vor.u32 s28, v23;
	[smem:$0x744] =	sst s6;
	v55 =	vld [tilespmem:s15+$0x0]  }
0x4ec: {  	[tilespmem:v38+s20+$0x0] =	vst.idx.msk $0xffff, v35;
	s17 =	sor.u32 $0x850, s13;
	s6 =	sld [smem:$0x775]  }
0x4ed: {  	s9 =	sor.u32 $0x830, s8;
	[smem:$0x773] =	sst s17;
	[tilespmem:v63+s20+$0x0] =	vst.idx.msk $0xffff, v36  }
0x4ee: {  	v51 =	vld [tilespmem:s22+$0x0];
	[smem:$0x769] =	sst s9;
	[tilespmem:v40+s20+$0x0] =	vst.idx.msk $0xffff, v41;
	s15 =	sor.u32 $0x850, s8  }
0x4ef: {  	v50 =	vor.u32 s1, v0;
	v61 =	vld [tilespmem:s6+$0x0];
	s6 =	sor.u32 $0xC10, s13;
	[smem:$0x772] =	sst s15;
	[tilespmem:v52+s20+$0x0] =	vst.idx.msk $0xffff, v37  }
0x4f0: {  	s0 =	sor.u32 $0xC00, s14;
	[smem:$0x743] =	sst s6;
	s6 =	sor.u32 $0xC20, s8;
	v37 =	vld [tilespmem:s21+$0x20];
	[tilespmem:v56+s20+$0x0] =	vst.idx.msk $0xffff, v55  }
0x4f1: {  	v48 =	vor.u32 s24, v21;
	[smem:$0x746] =	sst s6;
	v35 =	vld [tilespmem:s0+$0x0];
	s0 =	sor.u32 $0xC30, s8  }
0x4f2: {  	v42 =	vor.u32 s12, v0;
	v43 =	vld [tilespmem:s2+$0x0];
	[smem:$0x749] =	sst s0;
	s0 =	sor.u32 $0xC20, s18  }
0x4f3: {  	v57 =	vor.u32 s29, v1;
	v40 =	vld [tilespmem:s7+$0x10];
	[smem:$0x747] =	sst s0;
	s0 =	sor.u32 $0xC30, s13  }
0x4f4: {  	v54 =	vor.u32 s25, v21;
	v53 =	vld [tilespmem:s16+$0x0];
	[tilespmem:v50+s20+$0x0] =	vst.idx.msk $0xffff, v51;
	[smem:$0x748] =	sst s0;
	s0 =	sor.u32 $0xC40, s8  }
0x4f5: {  	v59 =	vor.u32 s1, v1;
	v33 =	vld [tilespmem:s22+$0x10];
	[smem:$0x74E] =	sst s0;
	s0 =	sor.u32 $0xC30, s18  }
0x4f6: {  	[tilespmem:v48+s20+$0x0] =	vst.idx.msk $0xffff, v47;
	[smem:$0x74A] =	sst s0;
	s0 =	sor.u32 $0xC40, s13  }
0x4f7: {  	[tilespmem:v42+s20+$0x0] =	vst.idx.msk $0xffff, v43;
	[smem:$0x74C] =	sst s0;
	s0 =	sor.u32 $0xC50, s8  }
0x4f8: {  	v62 =	vor.u32 s26, v22;
	[tilespmem:v57+s20+$0x0] =	vst.idx.msk $0xffff, v40;
	[smem:$0x757] =	sst s0;
	s0 =	sor.u32 $0xC40, s18  }
0x4f9: {  	v45 =	vor.u32 s29, v2;
	[tilespmem:v54+s20+$0x0] =	vst.idx.msk $0xffff, v53;
	v40 =	vld [tilespmem:s7+$0x20];
	[smem:$0x750] =	sst s0;
	s0 =	sor.u32 $0xC50, s13  }
0x4fa: {  	v58 =	vor.u32 s12, v1;
	s11 =	sor.u32 $0x830, s18;
	v42 =	vld [tilespmem:s2+$0x10];
	[tilespmem:v59+s20+$0x0] =	vst.idx.msk $0xffff, v33;
	[smem:$0x752] =	sst s0;
	s0 =	sor.u32 $0xC60, s8  }
0x4fb: {  	s17 =	sor.u32 $0x860, s18;
	v47 =	vor.u32 s1, v2;
	v33 =	vld [tilespmem:s22+$0x20];
	[smem:$0x760] =	sst s0;
	s0 =	sor.u32 $0xC50, s18  }
0x4fc: {  	v60 =	vor.u32 s23, v2;
	s19 =	sor.u32 $0xC00, s18;
	[smem:$0x759] =	sst s0;
	s0 =	sor.u32 $0xC60, s13  }
0x4fd: {  	s9 =	sor.u32 $0x840, s18;
	[tilespmem:v62+s20+$0x0] =	vst.idx.msk $0xffff, v61;
	[smem:$0x75E] =	sst s0;
	s0 =	sor.u32 $0xC60, s18  }
0x4fe: {  	v63 =	vor.u32 s28, v24;
	s16 =	sor.u32 $0x850, s18;
	s15 =	sor.u32 $0x870, s18;
	[tilespmem:v45+s20+$0x0] =	vst.idx.msk $0xffff, v40;
	[smem:$0x765] =	sst s0  }
0x4ff: {  	s6 =	sor.u32 $0xC10, s18;
	v52 =	vor.u32 s29, v3;
	[tilespmem:v58+s20+$0x0] =	vst.idx.msk $0xffff, v42;
	v40 =	vld [tilespmem:s7+$0x30];
	s18 =	sor.u32 $0xC70, s18;
	s0 =	sld [smem:$0x774]  }
0x500: {  	v46 =	vor.u32 s12, v2;
	v42 =	vld [tilespmem:s2+$0x20];
	[tilespmem:v47+s20+$0x0] =	vst.idx.msk $0xffff, v33;
	[smem:$0x76E] =	sst s18  }
0x501: {  	v54 =	vor.u32 s1, v3;
	[tilespmem:v60+s20+$0x0] =	vst.idx.msk $0xffff, v37;
	v33 =	vld [tilespmem:s22+$0x30];
	s18 =	sld [smem:$0x77C]  }
0x502: {  	v48 =	vor.u32 s23, v3;
	v37 =	vld [tilespmem:s21+$0x30]  }
0x503: {  	v50 =	vor.u32 s24, v22;
	[tilespmem:v63+s20+$0x0] =	vst.idx.msk $0xffff, v35;
	v49 =	vld [tilespmem:s0+$0x0]  }
0x504: {  	v57 =	vor.u32 s25, v22;
	[tilespmem:v52+s20+$0x0] =	vst.idx.msk $0xffff, v40;
	s0 =	sor.u32 $0xC10, s14;
	v56 =	vld [tilespmem:s18+$0x0]  }
0x505: {  	[smem:$0x74D] =	sst s30;
	v51 =	vor.u32 s28, v25;
	[tilespmem:v46+s20+$0x0] =	vst.idx.msk $0xffff, v42;
	v35 =	vld [tilespmem:s0+$0x0]  }
0x506: {  	[smem:$0x76A] =	sst s11;
	v53 =	vor.u32 s12, v3;
	[tilespmem:v54+s20+$0x0] =	vst.idx.msk $0xffff, v33;
	v42 =	vld [tilespmem:s2+$0x30]  }
0x507: {  	s30 =	sor.u32 $0x860, s13;
	s11 =	sor.u32 $0x840, s13;
	[smem:$0x742] =	sst s19;
	v61 =	vor.u32 s1, v4;
	[tilespmem:v48+s20+$0x0] =	vst.idx.msk $0xffff, v37;
	v33 =	vld [tilespmem:s22+$0x40]  }
0x508: {  	s19 =	sor.u32 $0xC00, s13;
	[smem:$0x77B] =	sst s16;
	s16 =	sor.u32 $0x870, s13;
	v55 =	vor.u32 s23, v4;
	v37 =	vld [tilespmem:s21+$0x40];
	[tilespmem:v50+s20+$0x0] =	vst.idx.msk $0xffff, v49  }
0x509: {  	[smem:$0x745] =	sst s6;
	s6 =	sor.u32 $0xC20, s13;
	s13 =	sor.u32 $0xC70, s13;
	[tilespmem:v57+s20+$0x0] =	vst.idx.msk $0xffff, v56  }
0x50a: {  	v59 =	vor.u32 s29, v4;
	v40 =	vld [tilespmem:s7+$0x40];
	[smem:$0x767] =	sst s13;
	s13 =	sor.u32 $0xC20, s14;
	[tilespmem:v51+s20+$0x0] =	vst.idx.msk $0xffff, v35  }
0x50b: {  	[smem:$0x74F] =	sst s31;
	v58 =	vor.u32 s28, v26;
	[tilespmem:v53+s20+$0x0] =	vst.idx.msk $0xffff, v42;
	v35 =	vld [tilespmem:s13+$0x0]  }
0x50c: {  	v60 =	vor.u32 s12, v4;
	[tilespmem:v61+s20+$0x0] =	vst.idx.msk $0xffff, v33;
	v42 =	vld [tilespmem:s2+$0x40];
	s13 =	sld [smem:$0x777]  }
0x50d: {  	s31 =	sor.u32 $0x870, s8;
	[smem:$0x76F] =	sst s11;
	s11 =	sor.u32 $0xC00, s8;
	v49 =	vor.u32 s1, v5;
	[tilespmem:v55+s20+$0x0] =	vst.idx.msk $0xffff, v37;
	v33 =	vld [tilespmem:s22+$0x50]  }
0x50e: {  	[smem:$0x771] =	sst s9;
	s9 =	sor.u32 $0x860, s8;
	v62 =	vor.u32 s23, v5;
	s8 =	sor.u32 $0xC70, s8;
	v37 =	vld [tilespmem:s21+$0x50]  }
0x50f: {  	v45 =	vor.u32 s26, v23;
	[smem:$0x76C] =	sst s8;
	s8 =	smov.u32 s9;
	s9 =	smov.u32 s30;
	v63 =	vld [tilespmem:s13+$0x0];
	[tilespmem:v59+s20+$0x0] =	vst.idx.msk $0xffff, v40  }
0x510: {  	v47 =	vor.u32 s29, v5;
	[smem:$0x775] =	sst s9;
	s9 =	smov.u32 s17;
	s17 =	sor.u32 $0xC30, s14;
	v40 =	vld [tilespmem:s7+$0x50];
	[tilespmem:v58+s20+$0x0] =	vst.idx.msk $0xffff, v35  }
0x511: {  	[smem:$0x774] =	sst s8;
	v46 =	vor.u32 s28, v27;
	[tilespmem:v60+s20+$0x0] =	vst.idx.msk $0xffff, v42;
	v35 =	vld [tilespmem:s17+$0x0]  }
0x512: {  	s8 =	sld [smem:$0x776];
	v48 =	vor.u32 s12, v5;
	[tilespmem:v49+s20+$0x0] =	vst.idx.msk $0xffff, v33;
	v42 =	vld [tilespmem:s2+$0x50]  }
0x513: {  	v56 =	vor.u32 s1, v6;
	[tilespmem:v62+s20+$0x0] =	vst.idx.msk $0xffff, v37;
	v33 =	vld [tilespmem:s22+$0x60];
	s17 =	sld [smem:$0x77D]  }
0x514: {  	v50 =	vor.u32 s23, v6;
	v37 =	vld [tilespmem:s21+$0x60];
	[tilespmem:v45+s20+$0x0] =	vst.idx.msk $0xffff, v63  }
0x515: {  	v52 =	vor.u32 s24, v23;
	v51 =	vld [tilespmem:s8+$0x0];
	[tilespmem:v47+s20+$0x0] =	vst.idx.msk $0xffff, v40  }
0x516: {  	v59 =	vor.u32 s25, v23;
	v58 =	vld [tilespmem:s17+$0x0];
	[tilespmem:v46+s20+$0x0] =	vst.idx.msk $0xffff, v35  }
0x517: {  	[smem:$0x77C] =	sst s9;
	s9 =	sor.u32 $0xC40, s14;
	v54 =	vor.u32 s29, v6;
	v40 =	vld [tilespmem:s7+$0x60];
	[tilespmem:v48+s20+$0x0] =	vst.idx.msk $0xffff, v42  }
0x518: {  	v53 =	vor.u32 s28, v28;
	[tilespmem:v56+s20+$0x0] =	vst.idx.msk $0xffff, v33;
	v35 =	vld [tilespmem:s9+$0x0]  }
0x519: {  	v55 =	vor.u32 s12, v6;
	v42 =	vld [tilespmem:s2+$0x60];
	[tilespmem:v50+s20+$0x0] =	vst.idx.msk $0xffff, v37  }
0x51a: {  	v63 =	vor.u32 s1, v7;
	[tilespmem:v52+s20+$0x0] =	vst.idx.msk $0xffff, v51;
	v33 =	vld [tilespmem:s22+$0x70]  }
0x51b: {  	v57 =	vor.u32 s23, v7;
	v37 =	vld [tilespmem:s21+$0x70];
	[tilespmem:v59+s20+$0x0] =	vst.idx.msk $0xffff, v58  }
0x51c: {  	[tilespmem:v54+s20+$0x0] =	vst.idx.msk $0xffff, v40  }
0x51d: {  	s18 =	smov.u32 s16;
	s16 =	sor.u32 $0xC50, s14;
	v61 =	vor.u32 s29, v7;
	v40 =	vld [tilespmem:s7+$0x70];
	[tilespmem:v53+s20+$0x0] =	vst.idx.msk $0xffff, v35  }
0x51e: {  	v60 =	vor.u32 s28, v29;
	[tilespmem:v55+s20+$0x0] =	vst.idx.msk $0xffff, v42;
	v35 =	vld [tilespmem:s16+$0x0]  }
0x51f: {  	v62 =	vor.u32 s12, v7;
	s8 =	sld [smem:$0x779];
	[tilespmem:v63+s20+$0x0] =	vst.idx.msk $0xffff, v33;
	v42 =	vld [tilespmem:s2+$0x70]  }
0x520: {  	v51 =	vor.u32 s1, v8;
	[tilespmem:v57+s20+$0x0] =	vst.idx.msk $0xffff, v37;
	v33 =	vld [tilespmem:s22+$0x400]  }
0x521: {  	v45 =	vor.u32 s23, v8;
	v37 =	vld [tilespmem:s21+$0x400]  }
0x522: {  	v47 =	vor.u32 s26, v24;
	v46 =	vld [tilespmem:s8+$0x0];
	[tilespmem:v61+s20+$0x0] =	vst.idx.msk $0xffff, v40  }
0x523: {  	v49 =	vor.u32 s29, v8;
	s9 =	sor.u32 $0xC60, s14;
	v40 =	vld [tilespmem:s7+$0x400];
	[tilespmem:v60+s20+$0x0] =	vst.idx.msk $0xffff, v35  }
0x524: {  	[smem:$0x777] =	sst s18;
	v48 =	vor.u32 s28, v30;
	[tilespmem:v62+s20+$0x0] =	vst.idx.msk $0xffff, v42;
	v35 =	vld [tilespmem:s9+$0x0]  }
0x525: {  	s18 =	smov.u32 s15;
	s15 =	sld [smem:$0x778];
	v50 =	vor.u32 s12, v8;
	[tilespmem:v51+s20+$0x0] =	vst.idx.msk $0xffff, v33;
	v42 =	vld [tilespmem:s2+$0x400]  }
0x526: {  	[smem:$0x77D] =	sst s18;
	v58 =	vor.u32 s1, v9;
	[tilespmem:v45+s20+$0x0] =	vst.idx.msk $0xffff, v37;
	v33 =	vld [tilespmem:s22+$0x410]  }
0x527: {  	s18 =	sld [smem:$0x77E];
	v52 =	vor.u32 s23, v9;
	[tilespmem:v47+s20+$0x0] =	vst.idx.msk $0xffff, v46;
	v37 =	vld [tilespmem:s21+$0x410]  }
0x528: {  	v54 =	vor.u32 s24, v24;
	v53 =	vld [tilespmem:s15+$0x0];
	[tilespmem:v49+s20+$0x0] =	vst.idx.msk $0xffff, v40  }
0x529: {  	s13 =	smov.u32 s31;
	v56 =	vor.u32 s29, v9;
	v40 =	vld [tilespmem:s7+$0x410];
	[tilespmem:v48+s20+$0x0] =	vst.idx.msk $0xffff, v35  }
0x52a: {  	[smem:$0x776] =	sst s13;
	s16 =	sor.u32 $0xC70, s14;
	v61 =	vor.u32 s25, v24;
	v60 =	vld [tilespmem:s18+$0x0];
	[tilespmem:v50+s20+$0x0] =	vst.idx.msk $0xffff, v42  }
0x52b: {  	s13 =	smov.u32 s19;
	s19 =	sld [smem:$0x742];
	v55 =	vor.u32 s28, v31;
	[tilespmem:v58+s20+$0x0] =	vst.idx.msk $0xffff, v33;
	v35 =	vld [tilespmem:s16+$0x0]  }
0x52c: {  	s8 =	sld [smem:$0x77A];
	v57 =	vor.u32 s12, v9;
	v42 =	vld [tilespmem:s2+$0x410];
	[tilespmem:v52+s20+$0x0] =	vst.idx.msk $0xffff, v37  }
0x52d: {  	[smem:$0x779] =	sst s13;
	s28 =	smov.u32 s23;
	v47 =	vor.u32 s1, v10;
	[tilespmem:v54+s20+$0x0] =	vst.idx.msk $0xffff, v53;
	v33 =	vld [tilespmem:s22+$0x420]  }
0x52e: {  	v59 =	vor.u32 s28, v10;
	s16 =	sld [smem:$0x77F];
	v37 =	vld [tilespmem:s21+$0x420];
	[tilespmem:v56+s20+$0x0] =	vst.idx.msk $0xffff, v40  }
0x52f: {  	s13 =	rddreg [dreg:$0x1e];
	s17 =	smov.u32 s11;
	v63 =	vor.u32 s26, v25;
	[tilespmem:v61+s20+$0x0] =	vst.idx.msk $0xffff, v60;
	v62 =	vld [tilespmem:s8+$0x0]  }
0x530: {  	[smem:$0x778] =	sst s17;
	v45 =	vor.u32 s29, v10;
	v40 =	vld [tilespmem:s7+$0x420];
	[tilespmem:v55+s20+$0x0] =	vst.idx.msk $0xffff, v35  }
0x531: {  	s17 =	sld [smem:$0x745];
	v52 =	vor.u32 s25, v25;
	v51 =	vld [tilespmem:s16+$0x0];
	[tilespmem:v57+s20+$0x0] =	vst.idx.msk $0xffff, v42  }
0x532: {  	s23 =	smov.u32 s19;
	s19 =	rddreg [dreg:$0x13];
	v46 =	vor.u32 s12, v10;
	[tilespmem:v47+s20+$0x0] =	vst.idx.msk $0xffff, v33;
	v42 =	vld [tilespmem:s2+$0x420]  }
0x533: {  	[smem:$0x77E] =	sst s23;
	v55 =	vor.u32 s1, v11;
	[tilespmem:v59+s20+$0x0] =	vst.idx.msk $0xffff, v37;
	v33 =	vld [tilespmem:s22+$0x430]  }
0x534: {  	s9 =	sld [smem:$0x743];
	v49 =	vld [tilespmem:s13+$0x0];
	[tilespmem:v63+s20+$0x0] =	vst.idx.msk $0xffff, v62  }
0x535: {  	s14 =	sld [smem:$0x744];
	v48 =	vor.u32 s28, v11;
	v37 =	vld [tilespmem:s21+$0x430];
	[tilespmem:v45+s20+$0x0] =	vst.idx.msk $0xffff, v40  }
0x536: {  	s23 =	smov.u32 s6;
	s6 =	rddreg [dreg:$0x17];
	v50 =	vor.u32 s24, v25;
	[tilespmem:v52+s20+$0x0] =	vst.idx.msk $0xffff, v51;
	v40 =	vld [tilespmem:s7+$0x430]  }
0x537: {  	[dreg:$0x13] =	wrdreg s23;
	s11 =	smov.u32 s9;
	v53 =	vor.u32 s29, v11;
	[tilespmem:v46+s20+$0x0] =	vst.idx.msk $0xffff, v42;
	v57 =	vld [tilespmem:s19+$0x0]  }
0x538: {  	[smem:$0x77A] =	sst s11;
	v54 =	vor.u32 s12, v11;
	[tilespmem:v55+s20+$0x0] =	vst.idx.msk $0xffff, v33;
	v42 =	vld [tilespmem:s2+$0x430]  }
0x539: {  	s15 =	smov.u32 s14;
	s11 =	rddreg [dreg:$0x1a];
	v58 =	vor.u32 s26, v26;
	v33 =	vld [tilespmem:s22+$0x440]  }
0x53a: {  	[dreg:$0x1e] =	wrdreg s15;
	v63 =	vor.u32 s1, v12;
	[tilespmem:v48+s20+$0x0] =	vst.idx.msk $0xffff, v37;
	v46 =	vld [tilespmem:s11+$0x0]  }
0x53b: {  	s18 =	smov.u32 s17;
	s15 =	rddreg [dreg:$0xb];
	v56 =	vor.u32 s28, v12;
	[tilespmem:v50+s20+$0x0] =	vst.idx.msk $0xffff, v49;
	v37 =	vld [tilespmem:s21+$0x440]  }
0x53c: {  	[smem:$0x77F] =	sst s18;
	v47 =	vor.u32 s25, v26;
	v59 =	vld [tilespmem:s6+$0x0];
	[tilespmem:v53+s20+$0x0] =	vst.idx.msk $0xffff, v40  }
0x53d: {  	v61 =	vor.u32 s29, v12;
	s18 =	rddreg [dreg:$0x7];
	v40 =	vld [tilespmem:s7+$0x440];
	[tilespmem:v54+s20+$0x0] =	vst.idx.msk $0xffff, v42  }
0x53e: {  	v60 =	vor.u32 s24, v26;
	s8 =	sld [smem:$0x746];
	[tilespmem:v58+s20+$0x0] =	vst.idx.msk $0xffff, v57  }
0x53f: {  	s16 =	sld [smem:$0x748];
	v62 =	vor.u32 s12, v12;
	[tilespmem:v63+s20+$0x0] =	vst.idx.msk $0xffff, v33;
	v42 =	vld [tilespmem:s2+$0x440]  }
0x540: {  	s13 =	sld [smem:$0x747];
	v52 =	vor.u32 s1, v13;
	[tilespmem:v56+s20+$0x0] =	vst.idx.msk $0xffff, v37;
	v33 =	vld [tilespmem:s22+$0x450]  }
0x541: {  	s9 =	smov.u32 s8;
	s8 =	rddreg [dreg:$0x10];
	v45 =	vor.u32 s28, v13;
	[tilespmem:v47+s20+$0x0] =	vst.idx.msk $0xffff, v46;
	v37 =	vld [tilespmem:s21+$0x450]  }
0x542: {  	s17 =	smov.u32 s16;
	s16 =	sld [smem:$0x74D];
	v57 =	vor.u32 s25, v27;
	v56 =	vld [tilespmem:s8+$0x0];
	[tilespmem:v61+s20+$0x0] =	vst.idx.msk $0xffff, v40  }
0x543: {  	[dreg:$0xb] =	wrdreg s17;
	v49 =	vor.u32 s26, v27;
	[tilespmem:v60+s20+$0x0] =	vst.idx.msk $0xffff, v59;
	v48 =	vld [tilespmem:s15+$0x0]  }
0x544: {  	s17 =	sld [smem:$0x74E];
	v50 =	vor.u32 s29, v13;
	v40 =	vld [tilespmem:s7+$0x450];
	[tilespmem:v62+s20+$0x0] =	vst.idx.msk $0xffff, v42  }
0x545: {  	[dreg:$0x17] =	wrdreg s9;
	v51 =	vor.u32 s12, v13;
	[tilespmem:v52+s20+$0x0] =	vst.idx.msk $0xffff, v33;
	v42 =	vld [tilespmem:s2+$0x450]  }
0x546: {  	s9 =	sld [smem:$0x74A];
	v60 =	vor.u32 s1, v14;
	[tilespmem:v45+s20+$0x0] =	vst.idx.msk $0xffff, v37;
	v33 =	vld [tilespmem:s22+$0x460]  }
0x547: {  	s14 =	smov.u32 s13;
	s13 =	sld [smem:$0x780];
	v53 =	vor.u32 s28, v14;
	[tilespmem:v57+s20+$0x0] =	vst.idx.msk $0xffff, v56;
	v37 =	vld [tilespmem:s21+$0x460]  }
0x548: {  	[dreg:$0x1a] =	wrdreg s14;
	[tilespmem:v49+s20+$0x0] =	vst.idx.msk $0xffff, v48  }
0x549: {  	s14 =	sld [smem:$0x74B];
	v55 =	vor.u32 s24, v27;
	v54 =	vld [tilespmem:s18+$0x0];
	[tilespmem:v50+s20+$0x0] =	vst.idx.msk $0xffff, v40  }
0x54a: {  	s30 =	smov.u32 s17;
	s17 =	sld [smem:$0x75B];
	v58 =	vor.u32 s29, v14;
	[tilespmem:v51+s20+$0x0] =	vst.idx.msk $0xffff, v42;
	v40 =	vld [tilespmem:s7+$0x460]  }
0x54b: {  	s19 =	sld [smem:$0x749];
	v59 =	vor.u32 s12, v14;
	[tilespmem:v60+s20+$0x0] =	vst.idx.msk $0xffff, v33;
	v42 =	vld [tilespmem:s2+$0x460]  }
0x54c: {  	s11 =	smov.u32 s9;
	s9 =	sld [smem:$0x756];
	v49 =	vor.u32 s1, v15;
	[tilespmem:v53+s20+$0x0] =	vst.idx.msk $0xffff, v37;
	v33 =	vld [tilespmem:s22+$0x470]  }
0x54d: {  	v61 =	vor.u32 s28, v15;
	s18 =	sld [smem:$0x74F];
	v37 =	vld [tilespmem:s21+$0x470]  }
0x54e: {  	s0 =	sadd.s32 $0x2, s13;
	s13 =	sld [smem:$0x758];
	v63 =	vor.u32 s26, v28;
	[tilespmem:v55+s20+$0x0] =	vst.idx.msk $0xffff, v54;
	v62 =	vld [tilespmem:s14+$0x0]  }
0x54f: {  	[smem:$0x780] =	sst s0;
	s0 =	sand.u32 $0x3, s0;
	v46 =	vor.u32 s24, v28;
	v45 =	vld [tilespmem:s16+$0x0];
	[tilespmem:v58+s20+$0x0] =	vst.idx.msk $0xffff, v40  }
0x550: {  	[dreg:$0x10] =	wrdreg s11;
	s0 =	sshll.u32 s0, $0x8;
	v52 =	vor.u32 s25, v28;
	v51 =	vld [tilespmem:s18+$0x0];
	[tilespmem:v59+s20+$0x0] =	vst.idx.msk $0xffff, v42  }
0x551: {  	s6 =	sld [smem:$0x754];
	s0 =	sadd.s32 s10, s0;
	v47 =	vor.u32 s29, v15;
	[tilespmem:v49+s20+$0x0] =	vst.idx.msk $0xffff, v33;
	v40 =	vld [tilespmem:s7+$0x470]  }
0x552: {  	s8 =	sld [smem:$0x755];
	v48 =	vor.u32 s12, v15;
	s14 =	sadd.s32 $0x100, s0;
	v42 =	vld [tilespmem:s2+$0x470];
	[tilespmem:v61+s20+$0x0] =	vst.idx.msk $0xffff, v37  }
0x553: {  	s11 =	sld [smem:$0x757];
	s0 =	sor.u32 $0x800, s14;
	[tilespmem:v63+s20+$0x0] =	vst.idx.msk $0xffff, v62  }
0x554: {  	v50 =	vor.u32 s28, v16;
	s21 =	sld [smem:$0x751];
	[tilespmem:v46+s20+$0x0] =	vst.idx.msk $0xffff, v45;
	v37 =	vld [tilespmem:s0+$0x0]  }
0x555: {  	s23 =	smov.u32 s19;
	s19 =	sld [smem:$0x750];
	v33 =	vld [tilespmem:s8+$0x0];
	[tilespmem:v52+s20+$0x0] =	vst.idx.msk $0xffff, v51  }
0x556: {  	v57 =	vor.u32 s1, v16;
	s2 =	sld [smem:$0x753];
	v61 =	vld [tilespmem:s13+$0x0];
	[tilespmem:v47+s20+$0x0] =	vst.idx.msk $0xffff, v40  }
0x557: {  	[dreg:$0x7] =	wrdreg s23;
	v54 =	vor.u32 s26, v29;
	[tilespmem:v48+s20+$0x0] =	vst.idx.msk $0xffff, v42;
	v53 =	vld [tilespmem:s21+$0x0]  }
0x558: {  	s31 =	smov.u32 s19;
	s15 =	sld [smem:$0x74C];
	v56 =	vor.u32 s12, v16;
	v42 =	vld [tilespmem:s6+$0x0]  }
0x559: {  	s19 =	smov.u32 s11;
	s11 =	sld [smem:$0x760];
	v55 =	vor.u32 s29, v16;
	s7 =	sor.u32 $0x810, s14;
	v40 =	vld [tilespmem:s2+$0x0];
	[tilespmem:v50+s20+$0x0] =	vst.idx.msk $0xffff, v37  }
0x55a: {  	v58 =	vor.u32 s28, v17;
	s6 =	sld [smem:$0x75C];
	v37 =	vld [tilespmem:s7+$0x0]  }
0x55b: {  	s23 =	smov.u32 s15;
	s15 =	sld [smem:$0x759];
	v60 =	vor.u32 s24, v29;
	[tilespmem:v57+s20+$0x0] =	vst.idx.msk $0xffff, v33;
	v59 =	vld [tilespmem:s9+$0x0]  }
0x55c: {  	s16 =	sld [smem:$0x75A];
	v62 =	vor.u32 s25, v29;
	[tilespmem:v54+s20+$0x0] =	vst.idx.msk $0xffff, v53  }
0x55d: {  	s22 =	sld [smem:$0x752];
	v46 =	vor.u32 s1, v17;
	v33 =	vld [tilespmem:s6+$0x0];
	[tilespmem:v56+s20+$0x0] =	vst.idx.msk $0xffff, v42  }
0x55e: {  	v45 =	vor.u32 s12, v17;
	s9 =	sld [smem:$0x75F];
	[tilespmem:v55+s20+$0x0] =	vst.idx.msk $0xffff, v40;
	v42 =	vld [tilespmem:s17+$0x0]  }
0x55f: {  	s18 =	sor.u32 $0x820, s14;
	v63 =	vor.u32 s29, v17;
	s7 =	sld [smem:$0x75D];
	[tilespmem:v58+s20+$0x0] =	vst.idx.msk $0xffff, v37;
	v40 =	vld [tilespmem:s16+$0x0]  }
0x560: {  	v47 =	vor.u32 s28, v18;
	s6 =	sld [smem:$0x763];
	[tilespmem:v60+s20+$0x0] =	vst.idx.msk $0xffff, v59;
	v37 =	vld [tilespmem:s18+$0x0]  }
0x561: {  	v51 =	vor.u32 s24, v30;
	s21 =	smov.u32 s22;
	s22 =	smov.u32 s15;
	s15 =	sld [smem:$0x762];
	[tilespmem:v62+s20+$0x0] =	vst.idx.msk $0xffff, v61;
	v50 =	vld [tilespmem:s9+$0x0]  }
0x562: {  	v49 =	vor.u32 s26, v30;
	s13 =	sld [smem:$0x761];
	v48 =	vld [tilespmem:s7+$0x0];
	[tilespmem:v46+s20+$0x0] =	vst.idx.msk $0xffff, v33  }
0x563: {  	v54 =	vor.u32 s1, v18;
	s7 =	sld [smem:$0x764];
	v33 =	vld [tilespmem:s6+$0x0];
	[tilespmem:v45+s20+$0x0] =	vst.idx.msk $0xffff, v42  }
0x564: {  	s8 =	sld [smem:$0x75E];
	v53 =	vor.u32 s12, v18;
	[tilespmem:v63+s20+$0x0] =	vst.idx.msk $0xffff, v40;
	v42 =	vld [tilespmem:s15+$0x0]  }
0x565: {  	v52 =	vor.u32 s29, v18;
	s2 =	sld [smem:$0x769];
	[tilespmem:v47+s20+$0x0] =	vst.idx.msk $0xffff, v37;
	v40 =	vld [tilespmem:s13+$0x0]  }
0x566: {  	v56 =	vld [tilespmem:s7+$0x0];
	s7 =	sld [smem:$0x76A];
	[tilespmem:v51+s20+$0x0] =	vst.idx.msk $0xffff, v50  }
0x567: {  	s16 =	smov.u32 s8;
	s18 =	sor.u32 $0x830, s14;
	s8 =	sld [smem:$0x765];
	[tilespmem:v49+s20+$0x0] =	vst.idx.msk $0xffff, v48  }
0x568: {  	v55 =	vor.u32 s28, v19;
	s9 =	sld [smem:$0x766];
	v37 =	vld [tilespmem:s18+$0x0];
	[tilespmem:v54+s20+$0x0] =	vst.idx.msk $0xffff, v33  }
0x569: {  	v57 =	vor.u32 s25, v30;
	s15 =	sld [smem:$0x768];
	v44 =	vld [tilespmem:s7+$0x0];
	[tilespmem:v53+s20+$0x0] =	vst.idx.msk $0xffff, v42  }
0x56a: {  	v45 =	vor.u32 s1, v19;
	s18 =	smov.u32 s8;
	s8 =	sld [smem:$0x76B];
	[tilespmem:v52+s20+$0x0] =	vst.idx.msk $0xffff, v40;
	v42 =	vld [tilespmem:s2+$0x0]  }
0x56b: {  	v61 =	vor.u32 s12, v19;
	s17 =	smov.u32 s11;
	s11 =	sld [smem:$0x767];
	v58 =	vld [tilespmem:s9+$0x0]  }
0x56c: {  	p3 =	slt.u32 s4, $0xC;
	v59 =	vor.u32 s26, v31;
	s26 =	smov.u32 s29;
	v40 =	vld [tilespmem:s15+$0x0];
	s15 =	sld [smem:$0x76D]  }
0x56d: {  	s5 =	sadd.s32 $0x4, s5;
	v60 =	vor.u32 s26, v19;
	s6 =	sor.u32 $0x840, s14;
	v63 =	vor.u32 s25, v31;
	s25 =	sld [smem:$0x76E];
	[tilespmem:v55+s20+$0x0] =	vst.idx.msk $0xffff, v37;
	v48 =	vld [tilespmem:s8+$0x0]  }
0x56e: {  	p2 =	por !p2, !p2;
	s3 =	sadd.s32 $0x200, s3;
	v47 =	vor.u32 s28, v20;
	[tilespmem:v57+s20+$0x0] =	vst.idx.msk $0xffff, v56;
	v46 =	vld [tilespmem:s6+$0x0];
	s9 =	sld [smem:$0x76C]  }
0x56f: {  	s10 =	sadd.s32 $0x800, s10;
	s29 =	smov.u32 s4;
	v49 =	vor.u32 s24, v31;
	s6 =	sld [smem:$0x770];
	v62 =	vld [tilespmem:s15+$0x0];
	[tilespmem:v45+s20+$0x0] =	vst.idx.msk $0xffff, v44  }
0x570: {  	s13 =	smov.u32 s11;
	s24 =	smov.u32 s12;
	s2 =	sld [smem:$0x76F];
	[tilespmem:v61+s20+$0x0] =	vst.idx.msk $0xffff, v42  }
.Ltmp5:
0x571: {  	s11 =	smov.u32 s9;
	s9 =	sld [smem:$0x771];
	[tilespmem:v59+s20+$0x0] =	vst.idx.msk $0xffff, v58;
	(pc) =	sbr.rel @p3 .LBB2_8-.Ltmp5, $4  }
0x572: {  	s12 =	sadd.s32 $0x1, s4;
	s7 =	sand.u32 $0x7, s5;
	s8 =	sor.u32 $0x850, s14;
	v33 =	vld [tilespmem:s6+$0x0];
	[tilespmem:v60+s20+$0x0] =	vst.idx.msk $0xffff, v40  }
0x573: {  	s15 =	smov.u32 s25;
	s25 =	smov.u32 s1;
	[tilespmem:v47+s20+$0x0] =	vst.idx.msk $0xffff, v46;
	v36 =	vld [tilespmem:s2+$0x0];
	s2 =	simm.s32 $0x1  }
0x574: {  	v34 =	vor.u32 s28, v21;
	v39 =	vor.u32 s26, v20;
	s1 =	sadd.s32 $0x3, s4;
	s4 =	sadd.s32 $0x4, s4;
	[tilespmem:v49+s20+$0x0] =	vst.idx.msk $0xffff, v48;
	v35 =	vld [tilespmem:s9+$0x0];
	s2 =	simm.s32 @!p2 $0x0  }
0x575: {  	v37 =	vor.u32 s24, v20;
	v38 =	vor.u32 s25, v20;
	s6 =	sshll.u32 s7, $0x7;
	v32 =	vld [tilespmem:s8+$0x0];
	[tilespmem:v63+s20+$0x0] =	vst.idx.msk $0xffff, v62;
	s0 =	sshll.u32 s2, $0x9;
	s2 =	sadd.s32 $0xFFFFFF80, s3  }
0x576: {  	s2 =	sand.u32 $0x300, s2  }
0x577: {  	s8 =	sand.u32 $0x1000, s10;
	s4 =	sadd.s32 $0xFFFFFE80, s3;
	s9 =	sadd.s32 $0xFFFFFF00, s3  }
0x578: {  	s2 =	sor.u32 s2, s8;
	s5 =	sand.u32 $0x200, s4;
	s4 =	sadd.s32 $0x2, s29  }
0x579: {  	v40 =	vor.u32 s4, v0;
	v41 =	vld [tilespmem:s2+$0x0];
	s7 =	sor.u32 s5, s8;
	s5 =	sand.u32 $0x280, s9  }
0x57a: {  	v42 =	vor.u32 s29, v0;
	s9 =	sand.u32 $0x380, s3;
	s5 =	sor.u32 s5, s8;
	v43 =	vld [tilespmem:s7+$0x0]  }
0x57b: {  	v44 =	vor.u32 s12, v0;
	s3 =	sor.u32 s9, s8;
	v45 =	vld [tilespmem:s5+$0x0]  }
0x57c: {  	v46 =	vor.u32 s1, v0;
	v47 =	vld [tilespmem:s3+$0x0];
	_ =	sdelay $0x1  }
0x57d: {  	[tilespmem:v40+s20+$0x0] =	vst.idx.msk $0xffff, v41  }
0x57e: {  	v59 =	vor.u32 s4, v1;
	v40 =	vld [tilespmem:s2+$0x10];
	[tilespmem:v42+s20+$0x0] =	vst.idx.msk $0xffff, v43  }
0x57f: {  	v60 =	vor.u32 s29, v1;
	v42 =	vld [tilespmem:s7+$0x10];
	[tilespmem:v44+s20+$0x0] =	vst.idx.msk $0xffff, v45  }
0x580: {  	v61 =	vor.u32 s12, v1;
	[tilespmem:v46+s20+$0x0] =	vst.idx.msk $0xffff, v47;
	v44 =	vld [tilespmem:s5+$0x10]  }
0x581: {  	v62 =	vor.u32 s1, v1;
	v46 =	vld [tilespmem:s3+$0x10];
	_ =	sdelay $0x1  }
0x582: {  	[tilespmem:v59+s20+$0x0] =	vst.idx.msk $0xffff, v40  }
0x583: {  	v63 =	vor.u32 s4, v2;
	v40 =	vld [tilespmem:s2+$0x20];
	[tilespmem:v60+s20+$0x0] =	vst.idx.msk $0xffff, v42  }
0x584: {  	v48 =	vor.u32 s29, v2;
	v42 =	vld [tilespmem:s7+$0x20];
	[tilespmem:v61+s20+$0x0] =	vst.idx.msk $0xffff, v44  }
0x585: {  	v49 =	vor.u32 s12, v2;
	[tilespmem:v62+s20+$0x0] =	vst.idx.msk $0xffff, v46;
	v44 =	vld [tilespmem:s5+$0x20]  }
0x586: {  	v50 =	vor.u32 s1, v2;
	v46 =	vld [tilespmem:s3+$0x20];
	_ =	sdelay $0x1  }
0x587: {  	[tilespmem:v63+s20+$0x0] =	vst.idx.msk $0xffff, v40  }
0x588: {  	v51 =	vor.u32 s4, v3;
	v40 =	vld [tilespmem:s2+$0x30];
	[tilespmem:v48+s20+$0x0] =	vst.idx.msk $0xffff, v42  }
0x589: {  	v52 =	vor.u32 s29, v3;
	v42 =	vld [tilespmem:s7+$0x30];
	[tilespmem:v49+s20+$0x0] =	vst.idx.msk $0xffff, v44  }
0x58a: {  	v53 =	vor.u32 s12, v3;
	[tilespmem:v50+s20+$0x0] =	vst.idx.msk $0xffff, v46;
	v44 =	vld [tilespmem:s5+$0x30]  }
0x58b: {  	v54 =	vor.u32 s1, v3;
	v46 =	vld [tilespmem:s3+$0x30];
	_ =	sdelay $0x1  }
0x58c: {  	[tilespmem:v51+s20+$0x0] =	vst.idx.msk $0xffff, v40  }
0x58d: {  	v55 =	vor.u32 s4, v4;
	v40 =	vld [tilespmem:s2+$0x40];
	[tilespmem:v52+s20+$0x0] =	vst.idx.msk $0xffff, v42  }
0x58e: {  	v56 =	vor.u32 s29, v4;
	v42 =	vld [tilespmem:s7+$0x40];
	[tilespmem:v53+s20+$0x0] =	vst.idx.msk $0xffff, v44  }
0x58f: {  	v57 =	vor.u32 s12, v4;
	[tilespmem:v54+s20+$0x0] =	vst.idx.msk $0xffff, v46;
	v44 =	vld [tilespmem:s5+$0x40]  }
0x590: {  	v58 =	vor.u32 s1, v4;
	v46 =	vld [tilespmem:s3+$0x40];
	_ =	sdelay $0x1  }
0x591: {  	[tilespmem:v55+s20+$0x0] =	vst.idx.msk $0xffff, v40  }
0x592: {  	v59 =	vor.u32 s4, v5;
	v40 =	vld [tilespmem:s2+$0x50];
	[tilespmem:v56+s20+$0x0] =	vst.idx.msk $0xffff, v42  }
0x593: {  	v60 =	vor.u32 s29, v5;
	v42 =	vld [tilespmem:s7+$0x50];
	[tilespmem:v57+s20+$0x0] =	vst.idx.msk $0xffff, v44  }
0x594: {  	v61 =	vor.u32 s12, v5;
	[tilespmem:v58+s20+$0x0] =	vst.idx.msk $0xffff, v46;
	v44 =	vld [tilespmem:s5+$0x50]  }
0x595: {  	v62 =	vor.u32 s1, v5;
	v46 =	vld [tilespmem:s3+$0x50];
	_ =	sdelay $0x1  }
0x596: {  	[tilespmem:v59+s20+$0x0] =	vst.idx.msk $0xffff, v40  }
0x597: {  	v63 =	vor.u32 s4, v6;
	v40 =	vld [tilespmem:s2+$0x60];
	[tilespmem:v60+s20+$0x0] =	vst.idx.msk $0xffff, v42  }
0x598: {  	v48 =	vor.u32 s29, v6;
	v42 =	vld [tilespmem:s7+$0x60];
	[tilespmem:v61+s20+$0x0] =	vst.idx.msk $0xffff, v44  }
0x599: {  	v49 =	vor.u32 s12, v6;
	[tilespmem:v62+s20+$0x0] =	vst.idx.msk $0xffff, v46;
	v44 =	vld [tilespmem:s5+$0x60]  }
0x59a: {  	v50 =	vor.u32 s1, v6;
	v46 =	vld [tilespmem:s3+$0x60];
	_ =	sdelay $0x1  }
0x59b: {  	[tilespmem:v63+s20+$0x0] =	vst.idx.msk $0xffff, v40  }
0x59c: {  	v51 =	vor.u32 s4, v7;
	v40 =	vld [tilespmem:s2+$0x70];
	[tilespmem:v48+s20+$0x0] =	vst.idx.msk $0xffff, v42  }
0x59d: {  	v52 =	vor.u32 s29, v7;
	v42 =	vld [tilespmem:s7+$0x70];
	[tilespmem:v49+s20+$0x0] =	vst.idx.msk $0xffff, v44  }
0x59e: {  	v53 =	vor.u32 s12, v7;
	[tilespmem:v50+s20+$0x0] =	vst.idx.msk $0xffff, v46;
	v44 =	vld [tilespmem:s5+$0x70]  }
0x59f: {  	v54 =	vor.u32 s1, v7;
	v46 =	vld [tilespmem:s3+$0x70];
	_ =	sdelay $0x1  }
0x5a0: {  	[tilespmem:v51+s20+$0x0] =	vst.idx.msk $0xffff, v40  }
0x5a1: {  	v55 =	vor.u32 s4, v8;
	v40 =	vld [tilespmem:s2+$0x400];
	[tilespmem:v52+s20+$0x0] =	vst.idx.msk $0xffff, v42  }
0x5a2: {  	v56 =	vor.u32 s29, v8;
	v42 =	vld [tilespmem:s7+$0x400];
	[tilespmem:v53+s20+$0x0] =	vst.idx.msk $0xffff, v44  }
0x5a3: {  	v57 =	vor.u32 s12, v8;
	[tilespmem:v54+s20+$0x0] =	vst.idx.msk $0xffff, v46;
	v44 =	vld [tilespmem:s5+$0x400]  }
0x5a4: {  	[tilespmem:v37+s20+$0x0] =	vst.idx.msk $0xffff, v33;
	v58 =	vor.u32 s1, v8;
	v46 =	vld [tilespmem:s3+$0x400]  }
0x5a5: {  	[tilespmem:v39+s20+$0x0] =	vst.idx.msk $0xffff, v36  }
0x5a6: {  	[tilespmem:v55+s20+$0x0] =	vst.idx.msk $0xffff, v40  }
0x5a7: {  	v60 =	vor.u32 s4, v9;
	[tilespmem:v56+s20+$0x0] =	vst.idx.msk $0xffff, v42;
	v59 =	vld [tilespmem:s2+$0x410]  }
0x5a8: {  	v62 =	vor.u32 s29, v9;
	[tilespmem:v57+s20+$0x0] =	vst.idx.msk $0xffff, v44;
	v61 =	vld [tilespmem:s7+$0x410]  }
0x5a9: {  	v45 =	vor.u32 s12, v9;
	[tilespmem:v58+s20+$0x0] =	vst.idx.msk $0xffff, v46;
	v63 =	vld [tilespmem:s5+$0x410]  }
0x5aa: {  	[tilespmem:v38+s20+$0x0] =	vst.idx.msk $0xffff, v35;
	v47 =	vor.u32 s1, v9;
	v46 =	vld [tilespmem:s3+$0x410]  }
0x5ab: {  	s9 =	sld [smem:$0x773];
	[tilespmem:v34+s20+$0x0] =	vst.idx.msk $0xffff, v32  }
0x5ac: {  	[tilespmem:v60+s20+$0x0] =	vst.idx.msk $0xffff, v59  }
0x5ad: {  	[tilespmem:v62+s20+$0x0] =	vst.idx.msk $0xffff, v61  }
0x5ae: {  	v49 =	vor.u32 s26, v21;
	v48 =	vld [tilespmem:s9+$0x0];
	[tilespmem:v45+s20+$0x0] =	vst.idx.msk $0xffff, v63  }
0x5af: {  	v50 =	vor.u32 s4, v10;
	v36 =	vld [tilespmem:s2+$0x420];
	[tilespmem:v47+s20+$0x0] =	vst.idx.msk $0xffff, v46  }
0x5b0: {  	v51 =	vor.u32 s29, v10;
	v40 =	vld [tilespmem:s7+$0x420];
	s9 =	sld [smem:$0x772]  }
0x5b1: {  	v52 =	vor.u32 s12, v10;
	v42 =	vld [tilespmem:s5+$0x420]  }
0x5b2: {  	v54 =	vor.u32 s1, v10;
	v53 =	vld [tilespmem:s3+$0x420]  }
0x5b3: {  	v56 =	vor.u32 s24, v21;
	[tilespmem:v49+s20+$0x0] =	vst.idx.msk $0xffff, v48;
	v55 =	vld [tilespmem:s9+$0x0]  }
0x5b4: {  	[tilespmem:v50+s20+$0x0] =	vst.idx.msk $0xffff, v36  }
0x5b5: {  	[tilespmem:v51+s20+$0x0] =	vst.idx.msk $0xffff, v40  }
0x5b6: {  	s9 =	sor.u32 $0x860, s14;
	[tilespmem:v52+s20+$0x0] =	vst.idx.msk $0xffff, v42  }
0x5b7: {  	v58 =	vor.u32 s28, v22;
	v57 =	vld [tilespmem:s9+$0x0];
	[tilespmem:v54+s20+$0x0] =	vst.idx.msk $0xffff, v53  }
0x5b8: {  	v59 =	vor.u32 s4, v11;
	v36 =	vld [tilespmem:s2+$0x430];
	[tilespmem:v56+s20+$0x0] =	vst.idx.msk $0xffff, v55  }
0x5b9: {  	v60 =	vor.u32 s29, v11;
	v40 =	vld [tilespmem:s7+$0x430];
	s9 =	sld [smem:$0x77B]  }
0x5ba: {  	v61 =	vor.u32 s12, v11;
	v42 =	vld [tilespmem:s5+$0x430]  }
0x5bb: {  	v62 =	vor.u32 s1, v11;
	v32 =	vld [tilespmem:s3+$0x430]  }
0x5bc: {  	v45 =	vor.u32 s25, v21;
	[tilespmem:v58+s20+$0x0] =	vst.idx.msk $0xffff, v57;
	v63 =	vld [tilespmem:s9+$0x0]  }
0x5bd: {  	[tilespmem:v59+s20+$0x0] =	vst.idx.msk $0xffff, v36  }
0x5be: {  	[tilespmem:v60+s20+$0x0] =	vst.idx.msk $0xffff, v40  }
0x5bf: {  	[tilespmem:v61+s20+$0x0] =	vst.idx.msk $0xffff, v42;
	s9 =	sor.u32 $0x870, s14  }
0x5c0: {  	v47 =	vor.u32 s28, v23;
	[tilespmem:v62+s20+$0x0] =	vst.idx.msk $0xffff, v32;
	v46 =	vld [tilespmem:s9+$0x0]  }
0x5c1: {  	v48 =	vor.u32 s4, v12;
	v36 =	vld [tilespmem:s2+$0x440];
	[tilespmem:v45+s20+$0x0] =	vst.idx.msk $0xffff, v63  }
0x5c2: {  	v49 =	vor.u32 s29, v12;
	v40 =	vld [tilespmem:s7+$0x440];
	s9 =	sld [smem:$0x775]  }
0x5c3: {  	v50 =	vor.u32 s12, v12;
	v42 =	vld [tilespmem:s5+$0x440]  }
0x5c4: {  	v51 =	vor.u32 s1, v12;
	v32 =	vld [tilespmem:s3+$0x440]  }
0x5c5: {  	v53 =	vor.u32 s26, v22;
	[tilespmem:v47+s20+$0x0] =	vst.idx.msk $0xffff, v46;
	v52 =	vld [tilespmem:s9+$0x0]  }
0x5c6: {  	[tilespmem:v48+s20+$0x0] =	vst.idx.msk $0xffff, v36  }
0x5c7: {  	[tilespmem:v49+s20+$0x0] =	vst.idx.msk $0xffff, v40  }
0x5c8: {  	[tilespmem:v50+s20+$0x0] =	vst.idx.msk $0xffff, v42;
	s9 =	sor.u32 $0xC00, s14  }
0x5c9: {  	v54 =	vor.u32 s28, v24;
	[tilespmem:v51+s20+$0x0] =	vst.idx.msk $0xffff, v32;
	v37 =	vld [tilespmem:s9+$0x0]  }
0x5ca: {  	v55 =	vor.u32 s4, v13;
	v36 =	vld [tilespmem:s2+$0x450];
	[tilespmem:v53+s20+$0x0] =	vst.idx.msk $0xffff, v52  }
0x5cb: {  	v56 =	vor.u32 s29, v13;
	v40 =	vld [tilespmem:s7+$0x450];
	s9 =	sld [smem:$0x774]  }
0x5cc: {  	v57 =	vor.u32 s12, v13;
	v42 =	vld [tilespmem:s5+$0x450]  }
0x5cd: {  	v58 =	vor.u32 s1, v13;
	v32 =	vld [tilespmem:s3+$0x450]  }
0x5ce: {  	v60 =	vor.u32 s24, v22;
	[tilespmem:v54+s20+$0x0] =	vst.idx.msk $0xffff, v37;
	v59 =	vld [tilespmem:s9+$0x0]  }
0x5cf: {  	[tilespmem:v55+s20+$0x0] =	vst.idx.msk $0xffff, v36  }
0x5d0: {  	[tilespmem:v56+s20+$0x0] =	vst.idx.msk $0xffff, v40  }
0x5d1: {  	[tilespmem:v57+s20+$0x0] =	vst.idx.msk $0xffff, v42;
	s9 =	sor.u32 $0xC10, s14  }
0x5d2: {  	v61 =	vor.u32 s28, v25;
	[tilespmem:v58+s20+$0x0] =	vst.idx.msk $0xffff, v32;
	v37 =	vld [tilespmem:s9+$0x0]  }
0x5d3: {  	v62 =	vor.u32 s4, v14;
	v36 =	vld [tilespmem:s2+$0x460];
	[tilespmem:v60+s20+$0x0] =	vst.idx.msk $0xffff, v59  }
0x5d4: {  	v63 =	vor.u32 s29, v14;
	v40 =	vld [tilespmem:s7+$0x460];
	s9 =	sld [smem:$0x77C]  }
0x5d5: {  	v45 =	vor.u32 s12, v14;
	v42 =	vld [tilespmem:s5+$0x460]  }
0x5d6: {  	v46 =	vor.u32 s1, v14;
	v32 =	vld [tilespmem:s3+$0x460]  }
0x5d7: {  	v48 =	vor.u32 s25, v22;
	[tilespmem:v61+s20+$0x0] =	vst.idx.msk $0xffff, v37;
	v47 =	vld [tilespmem:s9+$0x0]  }
0x5d8: {  	[tilespmem:v62+s20+$0x0] =	vst.idx.msk $0xffff, v36;
	s9 =	sor.u32 $0xC20, s14  }
0x5d9: {  	v37 =	vld [tilespmem:s9+$0x0];
	s9 =	sld [smem:$0x780];
	[tilespmem:v63+s20+$0x0] =	vst.idx.msk $0xffff, v40  }
0x5da: {  	[tilespmem:v45+s20+$0x0] =	vst.idx.msk $0xffff, v42  }
0x5db: {  	v49 =	vor.u32 s28, v26;
	[tilespmem:v46+s20+$0x0] =	vst.idx.msk $0xffff, v32  }
0x5dc: {  	v50 =	vor.u32 s4, v15;
	v36 =	vld [tilespmem:s2+$0x470];
	[tilespmem:v48+s20+$0x0] =	vst.idx.msk $0xffff, v47  }
0x5dd: {  	v51 =	vor.u32 s29, v15;
	v40 =	vld [tilespmem:s7+$0x470];
	s8 =	sld [smem:$0x777]  }
0x5de: {  	v52 =	vor.u32 s12, v15;
	v42 =	vld [tilespmem:s5+$0x470]  }
0x5df: {  	v53 =	vor.u32 s1, v15;
	v32 =	vld [tilespmem:s3+$0x470];
	s2 =	sadd.s32 $0x2, s9  }
0x5e0: {  	v55 =	vor.u32 s26, v23;
	s2 =	sand.u32 $0x3, s2;
	[tilespmem:v49+s20+$0x0] =	vst.idx.msk $0xffff, v37;
	v54 =	vld [tilespmem:s8+$0x0]  }
0x5e1: {  	s2 =	sshll.u32 s2, $0x8;
	[tilespmem:v50+s20+$0x0] =	vst.idx.msk $0xffff, v36  }
0x5e2: {  	s2 =	sadd.s32 s10, s2;
	[tilespmem:v51+s20+$0x0] =	vst.idx.msk $0xffff, v40  }
0x5e3: {  	s9 =	sor.u32 $0xC30, s14;
	[tilespmem:v52+s20+$0x0] =	vst.idx.msk $0xffff, v42;
	s2 =	sadd.s32 $0x100, s2  }
0x5e4: {  	s6 =	sadd.s32 s10, s6;
	s0 =	sadd.s32 s0, s10;
	v56 =	vor.u32 s28, v27;
	v37 =	vld [tilespmem:s9+$0x0];
	[tilespmem:v53+s20+$0x0] =	vst.idx.msk $0xffff, v32;
	s5 =	sor.u32 $0x800, s2  }
0x5e5: {  	v57 =	vor.u32 s4, v16;
	s7 =	sor.u32 $0x800, s0;
	s3 =	sadd.s32 $0x180, s6;
	v36 =	vld [tilespmem:s5+$0x0];
	[tilespmem:v55+s20+$0x0] =	vst.idx.msk $0xffff, v54  }
0x5e6: {  	v58 =	vor.u32 s29, v16;
	s9 =	sor.u32 $0x800, s3;
	v40 =	vld [tilespmem:s7+$0x0];
	s5 =	sadd.s32 $0x80, s6;
	s10 =	sld [smem:$0x776]  }
0x5e7: {  	v60 =	vor.u32 s1, v16;
	v32 =	vld [tilespmem:s9+$0x0];
	s8 =	sor.u32 $0x800, s5  }
0x5e8: {  	v59 =	vor.u32 s12, v16;
	v42 =	vld [tilespmem:s8+$0x0]  }
0x5e9: {  	v62 =	vor.u32 s24, v23;
	[tilespmem:v56+s20+$0x0] =	vst.idx.msk $0xffff, v37;
	v61 =	vld [tilespmem:s10+$0x0]  }
0x5ea: {  	[tilespmem:v57+s20+$0x0] =	vst.idx.msk $0xffff, v36  }
0x5eb: {  	[tilespmem:v58+s20+$0x0] =	vst.idx.msk $0xffff, v40  }
0x5ec: {  	s7 =	sor.u32 $0xC40, s14;
	[tilespmem:v60+s20+$0x0] =	vst.idx.msk $0xffff, v32  }
0x5ed: {  	v63 =	vor.u32 s28, v28;
	s8 =	sor.u32 $0x810, s2;
	v37 =	vld [tilespmem:s7+$0x0];
	[tilespmem:v59+s20+$0x0] =	vst.idx.msk $0xffff, v42  }
0x5ee: {  	v45 =	vor.u32 s4, v17;
	s9 =	sor.u32 $0x810, s0;
	v36 =	vld [tilespmem:s8+$0x0];
	[tilespmem:v62+s20+$0x0] =	vst.idx.msk $0xffff, v61  }
0x5ef: {  	v46 =	vor.u32 s29, v17;
	v40 =	vld [tilespmem:s9+$0x0];
	s10 =	sor.u32 $0x810, s5;
	s8 =	sld [smem:$0x77D]  }
0x5f0: {  	v47 =	vor.u32 s12, v17;
	s7 =	sor.u32 $0x810, s3;
	v42 =	vld [tilespmem:s10+$0x0]  }
0x5f1: {  	v48 =	vor.u32 s1, v17;
	v32 =	vld [tilespmem:s7+$0x0]  }
0x5f2: {  	v50 =	vor.u32 s25, v23;
	[tilespmem:v63+s20+$0x0] =	vst.idx.msk $0xffff, v37;
	v49 =	vld [tilespmem:s8+$0x0]  }
0x5f3: {  	[tilespmem:v45+s20+$0x0] =	vst.idx.msk $0xffff, v36  }
0x5f4: {  	[tilespmem:v46+s20+$0x0] =	vst.idx.msk $0xffff, v40  }
0x5f5: {  	s9 =	sor.u32 $0xC50, s14;
	[tilespmem:v47+s20+$0x0] =	vst.idx.msk $0xffff, v42  }
0x5f6: {  	v51 =	vor.u32 s28, v29;
	s10 =	sor.u32 $0x820, s2;
	[tilespmem:v48+s20+$0x0] =	vst.idx.msk $0xffff, v32;
	v37 =	vld [tilespmem:s9+$0x0]  }
0x5f7: {  	v52 =	vor.u32 s4, v18;
	s7 =	sor.u32 $0x820, s0;
	v36 =	vld [tilespmem:s10+$0x0];
	[tilespmem:v50+s20+$0x0] =	vst.idx.msk $0xffff, v49  }
0x5f8: {  	v53 =	vor.u32 s29, v18;
	v40 =	vld [tilespmem:s7+$0x0];
	s8 =	sor.u32 $0x820, s5;
	s10 =	sld [smem:$0x779]  }
0x5f9: {  	v54 =	vor.u32 s12, v18;
	s9 =	sor.u32 $0x820, s3;
	v42 =	vld [tilespmem:s8+$0x0]  }
0x5fa: {  	v55 =	vor.u32 s1, v18;
	v32 =	vld [tilespmem:s9+$0x0]  }
0x5fb: {  	v57 =	vor.u32 s26, v24;
	[tilespmem:v51+s20+$0x0] =	vst.idx.msk $0xffff, v37;
	v56 =	vld [tilespmem:s10+$0x0]  }
0x5fc: {  	[tilespmem:v52+s20+$0x0] =	vst.idx.msk $0xffff, v36  }
0x5fd: {  	[tilespmem:v53+s20+$0x0] =	vst.idx.msk $0xffff, v40  }
0x5fe: {  	s7 =	sor.u32 $0xC60, s14;
	[tilespmem:v54+s20+$0x0] =	vst.idx.msk $0xffff, v42  }
0x5ff: {  	v58 =	vor.u32 s28, v30;
	s8 =	sor.u32 $0x830, s2;
	[tilespmem:v55+s20+$0x0] =	vst.idx.msk $0xffff, v32;
	v37 =	vld [tilespmem:s7+$0x0]  }
0x600: {  	v59 =	vor.u32 s4, v19;
	s9 =	sor.u32 $0x830, s0;
	v36 =	vld [tilespmem:s8+$0x0];
	[tilespmem:v57+s20+$0x0] =	vst.idx.msk $0xffff, v56  }
0x601: {  	v60 =	vor.u32 s29, v19;
	v40 =	vld [tilespmem:s9+$0x0];
	s10 =	sor.u32 $0x830, s5;
	s8 =	sld [smem:$0x778]  }
0x602: {  	v61 =	vor.u32 s12, v19;
	s7 =	sor.u32 $0x830, s3;
	v42 =	vld [tilespmem:s10+$0x0]  }
0x603: {  	v62 =	vor.u32 s1, v19;
	v32 =	vld [tilespmem:s7+$0x0]  }
0x604: {  	v45 =	vor.u32 s24, v24;
	s9 =	sor.u32 $0xC70, s14;
	[tilespmem:v58+s20+$0x0] =	vst.idx.msk $0xffff, v37;
	v63 =	vld [tilespmem:s8+$0x0]  }
0x605: {  	v46 =	vor.u32 s28, v31;
	[tilespmem:v59+s20+$0x0] =	vst.idx.msk $0xffff, v36;
	v37 =	vld [tilespmem:s9+$0x0]  }
0x606: {  	[tilespmem:v60+s20+$0x0] =	vst.idx.msk $0xffff, v40  }
0x607: {  	[tilespmem:v61+s20+$0x0] =	vst.idx.msk $0xffff, v42  }
0x608: {  	s10 =	sor.u32 $0x840, s2;
	[tilespmem:v62+s20+$0x0] =	vst.idx.msk $0xffff, v32  }
0x609: {  	v47 =	vor.u32 s4, v20;
	s14 =	sor.u32 $0x840, s0;
	v36 =	vld [tilespmem:s10+$0x0];
	[tilespmem:v45+s20+$0x0] =	vst.idx.msk $0xffff, v63  }
0x60a: {  	v48 =	vor.u32 s29, v20;
	s28 =	sor.u32 $0x840, s5;
	v40 =	vld [tilespmem:s14+$0x0];
	s8 =	sld [smem:$0x77E];
	[tilespmem:v46+s20+$0x0] =	vst.idx.msk $0xffff, v37  }
0x60b: {  	v49 =	vor.u32 s12, v20;
	s7 =	sor.u32 $0x840, s3;
	v42 =	vld [tilespmem:s28+$0x0];
	s9 =	sld [smem:$0x77A]  }
0x60c: {  	v50 =	vor.u32 s1, v20;
	v32 =	vld [tilespmem:s7+$0x0]  }
0x60d: {  	v52 =	vor.u32 s25, v24;
	v51 =	vld [tilespmem:s8+$0x0]  }
0x60e: {  	v54 =	vor.u32 s26, v25;
	[tilespmem:v47+s20+$0x0] =	vst.idx.msk $0xffff, v36;
	v53 =	vld [tilespmem:s9+$0x0]  }
0x60f: {  	[tilespmem:v48+s20+$0x0] =	vst.idx.msk $0xffff, v40  }
0x610: {  	s10 =	sor.u32 $0x850, s2;
	[tilespmem:v49+s20+$0x0] =	vst.idx.msk $0xffff, v42  }
0x611: {  	v55 =	vor.u32 s4, v21;
	s14 =	sor.u32 $0x850, s0;
	[tilespmem:v50+s20+$0x0] =	vst.idx.msk $0xffff, v32;
	v36 =	vld [tilespmem:s10+$0x0]  }
0x612: {  	v56 =	vor.u32 s29, v21;
	s28 =	sor.u32 $0x850, s5;
	v40 =	vld [tilespmem:s14+$0x0];
	[tilespmem:v52+s20+$0x0] =	vst.idx.msk $0xffff, v51  }
0x613: {  	v57 =	vor.u32 s12, v21;
	s7 =	sor.u32 $0x850, s3;
	v42 =	vld [tilespmem:s28+$0x0];
	s8 =	rddreg [dreg:$0x1e];
	[tilespmem:v54+s20+$0x0] =	vst.idx.msk $0xffff, v53  }
0x614: {  	v58 =	vor.u32 s1, v21;
	v33 =	vld [tilespmem:s7+$0x0];
	s9 =	sld [smem:$0x77F]  }
0x615: {  	v60 =	vor.u32 s24, v25;
	v59 =	vld [tilespmem:s8+$0x0]  }
0x616: {  	[tilespmem:v55+s20+$0x0] =	vst.idx.msk $0xffff, v36  }
0x617: {  	v62 =	vor.u32 s25, v25;
	s10 =	sor.u32 $0x860, s2;
	[tilespmem:v56+s20+$0x0] =	vst.idx.msk $0xffff, v40;
	v61 =	vld [tilespmem:s9+$0x0]  }
0x618: {  	v63 =	vor.u32 s4, v22;
	s14 =	sor.u32 $0x860, s0;
	[tilespmem:v57+s20+$0x0] =	vst.idx.msk $0xffff, v42;
	v36 =	vld [tilespmem:s10+$0x0]  }
0x619: {  	v45 =	vor.u32 s29, v22;
	s28 =	sor.u32 $0x860, s5;
	[tilespmem:v58+s20+$0x0] =	vst.idx.msk $0xffff, v33;
	v40 =	vld [tilespmem:s14+$0x0]  }
0x61a: {  	v47 =	vor.u32 s12, v22;
	s7 =	sor.u32 $0x860, s3;
	v46 =	vld [tilespmem:s28+$0x0];
	[tilespmem:v60+s20+$0x0] =	vst.idx.msk $0xffff, v59  }
0x61b: {  	v48 =	vor.u32 s1, v22;
	v34 =	vld [tilespmem:s7+$0x0];
	s8 =	rddreg [dreg:$0x13]  }
0x61c: {  	v50 =	vor.u32 s26, v26;
	v49 =	vld [tilespmem:s8+$0x0];
	[tilespmem:v62+s20+$0x0] =	vst.idx.msk $0xffff, v61  }
0x61d: {  	s9 =	rddreg [dreg:$0x17];
	[tilespmem:v63+s20+$0x0] =	vst.idx.msk $0xffff, v36  }
0x61e: {  	v52 =	vor.u32 s24, v26;
	s10 =	sor.u32 $0x870, s2;
	[tilespmem:v45+s20+$0x0] =	vst.idx.msk $0xffff, v40;
	v51 =	vld [tilespmem:s9+$0x0]  }
0x61f: {  	v53 =	vor.u32 s4, v23;
	s14 =	sor.u32 $0x870, s0;
	[tilespmem:v47+s20+$0x0] =	vst.idx.msk $0xffff, v46;
	v36 =	vld [tilespmem:s10+$0x0]  }
0x620: {  	v54 =	vor.u32 s29, v23;
	s28 =	sor.u32 $0x870, s5;
	[tilespmem:v48+s20+$0x0] =	vst.idx.msk $0xffff, v34;
	v32 =	vld [tilespmem:s14+$0x0]  }
0x621: {  	v56 =	vor.u32 s12, v23;
	s7 =	sor.u32 $0x870, s3;
	v55 =	vld [tilespmem:s28+$0x0];
	[tilespmem:v50+s20+$0x0] =	vst.idx.msk $0xffff, v49  }
0x622: {  	v57 =	vor.u32 s1, v23;
	v35 =	vld [tilespmem:s7+$0x0];
	s8 =	rddreg [dreg:$0x1a]  }
0x623: {  	v59 =	vor.u32 s25, v26;
	v58 =	vld [tilespmem:s8+$0x0];
	[tilespmem:v52+s20+$0x0] =	vst.idx.msk $0xffff, v51  }
0x624: {  	s9 =	rddreg [dreg:$0xb];
	[tilespmem:v53+s20+$0x0] =	vst.idx.msk $0xffff, v36  }
0x625: {  	v60 =	vor.u32 s26, v27;
	s10 =	sor.u32 $0xC00, s2;
	[tilespmem:v54+s20+$0x0] =	vst.idx.msk $0xffff, v32;
	v42 =	vld [tilespmem:s9+$0x0]  }
0x626: {  	v61 =	vor.u32 s4, v24;
	s14 =	sor.u32 $0xC00, s0;
	[tilespmem:v56+s20+$0x0] =	vst.idx.msk $0xffff, v55;
	v36 =	vld [tilespmem:s10+$0x0]  }
0x627: {  	v62 =	vor.u32 s29, v24;
	s28 =	sor.u32 $0xC00, s5;
	[tilespmem:v57+s20+$0x0] =	vst.idx.msk $0xffff, v35;
	v32 =	vld [tilespmem:s14+$0x0]  }
0x628: {  	v63 =	vor.u32 s12, v24;
	s7 =	sor.u32 $0xC00, s3;
	v34 =	vld [tilespmem:s28+$0x0];
	[tilespmem:v59+s20+$0x0] =	vst.idx.msk $0xffff, v58  }
0x629: {  	v45 =	vor.u32 s1, v24;
	v37 =	vld [tilespmem:s7+$0x0];
	s8 =	rddreg [dreg:$0x7]  }
0x62a: {  	v47 =	vor.u32 s24, v27;
	v46 =	vld [tilespmem:s8+$0x0];
	[tilespmem:v60+s20+$0x0] =	vst.idx.msk $0xffff, v42  }
0x62b: {  	v55 =	vor.u32 s26, v28;
	s10 =	sor.u32 $0xC10, s2;
	s9 =	rddreg [dreg:$0x10];
	[tilespmem:v61+s20+$0x0] =	vst.idx.msk $0xffff, v36;
	v54 =	vld [tilespmem:s23+$0x0]  }
0x62c: {  	v50 =	vor.u32 s4, v25;
	s14 =	sor.u32 $0xC10, s0;
	[tilespmem:v62+s20+$0x0] =	vst.idx.msk $0xffff, v32;
	v36 =	vld [tilespmem:s10+$0x0]  }
0x62d: {  	v51 =	vor.u32 s29, v25;
	s28 =	sor.u32 $0xC10, s5;
	[tilespmem:v63+s20+$0x0] =	vst.idx.msk $0xffff, v34;
	v32 =	vld [tilespmem:s14+$0x0]  }
0x62e: {  	v52 =	vor.u32 s12, v25;
	s7 =	sor.u32 $0xC10, s3;
	[tilespmem:v45+s20+$0x0] =	vst.idx.msk $0xffff, v37;
	v34 =	vld [tilespmem:s28+$0x0]  }
0x62f: {  	v53 =	vor.u32 s1, v25;
	v37 =	vld [tilespmem:s7+$0x0];
	[tilespmem:v47+s20+$0x0] =	vst.idx.msk $0xffff, v46  }
0x630: {  	v49 =	vor.u32 s25, v27;
	v48 =	vld [tilespmem:s9+$0x0];
	[tilespmem:v55+s20+$0x0] =	vst.idx.msk $0xffff, v54  }
0x631: {  	v57 =	vor.u32 s24, v28;
	s8 =	sor.u32 $0xC20, s2;
	v56 =	vld [tilespmem:s30+$0x0];
	[tilespmem:v50+s20+$0x0] =	vst.idx.msk $0xffff, v36  }
0x632: {  	v58 =	vor.u32 s4, v26;
	s9 =	sor.u32 $0xC20, s0;
	[tilespmem:v51+s20+$0x0] =	vst.idx.msk $0xffff, v32;
	v36 =	vld [tilespmem:s8+$0x0]  }
0x633: {  	v59 =	vor.u32 s29, v26;
	s10 =	sor.u32 $0xC20, s5;
	[tilespmem:v52+s20+$0x0] =	vst.idx.msk $0xffff, v34;
	v32 =	vld [tilespmem:s9+$0x0]  }
0x634: {  	v60 =	vor.u32 s12, v26;
	s14 =	sor.u32 $0xC20, s3;
	[tilespmem:v53+s20+$0x0] =	vst.idx.msk $0xffff, v37;
	v34 =	vld [tilespmem:s10+$0x0]  }
0x635: {  	v61 =	vor.u32 s1, v26;
	[tilespmem:v49+s20+$0x0] =	vst.idx.msk $0xffff, v48;
	v37 =	vld [tilespmem:s14+$0x0]  }
0x636: {  	v46 =	vor.u32 s26, v29;
	v45 =	vld [tilespmem:s21+$0x0];
	[tilespmem:v57+s20+$0x0] =	vst.idx.msk $0xffff, v56  }
0x637: {  	v63 =	vor.u32 s25, v28;
	s21 =	sor.u32 $0xC30, s2;
	v62 =	vld [tilespmem:s31+$0x0];
	[tilespmem:v58+s20+$0x0] =	vst.idx.msk $0xffff, v36  }
0x638: {  	s23 =	sor.u32 $0xC30, s0;
	v47 =	vor.u32 s4, v27;
	[tilespmem:v59+s20+$0x0] =	vst.idx.msk $0xffff, v32;
	v36 =	vld [tilespmem:s21+$0x0]  }
0x639: {  	s28 =	sor.u32 $0xC30, s5;
	v48 =	vor.u32 s29, v27;
	[tilespmem:v60+s20+$0x0] =	vst.idx.msk $0xffff, v34;
	v32 =	vld [tilespmem:s23+$0x0]  }
0x63a: {  	s30 =	sor.u32 $0xC30, s3;
	v49 =	vor.u32 s12, v27;
	[tilespmem:v61+s20+$0x0] =	vst.idx.msk $0xffff, v37;
	v34 =	vld [tilespmem:s28+$0x0]  }
0x63b: {  	v50 =	vor.u32 s1, v27;
	[tilespmem:v46+s20+$0x0] =	vst.idx.msk $0xffff, v45;
	v37 =	vld [tilespmem:s30+$0x0]  }
0x63c: {  	v52 =	vor.u32 s24, v29;
	v51 =	vld [tilespmem:s19+$0x0];
	[tilespmem:v63+s20+$0x0] =	vst.idx.msk $0xffff, v62  }
0x63d: {  	s31 =	sor.u32 $0xC40, s2;
	v59 =	vld [tilespmem:s16+$0x0];
	v60 =	vor.u32 s26, v30;
	[tilespmem:v47+s20+$0x0] =	vst.idx.msk $0xffff, v36  }
0x63e: {  	s7 =	sor.u32 $0xC40, s0;
	v55 =	vor.u32 s4, v28;
	[tilespmem:v48+s20+$0x0] =	vst.idx.msk $0xffff, v32;
	v36 =	vld [tilespmem:s31+$0x0]  }
0x63f: {  	s8 =	sor.u32 $0xC40, s5;
	v56 =	vor.u32 s29, v28;
	[tilespmem:v49+s20+$0x0] =	vst.idx.msk $0xffff, v34;
	v32 =	vld [tilespmem:s7+$0x0]  }
0x640: {  	s9 =	sor.u32 $0xC40, s3;
	v57 =	vor.u32 s12, v28;
	[tilespmem:v50+s20+$0x0] =	vst.idx.msk $0xffff, v37;
	v34 =	vld [tilespmem:s8+$0x0]  }
0x641: {  	v58 =	vor.u32 s1, v28;
	[tilespmem:v52+s20+$0x0] =	vst.idx.msk $0xffff, v51;
	v37 =	vld [tilespmem:s9+$0x0]  }
0x642: {  	v54 =	vor.u32 s25, v29;
	v53 =	vld [tilespmem:s22+$0x0];
	[tilespmem:v60+s20+$0x0] =	vst.idx.msk $0xffff, v59  }
0x643: {  	s10 =	sor.u32 $0xC50, s2;
	v62 =	vor.u32 s24, v30;
	v61 =	vld [tilespmem:s17+$0x0];
	[tilespmem:v55+s20+$0x0] =	vst.idx.msk $0xffff, v36  }
0x644: {  	s14 =	sor.u32 $0xC50, s0;
	v63 =	vor.u32 s4, v29;
	[tilespmem:v56+s20+$0x0] =	vst.idx.msk $0xffff, v32;
	v36 =	vld [tilespmem:s10+$0x0]  }
0x645: {  	v45 =	vor.u32 s29, v29;
	s16 =	sor.u32 $0xC50, s5;
	[tilespmem:v57+s20+$0x0] =	vst.idx.msk $0xffff, v34;
	v32 =	vld [tilespmem:s14+$0x0]  }
0x646: {  	v46 =	vor.u32 s12, v29;
	s17 =	sor.u32 $0xC50, s3;
	[tilespmem:v58+s20+$0x0] =	vst.idx.msk $0xffff, v37;
	v34 =	vld [tilespmem:s16+$0x0]  }
0x647: {  	[tilespmem:v54+s20+$0x0] =	vst.idx.msk $0xffff, v53;
	v47 =	vor.u32 s1, v29;
	v37 =	vld [tilespmem:s17+$0x0]  }
0x648: {  	v51 =	vor.u32 s26, v31;
	v50 =	vld [tilespmem:s13+$0x0];
	[tilespmem:v62+s20+$0x0] =	vst.idx.msk $0xffff, v61  }
0x649: {  	s19 =	sor.u32 $0xC60, s2;
	v49 =	vor.u32 s25, v30;
	v48 =	vld [tilespmem:s18+$0x0];
	[tilespmem:v63+s20+$0x0] =	vst.idx.msk $0xffff, v36  }
0x64a: {  	s21 =	sor.u32 $0xC60, s0;
	v52 =	vor.u32 s4, v30;
	[tilespmem:v45+s20+$0x0] =	vst.idx.msk $0xffff, v32;
	v36 =	vld [tilespmem:s19+$0x0]  }
0x64b: {  	s22 =	sor.u32 $0xC60, s5;
	v53 =	vor.u32 s29, v30;
	[tilespmem:v46+s20+$0x0] =	vst.idx.msk $0xffff, v34;
	v32 =	vld [tilespmem:s21+$0x0]  }
0x64c: {  	s23 =	sor.u32 $0xC60, s3;
	v54 =	vor.u32 s12, v30;
	[tilespmem:v47+s20+$0x0] =	vst.idx.msk $0xffff, v37;
	v34 =	vld [tilespmem:s22+$0x0]  }
0x64d: {  	[tilespmem:v51+s20+$0x0] =	vst.idx.msk $0xffff, v50;
	v55 =	vor.u32 s1, v30;
	v37 =	vld [tilespmem:s23+$0x0]  }
0x64e: {  	[tilespmem:v49+s20+$0x0] =	vst.idx.msk $0xffff, v48;
	v56 =	vld [tilespmem:s11+$0x0];
	v57 =	vor.u32 s24, v31  }
0x64f: {  	s2 =	sor.u32 $0xC70, s2;
	v59 =	vor.u32 s25, v31;
	v58 =	vld [tilespmem:s15+$0x0];
	[tilespmem:v52+s20+$0x0] =	vst.idx.msk $0xffff, v36  }
0x650: {  	s0 =	sor.u32 $0xC70, s0;
	v60 =	vor.u32 s4, v31;
	[tilespmem:v53+s20+$0x0] =	vst.idx.msk $0xffff, v32;
	v36 =	vld [tilespmem:s2+$0x0]  }
0x651: {  	s26 =	sor.u32 $0xC70, s5;
	v61 =	vor.u32 s29, v31;
	[tilespmem:v54+s20+$0x0] =	vst.idx.msk $0xffff, v34;
	v32 =	vld [tilespmem:s0+$0x0]  }
0x652: {  	s28 =	sor.u32 $0xC70, s3;
	v62 =	vor.u32 s12, v31;
	[tilespmem:v55+s20+$0x0] =	vst.idx.msk $0xffff, v37;
	v34 =	vld [tilespmem:s26+$0x0]  }
0x653: {  	[tilespmem:v57+s20+$0x0] =	vst.idx.msk $0xffff, v56;
	v63 =	vor.u32 s1, v31;
	v37 =	vld [tilespmem:s28+$0x0]  }
0x654: {  	[tilespmem:v59+s20+$0x0] =	vst.idx.msk $0xffff, v58  }
0x655: {  	[tilespmem:v60+s20+$0x0] =	vst.idx.msk $0xffff, v36  }
0x656: {  	[tilespmem:v61+s20+$0x0] =	vst.idx.msk $0xffff, v32  }
0x657: {  	[tilespmem:v62+s20+$0x0] =	vst.idx.msk $0xffff, v34  }
0x658: {  	[tilespmem:v63+s20+$0x0] =	vst.idx.msk $0xffff, v37  }
0x659: {  	s30 =	sld [smem:$0x7F8];
	_ =	sdelay $0x1  }
.Ltmp6:
0x65a: {  	s31 =	simm.s32 $0x3;
	s29 =	simm.s32 $0x0;
	(pc) =	sbr.rel @p0 .LBB2_14-.Ltmp6, $4  }
0x65b: {  	[hbm4b:s30+s29] =	stream.linear.scatter [tilespmem:s20], [sflag:$0x3], $0x2000, $0x38;
	[tilespmem:$0x6000] =	vst v63  }
0x65c: {  	_ =	swait.ge [sflag:s31], $0x2000  }
0x65d: {  	[sflag:s31] =	ssyncset.done $0x0  }
0x65e: {  	[sflag:s31] =	ssyncadd.s32 $0xFFFFE000  }
.Ltmp7:
0x65f: {  	(pc) =	sbr.rel @p1 .LBB2_15-.Ltmp7, $2  }
0x660: {  	_ =	sdelay $0x2  }
0x661: {  	s1 =	sld [smem:$0x7F0]  }
0x662: {  	s0 =	sld [smem:$0x7FB]  }
0x663: {  	s25 =	simm.s32 $0x0  }
0x664: {  	s1 =	simm.s32 $0x1000;
	s2 =	simm.s32 $0x7A1400;
	s21 =	simm.s32 $0x3  }
0x665: {  	[tilespmem:s25], [sflag:$0x3] =	stream.strided.gather [hbm4b:s0+s1], $0x2000, s2, s1, $0x38;
	[tilespmem:$0x6000] =	vst v63  }
0x666: {  	s22 =	simm.s32 $0x100;
	_ =	swait.ge [sflag:s21], $0x2000  }
0x667: {  	s4 =	sand.u32 $0x1000, s25;
	s0 =	sand.u32 $0x300, s22;
	[sflag:s21] =	ssyncset.done $0x0  }
0x668: {  	s28 =	simm.s32 $0x2;
	s23 =	sor.u32 s0, s4;
	[sflag:s21] =	ssyncadd.s32 $0xFFFFE000  }
0x669: {  	s24 =	simm.s32 $0x0;
	v32 =	vor.u32 s28, v0;
	v33 =	vld [tilespmem:s23+$0x0]  }
0x66a: {  	s26 =	simm.s32 $0x80;
	s0 =	sand.u32 $0x200, s24  }
0x66b: {  	s5 =	simm.s32 $0x180;
	s2 =	sand.u32 $0x280, s26;
	s3 =	sor.u32 s0, s4  }
0x66c: {  	s5 =	sand.u32 $0x380, s5;
	v34 =	vor.u32 s25, v0;
	s24 =	simm.s32 $0x1;
	s2 =	sor.u32 s2, s4;
	v35 =	vld [tilespmem:s3+$0x0]  }
0x66d: {  	s26 =	simm.s32 $0x3;
	s4 =	sor.u32 s5, s4;
	v36 =	vor.u32 s24, v0;
	v37 =	vld [tilespmem:s2+$0x0]  }
0x66e: {  	v54 =	vor.u32 s26, v0;
	v55 =	vld [tilespmem:s4+$0x0];
	[tilespmem:v32+s20+$0x0] =	vst.idx.msk $0xffff, v33  }
0x66f: {  	v39 =	vor.u32 s28, v1;
	v38 =	vld [tilespmem:s23+$0x10];
	_ =	sdelay $0x1  }
0x670: {  	[tilespmem:v34+s20+$0x0] =	vst.idx.msk $0xffff, v35  }
0x671: {  	v56 =	vor.u32 s25, v1;
	[tilespmem:v36+s20+$0x0] =	vst.idx.msk $0xffff, v37;
	v34 =	vld [tilespmem:s3+$0x10]  }
0x672: {  	v57 =	vor.u32 s24, v1;
	[tilespmem:v54+s20+$0x0] =	vst.idx.msk $0xffff, v55;
	v36 =	vld [tilespmem:s2+$0x10]  }
0x673: {  	v58 =	vor.u32 s26, v1;
	v32 =	vld [tilespmem:s4+$0x10];
	[tilespmem:v39+s20+$0x0] =	vst.idx.msk $0xffff, v38  }
0x674: {  	v59 =	vor.u32 s28, v2;
	v38 =	vld [tilespmem:s23+$0x20];
	_ =	sdelay $0x1  }
0x675: {  	[tilespmem:v56+s20+$0x0] =	vst.idx.msk $0xffff, v34  }
0x676: {  	v60 =	vor.u32 s25, v2;
	[tilespmem:v57+s20+$0x0] =	vst.idx.msk $0xffff, v36;
	v34 =	vld [tilespmem:s3+$0x20]  }
0x677: {  	v61 =	vor.u32 s24, v2;
	[tilespmem:v58+s20+$0x0] =	vst.idx.msk $0xffff, v32;
	v36 =	vld [tilespmem:s2+$0x20]  }
0x678: {  	v62 =	vor.u32 s26, v2;
	v32 =	vld [tilespmem:s4+$0x20];
	[tilespmem:v59+s20+$0x0] =	vst.idx.msk $0xffff, v38  }
0x679: {  	v63 =	vor.u32 s28, v3;
	v38 =	vld [tilespmem:s23+$0x30];
	_ =	sdelay $0x1  }
0x67a: {  	[tilespmem:v60+s20+$0x0] =	vst.idx.msk $0xffff, v34  }
0x67b: {  	v42 =	vor.u32 s25, v3;
	[tilespmem:v61+s20+$0x0] =	vst.idx.msk $0xffff, v36;
	v34 =	vld [tilespmem:s3+$0x30]  }
0x67c: {  	v43 =	vor.u32 s24, v3;
	[tilespmem:v62+s20+$0x0] =	vst.idx.msk $0xffff, v32;
	v36 =	vld [tilespmem:s2+$0x30]  }
0x67d: {  	v44 =	vor.u32 s26, v3;
	v32 =	vld [tilespmem:s4+$0x30];
	[tilespmem:v63+s20+$0x0] =	vst.idx.msk $0xffff, v38  }
0x67e: {  	v45 =	vor.u32 s28, v4;
	v38 =	vld [tilespmem:s23+$0x40];
	_ =	sdelay $0x1  }
0x67f: {  	[tilespmem:v42+s20+$0x0] =	vst.idx.msk $0xffff, v34  }
0x680: {  	v46 =	vor.u32 s25, v4;
	[tilespmem:v43+s20+$0x0] =	vst.idx.msk $0xffff, v36;
	v34 =	vld [tilespmem:s3+$0x40]  }
0x681: {  	v47 =	vor.u32 s24, v4;
	[tilespmem:v44+s20+$0x0] =	vst.idx.msk $0xffff, v32;
	v36 =	vld [tilespmem:s2+$0x40]  }
0x682: {  	v48 =	vor.u32 s26, v4;
	v32 =	vld [tilespmem:s4+$0x40];
	[tilespmem:v45+s20+$0x0] =	vst.idx.msk $0xffff, v38  }
0x683: {  	v49 =	vor.u32 s28, v5;
	v38 =	vld [tilespmem:s23+$0x50];
	_ =	sdelay $0x1  }
0x684: {  	[tilespmem:v46+s20+$0x0] =	vst.idx.msk $0xffff, v34  }
0x685: {  	v50 =	vor.u32 s25, v5;
	[tilespmem:v47+s20+$0x0] =	vst.idx.msk $0xffff, v36;
	v34 =	vld [tilespmem:s3+$0x50]  }
0x686: {  	v51 =	vor.u32 s24, v5;
	[tilespmem:v48+s20+$0x0] =	vst.idx.msk $0xffff, v32;
	v36 =	vld [tilespmem:s2+$0x50]  }
0x687: {  	v52 =	vor.u32 s26, v5;
	v32 =	vld [tilespmem:s4+$0x50];
	[tilespmem:v49+s20+$0x0] =	vst.idx.msk $0xffff, v38  }
0x688: {  	v53 =	vor.u32 s28, v6;
	v38 =	vld [tilespmem:s23+$0x60];
	_ =	sdelay $0x1  }
0x689: {  	[tilespmem:v50+s20+$0x0] =	vst.idx.msk $0xffff, v34  }
0x68a: {  	v54 =	vor.u32 s25, v6;
	[tilespmem:v51+s20+$0x0] =	vst.idx.msk $0xffff, v36;
	v34 =	vld [tilespmem:s3+$0x60]  }
0x68b: {  	v55 =	vor.u32 s24, v6;
	[tilespmem:v52+s20+$0x0] =	vst.idx.msk $0xffff, v32;
	v36 =	vld [tilespmem:s2+$0x60]  }
0x68c: {  	v56 =	vor.u32 s26, v6;
	v32 =	vld [tilespmem:s4+$0x60];
	[tilespmem:v53+s20+$0x0] =	vst.idx.msk $0xffff, v38  }
0x68d: {  	v57 =	vor.u32 s28, v7;
	v38 =	vld [tilespmem:s23+$0x70];
	_ =	sdelay $0x1  }
0x68e: {  	[tilespmem:v54+s20+$0x0] =	vst.idx.msk $0xffff, v34  }
0x68f: {  	v58 =	vor.u32 s25, v7;
	[tilespmem:v55+s20+$0x0] =	vst.idx.msk $0xffff, v36;
	v34 =	vld [tilespmem:s3+$0x70]  }
0x690: {  	v59 =	vor.u32 s24, v7;
	[tilespmem:v56+s20+$0x0] =	vst.idx.msk $0xffff, v32;
	v36 =	vld [tilespmem:s2+$0x70]  }
0x691: {  	v60 =	vor.u32 s26, v7;
	v32 =	vld [tilespmem:s4+$0x70];
	[tilespmem:v57+s20+$0x0] =	vst.idx.msk $0xffff, v38  }
0x692: {  	v61 =	vor.u32 s28, v8;
	v38 =	vld [tilespmem:s23+$0x400];
	_ =	sdelay $0x1  }
0x693: {  	[tilespmem:v58+s20+$0x0] =	vst.idx.msk $0xffff, v34  }
0x694: {  	v62 =	vor.u32 s25, v8;
	[tilespmem:v59+s20+$0x0] =	vst.idx.msk $0xffff, v36;
	v34 =	vld [tilespmem:s3+$0x400]  }
0x695: {  	v63 =	vor.u32 s24, v8;
	[tilespmem:v60+s20+$0x0] =	vst.idx.msk $0xffff, v32;
	v36 =	vld [tilespmem:s2+$0x400]  }
0x696: {  	v42 =	vor.u32 s26, v8;
	v32 =	vld [tilespmem:s4+$0x400];
	[tilespmem:v61+s20+$0x0] =	vst.idx.msk $0xffff, v38  }
0x697: {  	v43 =	vor.u32 s28, v9;
	v38 =	vld [tilespmem:s23+$0x410];
	_ =	sdelay $0x1  }
0x698: {  	[tilespmem:v62+s20+$0x0] =	vst.idx.msk $0xffff, v34  }
0x699: {  	v44 =	vor.u32 s25, v9;
	[tilespmem:v63+s20+$0x0] =	vst.idx.msk $0xffff, v36;
	v34 =	vld [tilespmem:s3+$0x410]  }
0x69a: {  	v45 =	vor.u32 s24, v9;
	[tilespmem:v42+s20+$0x0] =	vst.idx.msk $0xffff, v32;
	v36 =	vld [tilespmem:s2+$0x410]  }
0x69b: {  	v46 =	vor.u32 s26, v9;
	v32 =	vld [tilespmem:s4+$0x410];
	[tilespmem:v43+s20+$0x0] =	vst.idx.msk $0xffff, v38  }
0x69c: {  	v47 =	vor.u32 s28, v10;
	v38 =	vld [tilespmem:s23+$0x420];
	_ =	sdelay $0x1  }
0x69d: {  	[tilespmem:v44+s20+$0x0] =	vst.idx.msk $0xffff, v34  }
0x69e: {  	v48 =	vor.u32 s25, v10;
	[tilespmem:v45+s20+$0x0] =	vst.idx.msk $0xffff, v36;
	v34 =	vld [tilespmem:s3+$0x420]  }
0x69f: {  	v49 =	vor.u32 s24, v10;
	[tilespmem:v46+s20+$0x0] =	vst.idx.msk $0xffff, v32;
	v36 =	vld [tilespmem:s2+$0x420]  }
0x6a0: {  	v50 =	vor.u32 s26, v10;
	v32 =	vld [tilespmem:s4+$0x420];
	[tilespmem:v47+s20+$0x0] =	vst.idx.msk $0xffff, v38  }
0x6a1: {  	v51 =	vor.u32 s28, v11;
	v38 =	vld [tilespmem:s23+$0x430];
	_ =	sdelay $0x1  }
0x6a2: {  	[tilespmem:v48+s20+$0x0] =	vst.idx.msk $0xffff, v34  }
0x6a3: {  	v52 =	vor.u32 s25, v11;
	[tilespmem:v49+s20+$0x0] =	vst.idx.msk $0xffff, v36;
	v34 =	vld [tilespmem:s3+$0x430]  }
0x6a4: {  	v53 =	vor.u32 s24, v11;
	[tilespmem:v50+s20+$0x0] =	vst.idx.msk $0xffff, v32;
	v36 =	vld [tilespmem:s2+$0x430]  }
0x6a5: {  	v54 =	vor.u32 s26, v11;
	v32 =	vld [tilespmem:s4+$0x430];
	[tilespmem:v51+s20+$0x0] =	vst.idx.msk $0xffff, v38  }
0x6a6: {  	v55 =	vor.u32 s28, v12;
	v38 =	vld [tilespmem:s23+$0x440];
	_ =	sdelay $0x1  }
0x6a7: {  	[tilespmem:v52+s20+$0x0] =	vst.idx.msk $0xffff, v34  }
0x6a8: {  	v56 =	vor.u32 s25, v12;
	[tilespmem:v53+s20+$0x0] =	vst.idx.msk $0xffff, v36;
	v34 =	vld [tilespmem:s3+$0x440]  }
0x6a9: {  	v57 =	vor.u32 s24, v12;
	[tilespmem:v54+s20+$0x0] =	vst.idx.msk $0xffff, v32;
	v36 =	vld [tilespmem:s2+$0x440]  }
0x6aa: {  	v58 =	vor.u32 s26, v12;
	v32 =	vld [tilespmem:s4+$0x440];
	[tilespmem:v55+s20+$0x0] =	vst.idx.msk $0xffff, v38  }
0x6ab: {  	v59 =	vor.u32 s28, v13;
	v38 =	vld [tilespmem:s23+$0x450];
	_ =	sdelay $0x1  }
0x6ac: {  	[tilespmem:v56+s20+$0x0] =	vst.idx.msk $0xffff, v34  }
0x6ad: {  	v60 =	vor.u32 s25, v13;
	[tilespmem:v57+s20+$0x0] =	vst.idx.msk $0xffff, v36;
	v34 =	vld [tilespmem:s3+$0x450]  }
0x6ae: {  	v61 =	vor.u32 s24, v13;
	[tilespmem:v58+s20+$0x0] =	vst.idx.msk $0xffff, v32;
	v36 =	vld [tilespmem:s2+$0x450]  }
0x6af: {  	v62 =	vor.u32 s26, v13;
	v32 =	vld [tilespmem:s4+$0x450];
	[tilespmem:v59+s20+$0x0] =	vst.idx.msk $0xffff, v38  }
0x6b0: {  	v63 =	vor.u32 s28, v14;
	v38 =	vld [tilespmem:s23+$0x460];
	_ =	sdelay $0x1  }
0x6b1: {  	[tilespmem:v60+s20+$0x0] =	vst.idx.msk $0xffff, v34  }
0x6b2: {  	v42 =	vor.u32 s25, v14;
	[tilespmem:v61+s20+$0x0] =	vst.idx.msk $0xffff, v36;
	v34 =	vld [tilespmem:s3+$0x460]  }
0x6b3: {  	v43 =	vor.u32 s24, v14;
	[tilespmem:v62+s20+$0x0] =	vst.idx.msk $0xffff, v32;
	v36 =	vld [tilespmem:s2+$0x460]  }
0x6b4: {  	v44 =	vor.u32 s26, v14;
	v32 =	vld [tilespmem:s4+$0x460];
	[tilespmem:v63+s20+$0x0] =	vst.idx.msk $0xffff, v38  }
0x6b5: {  	v45 =	vor.u32 s28, v15;
	v38 =	vld [tilespmem:s23+$0x470]  }
0x6b6: {  	s5 =	sand.u32 $0x3, s25  }
0x6b7: {  	s1 =	sshll.u32 s5, $0x8;
	[tilespmem:v42+s20+$0x0] =	vst.idx.msk $0xffff, v34  }
0x6b8: {  	s1 =	sadd.s32 $0x0, s1;
	v46 =	vor.u32 s25, v15;
	[tilespmem:v43+s20+$0x0] =	vst.idx.msk $0xffff, v36;
	v34 =	vld [tilespmem:s3+$0x470]  }
0x6b9: {  	p2 =	por $0x0, $0x0;
	s14 =	sadd.s32 $0x100, s1;
	v47 =	vor.u32 s24, v15;
	[tilespmem:v44+s20+$0x0] =	vst.idx.msk $0xffff, v32;
	s3 =	simm.s32 $0x1;
	v36 =	vld [tilespmem:s2+$0x470]  }
0x6ba: {  	s6 =	sand.u32 $0x7, s25;
	s7 =	sor.u32 $0x800, s14;
	v48 =	vor.u32 s26, v15;
	v32 =	vld [tilespmem:s4+$0x470];
	s3 =	simm.s32 @!p2 $0x0;
	[tilespmem:v45+s20+$0x0] =	vst.idx.msk $0xffff, v38  }
0x6bb: {  	s8 =	sshll.u32 s6, $0x7;
	v49 =	vor.u32 s28, v16;
	s9 =	sshll.u32 s3, $0x9;
	v38 =	vld [tilespmem:s7+$0x0]  }
0x6bc: {  	s0 =	sadd.s32 $0x0, s8;
	s3 =	sadd.s32 $0x0, s9  }
0x6bd: {  	s1 =	sadd.s32 $0x80, s0;
	s10 =	sor.u32 $0x800, s3;
	[tilespmem:v46+s20+$0x0] =	vst.idx.msk $0xffff, v34  }
0x6be: {  	s0 =	sadd.s32 $0x180, s0;
	s11 =	sor.u32 $0x800, s1;
	v50 =	vor.u32 s25, v16;
	[tilespmem:v47+s20+$0x0] =	vst.idx.msk $0xffff, v36;
	v34 =	vld [tilespmem:s10+$0x0]  }
0x6bf: {  	s12 =	sor.u32 $0x800, s0;
	v51 =	vor.u32 s24, v16;
	[tilespmem:v48+s20+$0x0] =	vst.idx.msk $0xffff, v32;
	v36 =	vld [tilespmem:s11+$0x0]  }
0x6c0: {  	s13 =	sor.u32 $0x810, s14;
	v52 =	vor.u32 s26, v16;
	v32 =	vld [tilespmem:s12+$0x0];
	[tilespmem:v49+s20+$0x0] =	vst.idx.msk $0xffff, v38  }
0x6c1: {  	v53 =	vor.u32 s28, v17;
	v38 =	vld [tilespmem:s13+$0x0];
	_ =	sdelay $0x1  }
0x6c2: {  	s15 =	sor.u32 $0x810, s3;
	[tilespmem:v50+s20+$0x0] =	vst.idx.msk $0xffff, v34  }
0x6c3: {  	s16 =	sor.u32 $0x810, s1;
	[tilespmem:v51+s20+$0x0] =	vst.idx.msk $0xffff, v36;
	v34 =	vld [tilespmem:s15+$0x0]  }
0x6c4: {  	s17 =	sor.u32 $0x810, s0;
	[tilespmem:v52+s20+$0x0] =	vst.idx.msk $0xffff, v32;
	v36 =	vld [tilespmem:s16+$0x0]  }
0x6c5: {  	s19 =	sor.u32 $0x820, s14;
	s10 =	sor.u32 $0x850, s1;
	v32 =	vld [tilespmem:s17+$0x0];
	[tilespmem:v53+s20+$0x0] =	vst.idx.msk $0xffff, v38  }
0x6c6: {  	v54 =	vor.u32 s25, v17;
	s21 =	sor.u32 $0x850, s3;
	v38 =	vld [tilespmem:s19+$0x0];
	[smem:$0x733] =	sst s10  }
0x6c7: {  	s22 =	sor.u32 $0x860, s1;
	[smem:$0x734] =	sst s21  }
0x6c8: {  	s23 =	sor.u32 $0x860, s3;
	[smem:$0x735] =	sst s22  }
0x6c9: {  	s11 =	sor.u32 $0x870, s1;
	[smem:$0x736] =	sst s23  }
0x6ca: {  	v55 =	vor.u32 s24, v17;
	[smem:$0x737] =	sst s11  }
0x6cb: {  	s12 =	sor.u32 $0x870, s3;
	[tilespmem:v54+s20+$0x0] =	vst.idx.msk $0xffff, v34  }
0x6cc: {  	s13 =	sor.u32 $0xC00, s1;
	[smem:$0x738] =	sst s12  }
0x6cd: {  	s15 =	sor.u32 $0xC00, s3;
	[smem:$0x739] =	sst s13  }
0x6ce: {  	v56 =	vor.u32 s26, v17;
	[smem:$0x73A] =	sst s15  }
0x6cf: {  	v57 =	vor.u32 s28, v18;
	s18 =	sor.u32 $0x820, s3;
	s16 =	sor.u32 $0xC10, s3;
	[tilespmem:v55+s20+$0x0] =	vst.idx.msk $0xffff, v36  }
0x6d0: {  	s17 =	sor.u32 $0xC20, s3;
	v34 =	vld [tilespmem:s18+$0x0];
	[smem:$0x73B] =	sst s16  }
0x6d1: {  	s18 =	sor.u32 $0xC30, s3;
	[dreg:$0x14] =	wrdreg s17  }
0x6d2: {  	s6 =	sor.u32 $0x820, s1;
	[dreg:$0xc] =	wrdreg s18  }
0x6d3: {  	v58 =	vor.u32 s25, v18;
	s7 =	sor.u32 $0x820, s0;
	v36 =	vld [tilespmem:s6+$0x0];
	[tilespmem:v56+s20+$0x0] =	vst.idx.msk $0xffff, v32  }
0x6d4: {  	v59 =	vor.u32 s24, v18;
	s19 =	sor.u32 $0x830, s14;
	s22 =	sor.u32 $0xC10, s1;
	[tilespmem:v57+s20+$0x0] =	vst.idx.msk $0xffff, v38;
	v32 =	vld [tilespmem:s7+$0x0]  }
0x6d5: {  	s5 =	sor.u32 $0xC20, s1;
	v60 =	vor.u32 s26, v18;
	v38 =	vld [tilespmem:s19+$0x0];
	[dreg:$0x1f] =	wrdreg s22  }
0x6d6: {  	v61 =	vor.u32 s28, v19;
	s6 =	sor.u32 $0xC30, s1;
	[dreg:$0x18] =	wrdreg s5  }
0x6d7: {  	s29 =	simm.s32 $0x4;
	s8 =	sor.u32 $0x830, s1;
	[dreg:$0x8] =	wrdreg s6  }
0x6d8: {  	s30 =	sor.u32 $0xC40, s1;
	s31 =	sor.u32 $0xC40, s0;
	s2 =	sor.u32 $0x840, s1;
	[tilespmem:v58+s20+$0x0] =	vst.idx.msk $0xffff, v34  }
0x6d9: {  	p2 =	por !p2, !p2;
	s9 =	sor.u32 $0x830, s3;
	s4 =	sor.u32 $0x840, s3;
	[tilespmem:v59+s20+$0x0] =	vst.idx.msk $0xffff, v36  }
0x6da: {  	s23 =	sor.u32 $0xC40, s3;
	s21 =	sor.u32 $0xC50, s3;
	s11 =	sor.u32 $0xC70, s1;
	v34 =	vld [tilespmem:s9+$0x0];
	[tilespmem:v60+s20+$0x0] =	vst.idx.msk $0xffff, v32  }
0x6db: {  	s10 =	sor.u32 $0x840, s14;
	s7 =	sor.u32 $0x830, s0;
	v37 =	vld [tilespmem:s8+$0x0];
	[tilespmem:v61+s20+$0x0] =	vst.idx.msk $0xffff, v38;
	s8 =	sor.u32 $0x850, s0  }
0x6dc: {  	s13 =	sor.u32 $0xC70, s3;
	s9 =	sor.u32 $0x860, s0;
	v32 =	vld [tilespmem:s7+$0x0];
	[smem:$0x73C] =	sst s8  }
0x6dd: {  	s12 =	sor.u32 $0x870, s0;
	s15 =	sor.u32 $0xC00, s0;
	[smem:$0x73D] =	sst s9  }
0x6de: {  	v62 =	vor.u32 s25, v19;
	s16 =	sor.u32 $0xC60, s3;
	s3 =	simm.s32 $0x1;
	v41 =	vld [tilespmem:s10+$0x0];
	[smem:$0x73E] =	sst s12  }
0x6df: {  	v40 =	vor.u32 s24, v19;
	s17 =	sor.u32 $0xC60, s1;
	s18 =	sor.u32 $0xC10, s0;
	[smem:$0x73F] =	sst s15  }
0x6e0: {  	v63 =	vor.u32 s26, v19;
	s3 =	simm.s32 @!p2 $0x0;
	s22 =	sor.u32 $0xC20, s0;
	[smem:$0x740] =	sst s18  }
0x6e1: {  	v42 =	vor.u32 s28, v20;
	s19 =	sor.u32 $0xC50, s1;
	s6 =	sor.u32 $0xC30, s0;
	[dreg:$0x1b] =	wrdreg s22  }
0x6e2: {  	s5 =	sor.u32 $0x840, s0;
	s1 =	simm.s32 $0x7;
	[dreg:$0x11] =	wrdreg s6  }
0x6e3: {  	s7 =	sand.u32 $0x7, s29;
	s8 =	sor.u32 $0x850, s14;
	s9 =	simm.s32 $0x0;
	[tilespmem:v62+s20+$0x0] =	vst.idx.msk $0xffff, v34  }
0x6e4: {  	s22 =	sor.u32 $0xC50, s0;
	s18 =	sor.u32 $0xC60, s0;
	s15 =	sor.u32 $0xC70, s0;
	v36 =	vld [tilespmem:s4+$0x0];
	[tilespmem:v40+s20+$0x0] =	vst.idx.msk $0xffff, v37  }
0x6e5: {  	s6 =	sshll.u32 s7, $0x7;
	s0 =	sshll.u32 s3, $0x9;
	s12 =	simm.s32 $0x5;
	v33 =	vld [tilespmem:s2+$0x0];
	[tilespmem:v63+s20+$0x0] =	vst.idx.msk $0xffff, v32  }
0x6e6: {  	v39 =	vor.u32 s25, v20;
	s3 =	simm.s32 $0x380;
	s10 =	simm.s32 $0x800;
	s4 =	simm.s32 $0x8;
	v35 =	vld [tilespmem:s5+$0x0];
	[tilespmem:v42+s20+$0x0] =	vst.idx.msk $0xffff, v41  }
0x6e7: {  	v38 =	vor.u32 s26, v20;
	v34 =	vor.u32 s28, v21;
	v37 =	vor.u32 s24, v20;
	s2 =	simm.s32 $0x300;
	s5 =	simm.s32 $0x4;
	v32 =	vld [tilespmem:s8+$0x0];
	[smem:$0x741] =	sst s9  }
.LBB2_12:
0x6e8: {  	[smem:$0x717] =	sst s19  }
0x6e9: {  	[smem:$0x71E] =	sst s16  }
0x6ea: {  	[smem:$0x70C] =	sst s23  }
0x6eb: {  	[smem:$0x720] =	sst s17  }
0x6ec: {  	[smem:$0x712] =	sst s21  }
0x6ed: {  	[smem:$0x719] =	sst s22  }
0x6ee: {  	[smem:$0x72E] =	sst s15  }
0x6ef: {  	[smem:$0x725] =	sst s18  }
0x6f0: {  	[smem:$0x727] =	sst s13  }
0x6f1: {  	[smem:$0x72C] =	sst s11;
	s8 =	sand.u32 $0x1000, s10;
	s2 =	sand.u32 $0x300, s2  }
0x6f2: {  	s7 =	sadd.s32 $0xFFFFFE80, s3;
	s13 =	sld [smem:$0x734];
	s9 =	sadd.s32 $0xFFFFFF00, s3  }
0x6f3: {  	s16 =	sand.u32 $0x380, s3;
	s6 =	sadd.s32 s10, s6;
	s21 =	sor.u32 s2, s8  }
0x6f4: {  	s15 =	sand.u32 $0x200, s7;
	s17 =	sand.u32 $0x280, s9;
	s22 =	sor.u32 s16, s8  }
0x6f5: {  	[tilespmem:v39+s20+$0x0] =	vst.idx.msk $0xffff, v36;
	s7 =	sor.u32 s15, s8;
	s2 =	sor.u32 s17, s8;
	s8 =	sadd.s32 $0x80, s6  }
0x6f6: {  	s18 =	sld [smem:$0x733];
	v36 =	vld [tilespmem:s13+$0x0];
	s13 =	sadd.s32 s0, s10;
	s15 =	sor.u32 $0x810, s8  }
0x6f7: {  	s0 =	sor.u32 $0x800, s13;
	[smem:$0x71C] =	sst s15  }
0x6f8: {  	s11 =	sor.u32 $0x810, s13;
	[smem:$0x714] =	sst s0  }
0x6f9: {  	s19 =	sor.u32 $0x860, s14;
	v46 =	vld [tilespmem:s21+$0x0];
	[tilespmem:v37+s20+$0x0] =	vst.idx.msk $0xffff, v33;
	s17 =	sor.u32 $0x820, s13;
	[smem:$0x71B] =	sst s11  }
0x6fa: {  	[tilespmem:v34+s20+$0x0] =	vst.idx.msk $0xffff, v32;
	v47 =	vld [tilespmem:s18+$0x0];
	s18 =	sadd.s32 $0x180, s6;
	s6 =	sor.u32 $0x800, s8;
	[smem:$0x722] =	sst s17  }
0x6fb: {  	s23 =	sadd.s32 $0x2, s29;
	v32 =	vld [tilespmem:s19+$0x0];
	s19 =	sor.u32 $0x820, s8;
	[smem:$0x715] =	sst s6  }
0x6fc: {  	v45 =	vor.u32 s23, v0;
	s17 =	sor.u32 $0x830, s13;
	[smem:$0x723] =	sst s19  }
0x6fd: {  	v49 =	vor.u32 s28, v22;
	s9 =	sor.u32 $0x800, s18;
	[smem:$0x729] =	sst s17  }
0x6fe: {  	s16 =	sor.u32 $0x810, s18;
	[smem:$0x716] =	sst s9  }
0x6ff: {  	s6 =	sor.u32 $0x820, s18;
	[smem:$0x71D] =	sst s16  }
0x700: {  	v63 =	vor.u32 s25, v21;
	[smem:$0x724] =	sst s6  }
0x701: {  	v40 =	vor.u32 s29, v0;
	v41 =	vld [tilespmem:s7+$0x0];
	s19 =	sor.u32 $0x840, s8;
	[tilespmem:v45+s20+$0x0] =	vst.idx.msk $0xffff, v46;
	s16 =	sld [smem:$0x73C]  }
0x702: {  	v52 =	vor.u32 s23, v1;
	s15 =	sor.u32 $0x870, s14;
	[smem:$0x731] =	sst s19;
	s6 =	sor.u32 $0xC10, s8;
	v37 =	vld [tilespmem:s21+$0x10];
	[tilespmem:v49+s20+$0x0] =	vst.idx.msk $0xffff, v32  }
0x703: {  	v56 =	vor.u32 s28, v23;
	[smem:$0x705] =	sst s6;
	v55 =	vld [tilespmem:s15+$0x0]  }
0x704: {  	[tilespmem:v38+s20+$0x0] =	vst.idx.msk $0xffff, v35;
	s17 =	sor.u32 $0x850, s13;
	s6 =	sld [smem:$0x736]  }
0x705: {  	s9 =	sor.u32 $0x830, s8;
	[smem:$0x734] =	sst s17;
	[tilespmem:v63+s20+$0x0] =	vst.idx.msk $0xffff, v36  }
0x706: {  	v51 =	vld [tilespmem:s22+$0x0];
	[smem:$0x72A] =	sst s9;
	[tilespmem:v40+s20+$0x0] =	vst.idx.msk $0xffff, v41;
	s15 =	sor.u32 $0x850, s8  }
0x707: {  	v50 =	vor.u32 s1, v0;
	v61 =	vld [tilespmem:s6+$0x0];
	s6 =	sor.u32 $0xC10, s13;
	[smem:$0x733] =	sst s15;
	[tilespmem:v52+s20+$0x0] =	vst.idx.msk $0xffff, v37  }
0x708: {  	s0 =	sor.u32 $0xC00, s14;
	[smem:$0x704] =	sst s6;
	s6 =	sor.u32 $0xC20, s8;
	v37 =	vld [tilespmem:s21+$0x20];
	[tilespmem:v56+s20+$0x0] =	vst.idx.msk $0xffff, v55  }
0x709: {  	v48 =	vor.u32 s24, v21;
	[smem:$0x707] =	sst s6;
	v35 =	vld [tilespmem:s0+$0x0];
	s0 =	sor.u32 $0xC30, s8  }
0x70a: {  	v42 =	vor.u32 s12, v0;
	v43 =	vld [tilespmem:s2+$0x0];
	[smem:$0x70A] =	sst s0;
	s0 =	sor.u32 $0xC20, s18  }
0x70b: {  	v57 =	vor.u32 s29, v1;
	v40 =	vld [tilespmem:s7+$0x10];
	[smem:$0x708] =	sst s0;
	s0 =	sor.u32 $0xC30, s13  }
0x70c: {  	v54 =	vor.u32 s26, v21;
	v53 =	vld [tilespmem:s16+$0x0];
	[tilespmem:v50+s20+$0x0] =	vst.idx.msk $0xffff, v51;
	[smem:$0x709] =	sst s0;
	s0 =	sor.u32 $0xC40, s8  }
0x70d: {  	v59 =	vor.u32 s1, v1;
	v33 =	vld [tilespmem:s22+$0x10];
	[smem:$0x70F] =	sst s0;
	s0 =	sor.u32 $0xC30, s18  }
0x70e: {  	[tilespmem:v48+s20+$0x0] =	vst.idx.msk $0xffff, v47;
	[smem:$0x70B] =	sst s0;
	s0 =	sor.u32 $0xC40, s13  }
0x70f: {  	[tilespmem:v42+s20+$0x0] =	vst.idx.msk $0xffff, v43;
	[smem:$0x70D] =	sst s0;
	s0 =	sor.u32 $0xC50, s8  }
0x710: {  	v62 =	vor.u32 s25, v22;
	[tilespmem:v57+s20+$0x0] =	vst.idx.msk $0xffff, v40;
	[smem:$0x718] =	sst s0;
	s0 =	sor.u32 $0xC40, s18  }
0x711: {  	v45 =	vor.u32 s29, v2;
	[tilespmem:v54+s20+$0x0] =	vst.idx.msk $0xffff, v53;
	v40 =	vld [tilespmem:s7+$0x20];
	[smem:$0x711] =	sst s0;
	s0 =	sor.u32 $0xC50, s13  }
0x712: {  	v58 =	vor.u32 s12, v1;
	s11 =	sor.u32 $0x830, s18;
	v42 =	vld [tilespmem:s2+$0x10];
	[tilespmem:v59+s20+$0x0] =	vst.idx.msk $0xffff, v33;
	[smem:$0x713] =	sst s0;
	s0 =	sor.u32 $0xC60, s8  }
0x713: {  	s17 =	sor.u32 $0x860, s18;
	v47 =	vor.u32 s1, v2;
	v33 =	vld [tilespmem:s22+$0x20];
	[smem:$0x721] =	sst s0;
	s0 =	sor.u32 $0xC50, s18  }
0x714: {  	v60 =	vor.u32 s23, v2;
	s19 =	sor.u32 $0xC00, s18;
	[smem:$0x71A] =	sst s0;
	s0 =	sor.u32 $0xC60, s13  }
0x715: {  	s9 =	sor.u32 $0x840, s18;
	[tilespmem:v62+s20+$0x0] =	vst.idx.msk $0xffff, v61;
	[smem:$0x71F] =	sst s0;
	s0 =	sor.u32 $0xC60, s18  }
0x716: {  	v63 =	vor.u32 s28, v24;
	s16 =	sor.u32 $0x850, s18;
	s15 =	sor.u32 $0x870, s18;
	[tilespmem:v45+s20+$0x0] =	vst.idx.msk $0xffff, v40;
	[smem:$0x726] =	sst s0  }
0x717: {  	s6 =	sor.u32 $0xC10, s18;
	v52 =	vor.u32 s29, v3;
	[tilespmem:v58+s20+$0x0] =	vst.idx.msk $0xffff, v42;
	v40 =	vld [tilespmem:s7+$0x30];
	s18 =	sor.u32 $0xC70, s18;
	s0 =	sld [smem:$0x735]  }
0x718: {  	v46 =	vor.u32 s12, v2;
	v42 =	vld [tilespmem:s2+$0x20];
	[tilespmem:v47+s20+$0x0] =	vst.idx.msk $0xffff, v33;
	[smem:$0x72F] =	sst s18  }
0x719: {  	v54 =	vor.u32 s1, v3;
	[tilespmem:v60+s20+$0x0] =	vst.idx.msk $0xffff, v37;
	v33 =	vld [tilespmem:s22+$0x30];
	s18 =	sld [smem:$0x73D]  }
0x71a: {  	v48 =	vor.u32 s23, v3;
	v37 =	vld [tilespmem:s21+$0x30]  }
0x71b: {  	v50 =	vor.u32 s24, v22;
	[tilespmem:v63+s20+$0x0] =	vst.idx.msk $0xffff, v35;
	v49 =	vld [tilespmem:s0+$0x0]  }
0x71c: {  	v57 =	vor.u32 s26, v22;
	[tilespmem:v52+s20+$0x0] =	vst.idx.msk $0xffff, v40;
	s0 =	sor.u32 $0xC10, s14;
	v56 =	vld [tilespmem:s18+$0x0]  }
0x71d: {  	[smem:$0x70E] =	sst s30;
	v51 =	vor.u32 s28, v25;
	[tilespmem:v46+s20+$0x0] =	vst.idx.msk $0xffff, v42;
	v35 =	vld [tilespmem:s0+$0x0]  }
0x71e: {  	[smem:$0x72B] =	sst s11;
	v53 =	vor.u32 s12, v3;
	[tilespmem:v54+s20+$0x0] =	vst.idx.msk $0xffff, v33;
	v42 =	vld [tilespmem:s2+$0x30]  }
0x71f: {  	s30 =	sor.u32 $0x860, s13;
	s11 =	sor.u32 $0x840, s13;
	[smem:$0x703] =	sst s19;
	v61 =	vor.u32 s1, v4;
	[tilespmem:v48+s20+$0x0] =	vst.idx.msk $0xffff, v37;
	v33 =	vld [tilespmem:s22+$0x40]  }
0x720: {  	s19 =	sor.u32 $0xC00, s13;
	[smem:$0x73C] =	sst s16;
	s16 =	sor.u32 $0x870, s13;
	v55 =	vor.u32 s23, v4;
	v37 =	vld [tilespmem:s21+$0x40];
	[tilespmem:v50+s20+$0x0] =	vst.idx.msk $0xffff, v49  }
0x721: {  	[smem:$0x706] =	sst s6;
	s6 =	sor.u32 $0xC20, s13;
	s13 =	sor.u32 $0xC70, s13;
	[tilespmem:v57+s20+$0x0] =	vst.idx.msk $0xffff, v56  }
0x722: {  	v59 =	vor.u32 s29, v4;
	v40 =	vld [tilespmem:s7+$0x40];
	[smem:$0x728] =	sst s13;
	s13 =	sor.u32 $0xC20, s14;
	[tilespmem:v51+s20+$0x0] =	vst.idx.msk $0xffff, v35  }
0x723: {  	[smem:$0x710] =	sst s31;
	v58 =	vor.u32 s28, v26;
	[tilespmem:v53+s20+$0x0] =	vst.idx.msk $0xffff, v42;
	v35 =	vld [tilespmem:s13+$0x0]  }
0x724: {  	v60 =	vor.u32 s12, v4;
	[tilespmem:v61+s20+$0x0] =	vst.idx.msk $0xffff, v33;
	v42 =	vld [tilespmem:s2+$0x40];
	s13 =	sld [smem:$0x738]  }
0x725: {  	s31 =	sor.u32 $0x870, s8;
	[smem:$0x730] =	sst s11;
	s11 =	sor.u32 $0xC00, s8;
	v49 =	vor.u32 s1, v5;
	[tilespmem:v55+s20+$0x0] =	vst.idx.msk $0xffff, v37;
	v33 =	vld [tilespmem:s22+$0x50]  }
0x726: {  	[smem:$0x732] =	sst s9;
	s9 =	sor.u32 $0x860, s8;
	v62 =	vor.u32 s23, v5;
	s8 =	sor.u32 $0xC70, s8;
	v37 =	vld [tilespmem:s21+$0x50]  }
0x727: {  	v45 =	vor.u32 s25, v23;
	[smem:$0x72D] =	sst s8;
	s8 =	smov.u32 s9;
	s9 =	smov.u32 s30;
	v63 =	vld [tilespmem:s13+$0x0];
	[tilespmem:v59+s20+$0x0] =	vst.idx.msk $0xffff, v40  }
0x728: {  	v47 =	vor.u32 s29, v5;
	[smem:$0x736] =	sst s9;
	s9 =	smov.u32 s17;
	s17 =	sor.u32 $0xC30, s14;
	v40 =	vld [tilespmem:s7+$0x50];
	[tilespmem:v58+s20+$0x0] =	vst.idx.msk $0xffff, v35  }
0x729: {  	[smem:$0x735] =	sst s8;
	v46 =	vor.u32 s28, v27;
	[tilespmem:v60+s20+$0x0] =	vst.idx.msk $0xffff, v42;
	v35 =	vld [tilespmem:s17+$0x0]  }
0x72a: {  	s8 =	sld [smem:$0x737];
	v48 =	vor.u32 s12, v5;
	[tilespmem:v49+s20+$0x0] =	vst.idx.msk $0xffff, v33;
	v42 =	vld [tilespmem:s2+$0x50]  }
0x72b: {  	v56 =	vor.u32 s1, v6;
	[tilespmem:v62+s20+$0x0] =	vst.idx.msk $0xffff, v37;
	v33 =	vld [tilespmem:s22+$0x60];
	s17 =	sld [smem:$0x73E]  }
0x72c: {  	v50 =	vor.u32 s23, v6;
	v37 =	vld [tilespmem:s21+$0x60];
	[tilespmem:v45+s20+$0x0] =	vst.idx.msk $0xffff, v63  }
0x72d: {  	v52 =	vor.u32 s24, v23;
	v51 =	vld [tilespmem:s8+$0x0];
	[tilespmem:v47+s20+$0x0] =	vst.idx.msk $0xffff, v40  }
0x72e: {  	v59 =	vor.u32 s26, v23;
	v58 =	vld [tilespmem:s17+$0x0];
	[tilespmem:v46+s20+$0x0] =	vst.idx.msk $0xffff, v35  }
0x72f: {  	[smem:$0x73D] =	sst s9;
	s9 =	sor.u32 $0xC40, s14;
	v54 =	vor.u32 s29, v6;
	v40 =	vld [tilespmem:s7+$0x60];
	[tilespmem:v48+s20+$0x0] =	vst.idx.msk $0xffff, v42  }
0x730: {  	v53 =	vor.u32 s28, v28;
	[tilespmem:v56+s20+$0x0] =	vst.idx.msk $0xffff, v33;
	v35 =	vld [tilespmem:s9+$0x0]  }
0x731: {  	v55 =	vor.u32 s12, v6;
	v42 =	vld [tilespmem:s2+$0x60];
	[tilespmem:v50+s20+$0x0] =	vst.idx.msk $0xffff, v37  }
0x732: {  	v63 =	vor.u32 s1, v7;
	[tilespmem:v52+s20+$0x0] =	vst.idx.msk $0xffff, v51;
	v33 =	vld [tilespmem:s22+$0x70]  }
0x733: {  	v57 =	vor.u32 s23, v7;
	v37 =	vld [tilespmem:s21+$0x70];
	[tilespmem:v59+s20+$0x0] =	vst.idx.msk $0xffff, v58  }
0x734: {  	[tilespmem:v54+s20+$0x0] =	vst.idx.msk $0xffff, v40  }
0x735: {  	s18 =	smov.u32 s16;
	s16 =	sor.u32 $0xC50, s14;
	v61 =	vor.u32 s29, v7;
	v40 =	vld [tilespmem:s7+$0x70];
	[tilespmem:v53+s20+$0x0] =	vst.idx.msk $0xffff, v35  }
0x736: {  	v60 =	vor.u32 s28, v29;
	[tilespmem:v55+s20+$0x0] =	vst.idx.msk $0xffff, v42;
	v35 =	vld [tilespmem:s16+$0x0]  }
0x737: {  	v62 =	vor.u32 s12, v7;
	s8 =	sld [smem:$0x73A];
	[tilespmem:v63+s20+$0x0] =	vst.idx.msk $0xffff, v33;
	v42 =	vld [tilespmem:s2+$0x70]  }
0x738: {  	v51 =	vor.u32 s1, v8;
	[tilespmem:v57+s20+$0x0] =	vst.idx.msk $0xffff, v37;
	v33 =	vld [tilespmem:s22+$0x400]  }
0x739: {  	v45 =	vor.u32 s23, v8;
	v37 =	vld [tilespmem:s21+$0x400]  }
0x73a: {  	v47 =	vor.u32 s25, v24;
	v46 =	vld [tilespmem:s8+$0x0];
	[tilespmem:v61+s20+$0x0] =	vst.idx.msk $0xffff, v40  }
0x73b: {  	v49 =	vor.u32 s29, v8;
	s9 =	sor.u32 $0xC60, s14;
	v40 =	vld [tilespmem:s7+$0x400];
	[tilespmem:v60+s20+$0x0] =	vst.idx.msk $0xffff, v35  }
0x73c: {  	[smem:$0x738] =	sst s18;
	v48 =	vor.u32 s28, v30;
	[tilespmem:v62+s20+$0x0] =	vst.idx.msk $0xffff, v42;
	v35 =	vld [tilespmem:s9+$0x0]  }
0x73d: {  	s18 =	smov.u32 s15;
	s15 =	sld [smem:$0x739];
	v50 =	vor.u32 s12, v8;
	[tilespmem:v51+s20+$0x0] =	vst.idx.msk $0xffff, v33;
	v42 =	vld [tilespmem:s2+$0x400]  }
0x73e: {  	[smem:$0x73E] =	sst s18;
	v58 =	vor.u32 s1, v9;
	[tilespmem:v45+s20+$0x0] =	vst.idx.msk $0xffff, v37;
	v33 =	vld [tilespmem:s22+$0x410]  }
0x73f: {  	s18 =	sld [smem:$0x73F];
	v52 =	vor.u32 s23, v9;
	[tilespmem:v47+s20+$0x0] =	vst.idx.msk $0xffff, v46;
	v37 =	vld [tilespmem:s21+$0x410]  }
0x740: {  	v54 =	vor.u32 s24, v24;
	v53 =	vld [tilespmem:s15+$0x0];
	[tilespmem:v49+s20+$0x0] =	vst.idx.msk $0xffff, v40  }
0x741: {  	s13 =	smov.u32 s31;
	v56 =	vor.u32 s29, v9;
	v40 =	vld [tilespmem:s7+$0x410];
	[tilespmem:v48+s20+$0x0] =	vst.idx.msk $0xffff, v35  }
0x742: {  	[smem:$0x737] =	sst s13;
	s16 =	sor.u32 $0xC70, s14;
	v61 =	vor.u32 s26, v24;
	v60 =	vld [tilespmem:s18+$0x0];
	[tilespmem:v50+s20+$0x0] =	vst.idx.msk $0xffff, v42  }
0x743: {  	s13 =	smov.u32 s19;
	s19 =	sld [smem:$0x703];
	v55 =	vor.u32 s28, v31;
	[tilespmem:v58+s20+$0x0] =	vst.idx.msk $0xffff, v33;
	v35 =	vld [tilespmem:s16+$0x0]  }
0x744: {  	s8 =	sld [smem:$0x73B];
	v57 =	vor.u32 s12, v9;
	v42 =	vld [tilespmem:s2+$0x410];
	[tilespmem:v52+s20+$0x0] =	vst.idx.msk $0xffff, v37  }
0x745: {  	[smem:$0x73A] =	sst s13;
	s28 =	smov.u32 s23;
	v47 =	vor.u32 s1, v10;
	[tilespmem:v54+s20+$0x0] =	vst.idx.msk $0xffff, v53;
	v33 =	vld [tilespmem:s22+$0x420]  }
0x746: {  	v59 =	vor.u32 s28, v10;
	s16 =	sld [smem:$0x740];
	v37 =	vld [tilespmem:s21+$0x420];
	[tilespmem:v56+s20+$0x0] =	vst.idx.msk $0xffff, v40  }
0x747: {  	s13 =	rddreg [dreg:$0x1f];
	s17 =	smov.u32 s11;
	v63 =	vor.u32 s25, v25;
	[tilespmem:v61+s20+$0x0] =	vst.idx.msk $0xffff, v60;
	v62 =	vld [tilespmem:s8+$0x0]  }
0x748: {  	[smem:$0x739] =	sst s17;
	v45 =	vor.u32 s29, v10;
	v40 =	vld [tilespmem:s7+$0x420];
	[tilespmem:v55+s20+$0x0] =	vst.idx.msk $0xffff, v35  }
0x749: {  	s17 =	sld [smem:$0x706];
	v52 =	vor.u32 s26, v25;
	v51 =	vld [tilespmem:s16+$0x0];
	[tilespmem:v57+s20+$0x0] =	vst.idx.msk $0xffff, v42  }
0x74a: {  	s23 =	smov.u32 s19;
	s19 =	rddreg [dreg:$0x14];
	v46 =	vor.u32 s12, v10;
	[tilespmem:v47+s20+$0x0] =	vst.idx.msk $0xffff, v33;
	v42 =	vld [tilespmem:s2+$0x420]  }
0x74b: {  	[smem:$0x73F] =	sst s23;
	v55 =	vor.u32 s1, v11;
	[tilespmem:v59+s20+$0x0] =	vst.idx.msk $0xffff, v37;
	v33 =	vld [tilespmem:s22+$0x430]  }
0x74c: {  	s9 =	sld [smem:$0x704];
	v49 =	vld [tilespmem:s13+$0x0];
	[tilespmem:v63+s20+$0x0] =	vst.idx.msk $0xffff, v62  }
0x74d: {  	s14 =	sld [smem:$0x705];
	v48 =	vor.u32 s28, v11;
	v37 =	vld [tilespmem:s21+$0x430];
	[tilespmem:v45+s20+$0x0] =	vst.idx.msk $0xffff, v40  }
0x74e: {  	s23 =	smov.u32 s6;
	s6 =	rddreg [dreg:$0x18];
	v50 =	vor.u32 s24, v25;
	[tilespmem:v52+s20+$0x0] =	vst.idx.msk $0xffff, v51;
	v40 =	vld [tilespmem:s7+$0x430]  }
0x74f: {  	[dreg:$0x14] =	wrdreg s23;
	s11 =	smov.u32 s9;
	v53 =	vor.u32 s29, v11;
	[tilespmem:v46+s20+$0x0] =	vst.idx.msk $0xffff, v42;
	v57 =	vld [tilespmem:s19+$0x0]  }
0x750: {  	[smem:$0x73B] =	sst s11;
	v54 =	vor.u32 s12, v11;
	[tilespmem:v55+s20+$0x0] =	vst.idx.msk $0xffff, v33;
	v42 =	vld [tilespmem:s2+$0x430]  }
0x751: {  	s15 =	smov.u32 s14;
	s11 =	rddreg [dreg:$0x1b];
	v58 =	vor.u32 s25, v26;
	v33 =	vld [tilespmem:s22+$0x440]  }
0x752: {  	[dreg:$0x1f] =	wrdreg s15;
	v63 =	vor.u32 s1, v12;
	[tilespmem:v48+s20+$0x0] =	vst.idx.msk $0xffff, v37;
	v46 =	vld [tilespmem:s11+$0x0]  }
0x753: {  	s18 =	smov.u32 s17;
	s15 =	rddreg [dreg:$0xc];
	v56 =	vor.u32 s28, v12;
	[tilespmem:v50+s20+$0x0] =	vst.idx.msk $0xffff, v49;
	v37 =	vld [tilespmem:s21+$0x440]  }
0x754: {  	[smem:$0x740] =	sst s18;
	v47 =	vor.u32 s26, v26;
	v59 =	vld [tilespmem:s6+$0x0];
	[tilespmem:v53+s20+$0x0] =	vst.idx.msk $0xffff, v40  }
0x755: {  	v61 =	vor.u32 s29, v12;
	s18 =	rddreg [dreg:$0x8];
	v40 =	vld [tilespmem:s7+$0x440];
	[tilespmem:v54+s20+$0x0] =	vst.idx.msk $0xffff, v42  }
0x756: {  	v60 =	vor.u32 s24, v26;
	s8 =	sld [smem:$0x707];
	[tilespmem:v58+s20+$0x0] =	vst.idx.msk $0xffff, v57  }
0x757: {  	s16 =	sld [smem:$0x709];
	v62 =	vor.u32 s12, v12;
	[tilespmem:v63+s20+$0x0] =	vst.idx.msk $0xffff, v33;
	v42 =	vld [tilespmem:s2+$0x440]  }
0x758: {  	s13 =	sld [smem:$0x708];
	v52 =	vor.u32 s1, v13;
	[tilespmem:v56+s20+$0x0] =	vst.idx.msk $0xffff, v37;
	v33 =	vld [tilespmem:s22+$0x450]  }
0x759: {  	s9 =	smov.u32 s8;
	s8 =	rddreg [dreg:$0x11];
	v45 =	vor.u32 s28, v13;
	[tilespmem:v47+s20+$0x0] =	vst.idx.msk $0xffff, v46;
	v37 =	vld [tilespmem:s21+$0x450]  }
0x75a: {  	s17 =	smov.u32 s16;
	s16 =	sld [smem:$0x70E];
	v57 =	vor.u32 s26, v27;
	v56 =	vld [tilespmem:s8+$0x0];
	[tilespmem:v61+s20+$0x0] =	vst.idx.msk $0xffff, v40  }
0x75b: {  	[dreg:$0xc] =	wrdreg s17;
	v49 =	vor.u32 s25, v27;
	[tilespmem:v60+s20+$0x0] =	vst.idx.msk $0xffff, v59;
	v48 =	vld [tilespmem:s15+$0x0]  }
0x75c: {  	s17 =	sld [smem:$0x70F];
	v50 =	vor.u32 s29, v13;
	v40 =	vld [tilespmem:s7+$0x450];
	[tilespmem:v62+s20+$0x0] =	vst.idx.msk $0xffff, v42  }
0x75d: {  	[dreg:$0x18] =	wrdreg s9;
	v51 =	vor.u32 s12, v13;
	[tilespmem:v52+s20+$0x0] =	vst.idx.msk $0xffff, v33;
	v42 =	vld [tilespmem:s2+$0x450]  }
0x75e: {  	s9 =	sld [smem:$0x70B];
	v60 =	vor.u32 s1, v14;
	[tilespmem:v45+s20+$0x0] =	vst.idx.msk $0xffff, v37;
	v33 =	vld [tilespmem:s22+$0x460]  }
0x75f: {  	s14 =	smov.u32 s13;
	s13 =	sld [smem:$0x741];
	v53 =	vor.u32 s28, v14;
	[tilespmem:v57+s20+$0x0] =	vst.idx.msk $0xffff, v56;
	v37 =	vld [tilespmem:s21+$0x460]  }
0x760: {  	[dreg:$0x1b] =	wrdreg s14;
	[tilespmem:v49+s20+$0x0] =	vst.idx.msk $0xffff, v48  }
0x761: {  	s14 =	sld [smem:$0x70C];
	v55 =	vor.u32 s24, v27;
	v54 =	vld [tilespmem:s18+$0x0];
	[tilespmem:v50+s20+$0x0] =	vst.idx.msk $0xffff, v40  }
0x762: {  	s30 =	smov.u32 s17;
	s17 =	sld [smem:$0x71C];
	v58 =	vor.u32 s29, v14;
	[tilespmem:v51+s20+$0x0] =	vst.idx.msk $0xffff, v42;
	v40 =	vld [tilespmem:s7+$0x460]  }
0x763: {  	s19 =	sld [smem:$0x70A];
	v59 =	vor.u32 s12, v14;
	[tilespmem:v60+s20+$0x0] =	vst.idx.msk $0xffff, v33;
	v42 =	vld [tilespmem:s2+$0x460]  }
0x764: {  	s11 =	smov.u32 s9;
	s9 =	sld [smem:$0x717];
	v49 =	vor.u32 s1, v15;
	[tilespmem:v53+s20+$0x0] =	vst.idx.msk $0xffff, v37;
	v33 =	vld [tilespmem:s22+$0x470]  }
0x765: {  	v61 =	vor.u32 s28, v15;
	s18 =	sld [smem:$0x710];
	v37 =	vld [tilespmem:s21+$0x470]  }
0x766: {  	s0 =	sadd.s32 $0x2, s13;
	s13 =	sld [smem:$0x719];
	v63 =	vor.u32 s25, v28;
	[tilespmem:v55+s20+$0x0] =	vst.idx.msk $0xffff, v54;
	v62 =	vld [tilespmem:s14+$0x0]  }
0x767: {  	[smem:$0x741] =	sst s0;
	s0 =	sand.u32 $0x3, s0;
	v46 =	vor.u32 s24, v28;
	v45 =	vld [tilespmem:s16+$0x0];
	[tilespmem:v58+s20+$0x0] =	vst.idx.msk $0xffff, v40  }
0x768: {  	[dreg:$0x11] =	wrdreg s11;
	s0 =	sshll.u32 s0, $0x8;
	v52 =	vor.u32 s26, v28;
	v51 =	vld [tilespmem:s18+$0x0];
	[tilespmem:v59+s20+$0x0] =	vst.idx.msk $0xffff, v42  }
0x769: {  	s6 =	sld [smem:$0x715];
	s0 =	sadd.s32 s10, s0;
	v47 =	vor.u32 s29, v15;
	[tilespmem:v49+s20+$0x0] =	vst.idx.msk $0xffff, v33;
	v40 =	vld [tilespmem:s7+$0x470]  }
0x76a: {  	s8 =	sld [smem:$0x716];
	v48 =	vor.u32 s12, v15;
	s14 =	sadd.s32 $0x100, s0;
	v42 =	vld [tilespmem:s2+$0x470];
	[tilespmem:v61+s20+$0x0] =	vst.idx.msk $0xffff, v37  }
0x76b: {  	s11 =	sld [smem:$0x718];
	s0 =	sor.u32 $0x800, s14;
	[tilespmem:v63+s20+$0x0] =	vst.idx.msk $0xffff, v62  }
0x76c: {  	v50 =	vor.u32 s28, v16;
	s21 =	sld [smem:$0x712];
	[tilespmem:v46+s20+$0x0] =	vst.idx.msk $0xffff, v45;
	v37 =	vld [tilespmem:s0+$0x0]  }
0x76d: {  	s23 =	smov.u32 s19;
	s19 =	sld [smem:$0x711];
	v33 =	vld [tilespmem:s8+$0x0];
	[tilespmem:v52+s20+$0x0] =	vst.idx.msk $0xffff, v51  }
0x76e: {  	v57 =	vor.u32 s1, v16;
	s2 =	sld [smem:$0x714];
	v61 =	vld [tilespmem:s13+$0x0];
	[tilespmem:v47+s20+$0x0] =	vst.idx.msk $0xffff, v40  }
0x76f: {  	[dreg:$0x8] =	wrdreg s23;
	v54 =	vor.u32 s25, v29;
	[tilespmem:v48+s20+$0x0] =	vst.idx.msk $0xffff, v42;
	v53 =	vld [tilespmem:s21+$0x0]  }
0x770: {  	s31 =	smov.u32 s19;
	s15 =	sld [smem:$0x70D];
	v56 =	vor.u32 s12, v16;
	v42 =	vld [tilespmem:s6+$0x0]  }
0x771: {  	s19 =	smov.u32 s11;
	s11 =	sld [smem:$0x721];
	v55 =	vor.u32 s29, v16;
	s7 =	sor.u32 $0x810, s14;
	v40 =	vld [tilespmem:s2+$0x0];
	[tilespmem:v50+s20+$0x0] =	vst.idx.msk $0xffff, v37  }
0x772: {  	v58 =	vor.u32 s28, v17;
	s6 =	sld [smem:$0x71D];
	v37 =	vld [tilespmem:s7+$0x0]  }
0x773: {  	s23 =	smov.u32 s15;
	s15 =	sld [smem:$0x71A];
	v60 =	vor.u32 s24, v29;
	[tilespmem:v57+s20+$0x0] =	vst.idx.msk $0xffff, v33;
	v59 =	vld [tilespmem:s9+$0x0]  }
0x774: {  	s16 =	sld [smem:$0x71B];
	v62 =	vor.u32 s26, v29;
	[tilespmem:v54+s20+$0x0] =	vst.idx.msk $0xffff, v53  }
0x775: {  	s22 =	sld [smem:$0x713];
	v46 =	vor.u32 s1, v17;
	v33 =	vld [tilespmem:s6+$0x0];
	[tilespmem:v56+s20+$0x0] =	vst.idx.msk $0xffff, v42  }
0x776: {  	v45 =	vor.u32 s12, v17;
	s9 =	sld [smem:$0x720];
	[tilespmem:v55+s20+$0x0] =	vst.idx.msk $0xffff, v40;
	v42 =	vld [tilespmem:s17+$0x0]  }
0x777: {  	s18 =	sor.u32 $0x820, s14;
	v63 =	vor.u32 s29, v17;
	s7 =	sld [smem:$0x71E];
	[tilespmem:v58+s20+$0x0] =	vst.idx.msk $0xffff, v37;
	v40 =	vld [tilespmem:s16+$0x0]  }
0x778: {  	v47 =	vor.u32 s28, v18;
	s6 =	sld [smem:$0x724];
	[tilespmem:v60+s20+$0x0] =	vst.idx.msk $0xffff, v59;
	v37 =	vld [tilespmem:s18+$0x0]  }
0x779: {  	v51 =	vor.u32 s24, v30;
	s21 =	smov.u32 s22;
	s22 =	smov.u32 s15;
	s15 =	sld [smem:$0x723];
	[tilespmem:v62+s20+$0x0] =	vst.idx.msk $0xffff, v61;
	v50 =	vld [tilespmem:s9+$0x0]  }
0x77a: {  	v49 =	vor.u32 s25, v30;
	s13 =	sld [smem:$0x722];
	v48 =	vld [tilespmem:s7+$0x0];
	[tilespmem:v46+s20+$0x0] =	vst.idx.msk $0xffff, v33  }
0x77b: {  	v54 =	vor.u32 s1, v18;
	s7 =	sld [smem:$0x725];
	v33 =	vld [tilespmem:s6+$0x0];
	[tilespmem:v45+s20+$0x0] =	vst.idx.msk $0xffff, v42  }
0x77c: {  	s8 =	sld [smem:$0x71F];
	v53 =	vor.u32 s12, v18;
	[tilespmem:v63+s20+$0x0] =	vst.idx.msk $0xffff, v40;
	v42 =	vld [tilespmem:s15+$0x0]  }
0x77d: {  	v52 =	vor.u32 s29, v18;
	s2 =	sld [smem:$0x72A];
	[tilespmem:v47+s20+$0x0] =	vst.idx.msk $0xffff, v37;
	v40 =	vld [tilespmem:s13+$0x0]  }
0x77e: {  	v56 =	vld [tilespmem:s7+$0x0];
	s7 =	sld [smem:$0x72B];
	[tilespmem:v51+s20+$0x0] =	vst.idx.msk $0xffff, v50  }
0x77f: {  	s16 =	smov.u32 s8;
	s18 =	sor.u32 $0x830, s14;
	s8 =	sld [smem:$0x726];
	[tilespmem:v49+s20+$0x0] =	vst.idx.msk $0xffff, v48  }
0x780: {  	v55 =	vor.u32 s28, v19;
	s9 =	sld [smem:$0x727];
	v37 =	vld [tilespmem:s18+$0x0];
	[tilespmem:v54+s20+$0x0] =	vst.idx.msk $0xffff, v33  }
0x781: {  	v57 =	vor.u32 s26, v30;
	s15 =	sld [smem:$0x729];
	v44 =	vld [tilespmem:s7+$0x0];
	[tilespmem:v53+s20+$0x0] =	vst.idx.msk $0xffff, v42  }
0x782: {  	v45 =	vor.u32 s1, v19;
	s18 =	smov.u32 s8;
	s8 =	sld [smem:$0x72C];
	[tilespmem:v52+s20+$0x0] =	vst.idx.msk $0xffff, v40;
	v42 =	vld [tilespmem:s2+$0x0]  }
0x783: {  	v61 =	vor.u32 s12, v19;
	s17 =	smov.u32 s11;
	s11 =	sld [smem:$0x728];
	v58 =	vld [tilespmem:s9+$0x0]  }
0x784: {  	p3 =	slt.u32 s4, $0xC;
	v59 =	vor.u32 s25, v31;
	s25 =	smov.u32 s29;
	v40 =	vld [tilespmem:s15+$0x0];
	s15 =	sld [smem:$0x72E]  }
0x785: {  	s5 =	sadd.s32 $0x4, s5;
	v60 =	vor.u32 s25, v19;
	s6 =	sor.u32 $0x840, s14;
	v63 =	vor.u32 s26, v31;
	s26 =	sld [smem:$0x72F];
	[tilespmem:v55+s20+$0x0] =	vst.idx.msk $0xffff, v37;
	v48 =	vld [tilespmem:s8+$0x0]  }
0x786: {  	p2 =	por !p2, !p2;
	s3 =	sadd.s32 $0x200, s3;
	v47 =	vor.u32 s28, v20;
	[tilespmem:v57+s20+$0x0] =	vst.idx.msk $0xffff, v56;
	v46 =	vld [tilespmem:s6+$0x0];
	s9 =	sld [smem:$0x72D]  }
0x787: {  	s10 =	sadd.s32 $0x800, s10;
	s29 =	smov.u32 s4;
	v49 =	vor.u32 s24, v31;
	s6 =	sld [smem:$0x731];
	v62 =	vld [tilespmem:s15+$0x0];
	[tilespmem:v45+s20+$0x0] =	vst.idx.msk $0xffff, v44  }
0x788: {  	s13 =	smov.u32 s11;
	s24 =	smov.u32 s12;
	s2 =	sld [smem:$0x730];
	[tilespmem:v61+s20+$0x0] =	vst.idx.msk $0xffff, v42  }
.Ltmp8:
0x789: {  	s11 =	smov.u32 s9;
	s9 =	sld [smem:$0x732];
	[tilespmem:v59+s20+$0x0] =	vst.idx.msk $0xffff, v58;
	(pc) =	sbr.rel @p3 .LBB2_12-.Ltmp8, $4  }
0x78a: {  	s12 =	sadd.s32 $0x1, s4;
	s7 =	sand.u32 $0x7, s5;
	s8 =	sor.u32 $0x850, s14;
	v33 =	vld [tilespmem:s6+$0x0];
	[tilespmem:v60+s20+$0x0] =	vst.idx.msk $0xffff, v40  }
0x78b: {  	s15 =	smov.u32 s26;
	s26 =	smov.u32 s1;
	[tilespmem:v47+s20+$0x0] =	vst.idx.msk $0xffff, v46;
	v36 =	vld [tilespmem:s2+$0x0];
	s2 =	simm.s32 $0x1  }
0x78c: {  	v34 =	vor.u32 s28, v21;
	v39 =	vor.u32 s25, v20;
	s1 =	sadd.s32 $0x3, s4;
	s4 =	sadd.s32 $0x4, s4;
	[tilespmem:v49+s20+$0x0] =	vst.idx.msk $0xffff, v48;
	v35 =	vld [tilespmem:s9+$0x0];
	s2 =	simm.s32 @!p2 $0x0  }
0x78d: {  	v37 =	vor.u32 s24, v20;
	v38 =	vor.u32 s26, v20;
	s6 =	sshll.u32 s7, $0x7;
	v32 =	vld [tilespmem:s8+$0x0];
	[tilespmem:v63+s20+$0x0] =	vst.idx.msk $0xffff, v62;
	s0 =	sshll.u32 s2, $0x9;
	s2 =	sadd.s32 $0xFFFFFF80, s3  }
0x78e: {  	s2 =	sand.u32 $0x300, s2  }
0x78f: {  	s8 =	sand.u32 $0x1000, s10;
	s4 =	sadd.s32 $0xFFFFFE80, s3;
	s9 =	sadd.s32 $0xFFFFFF00, s3  }
0x790: {  	s2 =	sor.u32 s2, s8;
	s5 =	sand.u32 $0x200, s4;
	s4 =	sadd.s32 $0x2, s29  }
0x791: {  	v40 =	vor.u32 s4, v0;
	v41 =	vld [tilespmem:s2+$0x0];
	s7 =	sor.u32 s5, s8;
	s5 =	sand.u32 $0x280, s9  }
0x792: {  	v42 =	vor.u32 s29, v0;
	s9 =	sand.u32 $0x380, s3;
	s5 =	sor.u32 s5, s8;
	v43 =	vld [tilespmem:s7+$0x0]  }
0x793: {  	v44 =	vor.u32 s12, v0;
	s3 =	sor.u32 s9, s8;
	v45 =	vld [tilespmem:s5+$0x0]  }
0x794: {  	v46 =	vor.u32 s1, v0;
	v47 =	vld [tilespmem:s3+$0x0];
	_ =	sdelay $0x1  }
0x795: {  	[tilespmem:v40+s20+$0x0] =	vst.idx.msk $0xffff, v41  }
0x796: {  	v59 =	vor.u32 s4, v1;
	v40 =	vld [tilespmem:s2+$0x10];
	[tilespmem:v42+s20+$0x0] =	vst.idx.msk $0xffff, v43  }
0x797: {  	v60 =	vor.u32 s29, v1;
	v42 =	vld [tilespmem:s7+$0x10];
	[tilespmem:v44+s20+$0x0] =	vst.idx.msk $0xffff, v45  }
0x798: {  	v61 =	vor.u32 s12, v1;
	[tilespmem:v46+s20+$0x0] =	vst.idx.msk $0xffff, v47;
	v44 =	vld [tilespmem:s5+$0x10]  }
0x799: {  	v62 =	vor.u32 s1, v1;
	v46 =	vld [tilespmem:s3+$0x10];
	_ =	sdelay $0x1  }
0x79a: {  	[tilespmem:v59+s20+$0x0] =	vst.idx.msk $0xffff, v40  }
0x79b: {  	v63 =	vor.u32 s4, v2;
	v40 =	vld [tilespmem:s2+$0x20];
	[tilespmem:v60+s20+$0x0] =	vst.idx.msk $0xffff, v42  }
0x79c: {  	v48 =	vor.u32 s29, v2;
	v42 =	vld [tilespmem:s7+$0x20];
	[tilespmem:v61+s20+$0x0] =	vst.idx.msk $0xffff, v44  }
0x79d: {  	v49 =	vor.u32 s12, v2;
	[tilespmem:v62+s20+$0x0] =	vst.idx.msk $0xffff, v46;
	v44 =	vld [tilespmem:s5+$0x20]  }
0x79e: {  	v50 =	vor.u32 s1, v2;
	v46 =	vld [tilespmem:s3+$0x20];
	_ =	sdelay $0x1  }
0x79f: {  	[tilespmem:v63+s20+$0x0] =	vst.idx.msk $0xffff, v40  }
0x7a0: {  	v51 =	vor.u32 s4, v3;
	v40 =	vld [tilespmem:s2+$0x30];
	[tilespmem:v48+s20+$0x0] =	vst.idx.msk $0xffff, v42  }
0x7a1: {  	v52 =	vor.u32 s29, v3;
	v42 =	vld [tilespmem:s7+$0x30];
	[tilespmem:v49+s20+$0x0] =	vst.idx.msk $0xffff, v44  }
0x7a2: {  	v53 =	vor.u32 s12, v3;
	[tilespmem:v50+s20+$0x0] =	vst.idx.msk $0xffff, v46;
	v44 =	vld [tilespmem:s5+$0x30]  }
0x7a3: {  	v54 =	vor.u32 s1, v3;
	v46 =	vld [tilespmem:s3+$0x30];
	_ =	sdelay $0x1  }
0x7a4: {  	[tilespmem:v51+s20+$0x0] =	vst.idx.msk $0xffff, v40  }
0x7a5: {  	v55 =	vor.u32 s4, v4;
	v40 =	vld [tilespmem:s2+$0x40];
	[tilespmem:v52+s20+$0x0] =	vst.idx.msk $0xffff, v42  }
0x7a6: {  	v56 =	vor.u32 s29, v4;
	v42 =	vld [tilespmem:s7+$0x40];
	[tilespmem:v53+s20+$0x0] =	vst.idx.msk $0xffff, v44  }
0x7a7: {  	v57 =	vor.u32 s12, v4;
	[tilespmem:v54+s20+$0x0] =	vst.idx.msk $0xffff, v46;
	v44 =	vld [tilespmem:s5+$0x40]  }
0x7a8: {  	v58 =	vor.u32 s1, v4;
	v46 =	vld [tilespmem:s3+$0x40];
	_ =	sdelay $0x1  }
0x7a9: {  	[tilespmem:v55+s20+$0x0] =	vst.idx.msk $0xffff, v40  }
0x7aa: {  	v59 =	vor.u32 s4, v5;
	v40 =	vld [tilespmem:s2+$0x50];
	[tilespmem:v56+s20+$0x0] =	vst.idx.msk $0xffff, v42  }
0x7ab: {  	v60 =	vor.u32 s29, v5;
	v42 =	vld [tilespmem:s7+$0x50];
	[tilespmem:v57+s20+$0x0] =	vst.idx.msk $0xffff, v44  }
0x7ac: {  	v61 =	vor.u32 s12, v5;
	[tilespmem:v58+s20+$0x0] =	vst.idx.msk $0xffff, v46;
	v44 =	vld [tilespmem:s5+$0x50]  }
0x7ad: {  	v62 =	vor.u32 s1, v5;
	v46 =	vld [tilespmem:s3+$0x50];
	_ =	sdelay $0x1  }
0x7ae: {  	[tilespmem:v59+s20+$0x0] =	vst.idx.msk $0xffff, v40  }
0x7af: {  	v63 =	vor.u32 s4, v6;
	v40 =	vld [tilespmem:s2+$0x60];
	[tilespmem:v60+s20+$0x0] =	vst.idx.msk $0xffff, v42  }
0x7b0: {  	v48 =	vor.u32 s29, v6;
	v42 =	vld [tilespmem:s7+$0x60];
	[tilespmem:v61+s20+$0x0] =	vst.idx.msk $0xffff, v44  }
0x7b1: {  	v49 =	vor.u32 s12, v6;
	[tilespmem:v62+s20+$0x0] =	vst.idx.msk $0xffff, v46;
	v44 =	vld [tilespmem:s5+$0x60]  }
0x7b2: {  	v50 =	vor.u32 s1, v6;
	v46 =	vld [tilespmem:s3+$0x60];
	_ =	sdelay $0x1  }
0x7b3: {  	[tilespmem:v63+s20+$0x0] =	vst.idx.msk $0xffff, v40  }
0x7b4: {  	v51 =	vor.u32 s4, v7;
	v40 =	vld [tilespmem:s2+$0x70];
	[tilespmem:v48+s20+$0x0] =	vst.idx.msk $0xffff, v42  }
0x7b5: {  	v52 =	vor.u32 s29, v7;
	v42 =	vld [tilespmem:s7+$0x70];
	[tilespmem:v49+s20+$0x0] =	vst.idx.msk $0xffff, v44  }
0x7b6: {  	v53 =	vor.u32 s12, v7;
	[tilespmem:v50+s20+$0x0] =	vst.idx.msk $0xffff, v46;
	v44 =	vld [tilespmem:s5+$0x70]  }
0x7b7: {  	v54 =	vor.u32 s1, v7;
	v46 =	vld [tilespmem:s3+$0x70];
	_ =	sdelay $0x1  }
0x7b8: {  	[tilespmem:v51+s20+$0x0] =	vst.idx.msk $0xffff, v40  }
0x7b9: {  	v55 =	vor.u32 s4, v8;
	v40 =	vld [tilespmem:s2+$0x400];
	[tilespmem:v52+s20+$0x0] =	vst.idx.msk $0xffff, v42  }
0x7ba: {  	v56 =	vor.u32 s29, v8;
	v42 =	vld [tilespmem:s7+$0x400];
	[tilespmem:v53+s20+$0x0] =	vst.idx.msk $0xffff, v44  }
0x7bb: {  	v57 =	vor.u32 s12, v8;
	[tilespmem:v54+s20+$0x0] =	vst.idx.msk $0xffff, v46;
	v44 =	vld [tilespmem:s5+$0x400]  }
0x7bc: {  	[tilespmem:v37+s20+$0x0] =	vst.idx.msk $0xffff, v33;
	v58 =	vor.u32 s1, v8;
	v46 =	vld [tilespmem:s3+$0x400]  }
0x7bd: {  	[tilespmem:v39+s20+$0x0] =	vst.idx.msk $0xffff, v36  }
0x7be: {  	[tilespmem:v55+s20+$0x0] =	vst.idx.msk $0xffff, v40  }
0x7bf: {  	v60 =	vor.u32 s4, v9;
	[tilespmem:v56+s20+$0x0] =	vst.idx.msk $0xffff, v42;
	v59 =	vld [tilespmem:s2+$0x410]  }
0x7c0: {  	v62 =	vor.u32 s29, v9;
	[tilespmem:v57+s20+$0x0] =	vst.idx.msk $0xffff, v44;
	v61 =	vld [tilespmem:s7+$0x410]  }
0x7c1: {  	v45 =	vor.u32 s12, v9;
	[tilespmem:v58+s20+$0x0] =	vst.idx.msk $0xffff, v46;
	v63 =	vld [tilespmem:s5+$0x410]  }
0x7c2: {  	[tilespmem:v38+s20+$0x0] =	vst.idx.msk $0xffff, v35;
	v47 =	vor.u32 s1, v9;
	v46 =	vld [tilespmem:s3+$0x410]  }
0x7c3: {  	s9 =	sld [smem:$0x734];
	[tilespmem:v34+s20+$0x0] =	vst.idx.msk $0xffff, v32  }
0x7c4: {  	[tilespmem:v60+s20+$0x0] =	vst.idx.msk $0xffff, v59  }
0x7c5: {  	[tilespmem:v62+s20+$0x0] =	vst.idx.msk $0xffff, v61  }
0x7c6: {  	v49 =	vor.u32 s25, v21;
	v48 =	vld [tilespmem:s9+$0x0];
	[tilespmem:v45+s20+$0x0] =	vst.idx.msk $0xffff, v63  }
0x7c7: {  	v50 =	vor.u32 s4, v10;
	v36 =	vld [tilespmem:s2+$0x420];
	[tilespmem:v47+s20+$0x0] =	vst.idx.msk $0xffff, v46  }
0x7c8: {  	v51 =	vor.u32 s29, v10;
	v40 =	vld [tilespmem:s7+$0x420];
	s9 =	sld [smem:$0x733]  }
0x7c9: {  	v52 =	vor.u32 s12, v10;
	v42 =	vld [tilespmem:s5+$0x420]  }
0x7ca: {  	v54 =	vor.u32 s1, v10;
	v53 =	vld [tilespmem:s3+$0x420]  }
0x7cb: {  	v56 =	vor.u32 s24, v21;
	[tilespmem:v49+s20+$0x0] =	vst.idx.msk $0xffff, v48;
	v55 =	vld [tilespmem:s9+$0x0]  }
0x7cc: {  	[tilespmem:v50+s20+$0x0] =	vst.idx.msk $0xffff, v36  }
0x7cd: {  	[tilespmem:v51+s20+$0x0] =	vst.idx.msk $0xffff, v40  }
0x7ce: {  	s9 =	sor.u32 $0x860, s14;
	[tilespmem:v52+s20+$0x0] =	vst.idx.msk $0xffff, v42  }
0x7cf: {  	v58 =	vor.u32 s28, v22;
	v57 =	vld [tilespmem:s9+$0x0];
	[tilespmem:v54+s20+$0x0] =	vst.idx.msk $0xffff, v53  }
0x7d0: {  	v59 =	vor.u32 s4, v11;
	v36 =	vld [tilespmem:s2+$0x430];
	[tilespmem:v56+s20+$0x0] =	vst.idx.msk $0xffff, v55  }
0x7d1: {  	v60 =	vor.u32 s29, v11;
	v40 =	vld [tilespmem:s7+$0x430];
	s9 =	sld [smem:$0x73C]  }
0x7d2: {  	v61 =	vor.u32 s12, v11;
	v42 =	vld [tilespmem:s5+$0x430]  }
0x7d3: {  	v62 =	vor.u32 s1, v11;
	v32 =	vld [tilespmem:s3+$0x430]  }
0x7d4: {  	v45 =	vor.u32 s26, v21;
	[tilespmem:v58+s20+$0x0] =	vst.idx.msk $0xffff, v57;
	v63 =	vld [tilespmem:s9+$0x0]  }
0x7d5: {  	[tilespmem:v59+s20+$0x0] =	vst.idx.msk $0xffff, v36  }
0x7d6: {  	[tilespmem:v60+s20+$0x0] =	vst.idx.msk $0xffff, v40  }
0x7d7: {  	[tilespmem:v61+s20+$0x0] =	vst.idx.msk $0xffff, v42;
	s9 =	sor.u32 $0x870, s14  }
0x7d8: {  	v47 =	vor.u32 s28, v23;
	[tilespmem:v62+s20+$0x0] =	vst.idx.msk $0xffff, v32;
	v46 =	vld [tilespmem:s9+$0x0]  }
0x7d9: {  	v48 =	vor.u32 s4, v12;
	v36 =	vld [tilespmem:s2+$0x440];
	[tilespmem:v45+s20+$0x0] =	vst.idx.msk $0xffff, v63  }
0x7da: {  	v49 =	vor.u32 s29, v12;
	v40 =	vld [tilespmem:s7+$0x440];
	s9 =	sld [smem:$0x736]  }
0x7db: {  	v50 =	vor.u32 s12, v12;
	v42 =	vld [tilespmem:s5+$0x440]  }
0x7dc: {  	v51 =	vor.u32 s1, v12;
	v32 =	vld [tilespmem:s3+$0x440]  }
0x7dd: {  	v53 =	vor.u32 s25, v22;
	[tilespmem:v47+s20+$0x0] =	vst.idx.msk $0xffff, v46;
	v52 =	vld [tilespmem:s9+$0x0]  }
0x7de: {  	[tilespmem:v48+s20+$0x0] =	vst.idx.msk $0xffff, v36  }
0x7df: {  	[tilespmem:v49+s20+$0x0] =	vst.idx.msk $0xffff, v40  }
0x7e0: {  	[tilespmem:v50+s20+$0x0] =	vst.idx.msk $0xffff, v42;
	s9 =	sor.u32 $0xC00, s14  }
0x7e1: {  	v54 =	vor.u32 s28, v24;
	[tilespmem:v51+s20+$0x0] =	vst.idx.msk $0xffff, v32;
	v37 =	vld [tilespmem:s9+$0x0]  }
0x7e2: {  	v55 =	vor.u32 s4, v13;
	v36 =	vld [tilespmem:s2+$0x450];
	[tilespmem:v53+s20+$0x0] =	vst.idx.msk $0xffff, v52  }
0x7e3: {  	v56 =	vor.u32 s29, v13;
	v40 =	vld [tilespmem:s7+$0x450];
	s9 =	sld [smem:$0x735]  }
0x7e4: {  	v57 =	vor.u32 s12, v13;
	v42 =	vld [tilespmem:s5+$0x450]  }
0x7e5: {  	v58 =	vor.u32 s1, v13;
	v32 =	vld [tilespmem:s3+$0x450]  }
0x7e6: {  	v60 =	vor.u32 s24, v22;
	[tilespmem:v54+s20+$0x0] =	vst.idx.msk $0xffff, v37;
	v59 =	vld [tilespmem:s9+$0x0]  }
0x7e7: {  	[tilespmem:v55+s20+$0x0] =	vst.idx.msk $0xffff, v36  }
0x7e8: {  	[tilespmem:v56+s20+$0x0] =	vst.idx.msk $0xffff, v40  }
0x7e9: {  	[tilespmem:v57+s20+$0x0] =	vst.idx.msk $0xffff, v42;
	s9 =	sor.u32 $0xC10, s14  }
0x7ea: {  	v61 =	vor.u32 s28, v25;
	[tilespmem:v58+s20+$0x0] =	vst.idx.msk $0xffff, v32;
	v37 =	vld [tilespmem:s9+$0x0]  }
0x7eb: {  	v62 =	vor.u32 s4, v14;
	v36 =	vld [tilespmem:s2+$0x460];
	[tilespmem:v60+s20+$0x0] =	vst.idx.msk $0xffff, v59  }
0x7ec: {  	v63 =	vor.u32 s29, v14;
	v40 =	vld [tilespmem:s7+$0x460];
	s9 =	sld [smem:$0x73D]  }
0x7ed: {  	v45 =	vor.u32 s12, v14;
	v42 =	vld [tilespmem:s5+$0x460]  }
0x7ee: {  	v46 =	vor.u32 s1, v14;
	v32 =	vld [tilespmem:s3+$0x460]  }
0x7ef: {  	v48 =	vor.u32 s26, v22;
	[tilespmem:v61+s20+$0x0] =	vst.idx.msk $0xffff, v37;
	v47 =	vld [tilespmem:s9+$0x0]  }
0x7f0: {  	[tilespmem:v62+s20+$0x0] =	vst.idx.msk $0xffff, v36;
	s9 =	sor.u32 $0xC20, s14  }
0x7f1: {  	v37 =	vld [tilespmem:s9+$0x0];
	s9 =	sld [smem:$0x741];
	[tilespmem:v63+s20+$0x0] =	vst.idx.msk $0xffff, v40  }
0x7f2: {  	[tilespmem:v45+s20+$0x0] =	vst.idx.msk $0xffff, v42  }
0x7f3: {  	v49 =	vor.u32 s28, v26;
	[tilespmem:v46+s20+$0x0] =	vst.idx.msk $0xffff, v32  }
0x7f4: {  	v50 =	vor.u32 s4, v15;
	v36 =	vld [tilespmem:s2+$0x470];
	[tilespmem:v48+s20+$0x0] =	vst.idx.msk $0xffff, v47  }
0x7f5: {  	v51 =	vor.u32 s29, v15;
	v40 =	vld [tilespmem:s7+$0x470];
	s8 =	sld [smem:$0x738]  }
0x7f6: {  	v52 =	vor.u32 s12, v15;
	v42 =	vld [tilespmem:s5+$0x470]  }
0x7f7: {  	v53 =	vor.u32 s1, v15;
	v32 =	vld [tilespmem:s3+$0x470];
	s2 =	sadd.s32 $0x2, s9  }
0x7f8: {  	v55 =	vor.u32 s25, v23;
	s2 =	sand.u32 $0x3, s2;
	[tilespmem:v49+s20+$0x0] =	vst.idx.msk $0xffff, v37;
	v54 =	vld [tilespmem:s8+$0x0]  }
0x7f9: {  	s2 =	sshll.u32 s2, $0x8;
	[tilespmem:v50+s20+$0x0] =	vst.idx.msk $0xffff, v36  }
0x7fa: {  	s2 =	sadd.s32 s10, s2;
	[tilespmem:v51+s20+$0x0] =	vst.idx.msk $0xffff, v40  }
0x7fb: {  	s9 =	sor.u32 $0xC30, s14;
	[tilespmem:v52+s20+$0x0] =	vst.idx.msk $0xffff, v42;
	s2 =	sadd.s32 $0x100, s2  }
0x7fc: {  	s6 =	sadd.s32 s10, s6;
	s0 =	sadd.s32 s0, s10;
	v56 =	vor.u32 s28, v27;
	v37 =	vld [tilespmem:s9+$0x0];
	[tilespmem:v53+s20+$0x0] =	vst.idx.msk $0xffff, v32;
	s5 =	sor.u32 $0x800, s2  }
0x7fd: {  	v57 =	vor.u32 s4, v16;
	s7 =	sor.u32 $0x800, s0;
	s3 =	sadd.s32 $0x180, s6;
	v36 =	vld [tilespmem:s5+$0x0];
	[tilespmem:v55+s20+$0x0] =	vst.idx.msk $0xffff, v54  }
0x7fe: {  	v58 =	vor.u32 s29, v16;
	s9 =	sor.u32 $0x800, s3;
	v40 =	vld [tilespmem:s7+$0x0];
	s5 =	sadd.s32 $0x80, s6;
	s10 =	sld [smem:$0x737]  }
0x7ff: {  	v60 =	vor.u32 s1, v16;
	v32 =	vld [tilespmem:s9+$0x0];
	s8 =	sor.u32 $0x800, s5  }
0x800: {  	v59 =	vor.u32 s12, v16;
	v42 =	vld [tilespmem:s8+$0x0]  }
0x801: {  	v62 =	vor.u32 s24, v23;
	[tilespmem:v56+s20+$0x0] =	vst.idx.msk $0xffff, v37;
	v61 =	vld [tilespmem:s10+$0x0]  }
0x802: {  	[tilespmem:v57+s20+$0x0] =	vst.idx.msk $0xffff, v36  }
0x803: {  	[tilespmem:v58+s20+$0x0] =	vst.idx.msk $0xffff, v40  }
0x804: {  	s7 =	sor.u32 $0xC40, s14;
	[tilespmem:v60+s20+$0x0] =	vst.idx.msk $0xffff, v32  }
0x805: {  	v63 =	vor.u32 s28, v28;
	s8 =	sor.u32 $0x810, s2;
	v37 =	vld [tilespmem:s7+$0x0];
	[tilespmem:v59+s20+$0x0] =	vst.idx.msk $0xffff, v42  }
0x806: {  	v45 =	vor.u32 s4, v17;
	s9 =	sor.u32 $0x810, s0;
	v36 =	vld [tilespmem:s8+$0x0];
	[tilespmem:v62+s20+$0x0] =	vst.idx.msk $0xffff, v61  }
0x807: {  	v46 =	vor.u32 s29, v17;
	v40 =	vld [tilespmem:s9+$0x0];
	s10 =	sor.u32 $0x810, s5;
	s8 =	sld [smem:$0x73E]  }
0x808: {  	v47 =	vor.u32 s12, v17;
	s7 =	sor.u32 $0x810, s3;
	v42 =	vld [tilespmem:s10+$0x0]  }
0x809: {  	v48 =	vor.u32 s1, v17;
	v32 =	vld [tilespmem:s7+$0x0]  }
0x80a: {  	v50 =	vor.u32 s26, v23;
	[tilespmem:v63+s20+$0x0] =	vst.idx.msk $0xffff, v37;
	v49 =	vld [tilespmem:s8+$0x0]  }
0x80b: {  	[tilespmem:v45+s20+$0x0] =	vst.idx.msk $0xffff, v36  }
0x80c: {  	[tilespmem:v46+s20+$0x0] =	vst.idx.msk $0xffff, v40  }
0x80d: {  	s9 =	sor.u32 $0xC50, s14;
	[tilespmem:v47+s20+$0x0] =	vst.idx.msk $0xffff, v42  }
0x80e: {  	v51 =	vor.u32 s28, v29;
	s10 =	sor.u32 $0x820, s2;
	[tilespmem:v48+s20+$0x0] =	vst.idx.msk $0xffff, v32;
	v37 =	vld [tilespmem:s9+$0x0]  }
0x80f: {  	v52 =	vor.u32 s4, v18;
	s7 =	sor.u32 $0x820, s0;
	v36 =	vld [tilespmem:s10+$0x0];
	[tilespmem:v50+s20+$0x0] =	vst.idx.msk $0xffff, v49  }
0x810: {  	v53 =	vor.u32 s29, v18;
	v40 =	vld [tilespmem:s7+$0x0];
	s8 =	sor.u32 $0x820, s5;
	s10 =	sld [smem:$0x73A]  }
0x811: {  	v54 =	vor.u32 s12, v18;
	s9 =	sor.u32 $0x820, s3;
	v42 =	vld [tilespmem:s8+$0x0]  }
0x812: {  	v55 =	vor.u32 s1, v18;
	v32 =	vld [tilespmem:s9+$0x0]  }
0x813: {  	v57 =	vor.u32 s25, v24;
	[tilespmem:v51+s20+$0x0] =	vst.idx.msk $0xffff, v37;
	v56 =	vld [tilespmem:s10+$0x0]  }
0x814: {  	[tilespmem:v52+s20+$0x0] =	vst.idx.msk $0xffff, v36  }
0x815: {  	[tilespmem:v53+s20+$0x0] =	vst.idx.msk $0xffff, v40  }
0x816: {  	s7 =	sor.u32 $0xC60, s14;
	[tilespmem:v54+s20+$0x0] =	vst.idx.msk $0xffff, v42  }
0x817: {  	v58 =	vor.u32 s28, v30;
	s8 =	sor.u32 $0x830, s2;
	[tilespmem:v55+s20+$0x0] =	vst.idx.msk $0xffff, v32;
	v37 =	vld [tilespmem:s7+$0x0]  }
0x818: {  	v59 =	vor.u32 s4, v19;
	s9 =	sor.u32 $0x830, s0;
	v36 =	vld [tilespmem:s8+$0x0];
	[tilespmem:v57+s20+$0x0] =	vst.idx.msk $0xffff, v56  }
0x819: {  	v60 =	vor.u32 s29, v19;
	v40 =	vld [tilespmem:s9+$0x0];
	s10 =	sor.u32 $0x830, s5;
	s8 =	sld [smem:$0x739]  }
0x81a: {  	v61 =	vor.u32 s12, v19;
	s7 =	sor.u32 $0x830, s3;
	v42 =	vld [tilespmem:s10+$0x0]  }
0x81b: {  	v62 =	vor.u32 s1, v19;
	v32 =	vld [tilespmem:s7+$0x0]  }
0x81c: {  	v45 =	vor.u32 s24, v24;
	s9 =	sor.u32 $0xC70, s14;
	[tilespmem:v58+s20+$0x0] =	vst.idx.msk $0xffff, v37;
	v63 =	vld [tilespmem:s8+$0x0]  }
0x81d: {  	v46 =	vor.u32 s28, v31;
	[tilespmem:v59+s20+$0x0] =	vst.idx.msk $0xffff, v36;
	v37 =	vld [tilespmem:s9+$0x0]  }
0x81e: {  	[tilespmem:v60+s20+$0x0] =	vst.idx.msk $0xffff, v40  }
0x81f: {  	[tilespmem:v61+s20+$0x0] =	vst.idx.msk $0xffff, v42  }
0x820: {  	s10 =	sor.u32 $0x840, s2;
	[tilespmem:v62+s20+$0x0] =	vst.idx.msk $0xffff, v32  }
0x821: {  	v47 =	vor.u32 s4, v20;
	s14 =	sor.u32 $0x840, s0;
	v36 =	vld [tilespmem:s10+$0x0];
	[tilespmem:v45+s20+$0x0] =	vst.idx.msk $0xffff, v63  }
0x822: {  	v48 =	vor.u32 s29, v20;
	s28 =	sor.u32 $0x840, s5;
	v40 =	vld [tilespmem:s14+$0x0];
	s8 =	sld [smem:$0x73F];
	[tilespmem:v46+s20+$0x0] =	vst.idx.msk $0xffff, v37  }
0x823: {  	v49 =	vor.u32 s12, v20;
	s7 =	sor.u32 $0x840, s3;
	v42 =	vld [tilespmem:s28+$0x0];
	s9 =	sld [smem:$0x73B]  }
0x824: {  	v50 =	vor.u32 s1, v20;
	v32 =	vld [tilespmem:s7+$0x0]  }
0x825: {  	v52 =	vor.u32 s26, v24;
	v51 =	vld [tilespmem:s8+$0x0]  }
0x826: {  	v54 =	vor.u32 s25, v25;
	[tilespmem:v47+s20+$0x0] =	vst.idx.msk $0xffff, v36;
	v53 =	vld [tilespmem:s9+$0x0]  }
0x827: {  	[tilespmem:v48+s20+$0x0] =	vst.idx.msk $0xffff, v40  }
0x828: {  	s10 =	sor.u32 $0x850, s2;
	[tilespmem:v49+s20+$0x0] =	vst.idx.msk $0xffff, v42  }
0x829: {  	v55 =	vor.u32 s4, v21;
	s14 =	sor.u32 $0x850, s0;
	[tilespmem:v50+s20+$0x0] =	vst.idx.msk $0xffff, v32;
	v36 =	vld [tilespmem:s10+$0x0]  }
0x82a: {  	v56 =	vor.u32 s29, v21;
	s28 =	sor.u32 $0x850, s5;
	v40 =	vld [tilespmem:s14+$0x0];
	[tilespmem:v52+s20+$0x0] =	vst.idx.msk $0xffff, v51  }
0x82b: {  	v57 =	vor.u32 s12, v21;
	s7 =	sor.u32 $0x850, s3;
	v42 =	vld [tilespmem:s28+$0x0];
	s8 =	rddreg [dreg:$0x1f];
	[tilespmem:v54+s20+$0x0] =	vst.idx.msk $0xffff, v53  }
0x82c: {  	v58 =	vor.u32 s1, v21;
	v33 =	vld [tilespmem:s7+$0x0];
	s9 =	sld [smem:$0x740]  }
0x82d: {  	v60 =	vor.u32 s24, v25;
	v59 =	vld [tilespmem:s8+$0x0]  }
0x82e: {  	[tilespmem:v55+s20+$0x0] =	vst.idx.msk $0xffff, v36  }
0x82f: {  	v62 =	vor.u32 s26, v25;
	s10 =	sor.u32 $0x860, s2;
	[tilespmem:v56+s20+$0x0] =	vst.idx.msk $0xffff, v40;
	v61 =	vld [tilespmem:s9+$0x0]  }
0x830: {  	v63 =	vor.u32 s4, v22;
	s14 =	sor.u32 $0x860, s0;
	[tilespmem:v57+s20+$0x0] =	vst.idx.msk $0xffff, v42;
	v36 =	vld [tilespmem:s10+$0x0]  }
0x831: {  	v45 =	vor.u32 s29, v22;
	s28 =	sor.u32 $0x860, s5;
	[tilespmem:v58+s20+$0x0] =	vst.idx.msk $0xffff, v33;
	v40 =	vld [tilespmem:s14+$0x0]  }
0x832: {  	v47 =	vor.u32 s12, v22;
	s7 =	sor.u32 $0x860, s3;
	v46 =	vld [tilespmem:s28+$0x0];
	[tilespmem:v60+s20+$0x0] =	vst.idx.msk $0xffff, v59  }
0x833: {  	v48 =	vor.u32 s1, v22;
	v34 =	vld [tilespmem:s7+$0x0];
	s8 =	rddreg [dreg:$0x14]  }
0x834: {  	v50 =	vor.u32 s25, v26;
	v49 =	vld [tilespmem:s8+$0x0];
	[tilespmem:v62+s20+$0x0] =	vst.idx.msk $0xffff, v61  }
0x835: {  	s9 =	rddreg [dreg:$0x18];
	[tilespmem:v63+s20+$0x0] =	vst.idx.msk $0xffff, v36  }
0x836: {  	v52 =	vor.u32 s24, v26;
	s10 =	sor.u32 $0x870, s2;
	[tilespmem:v45+s20+$0x0] =	vst.idx.msk $0xffff, v40;
	v51 =	vld [tilespmem:s9+$0x0]  }
0x837: {  	v53 =	vor.u32 s4, v23;
	s14 =	sor.u32 $0x870, s0;
	[tilespmem:v47+s20+$0x0] =	vst.idx.msk $0xffff, v46;
	v36 =	vld [tilespmem:s10+$0x0]  }
0x838: {  	v54 =	vor.u32 s29, v23;
	s28 =	sor.u32 $0x870, s5;
	[tilespmem:v48+s20+$0x0] =	vst.idx.msk $0xffff, v34;
	v32 =	vld [tilespmem:s14+$0x0]  }
0x839: {  	v56 =	vor.u32 s12, v23;
	s7 =	sor.u32 $0x870, s3;
	v55 =	vld [tilespmem:s28+$0x0];
	[tilespmem:v50+s20+$0x0] =	vst.idx.msk $0xffff, v49  }
0x83a: {  	v57 =	vor.u32 s1, v23;
	v35 =	vld [tilespmem:s7+$0x0];
	s8 =	rddreg [dreg:$0x1b]  }
0x83b: {  	v59 =	vor.u32 s26, v26;
	v58 =	vld [tilespmem:s8+$0x0];
	[tilespmem:v52+s20+$0x0] =	vst.idx.msk $0xffff, v51  }
0x83c: {  	s9 =	rddreg [dreg:$0xc];
	[tilespmem:v53+s20+$0x0] =	vst.idx.msk $0xffff, v36  }
0x83d: {  	v60 =	vor.u32 s25, v27;
	s10 =	sor.u32 $0xC00, s2;
	[tilespmem:v54+s20+$0x0] =	vst.idx.msk $0xffff, v32;
	v42 =	vld [tilespmem:s9+$0x0]  }
0x83e: {  	v61 =	vor.u32 s4, v24;
	s14 =	sor.u32 $0xC00, s0;
	[tilespmem:v56+s20+$0x0] =	vst.idx.msk $0xffff, v55;
	v36 =	vld [tilespmem:s10+$0x0]  }
0x83f: {  	v62 =	vor.u32 s29, v24;
	s28 =	sor.u32 $0xC00, s5;
	[tilespmem:v57+s20+$0x0] =	vst.idx.msk $0xffff, v35;
	v32 =	vld [tilespmem:s14+$0x0]  }
0x840: {  	v63 =	vor.u32 s12, v24;
	s7 =	sor.u32 $0xC00, s3;
	v34 =	vld [tilespmem:s28+$0x0];
	[tilespmem:v59+s20+$0x0] =	vst.idx.msk $0xffff, v58  }
0x841: {  	v45 =	vor.u32 s1, v24;
	v37 =	vld [tilespmem:s7+$0x0];
	s8 =	rddreg [dreg:$0x8]  }
0x842: {  	v47 =	vor.u32 s24, v27;
	v46 =	vld [tilespmem:s8+$0x0];
	[tilespmem:v60+s20+$0x0] =	vst.idx.msk $0xffff, v42  }
0x843: {  	v55 =	vor.u32 s25, v28;
	s10 =	sor.u32 $0xC10, s2;
	s9 =	rddreg [dreg:$0x11];
	[tilespmem:v61+s20+$0x0] =	vst.idx.msk $0xffff, v36;
	v54 =	vld [tilespmem:s23+$0x0]  }
0x844: {  	v50 =	vor.u32 s4, v25;
	s14 =	sor.u32 $0xC10, s0;
	[tilespmem:v62+s20+$0x0] =	vst.idx.msk $0xffff, v32;
	v36 =	vld [tilespmem:s10+$0x0]  }
0x845: {  	v51 =	vor.u32 s29, v25;
	s28 =	sor.u32 $0xC10, s5;
	[tilespmem:v63+s20+$0x0] =	vst.idx.msk $0xffff, v34;
	v32 =	vld [tilespmem:s14+$0x0]  }
0x846: {  	v52 =	vor.u32 s12, v25;
	s7 =	sor.u32 $0xC10, s3;
	[tilespmem:v45+s20+$0x0] =	vst.idx.msk $0xffff, v37;
	v34 =	vld [tilespmem:s28+$0x0]  }
0x847: {  	v53 =	vor.u32 s1, v25;
	v37 =	vld [tilespmem:s7+$0x0];
	[tilespmem:v47+s20+$0x0] =	vst.idx.msk $0xffff, v46  }
0x848: {  	v49 =	vor.u32 s26, v27;
	v48 =	vld [tilespmem:s9+$0x0];
	[tilespmem:v55+s20+$0x0] =	vst.idx.msk $0xffff, v54  }
0x849: {  	v57 =	vor.u32 s24, v28;
	s8 =	sor.u32 $0xC20, s2;
	v56 =	vld [tilespmem:s30+$0x0];
	[tilespmem:v50+s20+$0x0] =	vst.idx.msk $0xffff, v36  }
0x84a: {  	v58 =	vor.u32 s4, v26;
	s9 =	sor.u32 $0xC20, s0;
	[tilespmem:v51+s20+$0x0] =	vst.idx.msk $0xffff, v32;
	v36 =	vld [tilespmem:s8+$0x0]  }
0x84b: {  	v59 =	vor.u32 s29, v26;
	s10 =	sor.u32 $0xC20, s5;
	[tilespmem:v52+s20+$0x0] =	vst.idx.msk $0xffff, v34;
	v32 =	vld [tilespmem:s9+$0x0]  }
0x84c: {  	v60 =	vor.u32 s12, v26;
	s14 =	sor.u32 $0xC20, s3;
	[tilespmem:v53+s20+$0x0] =	vst.idx.msk $0xffff, v37;
	v34 =	vld [tilespmem:s10+$0x0]  }
0x84d: {  	v61 =	vor.u32 s1, v26;
	[tilespmem:v49+s20+$0x0] =	vst.idx.msk $0xffff, v48;
	v37 =	vld [tilespmem:s14+$0x0]  }
0x84e: {  	v46 =	vor.u32 s25, v29;
	v45 =	vld [tilespmem:s21+$0x0];
	[tilespmem:v57+s20+$0x0] =	vst.idx.msk $0xffff, v56  }
0x84f: {  	v63 =	vor.u32 s26, v28;
	s23 =	sor.u32 $0xC30, s2;
	v62 =	vld [tilespmem:s31+$0x0];
	[tilespmem:v58+s20+$0x0] =	vst.idx.msk $0xffff, v36  }
0x850: {  	s28 =	sor.u32 $0xC30, s0;
	v47 =	vor.u32 s4, v27;
	[tilespmem:v59+s20+$0x0] =	vst.idx.msk $0xffff, v32;
	v36 =	vld [tilespmem:s23+$0x0]  }
0x851: {  	s30 =	sor.u32 $0xC30, s5;
	v48 =	vor.u32 s29, v27;
	[tilespmem:v60+s20+$0x0] =	vst.idx.msk $0xffff, v34;
	v32 =	vld [tilespmem:s28+$0x0]  }
0x852: {  	v49 =	vor.u32 s12, v27;
	s31 =	sor.u32 $0xC30, s3;
	[tilespmem:v61+s20+$0x0] =	vst.idx.msk $0xffff, v37;
	v34 =	vld [tilespmem:s30+$0x0]  }
0x853: {  	v50 =	vor.u32 s1, v27;
	[tilespmem:v46+s20+$0x0] =	vst.idx.msk $0xffff, v45;
	v37 =	vld [tilespmem:s31+$0x0]  }
0x854: {  	v52 =	vor.u32 s24, v29;
	v51 =	vld [tilespmem:s19+$0x0];
	[tilespmem:v63+s20+$0x0] =	vst.idx.msk $0xffff, v62  }
0x855: {  	s7 =	sor.u32 $0xC40, s2;
	v59 =	vld [tilespmem:s16+$0x0];
	v60 =	vor.u32 s25, v30;
	[tilespmem:v47+s20+$0x0] =	vst.idx.msk $0xffff, v36  }
0x856: {  	v55 =	vor.u32 s4, v28;
	s8 =	sor.u32 $0xC40, s0;
	[tilespmem:v48+s20+$0x0] =	vst.idx.msk $0xffff, v32;
	v36 =	vld [tilespmem:s7+$0x0]  }
0x857: {  	s9 =	sor.u32 $0xC40, s5;
	v56 =	vor.u32 s29, v28;
	[tilespmem:v49+s20+$0x0] =	vst.idx.msk $0xffff, v34;
	v32 =	vld [tilespmem:s8+$0x0]  }
0x858: {  	s10 =	sor.u32 $0xC40, s3;
	v57 =	vor.u32 s12, v28;
	[tilespmem:v50+s20+$0x0] =	vst.idx.msk $0xffff, v37;
	v34 =	vld [tilespmem:s9+$0x0]  }
0x859: {  	v58 =	vor.u32 s1, v28;
	[tilespmem:v52+s20+$0x0] =	vst.idx.msk $0xffff, v51;
	v37 =	vld [tilespmem:s10+$0x0]  }
0x85a: {  	v54 =	vor.u32 s26, v29;
	v53 =	vld [tilespmem:s22+$0x0];
	[tilespmem:v60+s20+$0x0] =	vst.idx.msk $0xffff, v59  }
0x85b: {  	s14 =	sor.u32 $0xC50, s2;
	v62 =	vor.u32 s24, v30;
	v61 =	vld [tilespmem:s17+$0x0];
	[tilespmem:v55+s20+$0x0] =	vst.idx.msk $0xffff, v36  }
0x85c: {  	s16 =	sor.u32 $0xC50, s0;
	v63 =	vor.u32 s4, v29;
	[tilespmem:v56+s20+$0x0] =	vst.idx.msk $0xffff, v32;
	v36 =	vld [tilespmem:s14+$0x0]  }
0x85d: {  	v45 =	vor.u32 s29, v29;
	s17 =	sor.u32 $0xC50, s5;
	[tilespmem:v57+s20+$0x0] =	vst.idx.msk $0xffff, v34;
	v32 =	vld [tilespmem:s16+$0x0]  }
0x85e: {  	s19 =	sor.u32 $0xC50, s3;
	v46 =	vor.u32 s12, v29;
	[tilespmem:v58+s20+$0x0] =	vst.idx.msk $0xffff, v37;
	v34 =	vld [tilespmem:s17+$0x0]  }
0x85f: {  	[tilespmem:v54+s20+$0x0] =	vst.idx.msk $0xffff, v53;
	v47 =	vor.u32 s1, v29;
	v37 =	vld [tilespmem:s19+$0x0]  }
0x860: {  	v51 =	vor.u32 s25, v31;
	v50 =	vld [tilespmem:s13+$0x0];
	[tilespmem:v62+s20+$0x0] =	vst.idx.msk $0xffff, v61  }
0x861: {  	s21 =	sor.u32 $0xC60, s2;
	v49 =	vor.u32 s26, v30;
	v48 =	vld [tilespmem:s18+$0x0];
	[tilespmem:v63+s20+$0x0] =	vst.idx.msk $0xffff, v36  }
0x862: {  	s22 =	sor.u32 $0xC60, s0;
	v52 =	vor.u32 s4, v30;
	[tilespmem:v45+s20+$0x0] =	vst.idx.msk $0xffff, v32;
	v36 =	vld [tilespmem:s21+$0x0]  }
0x863: {  	s23 =	sor.u32 $0xC60, s5;
	v53 =	vor.u32 s29, v30;
	[tilespmem:v46+s20+$0x0] =	vst.idx.msk $0xffff, v34;
	v32 =	vld [tilespmem:s22+$0x0]  }
0x864: {  	s25 =	sor.u32 $0xC60, s3;
	v54 =	vor.u32 s12, v30;
	[tilespmem:v47+s20+$0x0] =	vst.idx.msk $0xffff, v37;
	v34 =	vld [tilespmem:s23+$0x0]  }
0x865: {  	[tilespmem:v51+s20+$0x0] =	vst.idx.msk $0xffff, v50;
	v55 =	vor.u32 s1, v30;
	v37 =	vld [tilespmem:s25+$0x0]  }
0x866: {  	[tilespmem:v49+s20+$0x0] =	vst.idx.msk $0xffff, v48;
	v56 =	vld [tilespmem:s11+$0x0];
	v57 =	vor.u32 s24, v31  }
0x867: {  	s2 =	sor.u32 $0xC70, s2;
	v59 =	vor.u32 s26, v31;
	v58 =	vld [tilespmem:s15+$0x0];
	[tilespmem:v52+s20+$0x0] =	vst.idx.msk $0xffff, v36  }
0x868: {  	s0 =	sor.u32 $0xC70, s0;
	v60 =	vor.u32 s4, v31;
	[tilespmem:v53+s20+$0x0] =	vst.idx.msk $0xffff, v32;
	v36 =	vld [tilespmem:s2+$0x0]  }
0x869: {  	s26 =	sor.u32 $0xC70, s5;
	v61 =	vor.u32 s29, v31;
	[tilespmem:v54+s20+$0x0] =	vst.idx.msk $0xffff, v34;
	v32 =	vld [tilespmem:s0+$0x0]  }
0x86a: {  	s28 =	sor.u32 $0xC70, s3;
	v62 =	vor.u32 s12, v31;
	[tilespmem:v55+s20+$0x0] =	vst.idx.msk $0xffff, v37;
	v34 =	vld [tilespmem:s26+$0x0]  }
0x86b: {  	[tilespmem:v57+s20+$0x0] =	vst.idx.msk $0xffff, v56;
	v63 =	vor.u32 s1, v31;
	v37 =	vld [tilespmem:s28+$0x0]  }
0x86c: {  	[tilespmem:v59+s20+$0x0] =	vst.idx.msk $0xffff, v58  }
0x86d: {  	[tilespmem:v60+s20+$0x0] =	vst.idx.msk $0xffff, v36  }
0x86e: {  	[tilespmem:v61+s20+$0x0] =	vst.idx.msk $0xffff, v32  }
0x86f: {  	[tilespmem:v62+s20+$0x0] =	vst.idx.msk $0xffff, v34  }
0x870: {  	[tilespmem:v63+s20+$0x0] =	vst.idx.msk $0xffff, v37  }
0x871: {  	s30 =	sld [smem:$0x7FC];
	_ =	sdelay $0x1  }
.Ltmp9:
0x872: {  	s31 =	simm.s32 $0x3;
	s29 =	simm.s32 $0x0;
	(pc) =	sbr.rel .LBB2_15-.Ltmp9, $4  }
0x873: {  	[hbm4b:s30+s29] =	stream.linear.scatter [tilespmem:s20], [sflag:$0x3], $0x2000, $0x38;
	[tilespmem:$0x6000] =	vst v63  }
0x874: {  	_ =	swait.ge [sflag:s31], $0x2000  }
0x875: {  	[sflag:s31] =	ssyncset.done $0x0  }
0x876: {  	s1 =	sld [smem:$0x7F0];
	[sflag:s31] =	ssyncadd.s32 $0xFFFFE000  }
.LBB2_16:
0x877: {  	_ =	sfence.sel $0x180000  }
0x878: {  	[bflag:$0x0] =	sbarrier.arrive $0xFFFF  }
0x879: {  	_ =	strace $0x90000047  }
0x87a: {  	s0 =	stileid.u32;
	[bflag:$0x2] =	sbarrier.arrive $0xFFFF  }
0x87b: {  	p0 =	sne.s32 s0, $0x0;
	s0 =	rddreg [dreg:$0x3]  }
0x87c: {  	s0 =	sadd.s32 @!p0 $0x100000, s0  }
0x87d: {  	[sflag:s0] =	ssyncadd.tile.s32 @!p0 $0x1;
	_ =	shalt  }
.Lfunc_end2:
_tile_overlayer_lowered:
.L_overlay_start_2:
0x87e: {  	(tag) =	ssettag $0x2  }
0x87f: {  	s0 =	rddreg [dreg:$0x0];
	s2 =	stileid.u32  }
0x880: {  	s1 =	rddreg [dreg:$0x1];
	p0 =	sne.s32 s2, $0x0  }
0x881: {  	s3 =	rddreg [dreg:$0x2];
	[bflag:$0x3] =	sbarrier.arrive $0xFFFF;
	s2 =	simm.s32 @!p0 $0x1C03  }
0x882: {  	[timem:s3], [sflag:s2] =	dma.local @!p0 [hbm:s0], s1  }
0x883: {  	s0 =	simm.s32 @!p0 $0x3  }
0x884: {  	_ =	swait.ge @!p0 [sflag:s0], s1  }
0x885: {  	s1 =	ssub.s32 @!p0 $0x0, s1;
	[sflag:s0] =	ssyncset.done @!p0 $0x0  }
0x886: {  	[sflag:s0] =	ssyncadd.s32 @!p0 s1  }
0x887: {  	[bflag:$0x3] =	sbarrier.arrive $0xFFFF  }
0x888: {  	_ =	shalt  }

// kernel: kernel.8.cloned.1.call-start
scs
__scs_entry_jumppad:
0x0: {  	(pc) =	sbr.rel $0x88, $3  }
0x1: {  	(tag) =	ssettag $0x0;
	lr =	simm.s32 $0x1  }
0x2: {  	[smem:$0x3F97] =	sst lr;
	_ =	strace $0xD0000000  }
0x3: {  	_ = 	snop  }
0x4: {  	_ = 	snop  }
0x5: {  	_ = 	snop  }
0x6: {  	_ = 	snop  }
0x7: {  	_ = 	snop  }
__scs_overlays_trampoline_lowered:
0x8: {  	[smem:$0x3FA6] =	sst s0  }
0x9: {  	[smem:$0x3FA7] =	sst s1  }
0xa: {  	[smem:$0x3FA8] =	sst s2  }
0xb: {  	[smem:$0x3FA9] =	sst s3  }
0xc: {  	[smem:$0x3FAA] =	sst s4  }
0xd: {  	[smem:$0x3FAB] =	sst s5  }
0xe: {  	[smem:$0x3FAC] =	sst s6  }
0xf: {  	[smem:$0x3FAD] =	sst s7  }
0x10: {  	[smem:$0x3FAE] =	sst s8  }
0x11: {  	[smem:$0x3FAF] =	sst s9;
	s0 =	simm.s32 @!p0 $0x0  }
0x12: {  	s1 =	sld [smem:$0x3F95];
	s0 =	simm.s32 @p0 $0x1  }
0x13: {  	[smem:$0x3FB0] =	sst s0;
	s0 =	simm.s32 @!p1 $0x0  }
0x14: {  	s2 =	sld [smem:$0x3F94];
	s0 =	simm.s32 @p1 $0x1  }
0x15: {  	[smem:$0x3FB1] =	sst s0;
	s0 =	simm.s32 @!p2 $0x0  }
0x16: {  	s3 =	sld [smem:$0x3FDB];
	s0 =	simm.s32 @p2 $0x1  }
0x17: {  	s4 =	simm.s32 $0x1BF5;
	[smem:$0x3FB3] =	sst s0  }
0x18: {  	s0 =	sld [smem:$0x3F96];
	_ =	swait.ge [sflag:s4], $0x0  }
0x19: {  	s7 =	sld [smem:$0x3F97]  }
0x1a: {  	s8 =	sadd.s32 $0xFFFFE003, lr  }
0x1b: {  	s9 =	sadd.s32 $0xFFFFFEF7, lr;
	s5 =	simm.s32 $0xFFFFFFFF;
	p2 =	slt.u32 s8, $0xFFFFF086  }
0x1c: {  	p1 =	slt.u32 s9, $0xF7A;
	s5 =	simm.s32 @!p2 $0x0  }
0x1d: {  	s5 =	simm.s32 @p1 $0x1;
	p0 =	seq.s32 s7, s2  }
0x1e: {  	s7 =	smul.u32 @!p0 $0xF7A, s2;
	p2 =	seq.s32 @!p0 s5, $0x0  }
0x1f: {  	s9 =	smul.u32 $0xF7A, s1;
	s8 =	simm.s32 @!p0 $0x1BF5;
	p2 =	por !p2, p0  }
0x20: {  	[sflag:s8] =	ssyncset.s32 @!p0 $0xFFFFF086;
	s6 =	sadd.s32 @!p0 s3, s7;
	s7 =	simm.s32 @!p0 $0x108  }
0x21: {  	s3 =	sadd.s32 s3, s9;
	s6 =	sadd.s32 @!p0 $0x88, s6;
	s7 =	simm.s32 @p2 $0x1082  }
0x22: {  	[simem:s7], [sflag:s8] =	dma.local @!p0 [hbm:s6], $0xF7A  }
0x23: {  	s9 =	sor.u32 $0xD0000000, s2;
	s6 =	simm.s32 $0x108;
	_ =	swait.ge @!p0 [sflag:s8], $0x0  }
0x24: {  	s3 =	sadd.s32 $0x88, s3;
	s6 =	simm.s32 @!p1 $0x1082;
	[sflag:s4] =	ssyncset.s32 $0xFFFFF086  }
0x25: {  	[simem:s6], [sflag:s4] =	dma.local [hbm:s3], $0xF7A  }
0x26: {  	[smem:$0x3F97] =	sst s1;
	(tag) =	ssettag s2;
	_ =	strace s9  }
0x27: {  	s1 =	sld [smem:$0x3FA7]  }
0x28: {  	s2 =	sld [smem:$0x3FA8]  }
0x29: {  	s4 =	sld [smem:$0x3FAA]  }
0x2a: {  	p0 =	seq.s32 s5, $0x0;
	s5 =	sld [smem:$0x3FAB]  }
0x2b: {  	s6 =	sld [smem:$0x3FAC]  }
0x2c: {  	s7 =	sld [smem:$0x3FAD]  }
0x2d: {  	s3 =	simm.s32 $0x108;
	s8 =	sld [smem:$0x3FAE]  }
0x2e: {  	s3 =	simm.s32 @!p0 $0x1082;
	s9 =	sld [smem:$0x3FAF]  }
0x2f: {  	lr =	sadd.s32 s0, s3;
	s0 =	sld [smem:$0x3FA6]  }
0x30: {  	s3 =	sld [smem:$0x3FA9]  }
0x31: {  	[smem:$0x3FB2] =	sst s10  }
0x32: {  	s10 =	sld [smem:$0x3FB0];
	_ =	sdelay $0x3  }
0x33: {  	p0 =	seq.s32 s10, $0x1;
	s10 =	sld [smem:$0x3FB2];
	_ =	sdelay $0x3  }
0x34: {  	[smem:$0x3FB2] =	sst s10  }
0x35: {  	s10 =	sld [smem:$0x3FB1];
	_ =	sdelay $0x3  }
0x36: {  	p1 =	seq.s32 s10, $0x1;
	s10 =	sld [smem:$0x3FB2];
	_ =	sdelay $0x3  }
0x37: {  	[smem:$0x3FB2] =	sst s10  }
0x38: {  	s10 =	sld [smem:$0x3FB3]  }
0x39: {  	_ = 	snop;
	(pc) =	sbr.ind lr, $3  }
0x3a: {  	_ = 	snop  }
0x3b: {  	_ = 	snop  }
0x3c: {  	p2 =	seq.s32 s10, $0x1;
	s10 =	sld [smem:$0x3FB2]  }
0x3d: {  	_ =	shalt  }
0x3e: {  	_ =	shalt  }
0x3f: {  	_ =	shalt  }
0x40: {  	_ =	shalt  }
0x41: {  	_ =	shalt  }
0x42: {  	_ =	shalt  }
0x43: {  	_ =	shalt  }
0x44: {  	_ =	shalt  }
0x45: {  	_ =	shalt  }
0x46: {  	_ =	shalt  }
0x47: {  	_ =	shalt  }
0x48: {  	_ =	shalt  }
0x49: {  	_ =	shalt  }
0x4a: {  	_ =	shalt  }
0x4b: {  	_ =	shalt  }
0x4c: {  	_ =	shalt  }
0x4d: {  	_ =	shalt  }
0x4e: {  	_ =	shalt  }
0x4f: {  	_ =	shalt  }
0x50: {  	_ =	shalt  }
0x51: {  	_ =	shalt  }
0x52: {  	_ =	shalt  }
0x53: {  	_ =	shalt  }
0x54: {  	_ =	shalt  }
0x55: {  	_ =	shalt  }
0x56: {  	_ =	shalt  }
0x57: {  	_ =	shalt  }
0x58: {  	_ =	shalt  }
0x59: {  	_ =	shalt  }
0x5a: {  	_ =	shalt  }
0x5b: {  	_ =	shalt  }
0x5c: {  	_ =	shalt  }
0x5d: {  	_ =	shalt  }
0x5e: {  	_ =	shalt  }
0x5f: {  	_ =	shalt  }
0x60: {  	_ =	shalt  }
0x61: {  	_ =	shalt  }
0x62: {  	_ =	shalt  }
0x63: {  	_ =	shalt  }
0x64: {  	_ =	shalt  }
0x65: {  	_ =	shalt  }
0x66: {  	_ =	shalt  }
0x67: {  	_ =	shalt  }
0x68: {  	_ =	shalt  }
0x69: {  	_ =	shalt  }
0x6a: {  	_ =	shalt  }
0x6b: {  	_ =	shalt  }
0x6c: {  	_ =	shalt  }
0x6d: {  	_ =	shalt  }
0x6e: {  	_ =	shalt  }
0x6f: {  	_ =	shalt  }
0x70: {  	_ =	shalt  }
0x71: {  	_ =	shalt  }
0x72: {  	_ =	shalt  }
0x73: {  	_ =	shalt  }
0x74: {  	_ =	shalt  }
0x75: {  	_ =	shalt  }
0x76: {  	_ =	shalt  }
0x77: {  	_ =	shalt  }
0x78: {  	_ =	shalt  }
0x79: {  	_ =	shalt  }
0x7a: {  	_ =	shalt  }
0x7b: {  	_ =	shalt  }
0x7c: {  	_ =	shalt  }
0x7d: {  	_ =	shalt  }
0x7e: {  	_ =	shalt  }
0x7f: {  	_ =	shalt  }
0x80: {  	_ =	shalt  }
0x81: {  	_ =	shalt  }
0x82: {  	_ =	shalt  }
0x83: {  	_ =	shalt  }
0x84: {  	_ =	shalt  }
0x85: {  	_ =	shalt  }
0x86: {  	_ =	shalt  }
0x87: {  	_ =	shalt  }
.Lfunc_end0:
.L_simem_size_0:
called_computation.1_lowered:
.L_overlay_start_0:
0x88: {  	s2 =	sld [smem:$0x3FD9]  }
0x89: {  	s3 =	sld [smem:$0x3FFE];
	_ =	sdelay $0x1  }
0x8a: {  	s1 =	srdreg.scid  }
0x8b: {  	s0 =	sand.u32 $0x1, s1  }
0x8c: {  	s16 =	sshll.u32 s0, $0xA;
	s2 =	sadd.s32 s3, s2  }
0x8d: {  	s2 =	sadd.s32 s2, s16  }
0x8e: {  	[smem:$0x3FBE] =	sst s2  }
0x8f: {  	_ = 	snop  }
0x90: {  	(tm) =	ssettm $0x1  }
0x91: {  	s17 =	sld [smem:$0x3FFB];
	_ =	sdelay $0x3  }
0x92: {  	_ =	strace s17  }
0x93: {  	s2 =	sld [smem:$0x3FFC];
	_ =	sdelay $0x3  }
0x94: {  	_ =	strace s2  }
0x95: {  	s2 =	sld [smem:$0x3FFD];
	_ =	sdelay $0x3  }
0x96: {  	_ =	strace s2  }
0x97: {  	_ =	strace $0x8FFFFFFF  }
0x98: {  	s18 =	sld [smem:$0x3FDB];
	_ =	sdelay $0x1  }
0x99: {  	s19 =	simm.s32 $_scs_section_size  }
0x9a: {  	s4 =	simm.s32 $_size__tile_overlayer_lowered;
	s5 =	simm.s32 $_tile_overlayer_lowered  }
0x9b: {  	s22 =	simm.s32 $0x1BFF;
	s21 =	sshll.u32 s5, $0x1;
	s2 =	sadd.s32 s19, s18  }
0x9c: {  	s6 =	simm.s32 $0x0;
	s20 =	sshll.u32 s4, $0x1;
	s4 =	sadd.s32 s21, s2  }
0x9d: {  	[timem:s6], [sflag:s22] =	dma.local [hbm:s4], s20  }
0x9e: {  	_ =	swait.ge [sflag:s22], s20  }
0x9f: {  	s3 =	ssub.s32 $0x0, s20;
	[sflag:s22] =	ssyncset.done $0x0  }
0xa0: {  	[sflag:s22] =	ssyncadd.s32 s3;
	_ =	sdelay $0x1  }
0xa1: {  	s23 =	simm.s32 $0x1B8B  }
0xa2: {  	_ =	swait.ge [sflag:s23], $0x1  }
0xa3: {  	[sflag:s23] =	ssyncset.done $0x0  }
0xa4: {  	s25 =	simm.s32 $0x1B8E;
	s24 =	sld [smem:$0x3FFE];
	[sflag:s23] =	ssyncadd.s32 $0xFFFFFFFF  }
0xa5: {  	s26 =	simm.s32 $execute0_lowered;
	[smem:$0x3FD2] =	sst s25  }
0xa6: {  	s4 =	sshll.u32 s26, $0x1;
	_ =	strace $0x80000049;
	[dreg:$0x1] =	wrdreg $0xFFFFFFFF  }
0xa7: {  	s28 =	simm.s32 $_size_execute0_lowered;
	s2 =	sadd.s32 s2, s4;
	[dreg:$0x0] =	wrdreg $0x0  }
0xa8: {  	s4 =	sshll.u32 s28, $0x1;
	[dreg:$0x2] =	wrdreg s2  }
0xa9: {  	[dreg:$0x3] =	wrdreg s4  }
0xaa: {  	[dreg:$0x4] =	wrdreg $0xC0  }
0xab: {  	_ =	task [dreg:s6], $0x5FFFF  }
0xac: {  	[dreg:$0x1] =	wrdreg $0xFFFFFFFF  }
0xad: {  	[dreg:$0x0] =	wrdreg $0x60  }
0xae: {  	[dreg:$0x2] =	wrdreg s24  }
0xaf: {  	[dreg:$0x3] =	wrdreg $0x9  }
0xb0: {  	_ =	task.clear_ibuf [dreg:s6], $0x4FFFF;
	_ =	strace $0x90000049  }
0xb1: {  	s29 =	simm.s32 $0x9;
	_ =	strace $0x8000004B  }
0xb2: {  	_ =	swait.ge [sflag:s29], $0x1  }
0xb3: {  	[sflag:s29] =	ssyncadd.s32 $0xFFFFFFFF  }
0xb4: {  	_ =	strace $0x9000004B  }
0xb5: {  	_ =	sfence  }
0xb6: {  	s30 =	sld [smem:$0x0];
	_ =	sdelay $0x2  }
0xb7: {  	s31 =	sshll.u32 s1, $0xD;
	s1 =	sshrl.u32 s1, $0x2  }
0xb8: {  	s3 =	sand.u32 $0x4000, s31;
	s1 =	sadd.s32 s1, s30  }
0xb9: {  	s0 =	sor.u32 s3, s0;
	s1 =	sshll.u32 s1, $0x11  }
0xba: {  	s0 =	sor.u32 s1, s0  }
0xbb: {  	s0 =	sadd.s32 $0x8F2B, s0  }
0xbc: {  	[sflag:s0] =	ssyncadd.remote.s32 $0x1  }
0xbd: {  	_ =	sfence.sel $0xFFFF  }
0xbe: {  	[dreg:$0x0] =	wrdreg $0xFFFFFFFF;
	(pc) =	sbr.abs _section_cstart, $3  }
0xbf: {  	[dreg:$0x1] =	wrdreg $0xFFFFFFFF  }
0xc0: {  	_ =	task.clear_ibuf [dreg:s6], $0x2FFFF;
	_ =	strace $0x9FFFFFFF  }
0xc1: {  	(tm) =	ssettm $0x7FFFFFFF  }
tec
execute0_lowered:
.L_overlay_start_1:
0x0: {  	(tag) =	ssettag $0x1  }
0x1: {  	s1 =	srdreg.scid;
	s0 =	stileid.u32  }
0x2: {  	s11 =	sand.u32 $0x1, s1;
	s28 =	sshll.u32 s0, $0x1  }
0x3: {  	s10 =	sor.u32 s11, s28  }
0x4: {  	s12 =	rddreg [dreg:$0x0];
	s3 =	smul.u32 $0x1A0, s10  }
0x5: {  	s2 =	simm.s32 $0x0;
	s1 =	rddreg [dreg:$0x1]  }
0x6: {  	[smem:$0x7FF] =	sst s2;
	s13 =	sadd.s32 s3, s12  }
0x7: {  	_ =	strace $0x8000004A;
	s3 =	simm.s32 $0x3;
	s4 =	sadd.s32 $0x1EA000, s13  }
0x8: {  	[tilespmem:s2], [sflag:$0x3] =	stream.linear.gather [hbm4b:s4+s2], $0xD00, $0x38;
	[tilespmem:$0xEA00] =	vst v63  }
0x9: {  	_ =	swait.ge [sflag:s3], $0xD00  }
0xa: {  	[sflag:s3] =	ssyncset.done $0x0  }
0xb: {  	s6 =	simm.s32 $0xD00;
	s5 =	sadd.s32 $0x1A00, s12;
	[sflag:s3] =	ssyncadd.s32 $0xFFFFF300  }
0xc: {  	[tilespmem:s6], [sflag:$0x1] =	stream.indirect.gather [hbm4b:s5+s6], $0x10, s2, s6, $0xb8;
	[tilespmem:$0xEA00] =	vst v63  }
0xd: {  	s8 =	simm.s32 $0xDD00;
	s9 =	simm.s32 $0x1;
	s7 =	sadd.s32 $0x1ED400, s12  }
0xe: {  	[tilespmem:s8], [sflag:$0x2] =	stream.indirect.gather [hbm4b:s7+s6], $0x1, s2, s6, $0xb8;
	[tilespmem:$0xEA00] =	vst v63  }
0xf: {  	_ =	swait.ge [sflag:s9], $0xD000  }
0x10: {  	s29 =	ssub.s32 $0x2, s11;
	[sflag:s9] =	ssyncset.done $0x0  }
0x11: {  	s14 =	smul.u32 $0x1A00, s10;
	s10 =	simm.s32 $0x2;
	[sflag:s9] =	ssyncadd.s32 $0xFFFF3000  }
0x12: {  	s30 =	sshrl.u32 s29, $0x1;
	_ =	swait.ge [sflag:s10], $0xD00  }
0x13: {  	s12 =	sadd.s32 s14, s12;
	s14 =	ssub.s32 s29, s30;
	[sflag:s10] =	ssyncset.done $0x0  }
0x14: {  	s11 =	sadd.s32 $0x20BE00, s12;
	s31 =	smax.u32 s14, $0x1;
	[sflag:s10] =	ssyncadd.s32 $0xFFFFF300  }
0x15: {  	[hbm4b:s11+s2] =	stream.linear.scatter [tilespmem:s6], [sflag:$0x3], $0xD000, $0x38;
	[tilespmem:$0xEA00] =	vst v63  }
0x16: {  	p0 =	sne.s32 s31, $0x1;
	_ =	swait.ge [sflag:s3], $0xD000  }
.Ltmp0:
0x17: {  	[sflag:s3] =	ssyncset.done $0x0;
	(pc) =	sbr.rel @!p0 .LBB2_2-.Ltmp0, $4  }
0x18: {  	s12 =	sadd.s32 $0x23FE00, s13;
	[sflag:s3] =	ssyncadd.s32 $0xFFFF3000  }
0x19: {  	[hbm4b:s12+s2] =	stream.linear.scatter [tilespmem:s8], [sflag:$0x3], $0xD00, $0x38;
	[tilespmem:$0xEA00] =	vst v63  }
0x1a: {  	_ =	swait.ge [sflag:s3], $0xD00  }
0x1b: {  	s13 =	sadd.s32 $0xFFFFFFFF, s31;
	[sflag:s3] =	ssyncset.done $0x0  }
.LBB2_1:
0x1c: {  	p0 =	sne.s32 s13, $0x1;
	s13 =	sadd.s32 $0xFFFFFFFF, s13;
	[sflag:s3] =	ssyncadd.s32 $0xFFFFF300  }
0x1d: {  	[tilespmem:s2], [sflag:$0x3] =	stream.linear.gather [hbm4b:s4+s2], $0xD00, $0x38;
	[tilespmem:$0xEA00] =	vst v63  }
0x1e: {  	_ =	swait.ge [sflag:s3], $0xD00  }
0x1f: {  	[sflag:s3] =	ssyncset.done $0x0  }
0x20: {  	[sflag:s3] =	ssyncadd.s32 $0xFFFFF300  }
0x21: {  	[tilespmem:s6], [sflag:$0x1] =	stream.indirect.gather [hbm4b:s5+s6], $0x10, s2, s6, $0xb8;
	[tilespmem:$0xEA00] =	vst v63  }
0x22: {  	_ = 	snop  }
0x23: {  	[tilespmem:s8], [sflag:$0x2] =	stream.indirect.gather [hbm4b:s7+s6], $0x1, s2, s6, $0xb8;
	[tilespmem:$0xEA00] =	vst v63  }
0x24: {  	_ =	swait.ge [sflag:s9], $0xD000  }
0x25: {  	[sflag:s9] =	ssyncset.done $0x0  }
0x26: {  	[sflag:s9] =	ssyncadd.s32 $0xFFFF3000  }
0x27: {  	_ =	swait.ge [sflag:s10], $0xD00  }
0x28: {  	[sflag:s10] =	ssyncset.done $0x0  }
0x29: {  	[sflag:s10] =	ssyncadd.s32 $0xFFFFF300  }
0x2a: {  	[hbm4b:s11+s2] =	stream.linear.scatter [tilespmem:s6], [sflag:$0x3], $0xD000, $0x38;
	[tilespmem:$0xEA00] =	vst v63  }
0x2b: {  	_ =	swait.ge [sflag:s3], $0xD000  }
.Ltmp1:
0x2c: {  	[sflag:s3] =	ssyncset.done $0x0;
	(pc) =	sbr.rel @p0 .LBB2_1-.Ltmp1, $4  }
0x2d: {  	[sflag:s3] =	ssyncadd.s32 $0xFFFF3000  }
0x2e: {  	[hbm4b:s12+s2] =	stream.linear.scatter [tilespmem:s8], [sflag:$0x3], $0xD00, $0x38;
	[tilespmem:$0xEA00] =	vst v63  }
0x2f: {  	_ =	swait.ge [sflag:s3], $0xD00  }
0x30: {  	[sflag:s3] =	ssyncset.done $0x0  }
.LBB2_2:
0x31: {  	[sflag:s3] =	ssyncadd.s32 $0xFFFFF300  }
0x32: {  	_ =	sfence.sel $0x180000  }
0x33: {  	[bflag:$0x0] =	sbarrier.arrive $0xFFFF  }
0x34: {  	p0 =	sne.s32 s0, $0x0;
	_ =	strace $0x9000004A  }
0x35: {  	s0 =	sadd.s32 @!p0 $0x100000, s1;
	[bflag:$0x2] =	sbarrier.arrive $0xFFFF  }
0x36: {  	[sflag:s0] =	ssyncadd.tile.s32 @!p0 $0x1;
	_ =	shalt  }
.Lfunc_end2:
_tile_overlayer_lowered:
.L_overlay_start_2:
0x37: {  	(tag) =	ssettag $0x2  }
0x38: {  	s0 =	rddreg [dreg:$0x0];
	s2 =	stileid.u32  }
0x39: {  	s1 =	rddreg [dreg:$0x1];
	p0 =	sne.s32 s2, $0x0  }
0x3a: {  	s3 =	rddreg [dreg:$0x2];
	[bflag:$0x3] =	sbarrier.arrive $0xFFFF;
	s2 =	simm.s32 @!p0 $0x1C03  }
0x3b: {  	[timem:s3], [sflag:s2] =	dma.local @!p0 [hbm:s0], s1  }
0x3c: {  	s0 =	simm.s32 @!p0 $0x3  }
0x3d: {  	_ =	swait.ge @!p0 [sflag:s0], s1  }
0x3e: {  	s1 =	ssub.s32 @!p0 $0x0, s1;
	[sflag:s0] =	ssyncset.done @!p0 $0x0  }
0x3f: {  	[sflag:s0] =	ssyncadd.s32 @!p0 s1  }
0x40: {  	[bflag:$0x3] =	sbarrier.arrive $0xFFFF  }
0x41: {  	_ =	shalt  }

</sc_bundles>
